<compile_context>
chip_gen: v7x
topology: tpu7x:2x2x1
jax: 0.10.2.dev20260603
libtpu: 0.0.44.dev20260713+nightly
codegen_flags: <defaults>
</compile_context>

<pallas_src>
import functools

import jax
import jax.numpy as jnp
import numpy as np
from jax import lax
from jax.experimental import pallas as pl
from jax.experimental.pallas import tpu as pltpu
from jax.experimental.pallas import tpu_sc as plsc

N = 32768
NT = 16
CH = N // NT
VR = CH // 16
RB = 8
B = 1 << RB
NG = B // 16
NPASS = 4
MSB = np.int32(-2147483648)


def _iota16():
    return lax.iota(jnp.int32, 16)


def _sc_body(u_hbm, out_hbm, kv, pv, kg, posv, histv, offv,
             totv, bw, flagmine, flagv, okv, sem, semp, semk,
             sk0, sp0, sk1, sp1, korig, stot, sflag):
    t = lax.axis_index("s")
    it = _iota16()
    base = t * CH
    zero16 = jnp.zeros((16,), jnp.int32)

    pltpu.sync_copy(u_hbm.at[pl.ds(base, CH)], kv)

    def key_j(j, _):
        u = kv[pl.ds(j * 16, 16)]
        s = lax.shift_right_arithmetic(u, 31)
        kv[pl.ds(j * 16, 16)] = (u ^ ~s) & (s | jnp.int32(0x7FFFFFFF))
        pv[pl.ds(j * 16, 16)] = base + j * 16 + it
        return 0

    lax.fori_loop(0, VR, key_j, 0)
    korig_in = pltpu.async_copy(kv, korig.at[pl.ds(base, CH)], semk)

    bufs = [(sk0, sp0), (sk1, sp1)]
    pv_in = None
    for p in range(NPASS):
        shift = RB * p
        k_out, p_out = bufs[p % 2]
        kv_a = kv_b = None
        if p > 0:
            k_in, p_in = bufs[(p + 1) % 2]
            pv_in = pltpu.async_copy(p_in.at[pl.ds(base, CH)], pv, semp)
            H = CH // 2
            kv_a = pltpu.async_copy(
                k_in.at[pl.ds(base, H)], kv.at[pl.ds(0, H)], semk)
            kv_b = pltpu.async_copy(
                k_in.at[pl.ds(base + H, H)], kv.at[pl.ds(H, H)], semk)

        for g in range(NG):
            histv[pl.ds(g * 16, 16)] = zero16
        if kv_a is not None:
            kv_a.wait()

        def hist_j(j, _):
            kvec = kv[pl.ds(j * 16, 16)]
            d = lax.shift_right_logical(kvec, shift) & (B - 1)
            occ, last = plsc.scan_count(d)
            plsc.addupdate_scatter(histv, [d], occ, mask=last)
            return 0

        lax.fori_loop(0, VR // 2, hist_j, 0)
        if kv_b is not None:
            kv_b.wait()
        lax.fori_loop(VR // 2, VR, hist_j, 0)

        pltpu.sync_copy(histv, stot.at[pl.ds(t * B, B)])
        plsc.subcore_barrier()
        pltpu.sync_copy(stot, totv)

        def scan_g(g, carry):
            tot_g = zero16
            prev_g = zero16
            for tp in range(NT):
                row = totv[pl.ds(tp * B + g * 16, 16)]
                tot_g = tot_g + row
                prev_g = prev_g + jnp.where(
                    lax.full((16,), tp, jnp.int32) < t, row, 0)
            base_g = plsc.cumsum(tot_g) - tot_g + carry
            offv[pl.ds(g * 16, 16)] = base_g + prev_g
            return carry + jnp.sum(tot_g)

        lax.fori_loop(0, NG, scan_g, jnp.int32(0))

        if pv_in is not None:
            pv_in.wait()

        def perm_j(j, _):
            kvec = kv[pl.ds(j * 16, 16)]
            d = lax.shift_right_logical(kvec, shift) & (B - 1)
            occ, last = plsc.scan_count(d)
            pos = plsc.load_gather(offv, [d]) + occ - 1
            jd = lax.div(j, 8)
            jm = j - jd * 8
            plsc.store_scatter(posv, [zero16 + jd, jm * 16 + it], pos)
            plsc.addupdate_scatter(offv, [d], occ, mask=last)

            @pl.when(jm == 7)
            def _():
                pltpu.async_copy(
                    kv.at[pl.ds(jd * VR, VR)], k_out.at[posv.at[jd]], sem)
                pltpu.async_copy(
                    pv.at[pl.ds(jd * VR, VR)], p_out.at[posv.at[jd]], sem)

            return 0

        lax.fori_loop(0, VR, perm_j, 0)

        for _ in range(2 * NT):
            pltpu.make_async_copy(
                u_hbm.at[pl.ds(0, VR)], kg.at[pl.ds(0, VR)], sem).wait()
        if p == 0:
            korig_in.wait()
        plsc.subcore_barrier()

    ks, ps = bufs[(NPASS - 1) % 2]
    kv_back = pltpu.async_copy(ks.at[pl.ds(base, CH)], kv, semk)
    pltpu.sync_copy(ps.at[pl.ds(base, CH)], pv)
    copies = []
    for i in range(NT):
        copies.append(pltpu.async_copy(
            korig.at[pv.at[pl.ds(i * VR, VR)]], kg.at[pl.ds(i * VR, VR)],
            sem))
    kv_back.wait()

    def order_j(j, bad):
        st = jnp.minimum(j * 16, CH - 17)
        a = kv[pl.ds(st, 16)]
        b = kv[pl.ds(st + 1, 16)]
        return bad + jnp.sum(jnp.where((a ^ MSB) <= (b ^ MSB), 0, 1))

    bad = lax.fori_loop(0, VR, order_j, jnp.int32(0))
    for c in copies:
        c.wait()

    def chk_j(j, bad):
        gk = kg[pl.ds(j * 16, 16)]
        kk = kv[pl.ds(j * 16, 16)]
        return bad + jnp.sum(jnp.where(gk == kk, 0, 1))

    bad = lax.fori_loop(0, VR, chk_j, bad)

    @pl.when(t < NT - 1)
    def _():
        pltpu.sync_copy(ks.at[pl.ds((t + 1) * CH, 16)], bw)

    lastv = plsc.load_gather(kv, [zero16 + (CH - 1)])
    bvec = bw[0:16]
    viol = jnp.where((it == 0) & ((lastv ^ MSB) > (bvec ^ MSB)), 1, 0)
    bad = bad + jnp.sum(viol) * jnp.where(t < NT - 1, 1, 0)

    flagmine[0:16] = jnp.where(it == 0, bad, 0)
    pltpu.sync_copy(flagmine, sflag.at[pl.ds(t * 16, 16)])
    plsc.subcore_barrier()

    @pl.when(t == 0)
    def _():
        pltpu.sync_copy(sflag, flagv)

        def red_i(i, acc):
            return acc + jnp.sum(flagv[pl.ds(i * 16, 16)])

        tot_bad = lax.fori_loop(0, NT, red_i, jnp.int32(0))
        okv[0:16] = jnp.where(zero16 + tot_bad == 0, 1, 0)
        pltpu.sync_copy(okv, out_hbm)


_sc_sort = functools.partial(
    pl.kernel,
    out_type=jax.ShapeDtypeStruct((16,), jnp.int32),
    mesh=plsc.VectorSubcoreMesh(
        core_axis_name="c", subcore_axis_name="s", num_cores=1),
    compiler_params=pltpu.CompilerParams(needs_layout_passes=False),
    scratch_types=[
        pltpu.VMEM((CH,), jnp.int32),
        pltpu.VMEM((CH,), jnp.int32),
        pltpu.VMEM((CH,), jnp.int32),
        pltpu.VMEM((NT, VR), jnp.int32),
        pltpu.VMEM((B,), jnp.int32),
        pltpu.VMEM((B,), jnp.int32),
        pltpu.VMEM((NT * B,), jnp.int32),
        pltpu.VMEM((16,), jnp.int32),
        pltpu.VMEM((16,), jnp.int32),
        pltpu.VMEM((NT * 16,), jnp.int32),
        pltpu.VMEM((16,), jnp.int32),
        pltpu.SemaphoreType.DMA,
        pltpu.SemaphoreType.DMA,
        pltpu.SemaphoreType.DMA,
        pltpu.VMEM_SHARED((N,), jnp.int32),
        pltpu.VMEM_SHARED((N,), jnp.int32),
        pltpu.VMEM_SHARED((N,), jnp.int32),
        pltpu.VMEM_SHARED((N,), jnp.int32),
        pltpu.VMEM_SHARED((N,), jnp.int32),
        pltpu.VMEM_SHARED((NT * B,), jnp.int32),
        pltpu.VMEM_SHARED((NT * 16,), jnp.int32),
    ],
)(_sc_body)


def kernel(x):
    out = _sc_sort(lax.bitcast_convert_type(x, jnp.int32))
    return out[0].astype(jnp.bool_)

# --- scband reference (transcript-rebuilt; emitter-appended) ---
"""Pipeline reference for scband-my-model-61933428412734 (READ-ONLY COPY).

The authoritative reference and input builder live on the scoring server;
editing this copy changes nothing except your own understanding.
"""

import jax, jax.numpy as jnp
import numpy as np


def setup_inputs(seed: int = 0) -> dict:
    key = jax.random.key(seed)
    x = jax.random.normal(key, (32768,), dtype=jnp.float32)
    return {"x": x}


def reference(x):
    # k = x.size(0): full top-k over the whole vector
    k = x.shape[0]
    # 'cpu' top-k
    values_cpu, indices_cpu = jax.lax.top_k(x, k)
    # 'cuda' top-k (same computation on a single backend in jax)
    values_cuda, indices_cuda = jax.lax.top_k(x, k)
    # sort values descending and reorder indices accordingly
    order_cpu = jnp.argsort(-values_cpu)
    values_cpu_sorted = values_cpu[order_cpu]
    indices_cpu_sorted = indices_cpu[order_cpu]
    order_cuda = jnp.argsort(-values_cuda)
    values_cuda_sorted = values_cuda[order_cuda]
    indices_cuda_sorted = indices_cuda[order_cuda]
    values_eq = jnp.allclose(values_cpu_sorted, values_cuda_sorted)
    indices_eq = jnp.all(indices_cpu_sorted == indices_cuda_sorted)
    return values_eq & indices_eq

if __name__ == "__main__":
    import jax
    _d = setup_inputs()
    print(jax.jit(kernel)(*tuple(_d.values())))

</pallas_src>

<mosaic_0001>
#map = affine_map<(d0, d1) -> (0)>
module attributes {stable_mosaic.version = 14 : i64} {
  func.func @_sc_body(%arg0: i32, %arg1: i32, %arg2: memref<32768xi32, #tpu.memory_space<hbm>>, %arg3: memref<16xi32, #tpu.memory_space<hbm>>, %arg4: memref<2048xi32, #tpu.memory_space<vmem>>, %arg5: memref<2048xi32, #tpu.memory_space<vmem>>, %arg6: memref<2048xi32, #tpu.memory_space<vmem>>, %arg7: memref<16x128xi32, #tpu.memory_space<vmem>>, %arg8: memref<256xi32, #tpu.memory_space<vmem>>, %arg9: memref<256xi32, #tpu.memory_space<vmem>>, %arg10: memref<4096xi32, #tpu.memory_space<vmem>>, %arg11: memref<16xi32, #tpu.memory_space<vmem>>, %arg12: memref<16xi32, #tpu.memory_space<vmem>>, %arg13: memref<256xi32, #tpu.memory_space<vmem>>, %arg14: memref<16xi32, #tpu.memory_space<vmem>>, %arg15: memref<!tpu.dma_semaphore, #tpu.memory_space<semaphore_mem>>, %arg16: memref<!tpu.dma_semaphore, #tpu.memory_space<semaphore_mem>>, %arg17: memref<!tpu.dma_semaphore, #tpu.memory_space<semaphore_mem>>, %arg18: memref<32768xi32, #tpu.memory_space<vmem_shared>>, %arg19: memref<32768xi32, #tpu.memory_space<vmem_shared>>, %arg20: memref<32768xi32, #tpu.memory_space<vmem_shared>>, %arg21: memref<32768xi32, #tpu.memory_space<vmem_shared>>, %arg22: memref<32768xi32, #tpu.memory_space<vmem_shared>>, %arg23: memref<4096xi32, #tpu.memory_space<vmem_shared>>, %arg24: memref<256xi32, #tpu.memory_space<vmem_shared>>) attributes {dimension_semantics = [#tpu.dimension_semantics<core_parallel>, #tpu.dimension_semantics<subcore_parallel>], iteration_bounds = array<i64: 1, 16>, scalar_prefetch = 0 : i64, scratch_operands = 21 : i64, tpu.core_type = #tpu.core_type<sc_vector_subcore>, window_params = [{transform_indices = #map}, {transform_indices = #map}]} {
    %iota3A = tpu.iota {dimensions = array<i32: 0>} : vector<16xi32>
    %mul3A = arith.constant 2048 : i32
    %mul3A_0 = arith.muli %arg1, %mul3A : i32
    %broadcast_in_dim3A = arith.constant 0 : i32
    %broadcast_in_dim3A_1 = vector.broadcast %broadcast_in_dim3A : i32 to vector<16xi32>
    "tpu.region"() ({
      %run_scoped3A = tpu.sem_alloc : memref<!tpu.dma_semaphore, #tpu.memory_space<semaphore_mem>>
      %dma_start3A_1629 = tpu.memref_slice %arg2[%mul3A_0] : memref<32768xi32, #tpu.memory_space<hbm>> -> memref<2048xi32, #tpu.memory_space<hbm>>
      %dma_start3A_1630 = tpu.memref_slice %arg2[%mul3A_0] : memref<32768xi32, #tpu.memory_space<hbm>> -> memref<2048xi32, #tpu.memory_space<hbm>>
      tpu.enqueue_dma source(%dma_start3A_1630 : memref<2048xi32, #tpu.memory_space<hbm>>) target(%arg4 : memref<2048xi32, #tpu.memory_space<vmem>>) target_semaphore(%run_scoped3A : memref<!tpu.dma_semaphore, #tpu.memory_space<semaphore_mem>>)
      %dma_wait3A_1631 = tpu.memref_slice %arg2[%mul3A_0] : memref<32768xi32, #tpu.memory_space<hbm>> -> memref<2048xi32, #tpu.memory_space<hbm>>
      %dma_wait3A_1632 = tpu.memref_slice %arg2[%mul3A_0] : memref<32768xi32, #tpu.memory_space<hbm>> -> memref<2048xi32, #tpu.memory_space<hbm>>
      tpu.wait_dma2 semaphore(%run_scoped3A : memref<!tpu.dma_semaphore, #tpu.memory_space<semaphore_mem>>) src(%dma_wait3A_1632 : memref<2048xi32, #tpu.memory_space<hbm>>) dst(%arg4 : memref<2048xi32, #tpu.memory_space<vmem>>)
      tpu.yield
    }) : () -> ()
    %scan3A = arith.constant 0 : i32
    %scan3A_2 = arith.constant 0 : i32
    %scan3A_3 = arith.constant 128 : i32
    %scan3A_4 = arith.addi %scan3A_2, %scan3A_3 : i32
    %scan3A_5 = arith.constant 1 : i32
    %scan3A_6 = scf.for %scan3A_1629 = %scan3A_2 to %scan3A_4 step %scan3A_5 iter_args(%scan3A_1630 = %scan3A) -> (i32)  : i32 {
      %mul3A_1631 = arith.constant 16 : i32
      %mul3A_1632 = arith.muli %scan3A_1629, %mul3A_1631 : i32
      %get3A_1633 = arith.index_cast %mul3A_1632 : i32 to index
      %get3A_1634 = tpu.vector_load %arg4[%get3A_1633] {strides = array<i32>} : memref<2048xi32, #tpu.memory_space<vmem>>, vector<16xi32>,
      %shift_right_arithmetic3A = arith.constant 31 : i32
      %shift_right_arithmetic3A_1635 = vector.broadcast %shift_right_arithmetic3A : i32 to vector<16xi32>
      %shift_right_arithmetic3A_1636 = arith.shrsi %get3A_1634, %shift_right_arithmetic3A_1635 : vector<16xi32>
      %not3A = arith.constant dense<-1> : vector<16xi32>
      %not3A_1637 = arith.xori %shift_right_arithmetic3A_1636, %not3A : vector<16xi32>
      %xor3A_1638 = arith.xori %get3A_1634, %not3A_1637 : vector<16xi32>
      %or3A = arith.constant 2147483647 : i32
      %or3A_1639 = vector.broadcast %or3A : i32 to vector<16xi32>
      %or3A_1640 = arith.ori %shift_right_arithmetic3A_1636, %or3A_1639 : vector<16xi32>
      %and3A_1641 = arith.andi %xor3A_1638, %or3A_1640 : vector<16xi32>
      %mul3A_1642 = arith.constant 16 : i32
      %mul3A_1643 = arith.muli %scan3A_1629, %mul3A_1642 : i32
      %swap3A_1644 = arith.index_cast %mul3A_1643 : i32 to index
      %swap3A_1645 = tpu.vector_load %arg4[%swap3A_1644] {strides = array<i32>} : memref<2048xi32, #tpu.memory_space<vmem>>, vector<16xi32>,
      tpu.vector_store %arg4[%swap3A_1644], %and3A_1641 {strides = array<i32>} : memref<2048xi32, #tpu.memory_space<vmem>>, vector<16xi32>,
      %mul3A_1646 = arith.constant 16 : i32
      %mul3A_1647 = arith.muli %scan3A_1629, %mul3A_1646 : i32
      %add3A_1648 = arith.addi %mul3A_0, %mul3A_1647 : i32
      %add3A_1649 = vector.broadcast %add3A_1648 : i32 to vector<16xi32>
      %add3A_1650 = arith.addi %add3A_1649, %iota3A : vector<16xi32>
      %mul3A_1651 = arith.constant 16 : i32
      %mul3A_1652 = arith.muli %scan3A_1629, %mul3A_1651 : i32
      %swap3A_1653 = arith.index_cast %mul3A_1652 : i32 to index
      %swap3A_1654 = tpu.vector_load %arg5[%swap3A_1653] {strides = array<i32>} : memref<2048xi32, #tpu.memory_space<vmem>>, vector<16xi32>,
      tpu.vector_store %arg5[%swap3A_1653], %add3A_1650 {strides = array<i32>} : memref<2048xi32, #tpu.memory_space<vmem>>, vector<16xi32>,
      %scan3A_1655 = arith.constant 0 : i32
      scf.yield %scan3A_1655 : i32
    }
    %scan3A_7 = arith.constant 128 : i32
    %dma_start3A = tpu.memref_slice %arg22[%mul3A_0] : memref<32768xi32, #tpu.memory_space<vmem_shared>> -> memref<2048xi32, #tpu.memory_space<vmem_shared>>
    %dma_start3A_8 = tpu.memref_slice %arg22[%mul3A_0] : memref<32768xi32, #tpu.memory_space<vmem_shared>> -> memref<2048xi32, #tpu.memory_space<vmem_shared>>
    tpu.enqueue_dma source(%arg4 : memref<2048xi32, #tpu.memory_space<vmem>>) target(%dma_start3A_8 : memref<2048xi32, #tpu.memory_space<vmem_shared>>) target_semaphore(%arg17 : memref<!tpu.dma_semaphore, #tpu.memory_space<semaphore_mem>>)
    %swap3A = arith.constant 0 : index
    %swap3A_9 = tpu.vector_load %arg8[%swap3A] {strides = array<i32>} : memref<256xi32, #tpu.memory_space<vmem>>, vector<16xi32>,
    tpu.vector_store %arg8[%swap3A], %broadcast_in_dim3A_1 {strides = array<i32>} : memref<256xi32, #tpu.memory_space<vmem>>, vector<16xi32>,
    %swap3A_10 = arith.constant 16 : index
    %swap3A_11 = tpu.vector_load %arg8[%swap3A_10] {strides = array<i32>} : memref<256xi32, #tpu.memory_space<vmem>>, vector<16xi32>,
    tpu.vector_store %arg8[%swap3A_10], %broadcast_in_dim3A_1 {strides = array<i32>} : memref<256xi32, #tpu.memory_space<vmem>>, vector<16xi32>,
    %swap3A_12 = arith.constant 32 : index
    %swap3A_13 = tpu.vector_load %arg8[%swap3A_12] {strides = array<i32>} : memref<256xi32, #tpu.memory_space<vmem>>, vector<16xi32>,
    tpu.vector_store %arg8[%swap3A_12], %broadcast_in_dim3A_1 {strides = array<i32>} : memref<256xi32, #tpu.memory_space<vmem>>, vector<16xi32>,
    %swap3A_14 = arith.constant 48 : index
    %swap3A_15 = tpu.vector_load %arg8[%swap3A_14] {strides = array<i32>} : memref<256xi32, #tpu.memory_space<vmem>>, vector<16xi32>,
    tpu.vector_store %arg8[%swap3A_14], %broadcast_in_dim3A_1 {strides = array<i32>} : memref<256xi32, #tpu.memory_space<vmem>>, vector<16xi32>,
    %swap3A_16 = arith.constant 64 : index
    %swap3A_17 = tpu.vector_load %arg8[%swap3A_16] {strides = array<i32>} : memref<256xi32, #tpu.memory_space<vmem>>, vector<16xi32>,
    tpu.vector_store %arg8[%swap3A_16], %broadcast_in_dim3A_1 {strides = array<i32>} : memref<256xi32, #tpu.memory_space<vmem>>, vector<16xi32>,
    %swap3A_18 = arith.constant 80 : index
    %swap3A_19 = tpu.vector_load %arg8[%swap3A_18] {strides = array<i32>} : memref<256xi32, #tpu.memory_space<vmem>>, vector<16xi32>,
    tpu.vector_store %arg8[%swap3A_18], %broadcast_in_dim3A_1 {strides = array<i32>} : memref<256xi32, #tpu.memory_space<vmem>>, vector<16xi32>,
    %swap3A_20 = arith.constant 96 : index
    %swap3A_21 = tpu.vector_load %arg8[%swap3A_20] {strides = array<i32>} : memref<256xi32, #tpu.memory_space<vmem>>, vector<16xi32>,
    tpu.vector_store %arg8[%swap3A_20], %broadcast_in_dim3A_1 {strides = array<i32>} : memref<256xi32, #tpu.memory_space<vmem>>, vector<16xi32>,
    %swap3A_22 = arith.constant 112 : index
    %swap3A_23 = tpu.vector_load %arg8[%swap3A_22] {strides = array<i32>} : memref<256xi32, #tpu.memory_space<vmem>>, vector<16xi32>,
    tpu.vector_store %arg8[%swap3A_22], %broadcast_in_dim3A_1 {strides = array<i32>} : memref<256xi32, #tpu.memory_space<vmem>>, vector<16xi32>,
    %swap3A_24 = arith.constant 128 : index
    %swap3A_25 = tpu.vector_load %arg8[%swap3A_24] {strides = array<i32>} : memref<256xi32, #tpu.memory_space<vmem>>, vector<16xi32>,
    tpu.vector_store %arg8[%swap3A_24], %broadcast_in_dim3A_1 {strides = array<i32>} : memref<256xi32, #tpu.memory_space<vmem>>, vector<16xi32>,
    %swap3A_26 = arith.constant 144 : index
    %swap3A_27 = tpu.vector_load %arg8[%swap3A_26] {strides = array<i32>} : memref<256xi32, #tpu.memory_space<vmem>>, vector<16xi32>,
    tpu.vector_store %arg8[%swap3A_26], %broadcast_in_dim3A_1 {strides = array<i32>} : memref<256xi32, #tpu.memory_space<vmem>>, vector<16xi32>,
    %swap3A_28 = arith.constant 160 : index
    %swap3A_29 = tpu.vector_load %arg8[%swap3A_28] {strides = array<i32>} : memref<256xi32, #tpu.memory_space<vmem>>, vector<16xi32>,
    tpu.vector_store %arg8[%swap3A_28], %broadcast_in_dim3A_1 {strides = array<i32>} : memref<256xi32, #tpu.memory_space<vmem>>, vector<16xi32>,
    %swap3A_30 = arith.constant 176 : index
    %swap3A_31 = tpu.vector_load %arg8[%swap3A_30] {strides = array<i32>} : memref<256xi32, #tpu.memory_space<vmem>>, vector<16xi32>,
    tpu.vector_store %arg8[%swap3A_30], %broadcast_in_dim3A_1 {strides = array<i32>} : memref<256xi32, #tpu.memory_space<vmem>>, vector<16xi32>,
    %swap3A_32 = arith.constant 192 : index
    %swap3A_33 = tpu.vector_load %arg8[%swap3A_32] {strides = array<i32>} : memref<256xi32, #tpu.memory_space<vmem>>, vector<16xi32>,
    tpu.vector_store %arg8[%swap3A_32], %broadcast_in_dim3A_1 {strides = array<i32>} : memref<256xi32, #tpu.memory_space<vmem>>, vector<16xi32>,
    %swap3A_34 = arith.constant 208 : index
    %swap3A_35 = tpu.vector_load %arg8[%swap3A_34] {strides = array<i32>} : memref<256xi32, #tpu.memory_space<vmem>>, vector<16xi32>,
    tpu.vector_store %arg8[%swap3A_34], %broadcast_in_dim3A_1 {strides = array<i32>} : memref<256xi32, #tpu.memory_space<vmem>>, vector<16xi32>,
    %swap3A_36 = arith.constant 224 : index
    %swap3A_37 = tpu.vector_load %arg8[%swap3A_36] {strides = array<i32>} : memref<256xi32, #tpu.memory_space<vmem>>, vector<16xi32>,
    tpu.vector_store %arg8[%swap3A_36], %broadcast_in_dim3A_1 {strides = array<i32>} : memref<256xi32, #tpu.memory_space<vmem>>, vector<16xi32>,
    %swap3A_38 = arith.constant 240 : index
    %swap3A_39 = tpu.vector_load %arg8[%swap3A_38] {strides = array<i32>} : memref<256xi32, #tpu.memory_space<vmem>>, vector<16xi32>,
    tpu.vector_store %arg8[%swap3A_38], %broadcast_in_dim3A_1 {strides = array<i32>} : memref<256xi32, #tpu.memory_space<vmem>>, vector<16xi32>,
    %scan3A_40 = arith.constant 0 : i32
    %scan3A_41 = arith.constant 0 : i32
    %scan3A_42 = arith.constant 64 : i32
    %scan3A_43 = arith.addi %scan3A_41, %scan3A_42 : i32
    %scan3A_44 = arith.constant 1 : i32
    %scan3A_45 = scf.for %scan3A_1629 = %scan3A_41 to %scan3A_43 step %scan3A_44 iter_args(%scan3A_1630 = %scan3A_40) -> (i32)  : i32 {
      %mul3A_1631 = arith.constant 16 : i32
      %mul3A_1632 = arith.muli %scan3A_1629, %mul3A_1631 : i32
      %get3A_1633 = arith.index_cast %mul3A_1632 : i32 to index
      %get3A_1634 = tpu.vector_load %arg4[%get3A_1633] {strides = array<i32>} : memref<2048xi32, #tpu.memory_space<vmem>>, vector<16xi32>,
      %shift_right_logical3A = arith.constant 0 : i32
      %shift_right_logical3A_1635 = vector.broadcast %shift_right_logical3A : i32 to vector<16xi32>
      %shift_right_logical3A_1636 = arith.shrui %get3A_1634, %shift_right_logical3A_1635 : vector<16xi32>
      %and3A_1637 = arith.constant 255 : i32
      %and3A_1638 = vector.broadcast %and3A_1637 : i32 to vector<16xi32>
      %and3A_1639 = arith.andi %shift_right_logical3A_1636, %and3A_1638 : vector<16xi32>
      %broadcast_in_dim3A_1640 = arith.constant true
      %broadcast_in_dim3A_1641 = vector.broadcast %broadcast_in_dim3A_1640 : i1 to vector<16xi1>
      %unique3A, %unique3A_1642 = tpu.scan_count mask(%broadcast_in_dim3A_1641 : vector<16xi1>) value(%and3A_1639 : vector<16xi32>) : vector<16xi1>, vector<16xi32>
      tpu.vector_store_idx %arg8[%and3A_1639], %unique3A_1642 masked %unique3A {add = true} : memref<256xi32, #tpu.memory_space<vmem>>[vector<16xi32>], vector<16xi32>, vector<16xi1>
      %scan3A_1643 = arith.constant 0 : i32
      scf.yield %scan3A_1643 : i32
    }
    %scan3A_46 = arith.constant 64 : i32
    %scan3A_47 = arith.constant 0 : i32
    %scan3A_48 = arith.constant 64 : i32
    %scan3A_49 = arith.constant 64 : i32
    %scan3A_50 = arith.addi %scan3A_48, %scan3A_49 : i32
    %scan3A_51 = arith.constant 1 : i32
    %scan3A_52 = scf.for %scan3A_1629 = %scan3A_48 to %scan3A_50 step %scan3A_51 iter_args(%scan3A_1630 = %scan3A_47) -> (i32)  : i32 {
      %mul3A_1631 = arith.constant 16 : i32
      %mul3A_1632 = arith.muli %scan3A_1629, %mul3A_1631 : i32
      %get3A_1633 = arith.index_cast %mul3A_1632 : i32 to index
      %get3A_1634 = tpu.vector_load %arg4[%get3A_1633] {strides = array<i32>} : memref<2048xi32, #tpu.memory_space<vmem>>, vector<16xi32>,
      %shift_right_logical3A = arith.constant 0 : i32
      %shift_right_logical3A_1635 = vector.broadcast %shift_right_logical3A : i32 to vector<16xi32>
      %shift_right_logical3A_1636 = arith.shrui %get3A_1634, %shift_right_logical3A_1635 : vector<16xi32>
      %and3A_1637 = arith.constant 255 : i32
      %and3A_1638 = vector.broadcast %and3A_1637 : i32 to vector<16xi32>
      %and3A_1639 = arith.andi %shift_right_logical3A_1636, %and3A_1638 : vector<16xi32>
      %broadcast_in_dim3A_1640 = arith.constant true
      %broadcast_in_dim3A_1641 = vector.broadcast %broadcast_in_dim3A_1640 : i1 to vector<16xi1>
      %unique3A, %unique3A_1642 = tpu.scan_count mask(%broadcast_in_dim3A_1641 : vector<16xi1>) value(%and3A_1639 : vector<16xi32>) : vector<16xi1>, vector<16xi32>
      tpu.vector_store_idx %arg8[%and3A_1639], %unique3A_1642 masked %unique3A {add = true} : memref<256xi32, #tpu.memory_space<vmem>>[vector<16xi32>], vector<16xi32>, vector<16xi1>
      %scan3A_1643 = arith.constant 0 : i32
      scf.yield %scan3A_1643 : i32
    }
    %scan3A_53 = arith.constant 64 : i32
    %mul3A_54 = arith.constant 256 : i32
    %mul3A_55 = arith.muli %arg1, %mul3A_54 : i32
    "tpu.region"() ({
      %run_scoped3A = tpu.sem_alloc : memref<!tpu.dma_semaphore, #tpu.memory_space<semaphore_mem>>
      %dma_start3A_1629 = tpu.memref_slice %arg23[%mul3A_55] : memref<4096xi32, #tpu.memory_space<vmem_shared>> -> memref<256xi32, #tpu.memory_space<vmem_shared>>
      %dma_start3A_1630 = tpu.memref_slice %arg23[%mul3A_55] : memref<4096xi32, #tpu.memory_space<vmem_shared>> -> memref<256xi32, #tpu.memory_space<vmem_shared>>
      tpu.enqueue_dma source(%arg8 : memref<256xi32, #tpu.memory_space<vmem>>) target(%dma_start3A_1630 : memref<256xi32, #tpu.memory_space<vmem_shared>>) target_semaphore(%run_scoped3A : memref<!tpu.dma_semaphore, #tpu.memory_space<semaphore_mem>>)
      %dma_wait3A_1631 = tpu.memref_slice %arg23[%mul3A_55] : memref<4096xi32, #tpu.memory_space<vmem_shared>> -> memref<256xi32, #tpu.memory_space<vmem_shared>>
      %dma_wait3A_1632 = tpu.memref_slice %arg23[%mul3A_55] : memref<4096xi32, #tpu.memory_space<vmem_shared>> -> memref<256xi32, #tpu.memory_space<vmem_shared>>
      tpu.wait_dma2 semaphore(%run_scoped3A : memref<!tpu.dma_semaphore, #tpu.memory_space<semaphore_mem>>) src(%arg8 : memref<256xi32, #tpu.memory_space<vmem>>) dst(%dma_wait3A_1632 : memref<256xi32, #tpu.memory_space<vmem_shared>>)
      tpu.yield
    }) : () -> ()
    %barrier3A = arith.constant 0 : index
    tpu.barrier barrier_id(%barrier3A)
    "tpu.region"() ({
      %run_scoped3A = tpu.sem_alloc : memref<!tpu.dma_semaphore, #tpu.memory_space<semaphore_mem>>
      tpu.enqueue_dma source(%arg23 : memref<4096xi32, #tpu.memory_space<vmem_shared>>) target(%arg10 : memref<4096xi32, #tpu.memory_space<vmem>>) target_semaphore(%run_scoped3A : memref<!tpu.dma_semaphore, #tpu.memory_space<semaphore_mem>>)
      tpu.wait_dma2 semaphore(%run_scoped3A : memref<!tpu.dma_semaphore, #tpu.memory_space<semaphore_mem>>) src(%arg23 : memref<4096xi32, #tpu.memory_space<vmem_shared>>) dst(%arg10 : memref<4096xi32, #tpu.memory_space<vmem>>)
      tpu.yield
    }) : () -> ()
    %scan3A_56 = arith.constant 0 : i32
    %scan3A_57 = arith.constant 0 : i32
    %scan3A_58 = arith.constant 16 : i32
    %scan3A_59 = arith.addi %scan3A_57, %scan3A_58 : i32
    %scan3A_60 = arith.constant 1 : i32
    %scan3A_61 = scf.for %scan3A_1629 = %scan3A_57 to %scan3A_59 step %scan3A_60 iter_args(%scan3A_1630 = %scan3A_56) -> (i32)  : i32 {
      %mul3A_1631 = arith.constant 16 : i32
      %mul3A_1632 = arith.muli %scan3A_1629, %mul3A_1631 : i32
      %add3A_1633 = arith.constant 0 : i32
      %add3A_1634 = arith.addi %add3A_1633, %mul3A_1632 : i32
      %get3A_1635 = arith.index_cast %add3A_1634 : i32 to index
      %get3A_1636 = tpu.vector_load %arg10[%get3A_1635] {strides = array<i32>} : memref<4096xi32, #tpu.memory_space<vmem>>, vector<16xi32>,
      %add3A_1637 = arith.addi %broadcast_in_dim3A_1, %get3A_1636 : vector<16xi32>
      %broadcast_in_dim3A_1638 = arith.constant 0 : i32
      %broadcast_in_dim3A_1639 = vector.broadcast %broadcast_in_dim3A_1638 : i32 to vector<16xi32>
      %lt3A_1640 = vector.broadcast %arg1 : i32 to vector<16xi32>
      %lt3A_1641 = arith.cmpi slt, %broadcast_in_dim3A_1639, %lt3A_1640 : vector<16xi32>
      %jit3A_1642 = arith.constant 0 : i32
      %broadcast_in_dim3A_1643 = vector.broadcast %jit3A_1642 : i32 to vector<16xi32>
      %select_n3A_1644 = arith.select %lt3A_1641, %get3A_1636, %broadcast_in_dim3A_1643 : vector<16xi1>, vector<16xi32>
      %add3A_1645 = arith.addi %broadcast_in_dim3A_1, %select_n3A_1644 : vector<16xi32>
      %mul3A_1646 = arith.constant 16 : i32
      %mul3A_1647 = arith.muli %scan3A_1629, %mul3A_1646 : i32
      %add3A_1648 = arith.constant 256 : i32
      %add3A_1649 = arith.addi %add3A_1648, %mul3A_1647 : i32
      %get3A_1650 = arith.index_cast %add3A_1649 : i32 to index
      %get3A_1651 = tpu.vector_load %arg10[%get3A_1650] {strides = array<i32>} : memref<4096xi32, #tpu.memory_space<vmem>>, vector<16xi32>,
      %add3A_1652 = arith.addi %add3A_1637, %get3A_1651 : vector<16xi32>
      %broadcast_in_dim3A_1653 = arith.constant 1 : i32
      %broadcast_in_dim3A_1654 = vector.broadcast %broadcast_in_dim3A_1653 : i32 to vector<16xi32>
      %lt3A_1655 = vector.broadcast %arg1 : i32 to vector<16xi32>
      %lt3A_1656 = arith.cmpi slt, %broadcast_in_dim3A_1654, %lt3A_1655 : vector<16xi32>
      %jit3A_1657 = arith.constant 0 : i32
      %broadcast_in_dim3A_1658 = vector.broadcast %jit3A_1657 : i32 to vector<16xi32>
      %select_n3A_1659 = arith.select %lt3A_1656, %get3A_1651, %broadcast_in_dim3A_1658 : vector<16xi1>, vector<16xi32>
      %add3A_1660 = arith.addi %add3A_1645, %select_n3A_1659 : vector<16xi32>
      %mul3A_1661 = arith.constant 16 : i32
      %mul3A_1662 = arith.muli %scan3A_1629, %mul3A_1661 : i32
      %add3A_1663 = arith.constant 512 : i32
      %add3A_1664 = arith.addi %add3A_1663, %mul3A_1662 : i32
      %get3A_1665 = arith.index_cast %add3A_1664 : i32 to index
      %get3A_1666 = tpu.vector_load %arg10[%get3A_1665] {strides = array<i32>} : memref<4096xi32, #tpu.memory_space<vmem>>, vector<16xi32>,
      %add3A_1667 = arith.addi %add3A_1652, %get3A_1666 : vector<16xi32>
      %broadcast_in_dim3A_1668 = arith.constant 2 : i32
      %broadcast_in_dim3A_1669 = vector.broadcast %broadcast_in_dim3A_1668 : i32 to vector<16xi32>
      %lt3A_1670 = vector.broadcast %arg1 : i32 to vector<16xi32>
      %lt3A_1671 = arith.cmpi slt, %broadcast_in_dim3A_1669, %lt3A_1670 : vector<16xi32>
      %jit3A_1672 = arith.constant 0 : i32
      %broadcast_in_dim3A_1673 = vector.broadcast %jit3A_1672 : i32 to vector<16xi32>
      %select_n3A_1674 = arith.select %lt3A_1671, %get3A_1666, %broadcast_in_dim3A_1673 : vector<16xi1>, vector<16xi32>
      %add3A_1675 = arith.addi %add3A_1660, %select_n3A_1674 : vector<16xi32>
      %mul3A_1676 = arith.constant 16 : i32
      %mul3A_1677 = arith.muli %scan3A_1629, %mul3A_1676 : i32
      %add3A_1678 = arith.constant 768 : i32
      %add3A_1679 = arith.addi %add3A_1678, %mul3A_1677 : i32
      %get3A_1680 = arith.index_cast %add3A_1679 : i32 to index
      %get3A_1681 = tpu.vector_load %arg10[%get3A_1680] {strides = array<i32>} : memref<4096xi32, #tpu.memory_space<vmem>>, vector<16xi32>,
      %add3A_1682 = arith.addi %add3A_1667, %get3A_1681 : vector<16xi32>
      %broadcast_in_dim3A_1683 = arith.constant 3 : i32
      %broadcast_in_dim3A_1684 = vector.broadcast %broadcast_in_dim3A_1683 : i32 to vector<16xi32>
      %lt3A_1685 = vector.broadcast %arg1 : i32 to vector<16xi32>
      %lt3A_1686 = arith.cmpi slt, %broadcast_in_dim3A_1684, %lt3A_1685 : vector<16xi32>
      %jit3A_1687 = arith.constant 0 : i32
      %broadcast_in_dim3A_1688 = vector.broadcast %jit3A_1687 : i32 to vector<16xi32>
      %select_n3A_1689 = arith.select %lt3A_1686, %get3A_1681, %broadcast_in_dim3A_1688 : vector<16xi1>, vector<16xi32>
      %add3A_1690 = arith.addi %add3A_1675, %select_n3A_1689 : vector<16xi32>
      %mul3A_1691 = arith.constant 16 : i32
      %mul3A_1692 = arith.muli %scan3A_1629, %mul3A_1691 : i32
      %add3A_1693 = arith.constant 1024 : i32
      %add3A_1694 = arith.addi %add3A_1693, %mul3A_1692 : i32
      %get3A_1695 = arith.index_cast %add3A_1694 : i32 to index
      %get3A_1696 = tpu.vector_load %arg10[%get3A_1695] {strides = array<i32>} : memref<4096xi32, #tpu.memory_space<vmem>>, vector<16xi32>,
      %add3A_1697 = arith.addi %add3A_1682, %get3A_1696 : vector<16xi32>
      %broadcast_in_dim3A_1698 = arith.constant 4 : i32
      %broadcast_in_dim3A_1699 = vector.broadcast %broadcast_in_dim3A_1698 : i32 to vector<16xi32>
      %lt3A_1700 = vector.broadcast %arg1 : i32 to vector<16xi32>
      %lt3A_1701 = arith.cmpi slt, %broadcast_in_dim3A_1699, %lt3A_1700 : vector<16xi32>
      %jit3A_1702 = arith.constant 0 : i32
      %broadcast_in_dim3A_1703 = vector.broadcast %jit3A_1702 : i32 to vector<16xi32>
      %select_n3A_1704 = arith.select %lt3A_1701, %get3A_1696, %broadcast_in_dim3A_1703 : vector<16xi1>, vector<16xi32>
      %add3A_1705 = arith.addi %add3A_1690, %select_n3A_1704 : vector<16xi32>
      %mul3A_1706 = arith.constant 16 : i32
      %mul3A_1707 = arith.muli %scan3A_1629, %mul3A_1706 : i32
      %add3A_1708 = arith.constant 1280 : i32
      %add3A_1709 = arith.addi %add3A_1708, %mul3A_1707 : i32
      %get3A_1710 = arith.index_cast %add3A_1709 : i32 to index
      %get3A_1711 = tpu.vector_load %arg10[%get3A_1710] {strides = array<i32>} : memref<4096xi32, #tpu.memory_space<vmem>>, vector<16xi32>,
      %add3A_1712 = arith.addi %add3A_1697, %get3A_1711 : vector<16xi32>
      %broadcast_in_dim3A_1713 = arith.constant 5 : i32
      %broadcast_in_dim3A_1714 = vector.broadcast %broadcast_in_dim3A_1713 : i32 to vector<16xi32>
      %lt3A_1715 = vector.broadcast %arg1 : i32 to vector<16xi32>
      %lt3A_1716 = arith.cmpi slt, %broadcast_in_dim3A_1714, %lt3A_1715 : vector<16xi32>
      %jit3A_1717 = arith.constant 0 : i32
      %broadcast_in_dim3A_1718 = vector.broadcast %jit3A_1717 : i32 to vector<16xi32>
      %select_n3A_1719 = arith.select %lt3A_1716, %get3A_1711, %broadcast_in_dim3A_1718 : vector<16xi1>, vector<16xi32>
      %add3A_1720 = arith.addi %add3A_1705, %select_n3A_1719 : vector<16xi32>
      %mul3A_1721 = arith.constant 16 : i32
      %mul3A_1722 = arith.muli %scan3A_1629, %mul3A_1721 : i32
      %add3A_1723 = arith.constant 1536 : i32
      %add3A_1724 = arith.addi %add3A_1723, %mul3A_1722 : i32
      %get3A_1725 = arith.index_cast %add3A_1724 : i32 to index
      %get3A_1726 = tpu.vector_load %arg10[%get3A_1725] {strides = array<i32>} : memref<4096xi32, #tpu.memory_space<vmem>>, vector<16xi32>,
      %add3A_1727 = arith.addi %add3A_1712, %get3A_1726 : vector<16xi32>
      %broadcast_in_dim3A_1728 = arith.constant 6 : i32
      %broadcast_in_dim3A_1729 = vector.broadcast %broadcast_in_dim3A_1728 : i32 to vector<16xi32>
      %lt3A_1730 = vector.broadcast %arg1 : i32 to vector<16xi32>
      %lt3A_1731 = arith.cmpi slt, %broadcast_in_dim3A_1729, %lt3A_1730 : vector<16xi32>
      %jit3A_1732 = arith.constant 0 : i32
      %broadcast_in_dim3A_1733 = vector.broadcast %jit3A_1732 : i32 to vector<16xi32>
      %select_n3A_1734 = arith.select %lt3A_1731, %get3A_1726, %broadcast_in_dim3A_1733 : vector<16xi1>, vector<16xi32>
      %add3A_1735 = arith.addi %add3A_1720, %select_n3A_1734 : vector<16xi32>
      %mul3A_1736 = arith.constant 16 : i32
      %mul3A_1737 = arith.muli %scan3A_1629, %mul3A_1736 : i32
      %add3A_1738 = arith.constant 1792 : i32
      %add3A_1739 = arith.addi %add3A_1738, %mul3A_1737 : i32
      %get3A_1740 = arith.index_cast %add3A_1739 : i32 to index
      %get3A_1741 = tpu.vector_load %arg10[%get3A_1740] {strides = array<i32>} : memref<4096xi32, #tpu.memory_space<vmem>>, vector<16xi32>,
      %add3A_1742 = arith.addi %add3A_1727, %get3A_1741 : vector<16xi32>
      %broadcast_in_dim3A_1743 = arith.constant 7 : i32
      %broadcast_in_dim3A_1744 = vector.broadcast %broadcast_in_dim3A_1743 : i32 to vector<16xi32>
      %lt3A_1745 = vector.broadcast %arg1 : i32 to vector<16xi32>
      %lt3A_1746 = arith.cmpi slt, %broadcast_in_dim3A_1744, %lt3A_1745 : vector<16xi32>
      %jit3A_1747 = arith.constant 0 : i32
      %broadcast_in_dim3A_1748 = vector.broadcast %jit3A_1747 : i32 to vector<16xi32>
      %select_n3A_1749 = arith.select %lt3A_1746, %get3A_1741, %broadcast_in_dim3A_1748 : vector<16xi1>, vector<16xi32>
      %add3A_1750 = arith.addi %add3A_1735, %select_n3A_1749 : vector<16xi32>
      %mul3A_1751 = arith.constant 16 : i32
      %mul3A_1752 = arith.muli %scan3A_1629, %mul3A_1751 : i32
      %add3A_1753 = arith.constant 2048 : i32
      %add3A_1754 = arith.addi %add3A_1753, %mul3A_1752 : i32
      %get3A_1755 = arith.index_cast %add3A_1754 : i32 to index
      %get3A_1756 = tpu.vector_load %arg10[%get3A_1755] {strides = array<i32>} : memref<4096xi32, #tpu.memory_space<vmem>>, vector<16xi32>,
      %add3A_1757 = arith.addi %add3A_1742, %get3A_1756 : vector<16xi32>
      %broadcast_in_dim3A_1758 = arith.constant 8 : i32
      %broadcast_in_dim3A_1759 = vector.broadcast %broadcast_in_dim3A_1758 : i32 to vector<16xi32>
      %lt3A_1760 = vector.broadcast %arg1 : i32 to vector<16xi32>
      %lt3A_1761 = arith.cmpi slt, %broadcast_in_dim3A_1759, %lt3A_1760 : vector<16xi32>
      %jit3A_1762 = arith.constant 0 : i32
      %broadcast_in_dim3A_1763 = vector.broadcast %jit3A_1762 : i32 to vector<16xi32>
      %select_n3A_1764 = arith.select %lt3A_1761, %get3A_1756, %broadcast_in_dim3A_1763 : vector<16xi1>, vector<16xi32>
      %add3A_1765 = arith.addi %add3A_1750, %select_n3A_1764 : vector<16xi32>
      %mul3A_1766 = arith.constant 16 : i32
      %mul3A_1767 = arith.muli %scan3A_1629, %mul3A_1766 : i32
      %add3A_1768 = arith.constant 2304 : i32
      %add3A_1769 = arith.addi %add3A_1768, %mul3A_1767 : i32
      %get3A_1770 = arith.index_cast %add3A_1769 : i32 to index
      %get3A_1771 = tpu.vector_load %arg10[%get3A_1770] {strides = array<i32>} : memref<4096xi32, #tpu.memory_space<vmem>>, vector<16xi32>,
      %add3A_1772 = arith.addi %add3A_1757, %get3A_1771 : vector<16xi32>
      %broadcast_in_dim3A_1773 = arith.constant 9 : i32
      %broadcast_in_dim3A_1774 = vector.broadcast %broadcast_in_dim3A_1773 : i32 to vector<16xi32>
      %lt3A_1775 = vector.broadcast %arg1 : i32 to vector<16xi32>
      %lt3A_1776 = arith.cmpi slt, %broadcast_in_dim3A_1774, %lt3A_1775 : vector<16xi32>
      %jit3A_1777 = arith.constant 0 : i32
      %broadcast_in_dim3A_1778 = vector.broadcast %jit3A_1777 : i32 to vector<16xi32>
      %select_n3A_1779 = arith.select %lt3A_1776, %get3A_1771, %broadcast_in_dim3A_1778 : vector<16xi1>, vector<16xi32>
      %add3A_1780 = arith.addi %add3A_1765, %select_n3A_1779 : vector<16xi32>
      %mul3A_1781 = arith.constant 16 : i32
      %mul3A_1782 = arith.muli %scan3A_1629, %mul3A_1781 : i32
      %add3A_1783 = arith.constant 2560 : i32
      %add3A_1784 = arith.addi %add3A_1783, %mul3A_1782 : i32
      %get3A_1785 = arith.index_cast %add3A_1784 : i32 to index
      %get3A_1786 = tpu.vector_load %arg10[%get3A_1785] {strides = array<i32>} : memref<4096xi32, #tpu.memory_space<vmem>>, vector<16xi32>,
      %add3A_1787 = arith.addi %add3A_1772, %get3A_1786 : vector<16xi32>
      %broadcast_in_dim3A_1788 = arith.constant 10 : i32
      %broadcast_in_dim3A_1789 = vector.broadcast %broadcast_in_dim3A_1788 : i32 to vector<16xi32>
      %lt3A_1790 = vector.broadcast %arg1 : i32 to vector<16xi32>
      %lt3A_1791 = arith.cmpi slt, %broadcast_in_dim3A_1789, %lt3A_1790 : vector<16xi32>
      %jit3A_1792 = arith.constant 0 : i32
      %broadcast_in_dim3A_1793 = vector.broadcast %jit3A_1792 : i32 to vector<16xi32>
      %select_n3A_1794 = arith.select %lt3A_1791, %get3A_1786, %broadcast_in_dim3A_1793 : vector<16xi1>, vector<16xi32>
      %add3A_1795 = arith.addi %add3A_1780, %select_n3A_1794 : vector<16xi32>
      %mul3A_1796 = arith.constant 16 : i32
      %mul3A_1797 = arith.muli %scan3A_1629, %mul3A_1796 : i32
      %add3A_1798 = arith.constant 2816 : i32
      %add3A_1799 = arith.addi %add3A_1798, %mul3A_1797 : i32
      %get3A_1800 = arith.index_cast %add3A_1799 : i32 to index
      %get3A_1801 = tpu.vector_load %arg10[%get3A_1800] {strides = array<i32>} : memref<4096xi32, #tpu.memory_space<vmem>>, vector<16xi32>,
      %add3A_1802 = arith.addi %add3A_1787, %get3A_1801 : vector<16xi32>
      %broadcast_in_dim3A_1803 = arith.constant 11 : i32
      %broadcast_in_dim3A_1804 = vector.broadcast %broadcast_in_dim3A_1803 : i32 to vector<16xi32>
      %lt3A_1805 = vector.broadcast %arg1 : i32 to vector<16xi32>
      %lt3A_1806 = arith.cmpi slt, %broadcast_in_dim3A_1804, %lt3A_1805 : vector<16xi32>
      %jit3A_1807 = arith.constant 0 : i32
      %broadcast_in_dim3A_1808 = vector.broadcast %jit3A_1807 : i32 to vector<16xi32>
      %select_n3A_1809 = arith.select %lt3A_1806, %get3A_1801, %broadcast_in_dim3A_1808 : vector<16xi1>, vector<16xi32>
      %add3A_1810 = arith.addi %add3A_1795, %select_n3A_1809 : vector<16xi32>
      %mul3A_1811 = arith.constant 16 : i32
      %mul3A_1812 = arith.muli %scan3A_1629, %mul3A_1811 : i32
      %add3A_1813 = arith.constant 3072 : i32
      %add3A_1814 = arith.addi %add3A_1813, %mul3A_1812 : i32
      %get3A_1815 = arith.index_cast %add3A_1814 : i32 to index
      %get3A_1816 = tpu.vector_load %arg10[%get3A_1815] {strides = array<i32>} : memref<4096xi32, #tpu.memory_space<vmem>>, vector<16xi32>,
      %add3A_1817 = arith.addi %add3A_1802, %get3A_1816 : vector<16xi32>
      %broadcast_in_dim3A_1818 = arith.constant 12 : i32
      %broadcast_in_dim3A_1819 = vector.broadcast %broadcast_in_dim3A_1818 : i32 to vector<16xi32>
      %lt3A_1820 = vector.broadcast %arg1 : i32 to vector<16xi32>
      %lt3A_1821 = arith.cmpi slt, %broadcast_in_dim3A_1819, %lt3A_1820 : vector<16xi32>
      %jit3A_1822 = arith.constant 0 : i32
      %broadcast_in_dim3A_1823 = vector.broadcast %jit3A_1822 : i32 to vector<16xi32>
      %select_n3A_1824 = arith.select %lt3A_1821, %get3A_1816, %broadcast_in_dim3A_1823 : vector<16xi1>, vector<16xi32>
      %add3A_1825 = arith.addi %add3A_1810, %select_n3A_1824 : vector<16xi32>
      %mul3A_1826 = arith.constant 16 : i32
      %mul3A_1827 = arith.muli %scan3A_1629, %mul3A_1826 : i32
      %add3A_1828 = arith.constant 3328 : i32
      %add3A_1829 = arith.addi %add3A_1828, %mul3A_1827 : i32
      %get3A_1830 = arith.index_cast %add3A_1829 : i32 to index
      %get3A_1831 = tpu.vector_load %arg10[%get3A_1830] {strides = array<i32>} : memref<4096xi32, #tpu.memory_space<vmem>>, vector<16xi32>,
      %add3A_1832 = arith.addi %add3A_1817, %get3A_1831 : vector<16xi32>
      %broadcast_in_dim3A_1833 = arith.constant 13 : i32
      %broadcast_in_dim3A_1834 = vector.broadcast %broadcast_in_dim3A_1833 : i32 to vector<16xi32>
      %lt3A_1835 = vector.broadcast %arg1 : i32 to vector<16xi32>
      %lt3A_1836 = arith.cmpi slt, %broadcast_in_dim3A_1834, %lt3A_1835 : vector<16xi32>
      %jit3A_1837 = arith.constant 0 : i32
      %broadcast_in_dim3A_1838 = vector.broadcast %jit3A_1837 : i32 to vector<16xi32>
      %select_n3A_1839 = arith.select %lt3A_1836, %get3A_1831, %broadcast_in_dim3A_1838 : vector<16xi1>, vector<16xi32>
      %add3A_1840 = arith.addi %add3A_1825, %select_n3A_1839 : vector<16xi32>
      %mul3A_1841 = arith.constant 16 : i32
      %mul3A_1842 = arith.muli %scan3A_1629, %mul3A_1841 : i32
      %add3A_1843 = arith.constant 3584 : i32
      %add3A_1844 = arith.addi %add3A_1843, %mul3A_1842 : i32
      %get3A_1845 = arith.index_cast %add3A_1844 : i32 to index
      %get3A_1846 = tpu.vector_load %arg10[%get3A_1845] {strides = array<i32>} : memref<4096xi32, #tpu.memory_space<vmem>>, vector<16xi32>,
      %add3A_1847 = arith.addi %add3A_1832, %get3A_1846 : vector<16xi32>
      %broadcast_in_dim3A_1848 = arith.constant 14 : i32
      %broadcast_in_dim3A_1849 = vector.broadcast %broadcast_in_dim3A_1848 : i32 to vector<16xi32>
      %lt3A_1850 = vector.broadcast %arg1 : i32 to vector<16xi32>
      %lt3A_1851 = arith.cmpi slt, %broadcast_in_dim3A_1849, %lt3A_1850 : vector<16xi32>
      %jit3A_1852 = arith.constant 0 : i32
      %broadcast_in_dim3A_1853 = vector.broadcast %jit3A_1852 : i32 to vector<16xi32>
      %select_n3A_1854 = arith.select %lt3A_1851, %get3A_1846, %broadcast_in_dim3A_1853 : vector<16xi1>, vector<16xi32>
      %add3A_1855 = arith.addi %add3A_1840, %select_n3A_1854 : vector<16xi32>
      %mul3A_1856 = arith.constant 16 : i32
      %mul3A_1857 = arith.muli %scan3A_1629, %mul3A_1856 : i32
      %add3A_1858 = arith.constant 3840 : i32
      %add3A_1859 = arith.addi %add3A_1858, %mul3A_1857 : i32
      %get3A_1860 = arith.index_cast %add3A_1859 : i32 to index
      %get3A_1861 = tpu.vector_load %arg10[%get3A_1860] {strides = array<i32>} : memref<4096xi32, #tpu.memory_space<vmem>>, vector<16xi32>,
      %add3A_1862 = arith.addi %add3A_1847, %get3A_1861 : vector<16xi32>
      %broadcast_in_dim3A_1863 = arith.constant 15 : i32
      %broadcast_in_dim3A_1864 = vector.broadcast %broadcast_in_dim3A_1863 : i32 to vector<16xi32>
      %lt3A_1865 = vector.broadcast %arg1 : i32 to vector<16xi32>
      %lt3A_1866 = arith.cmpi slt, %broadcast_in_dim3A_1864, %lt3A_1865 : vector<16xi32>
      %jit3A_1867 = arith.constant 0 : i32
      %broadcast_in_dim3A_1868 = vector.broadcast %jit3A_1867 : i32 to vector<16xi32>
      %select_n3A_1869 = arith.select %lt3A_1866, %get3A_1861, %broadcast_in_dim3A_1868 : vector<16xi1>, vector<16xi32>
      %add3A_1870 = arith.addi %add3A_1855, %select_n3A_1869 : vector<16xi32>
      %broadcast_in_dim3A_1871 = arith.constant true
      %broadcast_in_dim3A_1872 = vector.broadcast %broadcast_in_dim3A_1871 : i1 to vector<16xi1>
      %masked_cumsum3A = tpu.scan <sum>, %add3A_1862 masked %broadcast_in_dim3A_1872 : vector<16xi32>, vector<16xi1> -> vector<16xi32>
      %sub3A = arith.subi %masked_cumsum3A, %add3A_1862 : vector<16xi32>
      %add3A_1873 = vector.broadcast %scan3A_1630 : i32 to vector<16xi32>
      %add3A_1874 = arith.addi %sub3A, %add3A_1873 : vector<16xi32>
      %add3A_1875 = arith.addi %add3A_1874, %add3A_1870 : vector<16xi32>
      %mul3A_1876 = arith.constant 16 : i32
      %mul3A_1877 = arith.muli %scan3A_1629, %mul3A_1876 : i32
      %swap3A_1878 = arith.index_cast %mul3A_1877 : i32 to index
      %swap3A_1879 = tpu.vector_load %arg9[%swap3A_1878] {strides = array<i32>} : memref<256xi32, #tpu.memory_space<vmem>>, vector<16xi32>,
      tpu.vector_store %arg9[%swap3A_1878], %add3A_1875 {strides = array<i32>} : memref<256xi32, #tpu.memory_space<vmem>>, vector<16xi32>,
      %reduce_sum3A_1880 = arith.constant true
      %reduce_sum3A_1881 = vector.broadcast %reduce_sum3A_1880 : i1 to vector<16xi1>
      %reduce_sum3A_1882 = tpu.scan <sum>, %add3A_1862 masked %reduce_sum3A_1881 : vector<16xi32>, vector<16xi1> -> vector<16xi32>
      %reduce_sum3A_1883 = vector.extract %reduce_sum3A_1882[15] : i32 from vector<16xi32>
      %add3A_1884 = arith.addi %scan3A_1630, %reduce_sum3A_1883 : i32
      scf.yield %add3A_1884 : i32
    }
    %scan3A_62 = arith.constant 16 : i32
    %scan3A_63 = arith.constant 0 : i32
    %scan3A_64 = arith.constant 0 : i32
    %scan3A_65 = arith.constant 128 : i32
    %scan3A_66 = arith.addi %scan3A_64, %scan3A_65 : i32
    %scan3A_67 = arith.constant 1 : i32
    %scan3A_68 = scf.for %scan3A_1629 = %scan3A_64 to %scan3A_66 step %scan3A_67 iter_args(%scan3A_1630 = %scan3A_63) -> (i32)  : i32 {
      %mul3A_1631 = arith.constant 16 : i32
      %mul3A_1632 = arith.muli %scan3A_1629, %mul3A_1631 : i32
      %get3A_1633 = arith.index_cast %mul3A_1632 : i32 to index
      %get3A_1634 = tpu.vector_load %arg4[%get3A_1633] {strides = array<i32>} : memref<2048xi32, #tpu.memory_space<vmem>>, vector<16xi32>,
      %shift_right_logical3A = arith.constant 0 : i32
      %shift_right_logical3A_1635 = vector.broadcast %shift_right_logical3A : i32 to vector<16xi32>
      %shift_right_logical3A_1636 = arith.shrui %get3A_1634, %shift_right_logical3A_1635 : vector<16xi32>
      %and3A_1637 = arith.constant 255 : i32
      %and3A_1638 = vector.broadcast %and3A_1637 : i32 to vector<16xi32>
      %and3A_1639 = arith.andi %shift_right_logical3A_1636, %and3A_1638 : vector<16xi32>
      %broadcast_in_dim3A_1640 = arith.constant true
      %broadcast_in_dim3A_1641 = vector.broadcast %broadcast_in_dim3A_1640 : i1 to vector<16xi1>
      %unique3A, %unique3A_1642 = tpu.scan_count mask(%broadcast_in_dim3A_1641 : vector<16xi1>) value(%and3A_1639 : vector<16xi32>) : vector<16xi1>, vector<16xi32>
      %gather3A_1643 = tpu.vector_load_idx %arg9[%and3A_1639] : memref<256xi32, #tpu.memory_space<vmem>>[vector<16xi32>], vector<16xi32>,
      %add3A_1644 = arith.addi %gather3A_1643, %unique3A_1642 : vector<16xi32>
      %sub3A = arith.constant 1 : i32
      %sub3A_1645 = vector.broadcast %sub3A : i32 to vector<16xi32>
      %sub3A_1646 = arith.subi %add3A_1644, %sub3A_1645 : vector<16xi32>
      %div3A = arith.constant 8 : i32
      %div3A_1647 = arith.divsi %scan3A_1629, %div3A : i32
      %mul3A_1648 = arith.constant 8 : i32
      %mul3A_1649 = arith.muli %div3A_1647, %mul3A_1648 : i32
      %sub3A_1650 = arith.subi %scan3A_1629, %mul3A_1649 : i32
      %add3A_1651 = vector.broadcast %div3A_1647 : i32 to vector<16xi32>
      %add3A_1652 = arith.addi %broadcast_in_dim3A_1, %add3A_1651 : vector<16xi32>
      %mul3A_1653 = arith.constant 16 : i32
      %mul3A_1654 = arith.muli %sub3A_1650, %mul3A_1653 : i32
      %add3A_1655 = vector.broadcast %mul3A_1654 : i32 to vector<16xi32>
      %add3A_1656 = arith.addi %add3A_1655, %iota3A : vector<16xi32>
      tpu.vector_store_idx %arg7[%add3A_1652, %add3A_1656], %sub3A_1646 : memref<16x128xi32, #tpu.memory_space<vmem>>[vector<16xi32>, vector<16xi32>], vector<16xi32>,
      tpu.vector_store_idx %arg9[%and3A_1639], %unique3A_1642 masked %unique3A {add = true} : memref<256xi32, #tpu.memory_space<vmem>>[vector<16xi32>], vector<16xi32>, vector<16xi1>
      %eq3A_1657 = arith.constant 7 : i32
      %eq3A_1658 = arith.cmpi eq, %sub3A_1650, %eq3A_1657 : i32
      %convert_element_type3A_1659 = arith.extui %eq3A_1658 : i1 to i32
      %cond3A_1660 = arith.constant 0 : i32
      %cond3A_1661 = arith.cmpi ne, %convert_element_type3A_1659, %cond3A_1660 : i32
      scf.if %cond3A_1661 {
        %mul3A_1663 = arith.constant 128 : i32
        %mul3A_1664 = arith.muli %div3A_1647, %mul3A_1663 : i32
        %dma_start3A_1665 = tpu.memref_slice %arg4[%mul3A_1664] : memref<2048xi32, #tpu.memory_space<vmem>> -> memref<128xi32, #tpu.memory_space<vmem>>
        %dma_start3A_1666 = arith.constant 0 : i32
        %dma_start3A_1667 = tpu.memref_slice %arg7[%div3A_1647, %dma_start3A_1666] : memref<16x128xi32, #tpu.memory_space<vmem>> -> memref<1x128xi32, #tpu.memory_space<vmem>>
        %dma_start3A_1668 = tpu.memref_squeeze %dma_start3A_1667 : memref<1x128xi32, #tpu.memory_space<vmem>> -> memref<128xi32, #tpu.memory_space<vmem>>
        %dma_start3A_1669 = arith.constant 0 : i32
        %dma_start3A_1670 = tpu.memref_slice %arg18[%dma_start3A_1669] : memref<32768xi32, #tpu.memory_space<vmem_shared>> -> memref<32768xi32, #tpu.memory_space<vmem_shared>>
        tpu.enqueue_indirect_dma source(%dma_start3A_1665 : memref<128xi32, #tpu.memory_space<vmem>>) target(%dma_start3A_1670 : memref<32768xi32, #tpu.memory_space<vmem_shared>>) offsets(%dma_start3A_1668 : memref<128xi32, #tpu.memory_space<vmem>>) semaphore(%arg15 : memref<!tpu.dma_semaphore, #tpu.memory_space<semaphore_mem>>)
        %mul3A_1671 = arith.constant 128 : i32
        %mul3A_1672 = arith.muli %div3A_1647, %mul3A_1671 : i32
        %dma_start3A_1673 = tpu.memref_slice %arg5[%mul3A_1672] : memref<2048xi32, #tpu.memory_space<vmem>> -> memref<128xi32, #tpu.memory_space<vmem>>
        %dma_start3A_1674 = arith.constant 0 : i32
        %dma_start3A_1675 = tpu.memref_slice %arg7[%div3A_1647, %dma_start3A_1674] : memref<16x128xi32, #tpu.memory_space<vmem>> -> memref<1x128xi32, #tpu.memory_space<vmem>>
        %dma_start3A_1676 = tpu.memref_squeeze %dma_start3A_1675 : memref<1x128xi32, #tpu.memory_space<vmem>> -> memref<128xi32, #tpu.memory_space<vmem>>
        %dma_start3A_1677 = arith.constant 0 : i32
        %dma_start3A_1678 = tpu.memref_slice %arg19[%dma_start3A_1677] : memref<32768xi32, #tpu.memory_space<vmem_shared>> -> memref<32768xi32, #tpu.memory_space<vmem_shared>>
        tpu.enqueue_indirect_dma source(%dma_start3A_1673 : memref<128xi32, #tpu.memory_space<vmem>>) target(%dma_start3A_1678 : memref<32768xi32, #tpu.memory_space<vmem_shared>>) offsets(%dma_start3A_1676 : memref<128xi32, #tpu.memory_space<vmem>>) semaphore(%arg15 : memref<!tpu.dma_semaphore, #tpu.memory_space<semaphore_mem>>)
      } else {
      }
      %scan3A_1662 = arith.constant 0 : i32
      scf.yield %scan3A_1662 : i32
    }
    %scan3A_69 = arith.constant 128 : i32
    %dma_wait3A = arith.constant 0 : i32
    %dma_wait3A_70 = tpu.memref_slice %arg6[%dma_wait3A] : memref<2048xi32, #tpu.memory_space<vmem>> -> memref<128xi32, #tpu.memory_space<vmem>>
    %dma_wait3A_71 = arith.constant 0 : i32
    %dma_wait3A_72 = tpu.memref_slice %arg2[%dma_wait3A_71] : memref<32768xi32, #tpu.memory_space<hbm>> -> memref<128xi32, #tpu.memory_space<hbm>>
    %dma_wait3A_73 = arith.constant 0 : i32
    %dma_wait3A_74 = tpu.memref_slice %arg6[%dma_wait3A_73] : memref<2048xi32, #tpu.memory_space<vmem>> -> memref<128xi32, #tpu.memory_space<vmem>>
    %dma_wait3A_75 = arith.constant 0 : i32
    %dma_wait3A_76 = tpu.memref_slice %arg2[%dma_wait3A_75] : memref<32768xi32, #tpu.memory_space<hbm>> -> memref<128xi32, #tpu.memory_space<hbm>>
    tpu.wait_dma2 semaphore(%arg15 : memref<!tpu.dma_semaphore, #tpu.memory_space<semaphore_mem>>) src(%dma_wait3A_76 : memref<128xi32, #tpu.memory_space<hbm>>) dst(%dma_wait3A_74 : memref<128xi32, #tpu.memory_space<vmem>>)
    %dma_wait3A_77 = arith.constant 0 : i32
    %dma_wait3A_78 = tpu.memref_slice %arg6[%dma_wait3A_77] : memref<2048xi32, #tpu.memory_space<vmem>> -> memref<128xi32, #tpu.memory_space<vmem>>
    %dma_wait3A_79 = arith.constant 0 : i32
    %dma_wait3A_80 = tpu.memref_slice %arg2[%dma_wait3A_79] : memref<32768xi32, #tpu.memory_space<hbm>> -> memref<128xi32, #tpu.memory_space<hbm>>
    %dma_wait3A_81 = arith.constant 0 : i32
    %dma_wait3A_82 = tpu.memref_slice %arg6[%dma_wait3A_81] : memref<2048xi32, #tpu.memory_space<vmem>> -> memref<128xi32, #tpu.memory_space<vmem>>
    %dma_wait3A_83 = arith.constant 0 : i32
    %dma_wait3A_84 = tpu.memref_slice %arg2[%dma_wait3A_83] : memref<32768xi32, #tpu.memory_space<hbm>> -> memref<128xi32, #tpu.memory_space<hbm>>
    tpu.wait_dma2 semaphore(%arg15 : memref<!tpu.dma_semaphore, #tpu.memory_space<semaphore_mem>>) src(%dma_wait3A_84 : memref<128xi32, #tpu.memory_space<hbm>>) dst(%dma_wait3A_82 : memref<128xi32, #tpu.memory_space<vmem>>)
    %dma_wait3A_85 = arith.constant 0 : i32
    %dma_wait3A_86 = tpu.memref_slice %arg6[%dma_wait3A_85] : memref<2048xi32, #tpu.memory_space<vmem>> -> memref<128xi32, #tpu.memory_space<vmem>>
    %dma_wait3A_87 = arith.constant 0 : i32
    %dma_wait3A_88 = tpu.memref_slice %arg2[%dma_wait3A_87] : memref<32768xi32, #tpu.memory_space<hbm>> -> memref<128xi32, #tpu.memory_space<hbm>>
    %dma_wait3A_89 = arith.constant 0 : i32
    %dma_wait3A_90 = tpu.memref_slice %arg6[%dma_wait3A_89] : memref<2048xi32, #tpu.memory_space<vmem>> -> memref<128xi32, #tpu.memory_space<vmem>>
    %dma_wait3A_91 = arith.constant 0 : i32
    %dma_wait3A_92 = tpu.memref_slice %arg2[%dma_wait3A_91] : memref<32768xi32, #tpu.memory_space<hbm>> -> memref<128xi32, #tpu.memory_space<hbm>>
    tpu.wait_dma2 semaphore(%arg15 : memref<!tpu.dma_semaphore, #tpu.memory_space<semaphore_mem>>) src(%dma_wait3A_92 : memref<128xi32, #tpu.memory_space<hbm>>) dst(%dma_wait3A_90 : memref<128xi32, #tpu.memory_space<vmem>>)
    %dma_wait3A_93 = arith.constant 0 : i32
    %dma_wait3A_94 = tpu.memref_slice %arg6[%dma_wait3A_93] : memref<2048xi32, #tpu.memory_space<vmem>> -> memref<128xi32, #tpu.memory_space<vmem>>
    %dma_wait3A_95 = arith.constant 0 : i32
    %dma_wait3A_96 = tpu.memref_slice %arg2[%dma_wait3A_95] : memref<32768xi32, #tpu.memory_space<hbm>> -> memref<128xi32, #tpu.memory_space<hbm>>
    %dma_wait3A_97 = arith.constant 0 : i32
    %dma_wait3A_98 = tpu.memref_slice %arg6[%dma_wait3A_97] : memref<2048xi32, #tpu.memory_space<vmem>> -> memref<128xi32, #tpu.memory_space<vmem>>
    %dma_wait3A_99 = arith.constant 0 : i32
    %dma_wait3A_100 = tpu.memref_slice %arg2[%dma_wait3A_99] : memref<32768xi32, #tpu.memory_space<hbm>> -> memref<128xi32, #tpu.memory_space<hbm>>
    tpu.wait_dma2 semaphore(%arg15 : memref<!tpu.dma_semaphore, #tpu.memory_space<semaphore_mem>>) src(%dma_wait3A_100 : memref<128xi32, #tpu.memory_space<hbm>>) dst(%dma_wait3A_98 : memref<128xi32, #tpu.memory_space<vmem>>)
    %dma_wait3A_101 = arith.constant 0 : i32
    %dma_wait3A_102 = tpu.memref_slice %arg6[%dma_wait3A_101] : memref<2048xi32, #tpu.memory_space<vmem>> -> memref<128xi32, #tpu.memory_space<vmem>>
    %dma_wait3A_103 = arith.constant 0 : i32
    %dma_wait3A_104 = tpu.memref_slice %arg2[%dma_wait3A_103] : memref<32768xi32, #tpu.memory_space<hbm>> -> memref<128xi32, #tpu.memory_space<hbm>>
    %dma_wait3A_105 = arith.constant 0 : i32
    %dma_wait3A_106 = tpu.memref_slice %arg6[%dma_wait3A_105] : memref<2048xi32, #tpu.memory_space<vmem>> -> memref<128xi32, #tpu.memory_space<vmem>>
    %dma_wait3A_107 = arith.constant 0 : i32
    %dma_wait3A_108 = tpu.memref_slice %arg2[%dma_wait3A_107] : memref<32768xi32, #tpu.memory_space<hbm>> -> memref<128xi32, #tpu.memory_space<hbm>>
    tpu.wait_dma2 semaphore(%arg15 : memref<!tpu.dma_semaphore, #tpu.memory_space<semaphore_mem>>) src(%dma_wait3A_108 : memref<128xi32, #tpu.memory_space<hbm>>) dst(%dma_wait3A_106 : memref<128xi32, #tpu.memory_space<vmem>>)
    %dma_wait3A_109 = arith.constant 0 : i32
    %dma_wait3A_110 = tpu.memref_slice %arg6[%dma_wait3A_109] : memref<2048xi32, #tpu.memory_space<vmem>> -> memref<128xi32, #tpu.memory_space<vmem>>
    %dma_wait3A_111 = arith.constant 0 : i32
    %dma_wait3A_112 = tpu.memref_slice %arg2[%dma_wait3A_111] : memref<32768xi32, #tpu.memory_space<hbm>> -> memref<128xi32, #tpu.memory_space<hbm>>
    %dma_wait3A_113 = arith.constant 0 : i32
    %dma_wait3A_114 = tpu.memref_slice %arg6[%dma_wait3A_113] : memref<2048xi32, #tpu.memory_space<vmem>> -> memref<128xi32, #tpu.memory_space<vmem>>
    %dma_wait3A_115 = arith.constant 0 : i32
    %dma_wait3A_116 = tpu.memref_slice %arg2[%dma_wait3A_115] : memref<32768xi32, #tpu.memory_space<hbm>> -> memref<128xi32, #tpu.memory_space<hbm>>
    tpu.wait_dma2 semaphore(%arg15 : memref<!tpu.dma_semaphore, #tpu.memory_space<semaphore_mem>>) src(%dma_wait3A_116 : memref<128xi32, #tpu.memory_space<hbm>>) dst(%dma_wait3A_114 : memref<128xi32, #tpu.memory_space<vmem>>)
    %dma_wait3A_117 = arith.constant 0 : i32
    %dma_wait3A_118 = tpu.memref_slice %arg6[%dma_wait3A_117] : memref<2048xi32, #tpu.memory_space<vmem>> -> memref<128xi32, #tpu.memory_space<vmem>>
    %dma_wait3A_119 = arith.constant 0 : i32
    %dma_wait3A_120 = tpu.memref_slice %arg2[%dma_wait3A_119] : memref<32768xi32, #tpu.memory_space<hbm>> -> memref<128xi32, #tpu.memory_space<hbm>>
    %dma_wait3A_121 = arith.constant 0 : i32
    %dma_wait3A_122 = tpu.memref_slice %arg6[%dma_wait3A_121] : memref<2048xi32, #tpu.memory_space<vmem>> -> memref<128xi32, #tpu.memory_space<vmem>>
    %dma_wait3A_123 = arith.constant 0 : i32
    %dma_wait3A_124 = tpu.memref_slice %arg2[%dma_wait3A_123] : memref<32768xi32, #tpu.memory_space<hbm>> -> memref<128xi32, #tpu.memory_space<hbm>>
    tpu.wait_dma2 semaphore(%arg15 : memref<!tpu.dma_semaphore, #tpu.memory_space<semaphore_mem>>) src(%dma_wait3A_124 : memref<128xi32, #tpu.memory_space<hbm>>) dst(%dma_wait3A_122 : memref<128xi32, #tpu.memory_space<vmem>>)
    %dma_wait3A_125 = arith.constant 0 : i32
    %dma_wait3A_126 = tpu.memref_slice %arg6[%dma_wait3A_125] : memref<2048xi32, #tpu.memory_space<vmem>> -> memref<128xi32, #tpu.memory_space<vmem>>
    %dma_wait3A_127 = arith.constant 0 : i32
    %dma_wait3A_128 = tpu.memref_slice %arg2[%dma_wait3A_127] : memref<32768xi32, #tpu.memory_space<hbm>> -> memref<128xi32, #tpu.memory_space<hbm>>
    %dma_wait3A_129 = arith.constant 0 : i32
    %dma_wait3A_130 = tpu.memref_slice %arg6[%dma_wait3A_129] : memref<2048xi32, #tpu.memory_space<vmem>> -> memref<128xi32, #tpu.memory_space<vmem>>
    %dma_wait3A_131 = arith.constant 0 : i32
    %dma_wait3A_132 = tpu.memref_slice %arg2[%dma_wait3A_131] : memref<32768xi32, #tpu.memory_space<hbm>> -> memref<128xi32, #tpu.memory_space<hbm>>
    tpu.wait_dma2 semaphore(%arg15 : memref<!tpu.dma_semaphore, #tpu.memory_space<semaphore_mem>>) src(%dma_wait3A_132 : memref<128xi32, #tpu.memory_space<hbm>>) dst(%dma_wait3A_130 : memref<128xi32, #tpu.memory_space<vmem>>)
    %dma_wait3A_133 = arith.constant 0 : i32
    %dma_wait3A_134 = tpu.memref_slice %arg6[%dma_wait3A_133] : memref<2048xi32, #tpu.memory_space<vmem>> -> memref<128xi32, #tpu.memory_space<vmem>>
    %dma_wait3A_135 = arith.constant 0 : i32
    %dma_wait3A_136 = tpu.memref_slice %arg2[%dma_wait3A_135] : memref<32768xi32, #tpu.memory_space<hbm>> -> memref<128xi32, #tpu.memory_space<hbm>>
    %dma_wait3A_137 = arith.constant 0 : i32
    %dma_wait3A_138 = tpu.memref_slice %arg6[%dma_wait3A_137] : memref<2048xi32, #tpu.memory_space<vmem>> -> memref<128xi32, #tpu.memory_space<vmem>>
    %dma_wait3A_139 = arith.constant 0 : i32
    %dma_wait3A_140 = tpu.memref_slice %arg2[%dma_wait3A_139] : memref<32768xi32, #tpu.memory_space<hbm>> -> memref<128xi32, #tpu.memory_space<hbm>>
    tpu.wait_dma2 semaphore(%arg15 : memref<!tpu.dma_semaphore, #tpu.memory_space<semaphore_mem>>) src(%dma_wait3A_140 : memref<128xi32, #tpu.memory_space<hbm>>) dst(%dma_wait3A_138 : memref<128xi32, #tpu.memory_space<vmem>>)
    %dma_wait3A_141 = arith.constant 0 : i32
    %dma_wait3A_142 = tpu.memref_slice %arg6[%dma_wait3A_141] : memref<2048xi32, #tpu.memory_space<vmem>> -> memref<128xi32, #tpu.memory_space<vmem>>
    %dma_wait3A_143 = arith.constant 0 : i32
    %dma_wait3A_144 = tpu.memref_slice %arg2[%dma_wait3A_143] : memref<32768xi32, #tpu.memory_space<hbm>> -> memref<128xi32, #tpu.memory_space<hbm>>
    %dma_wait3A_145 = arith.constant 0 : i32
    %dma_wait3A_146 = tpu.memref_slice %arg6[%dma_wait3A_145] : memref<2048xi32, #tpu.memory_space<vmem>> -> memref<128xi32, #tpu.memory_space<vmem>>
    %dma_wait3A_147 = arith.constant 0 : i32
    %dma_wait3A_148 = tpu.memref_slice %arg2[%dma_wait3A_147] : memref<32768xi32, #tpu.memory_space<hbm>> -> memref<128xi32, #tpu.memory_space<hbm>>
    tpu.wait_dma2 semaphore(%arg15 : memref<!tpu.dma_semaphore, #tpu.memory_space<semaphore_mem>>) src(%dma_wait3A_148 : memref<128xi32, #tpu.memory_space<hbm>>) dst(%dma_wait3A_146 : memref<128xi32, #tpu.memory_space<vmem>>)
    %dma_wait3A_149 = arith.constant 0 : i32
    %dma_wait3A_150 = tpu.memref_slice %arg6[%dma_wait3A_149] : memref<2048xi32, #tpu.memory_space<vmem>> -> memref<128xi32, #tpu.memory_space<vmem>>
    %dma_wait3A_151 = arith.constant 0 : i32
    %dma_wait3A_152 = tpu.memref_slice %arg2[%dma_wait3A_151] : memref<32768xi32, #tpu.memory_space<hbm>> -> memref<128xi32, #tpu.memory_space<hbm>>
    %dma_wait3A_153 = arith.constant 0 : i32
    %dma_wait3A_154 = tpu.memref_slice %arg6[%dma_wait3A_153] : memref<2048xi32, #tpu.memory_space<vmem>> -> memref<128xi32, #tpu.memory_space<vmem>>
    %dma_wait3A_155 = arith.constant 0 : i32
    %dma_wait3A_156 = tpu.memref_slice %arg2[%dma_wait3A_155] : memref<32768xi32, #tpu.memory_space<hbm>> -> memref<128xi32, #tpu.memory_space<hbm>>
    tpu.wait_dma2 semaphore(%arg15 : memref<!tpu.dma_semaphore, #tpu.memory_space<semaphore_mem>>) src(%dma_wait3A_156 : memref<128xi32, #tpu.memory_space<hbm>>) dst(%dma_wait3A_154 : memref<128xi32, #tpu.memory_space<vmem>>)
    %dma_wait3A_157 = arith.constant 0 : i32
    %dma_wait3A_158 = tpu.memref_slice %arg6[%dma_wait3A_157] : memref<2048xi32, #tpu.memory_space<vmem>> -> memref<128xi32, #tpu.memory_space<vmem>>
    %dma_wait3A_159 = arith.constant 0 : i32
    %dma_wait3A_160 = tpu.memref_slice %arg2[%dma_wait3A_159] : memref<32768xi32, #tpu.memory_space<hbm>> -> memref<128xi32, #tpu.memory_space<hbm>>
    %dma_wait3A_161 = arith.constant 0 : i32
    %dma_wait3A_162 = tpu.memref_slice %arg6[%dma_wait3A_161] : memref<2048xi32, #tpu.memory_space<vmem>> -> memref<128xi32, #tpu.memory_space<vmem>>
    %dma_wait3A_163 = arith.constant 0 : i32
    %dma_wait3A_164 = tpu.memref_slice %arg2[%dma_wait3A_163] : memref<32768xi32, #tpu.memory_space<hbm>> -> memref<128xi32, #tpu.memory_space<hbm>>
    tpu.wait_dma2 semaphore(%arg15 : memref<!tpu.dma_semaphore, #tpu.memory_space<semaphore_mem>>) src(%dma_wait3A_164 : memref<128xi32, #tpu.memory_space<hbm>>) dst(%dma_wait3A_162 : memref<128xi32, #tpu.memory_space<vmem>>)
    %dma_wait3A_165 = arith.constant 0 : i32
    %dma_wait3A_166 = tpu.memref_slice %arg6[%dma_wait3A_165] : memref<2048xi32, #tpu.memory_space<vmem>> -> memref<128xi32, #tpu.memory_space<vmem>>
    %dma_wait3A_167 = arith.constant 0 : i32
    %dma_wait3A_168 = tpu.memref_slice %arg2[%dma_wait3A_167] : memref<32768xi32, #tpu.memory_space<hbm>> -> memref<128xi32, #tpu.memory_space<hbm>>
    %dma_wait3A_169 = arith.constant 0 : i32
    %dma_wait3A_170 = tpu.memref_slice %arg6[%dma_wait3A_169] : memref<2048xi32, #tpu.memory_space<vmem>> -> memref<128xi32, #tpu.memory_space<vmem>>
    %dma_wait3A_171 = arith.constant 0 : i32
    %dma_wait3A_172 = tpu.memref_slice %arg2[%dma_wait3A_171] : memref<32768xi32, #tpu.memory_space<hbm>> -> memref<128xi32, #tpu.memory_space<hbm>>
    tpu.wait_dma2 semaphore(%arg15 : memref<!tpu.dma_semaphore, #tpu.memory_space<semaphore_mem>>) src(%dma_wait3A_172 : memref<128xi32, #tpu.memory_space<hbm>>) dst(%dma_wait3A_170 : memref<128xi32, #tpu.memory_space<vmem>>)
    %dma_wait3A_173 = arith.constant 0 : i32
    %dma_wait3A_174 = tpu.memref_slice %arg6[%dma_wait3A_173] : memref<2048xi32, #tpu.memory_space<vmem>> -> memref<128xi32, #tpu.memory_space<vmem>>
    %dma_wait3A_175 = arith.constant 0 : i32
    %dma_wait3A_176 = tpu.memref_slice %arg2[%dma_wait3A_175] : memref<32768xi32, #tpu.memory_space<hbm>> -> memref<128xi32, #tpu.memory_space<hbm>>
    %dma_wait3A_177 = arith.constant 0 : i32
    %dma_wait3A_178 = tpu.memref_slice %arg6[%dma_wait3A_177] : memref<2048xi32, #tpu.memory_space<vmem>> -> memref<128xi32, #tpu.memory_space<vmem>>
    %dma_wait3A_179 = arith.constant 0 : i32
    %dma_wait3A_180 = tpu.memref_slice %arg2[%dma_wait3A_179] : memref<32768xi32, #tpu.memory_space<hbm>> -> memref<128xi32, #tpu.memory_space<hbm>>
    tpu.wait_dma2 semaphore(%arg15 : memref<!tpu.dma_semaphore, #tpu.memory_space<semaphore_mem>>) src(%dma_wait3A_180 : memref<128xi32, #tpu.memory_space<hbm>>) dst(%dma_wait3A_178 : memref<128xi32, #tpu.memory_space<vmem>>)
    %dma_wait3A_181 = arith.constant 0 : i32
    %dma_wait3A_182 = tpu.memref_slice %arg6[%dma_wait3A_181] : memref<2048xi32, #tpu.memory_space<vmem>> -> memref<128xi32, #tpu.memory_space<vmem>>
    %dma_wait3A_183 = arith.constant 0 : i32
    %dma_wait3A_184 = tpu.memref_slice %arg2[%dma_wait3A_183] : memref<32768xi32, #tpu.memory_space<hbm>> -> memref<128xi32, #tpu.memory_space<hbm>>
    %dma_wait3A_185 = arith.constant 0 : i32
    %dma_wait3A_186 = tpu.memref_slice %arg6[%dma_wait3A_185] : memref<2048xi32, #tpu.memory_space<vmem>> -> memref<128xi32, #tpu.memory_space<vmem>>
    %dma_wait3A_187 = arith.constant 0 : i32
    %dma_wait3A_188 = tpu.memref_slice %arg2[%dma_wait3A_187] : memref<32768xi32, #tpu.memory_space<hbm>> -> memref<128xi32, #tpu.memory_space<hbm>>
    tpu.wait_dma2 semaphore(%arg15 : memref<!tpu.dma_semaphore, #tpu.memory_space<semaphore_mem>>) src(%dma_wait3A_188 : memref<128xi32, #tpu.memory_space<hbm>>) dst(%dma_wait3A_186 : memref<128xi32, #tpu.memory_space<vmem>>)
    %dma_wait3A_189 = arith.constant 0 : i32
    %dma_wait3A_190 = tpu.memref_slice %arg6[%dma_wait3A_189] : memref<2048xi32, #tpu.memory_space<vmem>> -> memref<128xi32, #tpu.memory_space<vmem>>
    %dma_wait3A_191 = arith.constant 0 : i32
    %dma_wait3A_192 = tpu.memref_slice %arg2[%dma_wait3A_191] : memref<32768xi32, #tpu.memory_space<hbm>> -> memref<128xi32, #tpu.memory_space<hbm>>
    %dma_wait3A_193 = arith.constant 0 : i32
    %dma_wait3A_194 = tpu.memref_slice %arg6[%dma_wait3A_193] : memref<2048xi32, #tpu.memory_space<vmem>> -> memref<128xi32, #tpu.memory_space<vmem>>
    %dma_wait3A_195 = arith.constant 0 : i32
    %dma_wait3A_196 = tpu.memref_slice %arg2[%dma_wait3A_195] : memref<32768xi32, #tpu.memory_space<hbm>> -> memref<128xi32, #tpu.memory_space<hbm>>
    tpu.wait_dma2 semaphore(%arg15 : memref<!tpu.dma_semaphore, #tpu.memory_space<semaphore_mem>>) src(%dma_wait3A_196 : memref<128xi32, #tpu.memory_space<hbm>>) dst(%dma_wait3A_194 : memref<128xi32, #tpu.memory_space<vmem>>)
    %dma_wait3A_197 = arith.constant 0 : i32
    %dma_wait3A_198 = tpu.memref_slice %arg6[%dma_wait3A_197] : memref<2048xi32, #tpu.memory_space<vmem>> -> memref<128xi32, #tpu.memory_space<vmem>>
    %dma_wait3A_199 = arith.constant 0 : i32
    %dma_wait3A_200 = tpu.memref_slice %arg2[%dma_wait3A_199] : memref<32768xi32, #tpu.memory_space<hbm>> -> memref<128xi32, #tpu.memory_space<hbm>>
    %dma_wait3A_201 = arith.constant 0 : i32
    %dma_wait3A_202 = tpu.memref_slice %arg6[%dma_wait3A_201] : memref<2048xi32, #tpu.memory_space<vmem>> -> memref<128xi32, #tpu.memory_space<vmem>>
    %dma_wait3A_203 = arith.constant 0 : i32
    %dma_wait3A_204 = tpu.memref_slice %arg2[%dma_wait3A_203] : memref<32768xi32, #tpu.memory_space<hbm>> -> memref<128xi32, #tpu.memory_space<hbm>>
    tpu.wait_dma2 semaphore(%arg15 : memref<!tpu.dma_semaphore, #tpu.memory_space<semaphore_mem>>) src(%dma_wait3A_204 : memref<128xi32, #tpu.memory_space<hbm>>) dst(%dma_wait3A_202 : memref<128xi32, #tpu.memory_space<vmem>>)
    %dma_wait3A_205 = arith.constant 0 : i32
    %dma_wait3A_206 = tpu.memref_slice %arg6[%dma_wait3A_205] : memref<2048xi32, #tpu.memory_space<vmem>> -> memref<128xi32, #tpu.memory_space<vmem>>
    %dma_wait3A_207 = arith.constant 0 : i32
    %dma_wait3A_208 = tpu.memref_slice %arg2[%dma_wait3A_207] : memref<32768xi32, #tpu.memory_space<hbm>> -> memref<128xi32, #tpu.memory_space<hbm>>
    %dma_wait3A_209 = arith.constant 0 : i32
    %dma_wait3A_210 = tpu.memref_slice %arg6[%dma_wait3A_209] : memref<2048xi32, #tpu.memory_space<vmem>> -> memref<128xi32, #tpu.memory_space<vmem>>
    %dma_wait3A_211 = arith.constant 0 : i32
    %dma_wait3A_212 = tpu.memref_slice %arg2[%dma_wait3A_211] : memref<32768xi32, #tpu.memory_space<hbm>> -> memref<128xi32, #tpu.memory_space<hbm>>
    tpu.wait_dma2 semaphore(%arg15 : memref<!tpu.dma_semaphore, #tpu.memory_space<semaphore_mem>>) src(%dma_wait3A_212 : memref<128xi32, #tpu.memory_space<hbm>>) dst(%dma_wait3A_210 : memref<128xi32, #tpu.memory_space<vmem>>)
    %dma_wait3A_213 = arith.constant 0 : i32
    %dma_wait3A_214 = tpu.memref_slice %arg6[%dma_wait3A_213] : memref<2048xi32, #tpu.memory_space<vmem>> -> memref<128xi32, #tpu.memory_space<vmem>>
    %dma_wait3A_215 = arith.constant 0 : i32
    %dma_wait3A_216 = tpu.memref_slice %arg2[%dma_wait3A_215] : memref<32768xi32, #tpu.memory_space<hbm>> -> memref<128xi32, #tpu.memory_space<hbm>>
    %dma_wait3A_217 = arith.constant 0 : i32
    %dma_wait3A_218 = tpu.memref_slice %arg6[%dma_wait3A_217] : memref<2048xi32, #tpu.memory_space<vmem>> -> memref<128xi32, #tpu.memory_space<vmem>>
    %dma_wait3A_219 = arith.constant 0 : i32
    %dma_wait3A_220 = tpu.memref_slice %arg2[%dma_wait3A_219] : memref<32768xi32, #tpu.memory_space<hbm>> -> memref<128xi32, #tpu.memory_space<hbm>>
    tpu.wait_dma2 semaphore(%arg15 : memref<!tpu.dma_semaphore, #tpu.memory_space<semaphore_mem>>) src(%dma_wait3A_220 : memref<128xi32, #tpu.memory_space<hbm>>) dst(%dma_wait3A_218 : memref<128xi32, #tpu.memory_space<vmem>>)
    %dma_wait3A_221 = arith.constant 0 : i32
    %dma_wait3A_222 = tpu.memref_slice %arg6[%dma_wait3A_221] : memref<2048xi32, #tpu.memory_space<vmem>> -> memref<128xi32, #tpu.memory_space<vmem>>
    %dma_wait3A_223 = arith.constant 0 : i32
    %dma_wait3A_224 = tpu.memref_slice %arg2[%dma_wait3A_223] : memref<32768xi32, #tpu.memory_space<hbm>> -> memref<128xi32, #tpu.memory_space<hbm>>
    %dma_wait3A_225 = arith.constant 0 : i32
    %dma_wait3A_226 = tpu.memref_slice %arg6[%dma_wait3A_225] : memref<2048xi32, #tpu.memory_space<vmem>> -> memref<128xi32, #tpu.memory_space<vmem>>
    %dma_wait3A_227 = arith.constant 0 : i32
    %dma_wait3A_228 = tpu.memref_slice %arg2[%dma_wait3A_227] : memref<32768xi32, #tpu.memory_space<hbm>> -> memref<128xi32, #tpu.memory_space<hbm>>
    tpu.wait_dma2 semaphore(%arg15 : memref<!tpu.dma_semaphore, #tpu.memory_space<semaphore_mem>>) src(%dma_wait3A_228 : memref<128xi32, #tpu.memory_space<hbm>>) dst(%dma_wait3A_226 : memref<128xi32, #tpu.memory_space<vmem>>)
    %dma_wait3A_229 = arith.constant 0 : i32
    %dma_wait3A_230 = tpu.memref_slice %arg6[%dma_wait3A_229] : memref<2048xi32, #tpu.memory_space<vmem>> -> memref<128xi32, #tpu.memory_space<vmem>>
    %dma_wait3A_231 = arith.constant 0 : i32
    %dma_wait3A_232 = tpu.memref_slice %arg2[%dma_wait3A_231] : memref<32768xi32, #tpu.memory_space<hbm>> -> memref<128xi32, #tpu.memory_space<hbm>>
    %dma_wait3A_233 = arith.constant 0 : i32
    %dma_wait3A_234 = tpu.memref_slice %arg6[%dma_wait3A_233] : memref<2048xi32, #tpu.memory_space<vmem>> -> memref<128xi32, #tpu.memory_space<vmem>>
    %dma_wait3A_235 = arith.constant 0 : i32
    %dma_wait3A_236 = tpu.memref_slice %arg2[%dma_wait3A_235] : memref<32768xi32, #tpu.memory_space<hbm>> -> memref<128xi32, #tpu.memory_space<hbm>>
    tpu.wait_dma2 semaphore(%arg15 : memref<!tpu.dma_semaphore, #tpu.memory_space<semaphore_mem>>) src(%dma_wait3A_236 : memref<128xi32, #tpu.memory_space<hbm>>) dst(%dma_wait3A_234 : memref<128xi32, #tpu.memory_space<vmem>>)
    %dma_wait3A_237 = arith.constant 0 : i32
    %dma_wait3A_238 = tpu.memref_slice %arg6[%dma_wait3A_237] : memref<2048xi32, #tpu.memory_space<vmem>> -> memref<128xi32, #tpu.memory_space<vmem>>
    %dma_wait3A_239 = arith.constant 0 : i32
    %dma_wait3A_240 = tpu.memref_slice %arg2[%dma_wait3A_239] : memref<32768xi32, #tpu.memory_space<hbm>> -> memref<128xi32, #tpu.memory_space<hbm>>
    %dma_wait3A_241 = arith.constant 0 : i32
    %dma_wait3A_242 = tpu.memref_slice %arg6[%dma_wait3A_241] : memref<2048xi32, #tpu.memory_space<vmem>> -> memref<128xi32, #tpu.memory_space<vmem>>
    %dma_wait3A_243 = arith.constant 0 : i32
    %dma_wait3A_244 = tpu.memref_slice %arg2[%dma_wait3A_243] : memref<32768xi32, #tpu.memory_space<hbm>> -> memref<128xi32, #tpu.memory_space<hbm>>
    tpu.wait_dma2 semaphore(%arg15 : memref<!tpu.dma_semaphore, #tpu.memory_space<semaphore_mem>>) src(%dma_wait3A_244 : memref<128xi32, #tpu.memory_space<hbm>>) dst(%dma_wait3A_242 : memref<128xi32, #tpu.memory_space<vmem>>)
    %dma_wait3A_245 = arith.constant 0 : i32
    %dma_wait3A_246 = tpu.memref_slice %arg6[%dma_wait3A_245] : memref<2048xi32, #tpu.memory_space<vmem>> -> memref<128xi32, #tpu.memory_space<vmem>>
    %dma_wait3A_247 = arith.constant 0 : i32
    %dma_wait3A_248 = tpu.memref_slice %arg2[%dma_wait3A_247] : memref<32768xi32, #tpu.memory_space<hbm>> -> memref<128xi32, #tpu.memory_space<hbm>>
    %dma_wait3A_249 = arith.constant 0 : i32
    %dma_wait3A_250 = tpu.memref_slice %arg6[%dma_wait3A_249] : memref<2048xi32, #tpu.memory_space<vmem>> -> memref<128xi32, #tpu.memory_space<vmem>>
    %dma_wait3A_251 = arith.constant 0 : i32
    %dma_wait3A_252 = tpu.memref_slice %arg2[%dma_wait3A_251] : memref<32768xi32, #tpu.memory_space<hbm>> -> memref<128xi32, #tpu.memory_space<hbm>>
    tpu.wait_dma2 semaphore(%arg15 : memref<!tpu.dma_semaphore, #tpu.memory_space<semaphore_mem>>) src(%dma_wait3A_252 : memref<128xi32, #tpu.memory_space<hbm>>) dst(%dma_wait3A_250 : memref<128xi32, #tpu.memory_space<vmem>>)
    %dma_wait3A_253 = arith.constant 0 : i32
    %dma_wait3A_254 = tpu.memref_slice %arg6[%dma_wait3A_253] : memref<2048xi32, #tpu.memory_space<vmem>> -> memref<128xi32, #tpu.memory_space<vmem>>
    %dma_wait3A_255 = arith.constant 0 : i32
    %dma_wait3A_256 = tpu.memref_slice %arg2[%dma_wait3A_255] : memref<32768xi32, #tpu.memory_space<hbm>> -> memref<128xi32, #tpu.memory_space<hbm>>
    %dma_wait3A_257 = arith.constant 0 : i32
    %dma_wait3A_258 = tpu.memref_slice %arg6[%dma_wait3A_257] : memref<2048xi32, #tpu.memory_space<vmem>> -> memref<128xi32, #tpu.memory_space<vmem>>
    %dma_wait3A_259 = arith.constant 0 : i32
    %dma_wait3A_260 = tpu.memref_slice %arg2[%dma_wait3A_259] : memref<32768xi32, #tpu.memory_space<hbm>> -> memref<128xi32, #tpu.memory_space<hbm>>
    tpu.wait_dma2 semaphore(%arg15 : memref<!tpu.dma_semaphore, #tpu.memory_space<semaphore_mem>>) src(%dma_wait3A_260 : memref<128xi32, #tpu.memory_space<hbm>>) dst(%dma_wait3A_258 : memref<128xi32, #tpu.memory_space<vmem>>)
    %dma_wait3A_261 = arith.constant 0 : i32
    %dma_wait3A_262 = tpu.memref_slice %arg6[%dma_wait3A_261] : memref<2048xi32, #tpu.memory_space<vmem>> -> memref<128xi32, #tpu.memory_space<vmem>>
    %dma_wait3A_263 = arith.constant 0 : i32
    %dma_wait3A_264 = tpu.memref_slice %arg2[%dma_wait3A_263] : memref<32768xi32, #tpu.memory_space<hbm>> -> memref<128xi32, #tpu.memory_space<hbm>>
    %dma_wait3A_265 = arith.constant 0 : i32
    %dma_wait3A_266 = tpu.memref_slice %arg6[%dma_wait3A_265] : memref<2048xi32, #tpu.memory_space<vmem>> -> memref<128xi32, #tpu.memory_space<vmem>>
    %dma_wait3A_267 = arith.constant 0 : i32
    %dma_wait3A_268 = tpu.memref_slice %arg2[%dma_wait3A_267] : memref<32768xi32, #tpu.memory_space<hbm>> -> memref<128xi32, #tpu.memory_space<hbm>>
    tpu.wait_dma2 semaphore(%arg15 : memref<!tpu.dma_semaphore, #tpu.memory_space<semaphore_mem>>) src(%dma_wait3A_268 : memref<128xi32, #tpu.memory_space<hbm>>) dst(%dma_wait3A_266 : memref<128xi32, #tpu.memory_space<vmem>>)
    %dma_wait3A_269 = arith.constant 0 : i32
    %dma_wait3A_270 = tpu.memref_slice %arg6[%dma_wait3A_269] : memref<2048xi32, #tpu.memory_space<vmem>> -> memref<128xi32, #tpu.memory_space<vmem>>
    %dma_wait3A_271 = arith.constant 0 : i32
    %dma_wait3A_272 = tpu.memref_slice %arg2[%dma_wait3A_271] : memref<32768xi32, #tpu.memory_space<hbm>> -> memref<128xi32, #tpu.memory_space<hbm>>
    %dma_wait3A_273 = arith.constant 0 : i32
    %dma_wait3A_274 = tpu.memref_slice %arg6[%dma_wait3A_273] : memref<2048xi32, #tpu.memory_space<vmem>> -> memref<128xi32, #tpu.memory_space<vmem>>
    %dma_wait3A_275 = arith.constant 0 : i32
    %dma_wait3A_276 = tpu.memref_slice %arg2[%dma_wait3A_275] : memref<32768xi32, #tpu.memory_space<hbm>> -> memref<128xi32, #tpu.memory_space<hbm>>
    tpu.wait_dma2 semaphore(%arg15 : memref<!tpu.dma_semaphore, #tpu.memory_space<semaphore_mem>>) src(%dma_wait3A_276 : memref<128xi32, #tpu.memory_space<hbm>>) dst(%dma_wait3A_274 : memref<128xi32, #tpu.memory_space<vmem>>)
    %dma_wait3A_277 = arith.constant 0 : i32
    %dma_wait3A_278 = tpu.memref_slice %arg6[%dma_wait3A_277] : memref<2048xi32, #tpu.memory_space<vmem>> -> memref<128xi32, #tpu.memory_space<vmem>>
    %dma_wait3A_279 = arith.constant 0 : i32
    %dma_wait3A_280 = tpu.memref_slice %arg2[%dma_wait3A_279] : memref<32768xi32, #tpu.memory_space<hbm>> -> memref<128xi32, #tpu.memory_space<hbm>>
    %dma_wait3A_281 = arith.constant 0 : i32
    %dma_wait3A_282 = tpu.memref_slice %arg6[%dma_wait3A_281] : memref<2048xi32, #tpu.memory_space<vmem>> -> memref<128xi32, #tpu.memory_space<vmem>>
    %dma_wait3A_283 = arith.constant 0 : i32
    %dma_wait3A_284 = tpu.memref_slice %arg2[%dma_wait3A_283] : memref<32768xi32, #tpu.memory_space<hbm>> -> memref<128xi32, #tpu.memory_space<hbm>>
    tpu.wait_dma2 semaphore(%arg15 : memref<!tpu.dma_semaphore, #tpu.memory_space<semaphore_mem>>) src(%dma_wait3A_284 : memref<128xi32, #tpu.memory_space<hbm>>) dst(%dma_wait3A_282 : memref<128xi32, #tpu.memory_space<vmem>>)
    %dma_wait3A_285 = arith.constant 0 : i32
    %dma_wait3A_286 = tpu.memref_slice %arg6[%dma_wait3A_285] : memref<2048xi32, #tpu.memory_space<vmem>> -> memref<128xi32, #tpu.memory_space<vmem>>
    %dma_wait3A_287 = arith.constant 0 : i32
    %dma_wait3A_288 = tpu.memref_slice %arg2[%dma_wait3A_287] : memref<32768xi32, #tpu.memory_space<hbm>> -> memref<128xi32, #tpu.memory_space<hbm>>
    %dma_wait3A_289 = arith.constant 0 : i32
    %dma_wait3A_290 = tpu.memref_slice %arg6[%dma_wait3A_289] : memref<2048xi32, #tpu.memory_space<vmem>> -> memref<128xi32, #tpu.memory_space<vmem>>
    %dma_wait3A_291 = arith.constant 0 : i32
    %dma_wait3A_292 = tpu.memref_slice %arg2[%dma_wait3A_291] : memref<32768xi32, #tpu.memory_space<hbm>> -> memref<128xi32, #tpu.memory_space<hbm>>
    tpu.wait_dma2 semaphore(%arg15 : memref<!tpu.dma_semaphore, #tpu.memory_space<semaphore_mem>>) src(%dma_wait3A_292 : memref<128xi32, #tpu.memory_space<hbm>>) dst(%dma_wait3A_290 : memref<128xi32, #tpu.memory_space<vmem>>)
    %dma_wait3A_293 = arith.constant 0 : i32
    %dma_wait3A_294 = tpu.memref_slice %arg6[%dma_wait3A_293] : memref<2048xi32, #tpu.memory_space<vmem>> -> memref<128xi32, #tpu.memory_space<vmem>>
    %dma_wait3A_295 = arith.constant 0 : i32
    %dma_wait3A_296 = tpu.memref_slice %arg2[%dma_wait3A_295] : memref<32768xi32, #tpu.memory_space<hbm>> -> memref<128xi32, #tpu.memory_space<hbm>>
    %dma_wait3A_297 = arith.constant 0 : i32
    %dma_wait3A_298 = tpu.memref_slice %arg6[%dma_wait3A_297] : memref<2048xi32, #tpu.memory_space<vmem>> -> memref<128xi32, #tpu.memory_space<vmem>>
    %dma_wait3A_299 = arith.constant 0 : i32
    %dma_wait3A_300 = tpu.memref_slice %arg2[%dma_wait3A_299] : memref<32768xi32, #tpu.memory_space<hbm>> -> memref<128xi32, #tpu.memory_space<hbm>>
    tpu.wait_dma2 semaphore(%arg15 : memref<!tpu.dma_semaphore, #tpu.memory_space<semaphore_mem>>) src(%dma_wait3A_300 : memref<128xi32, #tpu.memory_space<hbm>>) dst(%dma_wait3A_298 : memref<128xi32, #tpu.memory_space<vmem>>)
    %dma_wait3A_301 = arith.constant 0 : i32
    %dma_wait3A_302 = tpu.memref_slice %arg6[%dma_wait3A_301] : memref<2048xi32, #tpu.memory_space<vmem>> -> memref<128xi32, #tpu.memory_space<vmem>>
    %dma_wait3A_303 = arith.constant 0 : i32
    %dma_wait3A_304 = tpu.memref_slice %arg2[%dma_wait3A_303] : memref<32768xi32, #tpu.memory_space<hbm>> -> memref<128xi32, #tpu.memory_space<hbm>>
    %dma_wait3A_305 = arith.constant 0 : i32
    %dma_wait3A_306 = tpu.memref_slice %arg6[%dma_wait3A_305] : memref<2048xi32, #tpu.memory_space<vmem>> -> memref<128xi32, #tpu.memory_space<vmem>>
    %dma_wait3A_307 = arith.constant 0 : i32
    %dma_wait3A_308 = tpu.memref_slice %arg2[%dma_wait3A_307] : memref<32768xi32, #tpu.memory_space<hbm>> -> memref<128xi32, #tpu.memory_space<hbm>>
    tpu.wait_dma2 semaphore(%arg15 : memref<!tpu.dma_semaphore, #tpu.memory_space<semaphore_mem>>) src(%dma_wait3A_308 : memref<128xi32, #tpu.memory_space<hbm>>) dst(%dma_wait3A_306 : memref<128xi32, #tpu.memory_space<vmem>>)
    %dma_wait3A_309 = arith.constant 0 : i32
    %dma_wait3A_310 = tpu.memref_slice %arg6[%dma_wait3A_309] : memref<2048xi32, #tpu.memory_space<vmem>> -> memref<128xi32, #tpu.memory_space<vmem>>
    %dma_wait3A_311 = arith.constant 0 : i32
    %dma_wait3A_312 = tpu.memref_slice %arg2[%dma_wait3A_311] : memref<32768xi32, #tpu.memory_space<hbm>> -> memref<128xi32, #tpu.memory_space<hbm>>
    %dma_wait3A_313 = arith.constant 0 : i32
    %dma_wait3A_314 = tpu.memref_slice %arg6[%dma_wait3A_313] : memref<2048xi32, #tpu.memory_space<vmem>> -> memref<128xi32, #tpu.memory_space<vmem>>
    %dma_wait3A_315 = arith.constant 0 : i32
    %dma_wait3A_316 = tpu.memref_slice %arg2[%dma_wait3A_315] : memref<32768xi32, #tpu.memory_space<hbm>> -> memref<128xi32, #tpu.memory_space<hbm>>
    tpu.wait_dma2 semaphore(%arg15 : memref<!tpu.dma_semaphore, #tpu.memory_space<semaphore_mem>>) src(%dma_wait3A_316 : memref<128xi32, #tpu.memory_space<hbm>>) dst(%dma_wait3A_314 : memref<128xi32, #tpu.memory_space<vmem>>)
    %dma_wait3A_317 = arith.constant 0 : i32
    %dma_wait3A_318 = tpu.memref_slice %arg6[%dma_wait3A_317] : memref<2048xi32, #tpu.memory_space<vmem>> -> memref<128xi32, #tpu.memory_space<vmem>>
    %dma_wait3A_319 = arith.constant 0 : i32
    %dma_wait3A_320 = tpu.memref_slice %arg2[%dma_wait3A_319] : memref<32768xi32, #tpu.memory_space<hbm>> -> memref<128xi32, #tpu.memory_space<hbm>>
    %dma_wait3A_321 = arith.constant 0 : i32
    %dma_wait3A_322 = tpu.memref_slice %arg6[%dma_wait3A_321] : memref<2048xi32, #tpu.memory_space<vmem>> -> memref<128xi32, #tpu.memory_space<vmem>>
    %dma_wait3A_323 = arith.constant 0 : i32
    %dma_wait3A_324 = tpu.memref_slice %arg2[%dma_wait3A_323] : memref<32768xi32, #tpu.memory_space<hbm>> -> memref<128xi32, #tpu.memory_space<hbm>>
    tpu.wait_dma2 semaphore(%arg15 : memref<!tpu.dma_semaphore, #tpu.memory_space<semaphore_mem>>) src(%dma_wait3A_324 : memref<128xi32, #tpu.memory_space<hbm>>) dst(%dma_wait3A_322 : memref<128xi32, #tpu.memory_space<vmem>>)
    %dma_wait3A_325 = tpu.memref_slice %arg22[%mul3A_0] : memref<32768xi32, #tpu.memory_space<vmem_shared>> -> memref<2048xi32, #tpu.memory_space<vmem_shared>>
    %dma_wait3A_326 = tpu.memref_slice %arg22[%mul3A_0] : memref<32768xi32, #tpu.memory_space<vmem_shared>> -> memref<2048xi32, #tpu.memory_space<vmem_shared>>
    tpu.wait_dma2 semaphore(%arg17 : memref<!tpu.dma_semaphore, #tpu.memory_space<semaphore_mem>>) src(%arg4 : memref<2048xi32, #tpu.memory_space<vmem>>) dst(%dma_wait3A_326 : memref<2048xi32, #tpu.memory_space<vmem_shared>>)
    %barrier3A_327 = arith.constant 0 : index
    tpu.barrier barrier_id(%barrier3A_327)
    %dma_start3A_328 = tpu.memref_slice %arg19[%mul3A_0] : memref<32768xi32, #tpu.memory_space<vmem_shared>> -> memref<2048xi32, #tpu.memory_space<vmem_shared>>
    %dma_start3A_329 = tpu.memref_slice %arg19[%mul3A_0] : memref<32768xi32, #tpu.memory_space<vmem_shared>> -> memref<2048xi32, #tpu.memory_space<vmem_shared>>
    tpu.enqueue_dma source(%dma_start3A_329 : memref<2048xi32, #tpu.memory_space<vmem_shared>>) target(%arg5 : memref<2048xi32, #tpu.memory_space<vmem>>) target_semaphore(%arg16 : memref<!tpu.dma_semaphore, #tpu.memory_space<semaphore_mem>>)
    %dma_start3A_330 = arith.constant 0 : i32
    %dma_start3A_331 = tpu.memref_slice %arg4[%dma_start3A_330] : memref<2048xi32, #tpu.memory_space<vmem>> -> memref<1024xi32, #tpu.memory_space<vmem>>
    %dma_start3A_332 = tpu.memref_slice %arg18[%mul3A_0] : memref<32768xi32, #tpu.memory_space<vmem_shared>> -> memref<1024xi32, #tpu.memory_space<vmem_shared>>
    %dma_start3A_333 = arith.constant 0 : i32
    %dma_start3A_334 = tpu.memref_slice %arg4[%dma_start3A_333] : memref<2048xi32, #tpu.memory_space<vmem>> -> memref<1024xi32, #tpu.memory_space<vmem>>
    %dma_start3A_335 = tpu.memref_slice %arg18[%mul3A_0] : memref<32768xi32, #tpu.memory_space<vmem_shared>> -> memref<1024xi32, #tpu.memory_space<vmem_shared>>
    tpu.enqueue_dma source(%dma_start3A_335 : memref<1024xi32, #tpu.memory_space<vmem_shared>>) target(%dma_start3A_334 : memref<1024xi32, #tpu.memory_space<vmem>>) target_semaphore(%arg17 : memref<!tpu.dma_semaphore, #tpu.memory_space<semaphore_mem>>)
    %add3A = arith.constant 1024 : i32
    %add3A_336 = arith.addi %mul3A_0, %add3A : i32
    %dma_start3A_337 = arith.constant 1024 : i32
    %dma_start3A_338 = tpu.memref_slice %arg4[%dma_start3A_337] : memref<2048xi32, #tpu.memory_space<vmem>> -> memref<1024xi32, #tpu.memory_space<vmem>>
    %dma_start3A_339 = tpu.memref_slice %arg18[%add3A_336] : memref<32768xi32, #tpu.memory_space<vmem_shared>> -> memref<1024xi32, #tpu.memory_space<vmem_shared>>
    %dma_start3A_340 = arith.constant 1024 : i32
    %dma_start3A_341 = tpu.memref_slice %arg4[%dma_start3A_340] : memref<2048xi32, #tpu.memory_space<vmem>> -> memref<1024xi32, #tpu.memory_space<vmem>>
    %dma_start3A_342 = tpu.memref_slice %arg18[%add3A_336] : memref<32768xi32, #tpu.memory_space<vmem_shared>> -> memref<1024xi32, #tpu.memory_space<vmem_shared>>
    tpu.enqueue_dma source(%dma_start3A_342 : memref<1024xi32, #tpu.memory_space<vmem_shared>>) target(%dma_start3A_341 : memref<1024xi32, #tpu.memory_space<vmem>>) target_semaphore(%arg17 : memref<!tpu.dma_semaphore, #tpu.memory_space<semaphore_mem>>)
    %swap3A_343 = arith.constant 0 : index
    %swap3A_344 = tpu.vector_load %arg8[%swap3A_343] {strides = array<i32>} : memref<256xi32, #tpu.memory_space<vmem>>, vector<16xi32>,
    tpu.vector_store %arg8[%swap3A_343], %broadcast_in_dim3A_1 {strides = array<i32>} : memref<256xi32, #tpu.memory_space<vmem>>, vector<16xi32>,
    %swap3A_345 = arith.constant 16 : index
    %swap3A_346 = tpu.vector_load %arg8[%swap3A_345] {strides = array<i32>} : memref<256xi32, #tpu.memory_space<vmem>>, vector<16xi32>,
    tpu.vector_store %arg8[%swap3A_345], %broadcast_in_dim3A_1 {strides = array<i32>} : memref<256xi32, #tpu.memory_space<vmem>>, vector<16xi32>,
    %swap3A_347 = arith.constant 32 : index
    %swap3A_348 = tpu.vector_load %arg8[%swap3A_347] {strides = array<i32>} : memref<256xi32, #tpu.memory_space<vmem>>, vector<16xi32>,
    tpu.vector_store %arg8[%swap3A_347], %broadcast_in_dim3A_1 {strides = array<i32>} : memref<256xi32, #tpu.memory_space<vmem>>, vector<16xi32>,
    %swap3A_349 = arith.constant 48 : index
    %swap3A_350 = tpu.vector_load %arg8[%swap3A_349] {strides = array<i32>} : memref<256xi32, #tpu.memory_space<vmem>>, vector<16xi32>,
    tpu.vector_store %arg8[%swap3A_349], %broadcast_in_dim3A_1 {strides = array<i32>} : memref<256xi32, #tpu.memory_space<vmem>>, vector<16xi32>,
    %swap3A_351 = arith.constant 64 : index
    %swap3A_352 = tpu.vector_load %arg8[%swap3A_351] {strides = array<i32>} : memref<256xi32, #tpu.memory_space<vmem>>, vector<16xi32>,
    tpu.vector_store %arg8[%swap3A_351], %broadcast_in_dim3A_1 {strides = array<i32>} : memref<256xi32, #tpu.memory_space<vmem>>, vector<16xi32>,
    %swap3A_353 = arith.constant 80 : index
    %swap3A_354 = tpu.vector_load %arg8[%swap3A_353] {strides = array<i32>} : memref<256xi32, #tpu.memory_space<vmem>>, vector<16xi32>,
    tpu.vector_store %arg8[%swap3A_353], %broadcast_in_dim3A_1 {strides = array<i32>} : memref<256xi32, #tpu.memory_space<vmem>>, vector<16xi32>,
    %swap3A_355 = arith.constant 96 : index
    %swap3A_356 = tpu.vector_load %arg8[%swap3A_355] {strides = array<i32>} : memref<256xi32, #tpu.memory_space<vmem>>, vector<16xi32>,
    tpu.vector_store %arg8[%swap3A_355], %broadcast_in_dim3A_1 {strides = array<i32>} : memref<256xi32, #tpu.memory_space<vmem>>, vector<16xi32>,
    %swap3A_357 = arith.constant 112 : index
    %swap3A_358 = tpu.vector_load %arg8[%swap3A_357] {strides = array<i32>} : memref<256xi32, #tpu.memory_space<vmem>>, vector<16xi32>,
    tpu.vector_store %arg8[%swap3A_357], %broadcast_in_dim3A_1 {strides = array<i32>} : memref<256xi32, #tpu.memory_space<vmem>>, vector<16xi32>,
    %swap3A_359 = arith.constant 128 : index
    %swap3A_360 = tpu.vector_load %arg8[%swap3A_359] {strides = array<i32>} : memref<256xi32, #tpu.memory_space<vmem>>, vector<16xi32>,
    tpu.vector_store %arg8[%swap3A_359], %broadcast_in_dim3A_1 {strides = array<i32>} : memref<256xi32, #tpu.memory_space<vmem>>, vector<16xi32>,
    %swap3A_361 = arith.constant 144 : index
    %swap3A_362 = tpu.vector_load %arg8[%swap3A_361] {strides = array<i32>} : memref<256xi32, #tpu.memory_space<vmem>>, vector<16xi32>,
    tpu.vector_store %arg8[%swap3A_361], %broadcast_in_dim3A_1 {strides = array<i32>} : memref<256xi32, #tpu.memory_space<vmem>>, vector<16xi32>,
    %swap3A_363 = arith.constant 160 : index
    %swap3A_364 = tpu.vector_load %arg8[%swap3A_363] {strides = array<i32>} : memref<256xi32, #tpu.memory_space<vmem>>, vector<16xi32>,
    tpu.vector_store %arg8[%swap3A_363], %broadcast_in_dim3A_1 {strides = array<i32>} : memref<256xi32, #tpu.memory_space<vmem>>, vector<16xi32>,
    %swap3A_365 = arith.constant 176 : index
    %swap3A_366 = tpu.vector_load %arg8[%swap3A_365] {strides = array<i32>} : memref<256xi32, #tpu.memory_space<vmem>>, vector<16xi32>,
    tpu.vector_store %arg8[%swap3A_365], %broadcast_in_dim3A_1 {strides = array<i32>} : memref<256xi32, #tpu.memory_space<vmem>>, vector<16xi32>,
    %swap3A_367 = arith.constant 192 : index
    %swap3A_368 = tpu.vector_load %arg8[%swap3A_367] {strides = array<i32>} : memref<256xi32, #tpu.memory_space<vmem>>, vector<16xi32>,
    tpu.vector_store %arg8[%swap3A_367], %broadcast_in_dim3A_1 {strides = array<i32>} : memref<256xi32, #tpu.memory_space<vmem>>, vector<16xi32>,
    %swap3A_369 = arith.constant 208 : index
    %swap3A_370 = tpu.vector_load %arg8[%swap3A_369] {strides = array<i32>} : memref<256xi32, #tpu.memory_space<vmem>>, vector<16xi32>,
    tpu.vector_store %arg8[%swap3A_369], %broadcast_in_dim3A_1 {strides = array<i32>} : memref<256xi32, #tpu.memory_space<vmem>>, vector<16xi32>,
    %swap3A_371 = arith.constant 224 : index
    %swap3A_372 = tpu.vector_load %arg8[%swap3A_371] {strides = array<i32>} : memref<256xi32, #tpu.memory_space<vmem>>, vector<16xi32>,
    tpu.vector_store %arg8[%swap3A_371], %broadcast_in_dim3A_1 {strides = array<i32>} : memref<256xi32, #tpu.memory_space<vmem>>, vector<16xi32>,
    %swap3A_373 = arith.constant 240 : index
    %swap3A_374 = tpu.vector_load %arg8[%swap3A_373] {strides = array<i32>} : memref<256xi32, #tpu.memory_space<vmem>>, vector<16xi32>,
    tpu.vector_store %arg8[%swap3A_373], %broadcast_in_dim3A_1 {strides = array<i32>} : memref<256xi32, #tpu.memory_space<vmem>>, vector<16xi32>,
    %dma_wait3A_375 = arith.constant 0 : i32
    %dma_wait3A_376 = tpu.memref_slice %arg4[%dma_wait3A_375] : memref<2048xi32, #tpu.memory_space<vmem>> -> memref<1024xi32, #tpu.memory_space<vmem>>
    %dma_wait3A_377 = tpu.memref_slice %arg18[%mul3A_0] : memref<32768xi32, #tpu.memory_space<vmem_shared>> -> memref<1024xi32, #tpu.memory_space<vmem_shared>>
    %dma_wait3A_378 = arith.constant 0 : i32
    %dma_wait3A_379 = tpu.memref_slice %arg4[%dma_wait3A_378] : memref<2048xi32, #tpu.memory_space<vmem>> -> memref<1024xi32, #tpu.memory_space<vmem>>
    %dma_wait3A_380 = tpu.memref_slice %arg18[%mul3A_0] : memref<32768xi32, #tpu.memory_space<vmem_shared>> -> memref<1024xi32, #tpu.memory_space<vmem_shared>>
    tpu.wait_dma2 semaphore(%arg17 : memref<!tpu.dma_semaphore, #tpu.memory_space<semaphore_mem>>) src(%dma_wait3A_380 : memref<1024xi32, #tpu.memory_space<vmem_shared>>) dst(%dma_wait3A_379 : memref<1024xi32, #tpu.memory_space<vmem>>)
    %scan3A_381 = arith.constant 0 : i32
    %scan3A_382 = arith.constant 0 : i32
    %scan3A_383 = arith.constant 64 : i32
    %scan3A_384 = arith.addi %scan3A_382, %scan3A_383 : i32
    %scan3A_385 = arith.constant 1 : i32
    %scan3A_386 = scf.for %scan3A_1629 = %scan3A_382 to %scan3A_384 step %scan3A_385 iter_args(%scan3A_1630 = %scan3A_381) -> (i32)  : i32 {
      %mul3A_1631 = arith.constant 16 : i32
      %mul3A_1632 = arith.muli %scan3A_1629, %mul3A_1631 : i32
      %get3A_1633 = arith.index_cast %mul3A_1632 : i32 to index
      %get3A_1634 = tpu.vector_load %arg4[%get3A_1633] {strides = array<i32>} : memref<2048xi32, #tpu.memory_space<vmem>>, vector<16xi32>,
      %shift_right_logical3A = arith.constant 8 : i32
      %shift_right_logical3A_1635 = vector.broadcast %shift_right_logical3A : i32 to vector<16xi32>
      %shift_right_logical3A_1636 = arith.shrui %get3A_1634, %shift_right_logical3A_1635 : vector<16xi32>
      %and3A_1637 = arith.constant 255 : i32
      %and3A_1638 = vector.broadcast %and3A_1637 : i32 to vector<16xi32>
      %and3A_1639 = arith.andi %shift_right_logical3A_1636, %and3A_1638 : vector<16xi32>
      %broadcast_in_dim3A_1640 = arith.constant true
      %broadcast_in_dim3A_1641 = vector.broadcast %broadcast_in_dim3A_1640 : i1 to vector<16xi1>
      %unique3A, %unique3A_1642 = tpu.scan_count mask(%broadcast_in_dim3A_1641 : vector<16xi1>) value(%and3A_1639 : vector<16xi32>) : vector<16xi1>, vector<16xi32>
      tpu.vector_store_idx %arg8[%and3A_1639], %unique3A_1642 masked %unique3A {add = true} : memref<256xi32, #tpu.memory_space<vmem>>[vector<16xi32>], vector<16xi32>, vector<16xi1>
      %scan3A_1643 = arith.constant 0 : i32
      scf.yield %scan3A_1643 : i32
    }
    %scan3A_387 = arith.constant 64 : i32
    %dma_wait3A_388 = arith.constant 1024 : i32
    %dma_wait3A_389 = tpu.memref_slice %arg4[%dma_wait3A_388] : memref<2048xi32, #tpu.memory_space<vmem>> -> memref<1024xi32, #tpu.memory_space<vmem>>
    %dma_wait3A_390 = tpu.memref_slice %arg18[%add3A_336] : memref<32768xi32, #tpu.memory_space<vmem_shared>> -> memref<1024xi32, #tpu.memory_space<vmem_shared>>
    %dma_wait3A_391 = arith.constant 1024 : i32
    %dma_wait3A_392 = tpu.memref_slice %arg4[%dma_wait3A_391] : memref<2048xi32, #tpu.memory_space<vmem>> -> memref<1024xi32, #tpu.memory_space<vmem>>
    %dma_wait3A_393 = tpu.memref_slice %arg18[%add3A_336] : memref<32768xi32, #tpu.memory_space<vmem_shared>> -> memref<1024xi32, #tpu.memory_space<vmem_shared>>
    tpu.wait_dma2 semaphore(%arg17 : memref<!tpu.dma_semaphore, #tpu.memory_space<semaphore_mem>>) src(%dma_wait3A_393 : memref<1024xi32, #tpu.memory_space<vmem_shared>>) dst(%dma_wait3A_392 : memref<1024xi32, #tpu.memory_space<vmem>>)
    %scan3A_394 = arith.constant 0 : i32
    %scan3A_395 = arith.constant 64 : i32
    %scan3A_396 = arith.constant 64 : i32
    %scan3A_397 = arith.addi %scan3A_395, %scan3A_396 : i32
    %scan3A_398 = arith.constant 1 : i32
    %scan3A_399 = scf.for %scan3A_1629 = %scan3A_395 to %scan3A_397 step %scan3A_398 iter_args(%scan3A_1630 = %scan3A_394) -> (i32)  : i32 {
      %mul3A_1631 = arith.constant 16 : i32
      %mul3A_1632 = arith.muli %scan3A_1629, %mul3A_1631 : i32
      %get3A_1633 = arith.index_cast %mul3A_1632 : i32 to index
      %get3A_1634 = tpu.vector_load %arg4[%get3A_1633] {strides = array<i32>} : memref<2048xi32, #tpu.memory_space<vmem>>, vector<16xi32>,
      %shift_right_logical3A = arith.constant 8 : i32
      %shift_right_logical3A_1635 = vector.broadcast %shift_right_logical3A : i32 to vector<16xi32>
      %shift_right_logical3A_1636 = arith.shrui %get3A_1634, %shift_right_logical3A_1635 : vector<16xi32>
      %and3A_1637 = arith.constant 255 : i32
      %and3A_1638 = vector.broadcast %and3A_1637 : i32 to vector<16xi32>
      %and3A_1639 = arith.andi %shift_right_logical3A_1636, %and3A_1638 : vector<16xi32>
      %broadcast_in_dim3A_1640 = arith.constant true
      %broadcast_in_dim3A_1641 = vector.broadcast %broadcast_in_dim3A_1640 : i1 to vector<16xi1>
      %unique3A, %unique3A_1642 = tpu.scan_count mask(%broadcast_in_dim3A_1641 : vector<16xi1>) value(%and3A_1639 : vector<16xi32>) : vector<16xi1>, vector<16xi32>
      tpu.vector_store_idx %arg8[%and3A_1639], %unique3A_1642 masked %unique3A {add = true} : memref<256xi32, #tpu.memory_space<vmem>>[vector<16xi32>], vector<16xi32>, vector<16xi1>
      %scan3A_1643 = arith.constant 0 : i32
      scf.yield %scan3A_1643 : i32
    }
    %scan3A_400 = arith.constant 64 : i32
    %mul3A_401 = arith.constant 256 : i32
    %mul3A_402 = arith.muli %arg1, %mul3A_401 : i32
    "tpu.region"() ({
      %run_scoped3A = tpu.sem_alloc : memref<!tpu.dma_semaphore, #tpu.memory_space<semaphore_mem>>
      %dma_start3A_1629 = tpu.memref_slice %arg23[%mul3A_402] : memref<4096xi32, #tpu.memory_space<vmem_shared>> -> memref<256xi32, #tpu.memory_space<vmem_shared>>
      %dma_start3A_1630 = tpu.memref_slice %arg23[%mul3A_402] : memref<4096xi32, #tpu.memory_space<vmem_shared>> -> memref<256xi32, #tpu.memory_space<vmem_shared>>
      tpu.enqueue_dma source(%arg8 : memref<256xi32, #tpu.memory_space<vmem>>) target(%dma_start3A_1630 : memref<256xi32, #tpu.memory_space<vmem_shared>>) target_semaphore(%run_scoped3A : memref<!tpu.dma_semaphore, #tpu.memory_space<semaphore_mem>>)
      %dma_wait3A_1631 = tpu.memref_slice %arg23[%mul3A_402] : memref<4096xi32, #tpu.memory_space<vmem_shared>> -> memref<256xi32, #tpu.memory_space<vmem_shared>>
      %dma_wait3A_1632 = tpu.memref_slice %arg23[%mul3A_402] : memref<4096xi32, #tpu.memory_space<vmem_shared>> -> memref<256xi32, #tpu.memory_space<vmem_shared>>
      tpu.wait_dma2 semaphore(%run_scoped3A : memref<!tpu.dma_semaphore, #tpu.memory_space<semaphore_mem>>) src(%arg8 : memref<256xi32, #tpu.memory_space<vmem>>) dst(%dma_wait3A_1632 : memref<256xi32, #tpu.memory_space<vmem_shared>>)
      tpu.yield
    }) : () -> ()
    %barrier3A_403 = arith.constant 0 : index
    tpu.barrier barrier_id(%barrier3A_403)
    "tpu.region"() ({
      %run_scoped3A = tpu.sem_alloc : memref<!tpu.dma_semaphore, #tpu.memory_space<semaphore_mem>>
      tpu.enqueue_dma source(%arg23 : memref<4096xi32, #tpu.memory_space<vmem_shared>>) target(%arg10 : memref<4096xi32, #tpu.memory_space<vmem>>) target_semaphore(%run_scoped3A : memref<!tpu.dma_semaphore, #tpu.memory_space<semaphore_mem>>)
      tpu.wait_dma2 semaphore(%run_scoped3A : memref<!tpu.dma_semaphore, #tpu.memory_space<semaphore_mem>>) src(%arg23 : memref<4096xi32, #tpu.memory_space<vmem_shared>>) dst(%arg10 : memref<4096xi32, #tpu.memory_space<vmem>>)
      tpu.yield
    }) : () -> ()
    %scan3A_404 = arith.constant 0 : i32
    %scan3A_405 = arith.constant 0 : i32
    %scan3A_406 = arith.constant 16 : i32
    %scan3A_407 = arith.addi %scan3A_405, %scan3A_406 : i32
    %scan3A_408 = arith.constant 1 : i32
    %scan3A_409 = scf.for %scan3A_1629 = %scan3A_405 to %scan3A_407 step %scan3A_408 iter_args(%scan3A_1630 = %scan3A_404) -> (i32)  : i32 {
      %mul3A_1631 = arith.constant 16 : i32
      %mul3A_1632 = arith.muli %scan3A_1629, %mul3A_1631 : i32
      %add3A_1633 = arith.constant 0 : i32
      %add3A_1634 = arith.addi %add3A_1633, %mul3A_1632 : i32
      %get3A_1635 = arith.index_cast %add3A_1634 : i32 to index
      %get3A_1636 = tpu.vector_load %arg10[%get3A_1635] {strides = array<i32>} : memref<4096xi32, #tpu.memory_space<vmem>>, vector<16xi32>,
      %add3A_1637 = arith.addi %broadcast_in_dim3A_1, %get3A_1636 : vector<16xi32>
      %broadcast_in_dim3A_1638 = arith.constant 0 : i32
      %broadcast_in_dim3A_1639 = vector.broadcast %broadcast_in_dim3A_1638 : i32 to vector<16xi32>
      %lt3A_1640 = vector.broadcast %arg1 : i32 to vector<16xi32>
      %lt3A_1641 = arith.cmpi slt, %broadcast_in_dim3A_1639, %lt3A_1640 : vector<16xi32>
      %jit3A_1642 = arith.constant 0 : i32
      %broadcast_in_dim3A_1643 = vector.broadcast %jit3A_1642 : i32 to vector<16xi32>
      %select_n3A_1644 = arith.select %lt3A_1641, %get3A_1636, %broadcast_in_dim3A_1643 : vector<16xi1>, vector<16xi32>
      %add3A_1645 = arith.addi %broadcast_in_dim3A_1, %select_n3A_1644 : vector<16xi32>
      %mul3A_1646 = arith.constant 16 : i32
      %mul3A_1647 = arith.muli %scan3A_1629, %mul3A_1646 : i32
      %add3A_1648 = arith.constant 256 : i32
      %add3A_1649 = arith.addi %add3A_1648, %mul3A_1647 : i32
      %get3A_1650 = arith.index_cast %add3A_1649 : i32 to index
      %get3A_1651 = tpu.vector_load %arg10[%get3A_1650] {strides = array<i32>} : memref<4096xi32, #tpu.memory_space<vmem>>, vector<16xi32>,
      %add3A_1652 = arith.addi %add3A_1637, %get3A_1651 : vector<16xi32>
      %broadcast_in_dim3A_1653 = arith.constant 1 : i32
      %broadcast_in_dim3A_1654 = vector.broadcast %broadcast_in_dim3A_1653 : i32 to vector<16xi32>
      %lt3A_1655 = vector.broadcast %arg1 : i32 to vector<16xi32>
      %lt3A_1656 = arith.cmpi slt, %broadcast_in_dim3A_1654, %lt3A_1655 : vector<16xi32>
      %jit3A_1657 = arith.constant 0 : i32
      %broadcast_in_dim3A_1658 = vector.broadcast %jit3A_1657 : i32 to vector<16xi32>
      %select_n3A_1659 = arith.select %lt3A_1656, %get3A_1651, %broadcast_in_dim3A_1658 : vector<16xi1>, vector<16xi32>
      %add3A_1660 = arith.addi %add3A_1645, %select_n3A_1659 : vector<16xi32>
      %mul3A_1661 = arith.constant 16 : i32
      %mul3A_1662 = arith.muli %scan3A_1629, %mul3A_1661 : i32
      %add3A_1663 = arith.constant 512 : i32
      %add3A_1664 = arith.addi %add3A_1663, %mul3A_1662 : i32
      %get3A_1665 = arith.index_cast %add3A_1664 : i32 to index
      %get3A_1666 = tpu.vector_load %arg10[%get3A_1665] {strides = array<i32>} : memref<4096xi32, #tpu.memory_space<vmem>>, vector<16xi32>,
      %add3A_1667 = arith.addi %add3A_1652, %get3A_1666 : vector<16xi32>
      %broadcast_in_dim3A_1668 = arith.constant 2 : i32
      %broadcast_in_dim3A_1669 = vector.broadcast %broadcast_in_dim3A_1668 : i32 to vector<16xi32>
      %lt3A_1670 = vector.broadcast %arg1 : i32 to vector<16xi32>
      %lt3A_1671 = arith.cmpi slt, %broadcast_in_dim3A_1669, %lt3A_1670 : vector<16xi32>
      %jit3A_1672 = arith.constant 0 : i32
      %broadcast_in_dim3A_1673 = vector.broadcast %jit3A_1672 : i32 to vector<16xi32>
      %select_n3A_1674 = arith.select %lt3A_1671, %get3A_1666, %broadcast_in_dim3A_1673 : vector<16xi1>, vector<16xi32>
      %add3A_1675 = arith.addi %add3A_1660, %select_n3A_1674 : vector<16xi32>
      %mul3A_1676 = arith.constant 16 : i32
      %mul3A_1677 = arith.muli %scan3A_1629, %mul3A_1676 : i32
      %add3A_1678 = arith.constant 768 : i32
      %add3A_1679 = arith.addi %add3A_1678, %mul3A_1677 : i32
      %get3A_1680 = arith.index_cast %add3A_1679 : i32 to index
      %get3A_1681 = tpu.vector_load %arg10[%get3A_1680] {strides = array<i32>} : memref<4096xi32, #tpu.memory_space<vmem>>, vector<16xi32>,
      %add3A_1682 = arith.addi %add3A_1667, %get3A_1681 : vector<16xi32>
      %broadcast_in_dim3A_1683 = arith.constant 3 : i32
      %broadcast_in_dim3A_1684 = vector.broadcast %broadcast_in_dim3A_1683 : i32 to vector<16xi32>
      %lt3A_1685 = vector.broadcast %arg1 : i32 to vector<16xi32>
      %lt3A_1686 = arith.cmpi slt, %broadcast_in_dim3A_1684, %lt3A_1685 : vector<16xi32>
      %jit3A_1687 = arith.constant 0 : i32
      %broadcast_in_dim3A_1688 = vector.broadcast %jit3A_1687 : i32 to vector<16xi32>
      %select_n3A_1689 = arith.select %lt3A_1686, %get3A_1681, %broadcast_in_dim3A_1688 : vector<16xi1>, vector<16xi32>
      %add3A_1690 = arith.addi %add3A_1675, %select_n3A_1689 : vector<16xi32>
      %mul3A_1691 = arith.constant 16 : i32
      %mul3A_1692 = arith.muli %scan3A_1629, %mul3A_1691 : i32
      %add3A_1693 = arith.constant 1024 : i32
      %add3A_1694 = arith.addi %add3A_1693, %mul3A_1692 : i32
      %get3A_1695 = arith.index_cast %add3A_1694 : i32 to index
      %get3A_1696 = tpu.vector_load %arg10[%get3A_1695] {strides = array<i32>} : memref<4096xi32, #tpu.memory_space<vmem>>, vector<16xi32>,
      %add3A_1697 = arith.addi %add3A_1682, %get3A_1696 : vector<16xi32>
      %broadcast_in_dim3A_1698 = arith.constant 4 : i32
      %broadcast_in_dim3A_1699 = vector.broadcast %broadcast_in_dim3A_1698 : i32 to vector<16xi32>
      %lt3A_1700 = vector.broadcast %arg1 : i32 to vector<16xi32>
      %lt3A_1701 = arith.cmpi slt, %broadcast_in_dim3A_1699, %lt3A_1700 : vector<16xi32>
      %jit3A_1702 = arith.constant 0 : i32
      %broadcast_in_dim3A_1703 = vector.broadcast %jit3A_1702 : i32 to vector<16xi32>
      %select_n3A_1704 = arith.select %lt3A_1701, %get3A_1696, %broadcast_in_dim3A_1703 : vector<16xi1>, vector<16xi32>
      %add3A_1705 = arith.addi %add3A_1690, %select_n3A_1704 : vector<16xi32>
      %mul3A_1706 = arith.constant 16 : i32
      %mul3A_1707 = arith.muli %scan3A_1629, %mul3A_1706 : i32
      %add3A_1708 = arith.constant 1280 : i32
      %add3A_1709 = arith.addi %add3A_1708, %mul3A_1707 : i32
      %get3A_1710 = arith.index_cast %add3A_1709 : i32 to index
      %get3A_1711 = tpu.vector_load %arg10[%get3A_1710] {strides = array<i32>} : memref<4096xi32, #tpu.memory_space<vmem>>, vector<16xi32>,
      %add3A_1712 = arith.addi %add3A_1697, %get3A_1711 : vector<16xi32>
      %broadcast_in_dim3A_1713 = arith.constant 5 : i32
      %broadcast_in_dim3A_1714 = vector.broadcast %broadcast_in_dim3A_1713 : i32 to vector<16xi32>
      %lt3A_1715 = vector.broadcast %arg1 : i32 to vector<16xi32>
      %lt3A_1716 = arith.cmpi slt, %broadcast_in_dim3A_1714, %lt3A_1715 : vector<16xi32>
      %jit3A_1717 = arith.constant 0 : i32
      %broadcast_in_dim3A_1718 = vector.broadcast %jit3A_1717 : i32 to vector<16xi32>
      %select_n3A_1719 = arith.select %lt3A_1716, %get3A_1711, %broadcast_in_dim3A_1718 : vector<16xi1>, vector<16xi32>
      %add3A_1720 = arith.addi %add3A_1705, %select_n3A_1719 : vector<16xi32>
      %mul3A_1721 = arith.constant 16 : i32
      %mul3A_1722 = arith.muli %scan3A_1629, %mul3A_1721 : i32
      %add3A_1723 = arith.constant 1536 : i32
      %add3A_1724 = arith.addi %add3A_1723, %mul3A_1722 : i32
      %get3A_1725 = arith.index_cast %add3A_1724 : i32 to index
      %get3A_1726 = tpu.vector_load %arg10[%get3A_1725] {strides = array<i32>} : memref<4096xi32, #tpu.memory_space<vmem>>, vector<16xi32>,
      %add3A_1727 = arith.addi %add3A_1712, %get3A_1726 : vector<16xi32>
      %broadcast_in_dim3A_1728 = arith.constant 6 : i32
      %broadcast_in_dim3A_1729 = vector.broadcast %broadcast_in_dim3A_1728 : i32 to vector<16xi32>
      %lt3A_1730 = vector.broadcast %arg1 : i32 to vector<16xi32>
      %lt3A_1731 = arith.cmpi slt, %broadcast_in_dim3A_1729, %lt3A_1730 : vector<16xi32>
      %jit3A_1732 = arith.constant 0 : i32
      %broadcast_in_dim3A_1733 = vector.broadcast %jit3A_1732 : i32 to vector<16xi32>
      %select_n3A_1734 = arith.select %lt3A_1731, %get3A_1726, %broadcast_in_dim3A_1733 : vector<16xi1>, vector<16xi32>
      %add3A_1735 = arith.addi %add3A_1720, %select_n3A_1734 : vector<16xi32>
      %mul3A_1736 = arith.constant 16 : i32
      %mul3A_1737 = arith.muli %scan3A_1629, %mul3A_1736 : i32
      %add3A_1738 = arith.constant 1792 : i32
      %add3A_1739 = arith.addi %add3A_1738, %mul3A_1737 : i32
      %get3A_1740 = arith.index_cast %add3A_1739 : i32 to index
      %get3A_1741 = tpu.vector_load %arg10[%get3A_1740] {strides = array<i32>} : memref<4096xi32, #tpu.memory_space<vmem>>, vector<16xi32>,
      %add3A_1742 = arith.addi %add3A_1727, %get3A_1741 : vector<16xi32>
      %broadcast_in_dim3A_1743 = arith.constant 7 : i32
      %broadcast_in_dim3A_1744 = vector.broadcast %broadcast_in_dim3A_1743 : i32 to vector<16xi32>
      %lt3A_1745 = vector.broadcast %arg1 : i32 to vector<16xi32>
      %lt3A_1746 = arith.cmpi slt, %broadcast_in_dim3A_1744, %lt3A_1745 : vector<16xi32>
      %jit3A_1747 = arith.constant 0 : i32
      %broadcast_in_dim3A_1748 = vector.broadcast %jit3A_1747 : i32 to vector<16xi32>
      %select_n3A_1749 = arith.select %lt3A_1746, %get3A_1741, %broadcast_in_dim3A_1748 : vector<16xi1>, vector<16xi32>
      %add3A_1750 = arith.addi %add3A_1735, %select_n3A_1749 : vector<16xi32>
      %mul3A_1751 = arith.constant 16 : i32
      %mul3A_1752 = arith.muli %scan3A_1629, %mul3A_1751 : i32
      %add3A_1753 = arith.constant 2048 : i32
      %add3A_1754 = arith.addi %add3A_1753, %mul3A_1752 : i32
      %get3A_1755 = arith.index_cast %add3A_1754 : i32 to index
      %get3A_1756 = tpu.vector_load %arg10[%get3A_1755] {strides = array<i32>} : memref<4096xi32, #tpu.memory_space<vmem>>, vector<16xi32>,
      %add3A_1757 = arith.addi %add3A_1742, %get3A_1756 : vector<16xi32>
      %broadcast_in_dim3A_1758 = arith.constant 8 : i32
      %broadcast_in_dim3A_1759 = vector.broadcast %broadcast_in_dim3A_1758 : i32 to vector<16xi32>
      %lt3A_1760 = vector.broadcast %arg1 : i32 to vector<16xi32>
      %lt3A_1761 = arith.cmpi slt, %broadcast_in_dim3A_1759, %lt3A_1760 : vector<16xi32>
      %jit3A_1762 = arith.constant 0 : i32
      %broadcast_in_dim3A_1763 = vector.broadcast %jit3A_1762 : i32 to vector<16xi32>
      %select_n3A_1764 = arith.select %lt3A_1761, %get3A_1756, %broadcast_in_dim3A_1763 : vector<16xi1>, vector<16xi32>
      %add3A_1765 = arith.addi %add3A_1750, %select_n3A_1764 : vector<16xi32>
      %mul3A_1766 = arith.constant 16 : i32
      %mul3A_1767 = arith.muli %scan3A_1629, %mul3A_1766 : i32
      %add3A_1768 = arith.constant 2304 : i32
      %add3A_1769 = arith.addi %add3A_1768, %mul3A_1767 : i32
      %get3A_1770 = arith.index_cast %add3A_1769 : i32 to index
      %get3A_1771 = tpu.vector_load %arg10[%get3A_1770] {strides = array<i32>} : memref<4096xi32, #tpu.memory_space<vmem>>, vector<16xi32>,
      %add3A_1772 = arith.addi %add3A_1757, %get3A_1771 : vector<16xi32>
      %broadcast_in_dim3A_1773 = arith.constant 9 : i32
      %broadcast_in_dim3A_1774 = vector.broadcast %broadcast_in_dim3A_1773 : i32 to vector<16xi32>
      %lt3A_1775 = vector.broadcast %arg1 : i32 to vector<16xi32>
      %lt3A_1776 = arith.cmpi slt, %broadcast_in_dim3A_1774, %lt3A_1775 : vector<16xi32>
      %jit3A_1777 = arith.constant 0 : i32
      %broadcast_in_dim3A_1778 = vector.broadcast %jit3A_1777 : i32 to vector<16xi32>
      %select_n3A_1779 = arith.select %lt3A_1776, %get3A_1771, %broadcast_in_dim3A_1778 : vector<16xi1>, vector<16xi32>
      %add3A_1780 = arith.addi %add3A_1765, %select_n3A_1779 : vector<16xi32>
      %mul3A_1781 = arith.constant 16 : i32
      %mul3A_1782 = arith.muli %scan3A_1629, %mul3A_1781 : i32
      %add3A_1783 = arith.constant 2560 : i32
      %add3A_1784 = arith.addi %add3A_1783, %mul3A_1782 : i32
      %get3A_1785 = arith.index_cast %add3A_1784 : i32 to index
      %get3A_1786 = tpu.vector_load %arg10[%get3A_1785] {strides = array<i32>} : memref<4096xi32, #tpu.memory_space<vmem>>, vector<16xi32>,
      %add3A_1787 = arith.addi %add3A_1772, %get3A_1786 : vector<16xi32>
      %broadcast_in_dim3A_1788 = arith.constant 10 : i32
      %broadcast_in_dim3A_1789 = vector.broadcast %broadcast_in_dim3A_1788 : i32 to vector<16xi32>
      %lt3A_1790 = vector.broadcast %arg1 : i32 to vector<16xi32>
      %lt3A_1791 = arith.cmpi slt, %broadcast_in_dim3A_1789, %lt3A_1790 : vector<16xi32>
      %jit3A_1792 = arith.constant 0 : i32
      %broadcast_in_dim3A_1793 = vector.broadcast %jit3A_1792 : i32 to vector<16xi32>
      %select_n3A_1794 = arith.select %lt3A_1791, %get3A_1786, %broadcast_in_dim3A_1793 : vector<16xi1>, vector<16xi32>
      %add3A_1795 = arith.addi %add3A_1780, %select_n3A_1794 : vector<16xi32>
      %mul3A_1796 = arith.constant 16 : i32
      %mul3A_1797 = arith.muli %scan3A_1629, %mul3A_1796 : i32
      %add3A_1798 = arith.constant 2816 : i32
      %add3A_1799 = arith.addi %add3A_1798, %mul3A_1797 : i32
      %get3A_1800 = arith.index_cast %add3A_1799 : i32 to index
      %get3A_1801 = tpu.vector_load %arg10[%get3A_1800] {strides = array<i32>} : memref<4096xi32, #tpu.memory_space<vmem>>, vector<16xi32>,
      %add3A_1802 = arith.addi %add3A_1787, %get3A_1801 : vector<16xi32>
      %broadcast_in_dim3A_1803 = arith.constant 11 : i32
      %broadcast_in_dim3A_1804 = vector.broadcast %broadcast_in_dim3A_1803 : i32 to vector<16xi32>
      %lt3A_1805 = vector.broadcast %arg1 : i32 to vector<16xi32>
      %lt3A_1806 = arith.cmpi slt, %broadcast_in_dim3A_1804, %lt3A_1805 : vector<16xi32>
      %jit3A_1807 = arith.constant 0 : i32
      %broadcast_in_dim3A_1808 = vector.broadcast %jit3A_1807 : i32 to vector<16xi32>
      %select_n3A_1809 = arith.select %lt3A_1806, %get3A_1801, %broadcast_in_dim3A_1808 : vector<16xi1>, vector<16xi32>
      %add3A_1810 = arith.addi %add3A_1795, %select_n3A_1809 : vector<16xi32>
      %mul3A_1811 = arith.constant 16 : i32
      %mul3A_1812 = arith.muli %scan3A_1629, %mul3A_1811 : i32
      %add3A_1813 = arith.constant 3072 : i32
      %add3A_1814 = arith.addi %add3A_1813, %mul3A_1812 : i32
      %get3A_1815 = arith.index_cast %add3A_1814 : i32 to index
      %get3A_1816 = tpu.vector_load %arg10[%get3A_1815] {strides = array<i32>} : memref<4096xi32, #tpu.memory_space<vmem>>, vector<16xi32>,
      %add3A_1817 = arith.addi %add3A_1802, %get3A_1816 : vector<16xi32>
      %broadcast_in_dim3A_1818 = arith.constant 12 : i32
      %broadcast_in_dim3A_1819 = vector.broadcast %broadcast_in_dim3A_1818 : i32 to vector<16xi32>
      %lt3A_1820 = vector.broadcast %arg1 : i32 to vector<16xi32>
      %lt3A_1821 = arith.cmpi slt, %broadcast_in_dim3A_1819, %lt3A_1820 : vector<16xi32>
      %jit3A_1822 = arith.constant 0 : i32
      %broadcast_in_dim3A_1823 = vector.broadcast %jit3A_1822 : i32 to vector<16xi32>
      %select_n3A_1824 = arith.select %lt3A_1821, %get3A_1816, %broadcast_in_dim3A_1823 : vector<16xi1>, vector<16xi32>
      %add3A_1825 = arith.addi %add3A_1810, %select_n3A_1824 : vector<16xi32>
      %mul3A_1826 = arith.constant 16 : i32
      %mul3A_1827 = arith.muli %scan3A_1629, %mul3A_1826 : i32
      %add3A_1828 = arith.constant 3328 : i32
      %add3A_1829 = arith.addi %add3A_1828, %mul3A_1827 : i32
      %get3A_1830 = arith.index_cast %add3A_1829 : i32 to index
      %get3A_1831 = tpu.vector_load %arg10[%get3A_1830] {strides = array<i32>} : memref<4096xi32, #tpu.memory_space<vmem>>, vector<16xi32>,
      %add3A_1832 = arith.addi %add3A_1817, %get3A_1831 : vector<16xi32>
      %broadcast_in_dim3A_1833 = arith.constant 13 : i32
      %broadcast_in_dim3A_1834 = vector.broadcast %broadcast_in_dim3A_1833 : i32 to vector<16xi32>
      %lt3A_1835 = vector.broadcast %arg1 : i32 to vector<16xi32>
      %lt3A_1836 = arith.cmpi slt, %broadcast_in_dim3A_1834, %lt3A_1835 : vector<16xi32>
      %jit3A_1837 = arith.constant 0 : i32
      %broadcast_in_dim3A_1838 = vector.broadcast %jit3A_1837 : i32 to vector<16xi32>
      %select_n3A_1839 = arith.select %lt3A_1836, %get3A_1831, %broadcast_in_dim3A_1838 : vector<16xi1>, vector<16xi32>
      %add3A_1840 = arith.addi %add3A_1825, %select_n3A_1839 : vector<16xi32>
      %mul3A_1841 = arith.constant 16 : i32
      %mul3A_1842 = arith.muli %scan3A_1629, %mul3A_1841 : i32
      %add3A_1843 = arith.constant 3584 : i32
      %add3A_1844 = arith.addi %add3A_1843, %mul3A_1842 : i32
      %get3A_1845 = arith.index_cast %add3A_1844 : i32 to index
      %get3A_1846 = tpu.vector_load %arg10[%get3A_1845] {strides = array<i32>} : memref<4096xi32, #tpu.memory_space<vmem>>, vector<16xi32>,
      %add3A_1847 = arith.addi %add3A_1832, %get3A_1846 : vector<16xi32>
      %broadcast_in_dim3A_1848 = arith.constant 14 : i32
      %broadcast_in_dim3A_1849 = vector.broadcast %broadcast_in_dim3A_1848 : i32 to vector<16xi32>
      %lt3A_1850 = vector.broadcast %arg1 : i32 to vector<16xi32>
      %lt3A_1851 = arith.cmpi slt, %broadcast_in_dim3A_1849, %lt3A_1850 : vector<16xi32>
      %jit3A_1852 = arith.constant 0 : i32
      %broadcast_in_dim3A_1853 = vector.broadcast %jit3A_1852 : i32 to vector<16xi32>
      %select_n3A_1854 = arith.select %lt3A_1851, %get3A_1846, %broadcast_in_dim3A_1853 : vector<16xi1>, vector<16xi32>
      %add3A_1855 = arith.addi %add3A_1840, %select_n3A_1854 : vector<16xi32>
      %mul3A_1856 = arith.constant 16 : i32
      %mul3A_1857 = arith.muli %scan3A_1629, %mul3A_1856 : i32
      %add3A_1858 = arith.constant 3840 : i32
      %add3A_1859 = arith.addi %add3A_1858, %mul3A_1857 : i32
      %get3A_1860 = arith.index_cast %add3A_1859 : i32 to index
      %get3A_1861 = tpu.vector_load %arg10[%get3A_1860] {strides = array<i32>} : memref<4096xi32, #tpu.memory_space<vmem>>, vector<16xi32>,
      %add3A_1862 = arith.addi %add3A_1847, %get3A_1861 : vector<16xi32>
      %broadcast_in_dim3A_1863 = arith.constant 15 : i32
      %broadcast_in_dim3A_1864 = vector.broadcast %broadcast_in_dim3A_1863 : i32 to vector<16xi32>
      %lt3A_1865 = vector.broadcast %arg1 : i32 to vector<16xi32>
      %lt3A_1866 = arith.cmpi slt, %broadcast_in_dim3A_1864, %lt3A_1865 : vector<16xi32>
      %jit3A_1867 = arith.constant 0 : i32
      %broadcast_in_dim3A_1868 = vector.broadcast %jit3A_1867 : i32 to vector<16xi32>
      %select_n3A_1869 = arith.select %lt3A_1866, %get3A_1861, %broadcast_in_dim3A_1868 : vector<16xi1>, vector<16xi32>
      %add3A_1870 = arith.addi %add3A_1855, %select_n3A_1869 : vector<16xi32>
      %broadcast_in_dim3A_1871 = arith.constant true
      %broadcast_in_dim3A_1872 = vector.broadcast %broadcast_in_dim3A_1871 : i1 to vector<16xi1>
      %masked_cumsum3A = tpu.scan <sum>, %add3A_1862 masked %broadcast_in_dim3A_1872 : vector<16xi32>, vector<16xi1> -> vector<16xi32>
      %sub3A = arith.subi %masked_cumsum3A, %add3A_1862 : vector<16xi32>
      %add3A_1873 = vector.broadcast %scan3A_1630 : i32 to vector<16xi32>
      %add3A_1874 = arith.addi %sub3A, %add3A_1873 : vector<16xi32>
      %add3A_1875 = arith.addi %add3A_1874, %add3A_1870 : vector<16xi32>
      %mul3A_1876 = arith.constant 16 : i32
      %mul3A_1877 = arith.muli %scan3A_1629, %mul3A_1876 : i32
      %swap3A_1878 = arith.index_cast %mul3A_1877 : i32 to index
      %swap3A_1879 = tpu.vector_load %arg9[%swap3A_1878] {strides = array<i32>} : memref<256xi32, #tpu.memory_space<vmem>>, vector<16xi32>,
      tpu.vector_store %arg9[%swap3A_1878], %add3A_1875 {strides = array<i32>} : memref<256xi32, #tpu.memory_space<vmem>>, vector<16xi32>,
      %reduce_sum3A_1880 = arith.constant true
      %reduce_sum3A_1881 = vector.broadcast %reduce_sum3A_1880 : i1 to vector<16xi1>
      %reduce_sum3A_1882 = tpu.scan <sum>, %add3A_1862 masked %reduce_sum3A_1881 : vector<16xi32>, vector<16xi1> -> vector<16xi32>
      %reduce_sum3A_1883 = vector.extract %reduce_sum3A_1882[15] : i32 from vector<16xi32>
      %add3A_1884 = arith.addi %scan3A_1630, %reduce_sum3A_1883 : i32
      scf.yield %add3A_1884 : i32
    }
    %scan3A_410 = arith.constant 16 : i32
    %dma_wait3A_411 = tpu.memref_slice %arg19[%mul3A_0] : memref<32768xi32, #tpu.memory_space<vmem_shared>> -> memref<2048xi32, #tpu.memory_space<vmem_shared>>
    %dma_wait3A_412 = tpu.memref_slice %arg19[%mul3A_0] : memref<32768xi32, #tpu.memory_space<vmem_shared>> -> memref<2048xi32, #tpu.memory_space<vmem_shared>>
    tpu.wait_dma2 semaphore(%arg16 : memref<!tpu.dma_semaphore, #tpu.memory_space<semaphore_mem>>) src(%dma_wait3A_412 : memref<2048xi32, #tpu.memory_space<vmem_shared>>) dst(%arg5 : memref<2048xi32, #tpu.memory_space<vmem>>)
    %scan3A_413 = arith.constant 0 : i32
    %scan3A_414 = arith.constant 0 : i32
    %scan3A_415 = arith.constant 128 : i32
    %scan3A_416 = arith.addi %scan3A_414, %scan3A_415 : i32
    %scan3A_417 = arith.constant 1 : i32
    %scan3A_418 = scf.for %scan3A_1629 = %scan3A_414 to %scan3A_416 step %scan3A_417 iter_args(%scan3A_1630 = %scan3A_413) -> (i32)  : i32 {
      %mul3A_1631 = arith.constant 16 : i32
      %mul3A_1632 = arith.muli %scan3A_1629, %mul3A_1631 : i32
      %get3A_1633 = arith.index_cast %mul3A_1632 : i32 to index
      %get3A_1634 = tpu.vector_load %arg4[%get3A_1633] {strides = array<i32>} : memref<2048xi32, #tpu.memory_space<vmem>>, vector<16xi32>,
      %shift_right_logical3A = arith.constant 8 : i32
      %shift_right_logical3A_1635 = vector.broadcast %shift_right_logical3A : i32 to vector<16xi32>
      %shift_right_logical3A_1636 = arith.shrui %get3A_1634, %shift_right_logical3A_1635 : vector<16xi32>
      %and3A_1637 = arith.constant 255 : i32
      %and3A_1638 = vector.broadcast %and3A_1637 : i32 to vector<16xi32>
      %and3A_1639 = arith.andi %shift_right_logical3A_1636, %and3A_1638 : vector<16xi32>
      %broadcast_in_dim3A_1640 = arith.constant true
      %broadcast_in_dim3A_1641 = vector.broadcast %broadcast_in_dim3A_1640 : i1 to vector<16xi1>
      %unique3A, %unique3A_1642 = tpu.scan_count mask(%broadcast_in_dim3A_1641 : vector<16xi1>) value(%and3A_1639 : vector<16xi32>) : vector<16xi1>, vector<16xi32>
      %gather3A_1643 = tpu.vector_load_idx %arg9[%and3A_1639] : memref<256xi32, #tpu.memory_space<vmem>>[vector<16xi32>], vector<16xi32>,
      %add3A_1644 = arith.addi %gather3A_1643, %unique3A_1642 : vector<16xi32>
      %sub3A = arith.constant 1 : i32
      %sub3A_1645 = vector.broadcast %sub3A : i32 to vector<16xi32>
      %sub3A_1646 = arith.subi %add3A_1644, %sub3A_1645 : vector<16xi32>
      %div3A = arith.constant 8 : i32
      %div3A_1647 = arith.divsi %scan3A_1629, %div3A : i32
      %mul3A_1648 = arith.constant 8 : i32
      %mul3A_1649 = arith.muli %div3A_1647, %mul3A_1648 : i32
      %sub3A_1650 = arith.subi %scan3A_1629, %mul3A_1649 : i32
      %add3A_1651 = vector.broadcast %div3A_1647 : i32 to vector<16xi32>
      %add3A_1652 = arith.addi %broadcast_in_dim3A_1, %add3A_1651 : vector<16xi32>
      %mul3A_1653 = arith.constant 16 : i32
      %mul3A_1654 = arith.muli %sub3A_1650, %mul3A_1653 : i32
      %add3A_1655 = vector.broadcast %mul3A_1654 : i32 to vector<16xi32>
      %add3A_1656 = arith.addi %add3A_1655, %iota3A : vector<16xi32>
      tpu.vector_store_idx %arg7[%add3A_1652, %add3A_1656], %sub3A_1646 : memref<16x128xi32, #tpu.memory_space<vmem>>[vector<16xi32>, vector<16xi32>], vector<16xi32>,
      tpu.vector_store_idx %arg9[%and3A_1639], %unique3A_1642 masked %unique3A {add = true} : memref<256xi32, #tpu.memory_space<vmem>>[vector<16xi32>], vector<16xi32>, vector<16xi1>
      %eq3A_1657 = arith.constant 7 : i32
      %eq3A_1658 = arith.cmpi eq, %sub3A_1650, %eq3A_1657 : i32
      %convert_element_type3A_1659 = arith.extui %eq3A_1658 : i1 to i32
      %cond3A_1660 = arith.constant 0 : i32
      %cond3A_1661 = arith.cmpi ne, %convert_element_type3A_1659, %cond3A_1660 : i32
      scf.if %cond3A_1661 {
        %mul3A_1663 = arith.constant 128 : i32
        %mul3A_1664 = arith.muli %div3A_1647, %mul3A_1663 : i32
        %dma_start3A_1665 = tpu.memref_slice %arg4[%mul3A_1664] : memref<2048xi32, #tpu.memory_space<vmem>> -> memref<128xi32, #tpu.memory_space<vmem>>
        %dma_start3A_1666 = arith.constant 0 : i32
        %dma_start3A_1667 = tpu.memref_slice %arg7[%div3A_1647, %dma_start3A_1666] : memref<16x128xi32, #tpu.memory_space<vmem>> -> memref<1x128xi32, #tpu.memory_space<vmem>>
        %dma_start3A_1668 = tpu.memref_squeeze %dma_start3A_1667 : memref<1x128xi32, #tpu.memory_space<vmem>> -> memref<128xi32, #tpu.memory_space<vmem>>
        %dma_start3A_1669 = arith.constant 0 : i32
        %dma_start3A_1670 = tpu.memref_slice %arg20[%dma_start3A_1669] : memref<32768xi32, #tpu.memory_space<vmem_shared>> -> memref<32768xi32, #tpu.memory_space<vmem_shared>>
        tpu.enqueue_indirect_dma source(%dma_start3A_1665 : memref<128xi32, #tpu.memory_space<vmem>>) target(%dma_start3A_1670 : memref<32768xi32, #tpu.memory_space<vmem_shared>>) offsets(%dma_start3A_1668 : memref<128xi32, #tpu.memory_space<vmem>>) semaphore(%arg15 : memref<!tpu.dma_semaphore, #tpu.memory_space<semaphore_mem>>)
        %mul3A_1671 = arith.constant 128 : i32
        %mul3A_1672 = arith.muli %div3A_1647, %mul3A_1671 : i32
        %dma_start3A_1673 = tpu.memref_slice %arg5[%mul3A_1672] : memref<2048xi32, #tpu.memory_space<vmem>> -> memref<128xi32, #tpu.memory_space<vmem>>
        %dma_start3A_1674 = arith.constant 0 : i32
        %dma_start3A_1675 = tpu.memref_slice %arg7[%div3A_1647, %dma_start3A_1674] : memref<16x128xi32, #tpu.memory_space<vmem>> -> memref<1x128xi32, #tpu.memory_space<vmem>>
        %dma_start3A_1676 = tpu.memref_squeeze %dma_start3A_1675 : memref<1x128xi32, #tpu.memory_space<vmem>> -> memref<128xi32, #tpu.memory_space<vmem>>
        %dma_start3A_1677 = arith.constant 0 : i32
        %dma_start3A_1678 = tpu.memref_slice %arg21[%dma_start3A_1677] : memref<32768xi32, #tpu.memory_space<vmem_shared>> -> memref<32768xi32, #tpu.memory_space<vmem_shared>>
        tpu.enqueue_indirect_dma source(%dma_start3A_1673 : memref<128xi32, #tpu.memory_space<vmem>>) target(%dma_start3A_1678 : memref<32768xi32, #tpu.memory_space<vmem_shared>>) offsets(%dma_start3A_1676 : memref<128xi32, #tpu.memory_space<vmem>>) semaphore(%arg15 : memref<!tpu.dma_semaphore, #tpu.memory_space<semaphore_mem>>)
      } else {
      }
      %scan3A_1662 = arith.constant 0 : i32
      scf.yield %scan3A_1662 : i32
    }
    %scan3A_419 = arith.constant 128 : i32
    %dma_wait3A_420 = arith.constant 0 : i32
    %dma_wait3A_421 = tpu.memref_slice %arg6[%dma_wait3A_420] : memref<2048xi32, #tpu.memory_space<vmem>> -> memref<128xi32, #tpu.memory_space<vmem>>
    %dma_wait3A_422 = arith.constant 0 : i32
    %dma_wait3A_423 = tpu.memref_slice %arg2[%dma_wait3A_422] : memref<32768xi32, #tpu.memory_space<hbm>> -> memref<128xi32, #tpu.memory_space<hbm>>
    %dma_wait3A_424 = arith.constant 0 : i32
    %dma_wait3A_425 = tpu.memref_slice %arg6[%dma_wait3A_424] : memref<2048xi32, #tpu.memory_space<vmem>> -> memref<128xi32, #tpu.memory_space<vmem>>
    %dma_wait3A_426 = arith.constant 0 : i32
    %dma_wait3A_427 = tpu.memref_slice %arg2[%dma_wait3A_426] : memref<32768xi32, #tpu.memory_space<hbm>> -> memref<128xi32, #tpu.memory_space<hbm>>
    tpu.wait_dma2 semaphore(%arg15 : memref<!tpu.dma_semaphore, #tpu.memory_space<semaphore_mem>>) src(%dma_wait3A_427 : memref<128xi32, #tpu.memory_space<hbm>>) dst(%dma_wait3A_425 : memref<128xi32, #tpu.memory_space<vmem>>)
    %dma_wait3A_428 = arith.constant 0 : i32
    %dma_wait3A_429 = tpu.memref_slice %arg6[%dma_wait3A_428] : memref<2048xi32, #tpu.memory_space<vmem>> -> memref<128xi32, #tpu.memory_space<vmem>>
    %dma_wait3A_430 = arith.constant 0 : i32
    %dma_wait3A_431 = tpu.memref_slice %arg2[%dma_wait3A_430] : memref<32768xi32, #tpu.memory_space<hbm>> -> memref<128xi32, #tpu.memory_space<hbm>>
    %dma_wait3A_432 = arith.constant 0 : i32
    %dma_wait3A_433 = tpu.memref_slice %arg6[%dma_wait3A_432] : memref<2048xi32, #tpu.memory_space<vmem>> -> memref<128xi32, #tpu.memory_space<vmem>>
    %dma_wait3A_434 = arith.constant 0 : i32
    %dma_wait3A_435 = tpu.memref_slice %arg2[%dma_wait3A_434] : memref<32768xi32, #tpu.memory_space<hbm>> -> memref<128xi32, #tpu.memory_space<hbm>>
    tpu.wait_dma2 semaphore(%arg15 : memref<!tpu.dma_semaphore, #tpu.memory_space<semaphore_mem>>) src(%dma_wait3A_435 : memref<128xi32, #tpu.memory_space<hbm>>) dst(%dma_wait3A_433 : memref<128xi32, #tpu.memory_space<vmem>>)
    %dma_wait3A_436 = arith.constant 0 : i32
    %dma_wait3A_437 = tpu.memref_slice %arg6[%dma_wait3A_436] : memref<2048xi32, #tpu.memory_space<vmem>> -> memref<128xi32, #tpu.memory_space<vmem>>
    %dma_wait3A_438 = arith.constant 0 : i32
    %dma_wait3A_439 = tpu.memref_slice %arg2[%dma_wait3A_438] : memref<32768xi32, #tpu.memory_space<hbm>> -> memref<128xi32, #tpu.memory_space<hbm>>
    %dma_wait3A_440 = arith.constant 0 : i32
    %dma_wait3A_441 = tpu.memref_slice %arg6[%dma_wait3A_440] : memref<2048xi32, #tpu.memory_space<vmem>> -> memref<128xi32, #tpu.memory_space<vmem>>
    %dma_wait3A_442 = arith.constant 0 : i32
    %dma_wait3A_443 = tpu.memref_slice %arg2[%dma_wait3A_442] : memref<32768xi32, #tpu.memory_space<hbm>> -> memref<128xi32, #tpu.memory_space<hbm>>
    tpu.wait_dma2 semaphore(%arg15 : memref<!tpu.dma_semaphore, #tpu.memory_space<semaphore_mem>>) src(%dma_wait3A_443 : memref<128xi32, #tpu.memory_space<hbm>>) dst(%dma_wait3A_441 : memref<128xi32, #tpu.memory_space<vmem>>)
    %dma_wait3A_444 = arith.constant 0 : i32
    %dma_wait3A_445 = tpu.memref_slice %arg6[%dma_wait3A_444] : memref<2048xi32, #tpu.memory_space<vmem>> -> memref<128xi32, #tpu.memory_space<vmem>>
    %dma_wait3A_446 = arith.constant 0 : i32
    %dma_wait3A_447 = tpu.memref_slice %arg2[%dma_wait3A_446] : memref<32768xi32, #tpu.memory_space<hbm>> -> memref<128xi32, #tpu.memory_space<hbm>>
    %dma_wait3A_448 = arith.constant 0 : i32
    %dma_wait3A_449 = tpu.memref_slice %arg6[%dma_wait3A_448] : memref<2048xi32, #tpu.memory_space<vmem>> -> memref<128xi32, #tpu.memory_space<vmem>>
    %dma_wait3A_450 = arith.constant 0 : i32
    %dma_wait3A_451 = tpu.memref_slice %arg2[%dma_wait3A_450] : memref<32768xi32, #tpu.memory_space<hbm>> -> memref<128xi32, #tpu.memory_space<hbm>>
    tpu.wait_dma2 semaphore(%arg15 : memref<!tpu.dma_semaphore, #tpu.memory_space<semaphore_mem>>) src(%dma_wait3A_451 : memref<128xi32, #tpu.memory_space<hbm>>) dst(%dma_wait3A_449 : memref<128xi32, #tpu.memory_space<vmem>>)
    %dma_wait3A_452 = arith.constant 0 : i32
    %dma_wait3A_453 = tpu.memref_slice %arg6[%dma_wait3A_452] : memref<2048xi32, #tpu.memory_space<vmem>> -> memref<128xi32, #tpu.memory_space<vmem>>
    %dma_wait3A_454 = arith.constant 0 : i32
    %dma_wait3A_455 = tpu.memref_slice %arg2[%dma_wait3A_454] : memref<32768xi32, #tpu.memory_space<hbm>> -> memref<128xi32, #tpu.memory_space<hbm>>
    %dma_wait3A_456 = arith.constant 0 : i32
    %dma_wait3A_457 = tpu.memref_slice %arg6[%dma_wait3A_456] : memref<2048xi32, #tpu.memory_space<vmem>> -> memref<128xi32, #tpu.memory_space<vmem>>
    %dma_wait3A_458 = arith.constant 0 : i32
    %dma_wait3A_459 = tpu.memref_slice %arg2[%dma_wait3A_458] : memref<32768xi32, #tpu.memory_space<hbm>> -> memref<128xi32, #tpu.memory_space<hbm>>
    tpu.wait_dma2 semaphore(%arg15 : memref<!tpu.dma_semaphore, #tpu.memory_space<semaphore_mem>>) src(%dma_wait3A_459 : memref<128xi32, #tpu.memory_space<hbm>>) dst(%dma_wait3A_457 : memref<128xi32, #tpu.memory_space<vmem>>)
    %dma_wait3A_460 = arith.constant 0 : i32
    %dma_wait3A_461 = tpu.memref_slice %arg6[%dma_wait3A_460] : memref<2048xi32, #tpu.memory_space<vmem>> -> memref<128xi32, #tpu.memory_space<vmem>>
    %dma_wait3A_462 = arith.constant 0 : i32
    %dma_wait3A_463 = tpu.memref_slice %arg2[%dma_wait3A_462] : memref<32768xi32, #tpu.memory_space<hbm>> -> memref<128xi32, #tpu.memory_space<hbm>>
    %dma_wait3A_464 = arith.constant 0 : i32
    %dma_wait3A_465 = tpu.memref_slice %arg6[%dma_wait3A_464] : memref<2048xi32, #tpu.memory_space<vmem>> -> memref<128xi32, #tpu.memory_space<vmem>>
    %dma_wait3A_466 = arith.constant 0 : i32
    %dma_wait3A_467 = tpu.memref_slice %arg2[%dma_wait3A_466] : memref<32768xi32, #tpu.memory_space<hbm>> -> memref<128xi32, #tpu.memory_space<hbm>>
    tpu.wait_dma2 semaphore(%arg15 : memref<!tpu.dma_semaphore, #tpu.memory_space<semaphore_mem>>) src(%dma_wait3A_467 : memref<128xi32, #tpu.memory_space<hbm>>) dst(%dma_wait3A_465 : memref<128xi32, #tpu.memory_space<vmem>>)
    %dma_wait3A_468 = arith.constant 0 : i32
    %dma_wait3A_469 = tpu.memref_slice %arg6[%dma_wait3A_468] : memref<2048xi32, #tpu.memory_space<vmem>> -> memref<128xi32, #tpu.memory_space<vmem>>
    %dma_wait3A_470 = arith.constant 0 : i32
    %dma_wait3A_471 = tpu.memref_slice %arg2[%dma_wait3A_470] : memref<32768xi32, #tpu.memory_space<hbm>> -> memref<128xi32, #tpu.memory_space<hbm>>
    %dma_wait3A_472 = arith.constant 0 : i32
    %dma_wait3A_473 = tpu.memref_slice %arg6[%dma_wait3A_472] : memref<2048xi32, #tpu.memory_space<vmem>> -> memref<128xi32, #tpu.memory_space<vmem>>
    %dma_wait3A_474 = arith.constant 0 : i32
    %dma_wait3A_475 = tpu.memref_slice %arg2[%dma_wait3A_474] : memref<32768xi32, #tpu.memory_space<hbm>> -> memref<128xi32, #tpu.memory_space<hbm>>
    tpu.wait_dma2 semaphore(%arg15 : memref<!tpu.dma_semaphore, #tpu.memory_space<semaphore_mem>>) src(%dma_wait3A_475 : memref<128xi32, #tpu.memory_space<hbm>>) dst(%dma_wait3A_473 : memref<128xi32, #tpu.memory_space<vmem>>)
    %dma_wait3A_476 = arith.constant 0 : i32
    %dma_wait3A_477 = tpu.memref_slice %arg6[%dma_wait3A_476] : memref<2048xi32, #tpu.memory_space<vmem>> -> memref<128xi32, #tpu.memory_space<vmem>>
    %dma_wait3A_478 = arith.constant 0 : i32
    %dma_wait3A_479 = tpu.memref_slice %arg2[%dma_wait3A_478] : memref<32768xi32, #tpu.memory_space<hbm>> -> memref<128xi32, #tpu.memory_space<hbm>>
    %dma_wait3A_480 = arith.constant 0 : i32
    %dma_wait3A_481 = tpu.memref_slice %arg6[%dma_wait3A_480] : memref<2048xi32, #tpu.memory_space<vmem>> -> memref<128xi32, #tpu.memory_space<vmem>>
    %dma_wait3A_482 = arith.constant 0 : i32
    %dma_wait3A_483 = tpu.memref_slice %arg2[%dma_wait3A_482] : memref<32768xi32, #tpu.memory_space<hbm>> -> memref<128xi32, #tpu.memory_space<hbm>>
    tpu.wait_dma2 semaphore(%arg15 : memref<!tpu.dma_semaphore, #tpu.memory_space<semaphore_mem>>) src(%dma_wait3A_483 : memref<128xi32, #tpu.memory_space<hbm>>) dst(%dma_wait3A_481 : memref<128xi32, #tpu.memory_space<vmem>>)
    %dma_wait3A_484 = arith.constant 0 : i32
    %dma_wait3A_485 = tpu.memref_slice %arg6[%dma_wait3A_484] : memref<2048xi32, #tpu.memory_space<vmem>> -> memref<128xi32, #tpu.memory_space<vmem>>
    %dma_wait3A_486 = arith.constant 0 : i32
    %dma_wait3A_487 = tpu.memref_slice %arg2[%dma_wait3A_486] : memref<32768xi32, #tpu.memory_space<hbm>> -> memref<128xi32, #tpu.memory_space<hbm>>
    %dma_wait3A_488 = arith.constant 0 : i32
    %dma_wait3A_489 = tpu.memref_slice %arg6[%dma_wait3A_488] : memref<2048xi32, #tpu.memory_space<vmem>> -> memref<128xi32, #tpu.memory_space<vmem>>
    %dma_wait3A_490 = arith.constant 0 : i32
    %dma_wait3A_491 = tpu.memref_slice %arg2[%dma_wait3A_490] : memref<32768xi32, #tpu.memory_space<hbm>> -> memref<128xi32, #tpu.memory_space<hbm>>
    tpu.wait_dma2 semaphore(%arg15 : memref<!tpu.dma_semaphore, #tpu.memory_space<semaphore_mem>>) src(%dma_wait3A_491 : memref<128xi32, #tpu.memory_space<hbm>>) dst(%dma_wait3A_489 : memref<128xi32, #tpu.memory_space<vmem>>)
    %dma_wait3A_492 = arith.constant 0 : i32
    %dma_wait3A_493 = tpu.memref_slice %arg6[%dma_wait3A_492] : memref<2048xi32, #tpu.memory_space<vmem>> -> memref<128xi32, #tpu.memory_space<vmem>>
    %dma_wait3A_494 = arith.constant 0 : i32
    %dma_wait3A_495 = tpu.memref_slice %arg2[%dma_wait3A_494] : memref<32768xi32, #tpu.memory_space<hbm>> -> memref<128xi32, #tpu.memory_space<hbm>>
    %dma_wait3A_496 = arith.constant 0 : i32
    %dma_wait3A_497 = tpu.memref_slice %arg6[%dma_wait3A_496] : memref<2048xi32, #tpu.memory_space<vmem>> -> memref<128xi32, #tpu.memory_space<vmem>>
    %dma_wait3A_498 = arith.constant 0 : i32
    %dma_wait3A_499 = tpu.memref_slice %arg2[%dma_wait3A_498] : memref<32768xi32, #tpu.memory_space<hbm>> -> memref<128xi32, #tpu.memory_space<hbm>>
    tpu.wait_dma2 semaphore(%arg15 : memref<!tpu.dma_semaphore, #tpu.memory_space<semaphore_mem>>) src(%dma_wait3A_499 : memref<128xi32, #tpu.memory_space<hbm>>) dst(%dma_wait3A_497 : memref<128xi32, #tpu.memory_space<vmem>>)
    %dma_wait3A_500 = arith.constant 0 : i32
    %dma_wait3A_501 = tpu.memref_slice %arg6[%dma_wait3A_500] : memref<2048xi32, #tpu.memory_space<vmem>> -> memref<128xi32, #tpu.memory_space<vmem>>
    %dma_wait3A_502 = arith.constant 0 : i32
    %dma_wait3A_503 = tpu.memref_slice %arg2[%dma_wait3A_502] : memref<32768xi32, #tpu.memory_space<hbm>> -> memref<128xi32, #tpu.memory_space<hbm>>
    %dma_wait3A_504 = arith.constant 0 : i32
    %dma_wait3A_505 = tpu.memref_slice %arg6[%dma_wait3A_504] : memref<2048xi32, #tpu.memory_space<vmem>> -> memref<128xi32, #tpu.memory_space<vmem>>
    %dma_wait3A_506 = arith.constant 0 : i32
    %dma_wait3A_507 = tpu.memref_slice %arg2[%dma_wait3A_506] : memref<32768xi32, #tpu.memory_space<hbm>> -> memref<128xi32, #tpu.memory_space<hbm>>
    tpu.wait_dma2 semaphore(%arg15 : memref<!tpu.dma_semaphore, #tpu.memory_space<semaphore_mem>>) src(%dma_wait3A_507 : memref<128xi32, #tpu.memory_space<hbm>>) dst(%dma_wait3A_505 : memref<128xi32, #tpu.memory_space<vmem>>)
    %dma_wait3A_508 = arith.constant 0 : i32
    %dma_wait3A_509 = tpu.memref_slice %arg6[%dma_wait3A_508] : memref<2048xi32, #tpu.memory_space<vmem>> -> memref<128xi32, #tpu.memory_space<vmem>>
    %dma_wait3A_510 = arith.constant 0 : i32
    %dma_wait3A_511 = tpu.memref_slice %arg2[%dma_wait3A_510] : memref<32768xi32, #tpu.memory_space<hbm>> -> memref<128xi32, #tpu.memory_space<hbm>>
    %dma_wait3A_512 = arith.constant 0 : i32
    %dma_wait3A_513 = tpu.memref_slice %arg6[%dma_wait3A_512] : memref<2048xi32, #tpu.memory_space<vmem>> -> memref<128xi32, #tpu.memory_space<vmem>>
    %dma_wait3A_514 = arith.constant 0 : i32
    %dma_wait3A_515 = tpu.memref_slice %arg2[%dma_wait3A_514] : memref<32768xi32, #tpu.memory_space<hbm>> -> memref<128xi32, #tpu.memory_space<hbm>>
    tpu.wait_dma2 semaphore(%arg15 : memref<!tpu.dma_semaphore, #tpu.memory_space<semaphore_mem>>) src(%dma_wait3A_515 : memref<128xi32, #tpu.memory_space<hbm>>) dst(%dma_wait3A_513 : memref<128xi32, #tpu.memory_space<vmem>>)
    %dma_wait3A_516 = arith.constant 0 : i32
    %dma_wait3A_517 = tpu.memref_slice %arg6[%dma_wait3A_516] : memref<2048xi32, #tpu.memory_space<vmem>> -> memref<128xi32, #tpu.memory_space<vmem>>
    %dma_wait3A_518 = arith.constant 0 : i32
    %dma_wait3A_519 = tpu.memref_slice %arg2[%dma_wait3A_518] : memref<32768xi32, #tpu.memory_space<hbm>> -> memref<128xi32, #tpu.memory_space<hbm>>
    %dma_wait3A_520 = arith.constant 0 : i32
    %dma_wait3A_521 = tpu.memref_slice %arg6[%dma_wait3A_520] : memref<2048xi32, #tpu.memory_space<vmem>> -> memref<128xi32, #tpu.memory_space<vmem>>
    %dma_wait3A_522 = arith.constant 0 : i32
    %dma_wait3A_523 = tpu.memref_slice %arg2[%dma_wait3A_522] : memref<32768xi32, #tpu.memory_space<hbm>> -> memref<128xi32, #tpu.memory_space<hbm>>
    tpu.wait_dma2 semaphore(%arg15 : memref<!tpu.dma_semaphore, #tpu.memory_space<semaphore_mem>>) src(%dma_wait3A_523 : memref<128xi32, #tpu.memory_space<hbm>>) dst(%dma_wait3A_521 : memref<128xi32, #tpu.memory_space<vmem>>)
    %dma_wait3A_524 = arith.constant 0 : i32
    %dma_wait3A_525 = tpu.memref_slice %arg6[%dma_wait3A_524] : memref<2048xi32, #tpu.memory_space<vmem>> -> memref<128xi32, #tpu.memory_space<vmem>>
    %dma_wait3A_526 = arith.constant 0 : i32
    %dma_wait3A_527 = tpu.memref_slice %arg2[%dma_wait3A_526] : memref<32768xi32, #tpu.memory_space<hbm>> -> memref<128xi32, #tpu.memory_space<hbm>>
    %dma_wait3A_528 = arith.constant 0 : i32
    %dma_wait3A_529 = tpu.memref_slice %arg6[%dma_wait3A_528] : memref<2048xi32, #tpu.memory_space<vmem>> -> memref<128xi32, #tpu.memory_space<vmem>>
    %dma_wait3A_530 = arith.constant 0 : i32
    %dma_wait3A_531 = tpu.memref_slice %arg2[%dma_wait3A_530] : memref<32768xi32, #tpu.memory_space<hbm>> -> memref<128xi32, #tpu.memory_space<hbm>>
    tpu.wait_dma2 semaphore(%arg15 : memref<!tpu.dma_semaphore, #tpu.memory_space<semaphore_mem>>) src(%dma_wait3A_531 : memref<128xi32, #tpu.memory_space<hbm>>) dst(%dma_wait3A_529 : memref<128xi32, #tpu.memory_space<vmem>>)
    %dma_wait3A_532 = arith.constant 0 : i32
    %dma_wait3A_533 = tpu.memref_slice %arg6[%dma_wait3A_532] : memref<2048xi32, #tpu.memory_space<vmem>> -> memref<128xi32, #tpu.memory_space<vmem>>
    %dma_wait3A_534 = arith.constant 0 : i32
    %dma_wait3A_535 = tpu.memref_slice %arg2[%dma_wait3A_534] : memref<32768xi32, #tpu.memory_space<hbm>> -> memref<128xi32, #tpu.memory_space<hbm>>
    %dma_wait3A_536 = arith.constant 0 : i32
    %dma_wait3A_537 = tpu.memref_slice %arg6[%dma_wait3A_536] : memref<2048xi32, #tpu.memory_space<vmem>> -> memref<128xi32, #tpu.memory_space<vmem>>
    %dma_wait3A_538 = arith.constant 0 : i32
    %dma_wait3A_539 = tpu.memref_slice %arg2[%dma_wait3A_538] : memref<32768xi32, #tpu.memory_space<hbm>> -> memref<128xi32, #tpu.memory_space<hbm>>
    tpu.wait_dma2 semaphore(%arg15 : memref<!tpu.dma_semaphore, #tpu.memory_space<semaphore_mem>>) src(%dma_wait3A_539 : memref<128xi32, #tpu.memory_space<hbm>>) dst(%dma_wait3A_537 : memref<128xi32, #tpu.memory_space<vmem>>)
    %dma_wait3A_540 = arith.constant 0 : i32
    %dma_wait3A_541 = tpu.memref_slice %arg6[%dma_wait3A_540] : memref<2048xi32, #tpu.memory_space<vmem>> -> memref<128xi32, #tpu.memory_space<vmem>>
    %dma_wait3A_542 = arith.constant 0 : i32
    %dma_wait3A_543 = tpu.memref_slice %arg2[%dma_wait3A_542] : memref<32768xi32, #tpu.memory_space<hbm>> -> memref<128xi32, #tpu.memory_space<hbm>>
    %dma_wait3A_544 = arith.constant 0 : i32
    %dma_wait3A_545 = tpu.memref_slice %arg6[%dma_wait3A_544] : memref<2048xi32, #tpu.memory_space<vmem>> -> memref<128xi32, #tpu.memory_space<vmem>>
    %dma_wait3A_546 = arith.constant 0 : i32
    %dma_wait3A_547 = tpu.memref_slice %arg2[%dma_wait3A_546] : memref<32768xi32, #tpu.memory_space<hbm>> -> memref<128xi32, #tpu.memory_space<hbm>>
    tpu.wait_dma2 semaphore(%arg15 : memref<!tpu.dma_semaphore, #tpu.memory_space<semaphore_mem>>) src(%dma_wait3A_547 : memref<128xi32, #tpu.memory_space<hbm>>) dst(%dma_wait3A_545 : memref<128xi32, #tpu.memory_space<vmem>>)
    %dma_wait3A_548 = arith.constant 0 : i32
    %dma_wait3A_549 = tpu.memref_slice %arg6[%dma_wait3A_548] : memref<2048xi32, #tpu.memory_space<vmem>> -> memref<128xi32, #tpu.memory_space<vmem>>
    %dma_wait3A_550 = arith.constant 0 : i32
    %dma_wait3A_551 = tpu.memref_slice %arg2[%dma_wait3A_550] : memref<32768xi32, #tpu.memory_space<hbm>> -> memref<128xi32, #tpu.memory_space<hbm>>
    %dma_wait3A_552 = arith.constant 0 : i32
    %dma_wait3A_553 = tpu.memref_slice %arg6[%dma_wait3A_552] : memref<2048xi32, #tpu.memory_space<vmem>> -> memref<128xi32, #tpu.memory_space<vmem>>
    %dma_wait3A_554 = arith.constant 0 : i32
    %dma_wait3A_555 = tpu.memref_slice %arg2[%dma_wait3A_554] : memref<32768xi32, #tpu.memory_space<hbm>> -> memref<128xi32, #tpu.memory_space<hbm>>
    tpu.wait_dma2 semaphore(%arg15 : memref<!tpu.dma_semaphore, #tpu.memory_space<semaphore_mem>>) src(%dma_wait3A_555 : memref<128xi32, #tpu.memory_space<hbm>>) dst(%dma_wait3A_553 : memref<128xi32, #tpu.memory_space<vmem>>)
    %dma_wait3A_556 = arith.constant 0 : i32
    %dma_wait3A_557 = tpu.memref_slice %arg6[%dma_wait3A_556] : memref<2048xi32, #tpu.memory_space<vmem>> -> memref<128xi32, #tpu.memory_space<vmem>>
    %dma_wait3A_558 = arith.constant 0 : i32
    %dma_wait3A_559 = tpu.memref_slice %arg2[%dma_wait3A_558] : memref<32768xi32, #tpu.memory_space<hbm>> -> memref<128xi32, #tpu.memory_space<hbm>>
    %dma_wait3A_560 = arith.constant 0 : i32
    %dma_wait3A_561 = tpu.memref_slice %arg6[%dma_wait3A_560] : memref<2048xi32, #tpu.memory_space<vmem>> -> memref<128xi32, #tpu.memory_space<vmem>>
    %dma_wait3A_562 = arith.constant 0 : i32
    %dma_wait3A_563 = tpu.memref_slice %arg2[%dma_wait3A_562] : memref<32768xi32, #tpu.memory_space<hbm>> -> memref<128xi32, #tpu.memory_space<hbm>>
    tpu.wait_dma2 semaphore(%arg15 : memref<!tpu.dma_semaphore, #tpu.memory_space<semaphore_mem>>) src(%dma_wait3A_563 : memref<128xi32, #tpu.memory_space<hbm>>) dst(%dma_wait3A_561 : memref<128xi32, #tpu.memory_space<vmem>>)
    %dma_wait3A_564 = arith.constant 0 : i32
    %dma_wait3A_565 = tpu.memref_slice %arg6[%dma_wait3A_564] : memref<2048xi32, #tpu.memory_space<vmem>> -> memref<128xi32, #tpu.memory_space<vmem>>
    %dma_wait3A_566 = arith.constant 0 : i32
    %dma_wait3A_567 = tpu.memref_slice %arg2[%dma_wait3A_566] : memref<32768xi32, #tpu.memory_space<hbm>> -> memref<128xi32, #tpu.memory_space<hbm>>
    %dma_wait3A_568 = arith.constant 0 : i32
    %dma_wait3A_569 = tpu.memref_slice %arg6[%dma_wait3A_568] : memref<2048xi32, #tpu.memory_space<vmem>> -> memref<128xi32, #tpu.memory_space<vmem>>
    %dma_wait3A_570 = arith.constant 0 : i32
    %dma_wait3A_571 = tpu.memref_slice %arg2[%dma_wait3A_570] : memref<32768xi32, #tpu.memory_space<hbm>> -> memref<128xi32, #tpu.memory_space<hbm>>
    tpu.wait_dma2 semaphore(%arg15 : memref<!tpu.dma_semaphore, #tpu.memory_space<semaphore_mem>>) src(%dma_wait3A_571 : memref<128xi32, #tpu.memory_space<hbm>>) dst(%dma_wait3A_569 : memref<128xi32, #tpu.memory_space<vmem>>)
    %dma_wait3A_572 = arith.constant 0 : i32
    %dma_wait3A_573 = tpu.memref_slice %arg6[%dma_wait3A_572] : memref<2048xi32, #tpu.memory_space<vmem>> -> memref<128xi32, #tpu.memory_space<vmem>>
    %dma_wait3A_574 = arith.constant 0 : i32
    %dma_wait3A_575 = tpu.memref_slice %arg2[%dma_wait3A_574] : memref<32768xi32, #tpu.memory_space<hbm>> -> memref<128xi32, #tpu.memory_space<hbm>>
    %dma_wait3A_576 = arith.constant 0 : i32
    %dma_wait3A_577 = tpu.memref_slice %arg6[%dma_wait3A_576] : memref<2048xi32, #tpu.memory_space<vmem>> -> memref<128xi32, #tpu.memory_space<vmem>>
    %dma_wait3A_578 = arith.constant 0 : i32
    %dma_wait3A_579 = tpu.memref_slice %arg2[%dma_wait3A_578] : memref<32768xi32, #tpu.memory_space<hbm>> -> memref<128xi32, #tpu.memory_space<hbm>>
    tpu.wait_dma2 semaphore(%arg15 : memref<!tpu.dma_semaphore, #tpu.memory_space<semaphore_mem>>) src(%dma_wait3A_579 : memref<128xi32, #tpu.memory_space<hbm>>) dst(%dma_wait3A_577 : memref<128xi32, #tpu.memory_space<vmem>>)
    %dma_wait3A_580 = arith.constant 0 : i32
    %dma_wait3A_581 = tpu.memref_slice %arg6[%dma_wait3A_580] : memref<2048xi32, #tpu.memory_space<vmem>> -> memref<128xi32, #tpu.memory_space<vmem>>
    %dma_wait3A_582 = arith.constant 0 : i32
    %dma_wait3A_583 = tpu.memref_slice %arg2[%dma_wait3A_582] : memref<32768xi32, #tpu.memory_space<hbm>> -> memref<128xi32, #tpu.memory_space<hbm>>
    %dma_wait3A_584 = arith.constant 0 : i32
    %dma_wait3A_585 = tpu.memref_slice %arg6[%dma_wait3A_584] : memref<2048xi32, #tpu.memory_space<vmem>> -> memref<128xi32, #tpu.memory_space<vmem>>
    %dma_wait3A_586 = arith.constant 0 : i32
    %dma_wait3A_587 = tpu.memref_slice %arg2[%dma_wait3A_586] : memref<32768xi32, #tpu.memory_space<hbm>> -> memref<128xi32, #tpu.memory_space<hbm>>
    tpu.wait_dma2 semaphore(%arg15 : memref<!tpu.dma_semaphore, #tpu.memory_space<semaphore_mem>>) src(%dma_wait3A_587 : memref<128xi32, #tpu.memory_space<hbm>>) dst(%dma_wait3A_585 : memref<128xi32, #tpu.memory_space<vmem>>)
    %dma_wait3A_588 = arith.constant 0 : i32
    %dma_wait3A_589 = tpu.memref_slice %arg6[%dma_wait3A_588] : memref<2048xi32, #tpu.memory_space<vmem>> -> memref<128xi32, #tpu.memory_space<vmem>>
    %dma_wait3A_590 = arith.constant 0 : i32
    %dma_wait3A_591 = tpu.memref_slice %arg2[%dma_wait3A_590] : memref<32768xi32, #tpu.memory_space<hbm>> -> memref<128xi32, #tpu.memory_space<hbm>>
    %dma_wait3A_592 = arith.constant 0 : i32
    %dma_wait3A_593 = tpu.memref_slice %arg6[%dma_wait3A_592] : memref<2048xi32, #tpu.memory_space<vmem>> -> memref<128xi32, #tpu.memory_space<vmem>>
    %dma_wait3A_594 = arith.constant 0 : i32
    %dma_wait3A_595 = tpu.memref_slice %arg2[%dma_wait3A_594] : memref<32768xi32, #tpu.memory_space<hbm>> -> memref<128xi32, #tpu.memory_space<hbm>>
    tpu.wait_dma2 semaphore(%arg15 : memref<!tpu.dma_semaphore, #tpu.memory_space<semaphore_mem>>) src(%dma_wait3A_595 : memref<128xi32, #tpu.memory_space<hbm>>) dst(%dma_wait3A_593 : memref<128xi32, #tpu.memory_space<vmem>>)
    %dma_wait3A_596 = arith.constant 0 : i32
    %dma_wait3A_597 = tpu.memref_slice %arg6[%dma_wait3A_596] : memref<2048xi32, #tpu.memory_space<vmem>> -> memref<128xi32, #tpu.memory_space<vmem>>
    %dma_wait3A_598 = arith.constant 0 : i32
    %dma_wait3A_599 = tpu.memref_slice %arg2[%dma_wait3A_598] : memref<32768xi32, #tpu.memory_space<hbm>> -> memref<128xi32, #tpu.memory_space<hbm>>
    %dma_wait3A_600 = arith.constant 0 : i32
    %dma_wait3A_601 = tpu.memref_slice %arg6[%dma_wait3A_600] : memref<2048xi32, #tpu.memory_space<vmem>> -> memref<128xi32, #tpu.memory_space<vmem>>
    %dma_wait3A_602 = arith.constant 0 : i32
    %dma_wait3A_603 = tpu.memref_slice %arg2[%dma_wait3A_602] : memref<32768xi32, #tpu.memory_space<hbm>> -> memref<128xi32, #tpu.memory_space<hbm>>
    tpu.wait_dma2 semaphore(%arg15 : memref<!tpu.dma_semaphore, #tpu.memory_space<semaphore_mem>>) src(%dma_wait3A_603 : memref<128xi32, #tpu.memory_space<hbm>>) dst(%dma_wait3A_601 : memref<128xi32, #tpu.memory_space<vmem>>)
    %dma_wait3A_604 = arith.constant 0 : i32
    %dma_wait3A_605 = tpu.memref_slice %arg6[%dma_wait3A_604] : memref<2048xi32, #tpu.memory_space<vmem>> -> memref<128xi32, #tpu.memory_space<vmem>>
    %dma_wait3A_606 = arith.constant 0 : i32
    %dma_wait3A_607 = tpu.memref_slice %arg2[%dma_wait3A_606] : memref<32768xi32, #tpu.memory_space<hbm>> -> memref<128xi32, #tpu.memory_space<hbm>>
    %dma_wait3A_608 = arith.constant 0 : i32
    %dma_wait3A_609 = tpu.memref_slice %arg6[%dma_wait3A_608] : memref<2048xi32, #tpu.memory_space<vmem>> -> memref<128xi32, #tpu.memory_space<vmem>>
    %dma_wait3A_610 = arith.constant 0 : i32
    %dma_wait3A_611 = tpu.memref_slice %arg2[%dma_wait3A_610] : memref<32768xi32, #tpu.memory_space<hbm>> -> memref<128xi32, #tpu.memory_space<hbm>>
    tpu.wait_dma2 semaphore(%arg15 : memref<!tpu.dma_semaphore, #tpu.memory_space<semaphore_mem>>) src(%dma_wait3A_611 : memref<128xi32, #tpu.memory_space<hbm>>) dst(%dma_wait3A_609 : memref<128xi32, #tpu.memory_space<vmem>>)
    %dma_wait3A_612 = arith.constant 0 : i32
    %dma_wait3A_613 = tpu.memref_slice %arg6[%dma_wait3A_612] : memref<2048xi32, #tpu.memory_space<vmem>> -> memref<128xi32, #tpu.memory_space<vmem>>
    %dma_wait3A_614 = arith.constant 0 : i32
    %dma_wait3A_615 = tpu.memref_slice %arg2[%dma_wait3A_614] : memref<32768xi32, #tpu.memory_space<hbm>> -> memref<128xi32, #tpu.memory_space<hbm>>
    %dma_wait3A_616 = arith.constant 0 : i32
    %dma_wait3A_617 = tpu.memref_slice %arg6[%dma_wait3A_616] : memref<2048xi32, #tpu.memory_space<vmem>> -> memref<128xi32, #tpu.memory_space<vmem>>
    %dma_wait3A_618 = arith.constant 0 : i32
    %dma_wait3A_619 = tpu.memref_slice %arg2[%dma_wait3A_618] : memref<32768xi32, #tpu.memory_space<hbm>> -> memref<128xi32, #tpu.memory_space<hbm>>
    tpu.wait_dma2 semaphore(%arg15 : memref<!tpu.dma_semaphore, #tpu.memory_space<semaphore_mem>>) src(%dma_wait3A_619 : memref<128xi32, #tpu.memory_space<hbm>>) dst(%dma_wait3A_617 : memref<128xi32, #tpu.memory_space<vmem>>)
    %dma_wait3A_620 = arith.constant 0 : i32
    %dma_wait3A_621 = tpu.memref_slice %arg6[%dma_wait3A_620] : memref<2048xi32, #tpu.memory_space<vmem>> -> memref<128xi32, #tpu.memory_space<vmem>>
    %dma_wait3A_622 = arith.constant 0 : i32
    %dma_wait3A_623 = tpu.memref_slice %arg2[%dma_wait3A_622] : memref<32768xi32, #tpu.memory_space<hbm>> -> memref<128xi32, #tpu.memory_space<hbm>>
    %dma_wait3A_624 = arith.constant 0 : i32
    %dma_wait3A_625 = tpu.memref_slice %arg6[%dma_wait3A_624] : memref<2048xi32, #tpu.memory_space<vmem>> -> memref<128xi32, #tpu.memory_space<vmem>>
    %dma_wait3A_626 = arith.constant 0 : i32
    %dma_wait3A_627 = tpu.memref_slice %arg2[%dma_wait3A_626] : memref<32768xi32, #tpu.memory_space<hbm>> -> memref<128xi32, #tpu.memory_space<hbm>>
    tpu.wait_dma2 semaphore(%arg15 : memref<!tpu.dma_semaphore, #tpu.memory_space<semaphore_mem>>) src(%dma_wait3A_627 : memref<128xi32, #tpu.memory_space<hbm>>) dst(%dma_wait3A_625 : memref<128xi32, #tpu.memory_space<vmem>>)
    %dma_wait3A_628 = arith.constant 0 : i32
    %dma_wait3A_629 = tpu.memref_slice %arg6[%dma_wait3A_628] : memref<2048xi32, #tpu.memory_space<vmem>> -> memref<128xi32, #tpu.memory_space<vmem>>
    %dma_wait3A_630 = arith.constant 0 : i32
    %dma_wait3A_631 = tpu.memref_slice %arg2[%dma_wait3A_630] : memref<32768xi32, #tpu.memory_space<hbm>> -> memref<128xi32, #tpu.memory_space<hbm>>
    %dma_wait3A_632 = arith.constant 0 : i32
    %dma_wait3A_633 = tpu.memref_slice %arg6[%dma_wait3A_632] : memref<2048xi32, #tpu.memory_space<vmem>> -> memref<128xi32, #tpu.memory_space<vmem>>
    %dma_wait3A_634 = arith.constant 0 : i32
    %dma_wait3A_635 = tpu.memref_slice %arg2[%dma_wait3A_634] : memref<32768xi32, #tpu.memory_space<hbm>> -> memref<128xi32, #tpu.memory_space<hbm>>
    tpu.wait_dma2 semaphore(%arg15 : memref<!tpu.dma_semaphore, #tpu.memory_space<semaphore_mem>>) src(%dma_wait3A_635 : memref<128xi32, #tpu.memory_space<hbm>>) dst(%dma_wait3A_633 : memref<128xi32, #tpu.memory_space<vmem>>)
    %dma_wait3A_636 = arith.constant 0 : i32
    %dma_wait3A_637 = tpu.memref_slice %arg6[%dma_wait3A_636] : memref<2048xi32, #tpu.memory_space<vmem>> -> memref<128xi32, #tpu.memory_space<vmem>>
    %dma_wait3A_638 = arith.constant 0 : i32
    %dma_wait3A_639 = tpu.memref_slice %arg2[%dma_wait3A_638] : memref<32768xi32, #tpu.memory_space<hbm>> -> memref<128xi32, #tpu.memory_space<hbm>>
    %dma_wait3A_640 = arith.constant 0 : i32
    %dma_wait3A_641 = tpu.memref_slice %arg6[%dma_wait3A_640] : memref<2048xi32, #tpu.memory_space<vmem>> -> memref<128xi32, #tpu.memory_space<vmem>>
    %dma_wait3A_642 = arith.constant 0 : i32
    %dma_wait3A_643 = tpu.memref_slice %arg2[%dma_wait3A_642] : memref<32768xi32, #tpu.memory_space<hbm>> -> memref<128xi32, #tpu.memory_space<hbm>>
    tpu.wait_dma2 semaphore(%arg15 : memref<!tpu.dma_semaphore, #tpu.memory_space<semaphore_mem>>) src(%dma_wait3A_643 : memref<128xi32, #tpu.memory_space<hbm>>) dst(%dma_wait3A_641 : memref<128xi32, #tpu.memory_space<vmem>>)
    %dma_wait3A_644 = arith.constant 0 : i32
    %dma_wait3A_645 = tpu.memref_slice %arg6[%dma_wait3A_644] : memref<2048xi32, #tpu.memory_space<vmem>> -> memref<128xi32, #tpu.memory_space<vmem>>
    %dma_wait3A_646 = arith.constant 0 : i32
    %dma_wait3A_647 = tpu.memref_slice %arg2[%dma_wait3A_646] : memref<32768xi32, #tpu.memory_space<hbm>> -> memref<128xi32, #tpu.memory_space<hbm>>
    %dma_wait3A_648 = arith.constant 0 : i32
    %dma_wait3A_649 = tpu.memref_slice %arg6[%dma_wait3A_648] : memref<2048xi32, #tpu.memory_space<vmem>> -> memref<128xi32, #tpu.memory_space<vmem>>
    %dma_wait3A_650 = arith.constant 0 : i32
    %dma_wait3A_651 = tpu.memref_slice %arg2[%dma_wait3A_650] : memref<32768xi32, #tpu.memory_space<hbm>> -> memref<128xi32, #tpu.memory_space<hbm>>
    tpu.wait_dma2 semaphore(%arg15 : memref<!tpu.dma_semaphore, #tpu.memory_space<semaphore_mem>>) src(%dma_wait3A_651 : memref<128xi32, #tpu.memory_space<hbm>>) dst(%dma_wait3A_649 : memref<128xi32, #tpu.memory_space<vmem>>)
    %dma_wait3A_652 = arith.constant 0 : i32
    %dma_wait3A_653 = tpu.memref_slice %arg6[%dma_wait3A_652] : memref<2048xi32, #tpu.memory_space<vmem>> -> memref<128xi32, #tpu.memory_space<vmem>>
    %dma_wait3A_654 = arith.constant 0 : i32
    %dma_wait3A_655 = tpu.memref_slice %arg2[%dma_wait3A_654] : memref<32768xi32, #tpu.memory_space<hbm>> -> memref<128xi32, #tpu.memory_space<hbm>>
    %dma_wait3A_656 = arith.constant 0 : i32
    %dma_wait3A_657 = tpu.memref_slice %arg6[%dma_wait3A_656] : memref<2048xi32, #tpu.memory_space<vmem>> -> memref<128xi32, #tpu.memory_space<vmem>>
    %dma_wait3A_658 = arith.constant 0 : i32
    %dma_wait3A_659 = tpu.memref_slice %arg2[%dma_wait3A_658] : memref<32768xi32, #tpu.memory_space<hbm>> -> memref<128xi32, #tpu.memory_space<hbm>>
    tpu.wait_dma2 semaphore(%arg15 : memref<!tpu.dma_semaphore, #tpu.memory_space<semaphore_mem>>) src(%dma_wait3A_659 : memref<128xi32, #tpu.memory_space<hbm>>) dst(%dma_wait3A_657 : memref<128xi32, #tpu.memory_space<vmem>>)
    %dma_wait3A_660 = arith.constant 0 : i32
    %dma_wait3A_661 = tpu.memref_slice %arg6[%dma_wait3A_660] : memref<2048xi32, #tpu.memory_space<vmem>> -> memref<128xi32, #tpu.memory_space<vmem>>
    %dma_wait3A_662 = arith.constant 0 : i32
    %dma_wait3A_663 = tpu.memref_slice %arg2[%dma_wait3A_662] : memref<32768xi32, #tpu.memory_space<hbm>> -> memref<128xi32, #tpu.memory_space<hbm>>
    %dma_wait3A_664 = arith.constant 0 : i32
    %dma_wait3A_665 = tpu.memref_slice %arg6[%dma_wait3A_664] : memref<2048xi32, #tpu.memory_space<vmem>> -> memref<128xi32, #tpu.memory_space<vmem>>
    %dma_wait3A_666 = arith.constant 0 : i32
    %dma_wait3A_667 = tpu.memref_slice %arg2[%dma_wait3A_666] : memref<32768xi32, #tpu.memory_space<hbm>> -> memref<128xi32, #tpu.memory_space<hbm>>
    tpu.wait_dma2 semaphore(%arg15 : memref<!tpu.dma_semaphore, #tpu.memory_space<semaphore_mem>>) src(%dma_wait3A_667 : memref<128xi32, #tpu.memory_space<hbm>>) dst(%dma_wait3A_665 : memref<128xi32, #tpu.memory_space<vmem>>)
    %dma_wait3A_668 = arith.constant 0 : i32
    %dma_wait3A_669 = tpu.memref_slice %arg6[%dma_wait3A_668] : memref<2048xi32, #tpu.memory_space<vmem>> -> memref<128xi32, #tpu.memory_space<vmem>>
    %dma_wait3A_670 = arith.constant 0 : i32
    %dma_wait3A_671 = tpu.memref_slice %arg2[%dma_wait3A_670] : memref<32768xi32, #tpu.memory_space<hbm>> -> memref<128xi32, #tpu.memory_space<hbm>>
    %dma_wait3A_672 = arith.constant 0 : i32
    %dma_wait3A_673 = tpu.memref_slice %arg6[%dma_wait3A_672] : memref<2048xi32, #tpu.memory_space<vmem>> -> memref<128xi32, #tpu.memory_space<vmem>>
    %dma_wait3A_674 = arith.constant 0 : i32
    %dma_wait3A_675 = tpu.memref_slice %arg2[%dma_wait3A_674] : memref<32768xi32, #tpu.memory_space<hbm>> -> memref<128xi32, #tpu.memory_space<hbm>>
    tpu.wait_dma2 semaphore(%arg15 : memref<!tpu.dma_semaphore, #tpu.memory_space<semaphore_mem>>) src(%dma_wait3A_675 : memref<128xi32, #tpu.memory_space<hbm>>) dst(%dma_wait3A_673 : memref<128xi32, #tpu.memory_space<vmem>>)
    %barrier3A_676 = arith.constant 0 : index
    tpu.barrier barrier_id(%barrier3A_676)
    %dma_start3A_677 = tpu.memref_slice %arg21[%mul3A_0] : memref<32768xi32, #tpu.memory_space<vmem_shared>> -> memref<2048xi32, #tpu.memory_space<vmem_shared>>
    %dma_start3A_678 = tpu.memref_slice %arg21[%mul3A_0] : memref<32768xi32, #tpu.memory_space<vmem_shared>> -> memref<2048xi32, #tpu.memory_space<vmem_shared>>
    tpu.enqueue_dma source(%dma_start3A_678 : memref<2048xi32, #tpu.memory_space<vmem_shared>>) target(%arg5 : memref<2048xi32, #tpu.memory_space<vmem>>) target_semaphore(%arg16 : memref<!tpu.dma_semaphore, #tpu.memory_space<semaphore_mem>>)
    %dma_start3A_679 = arith.constant 0 : i32
    %dma_start3A_680 = tpu.memref_slice %arg4[%dma_start3A_679] : memref<2048xi32, #tpu.memory_space<vmem>> -> memref<1024xi32, #tpu.memory_space<vmem>>
    %dma_start3A_681 = tpu.memref_slice %arg20[%mul3A_0] : memref<32768xi32, #tpu.memory_space<vmem_shared>> -> memref<1024xi32, #tpu.memory_space<vmem_shared>>
    %dma_start3A_682 = arith.constant 0 : i32
    %dma_start3A_683 = tpu.memref_slice %arg4[%dma_start3A_682] : memref<2048xi32, #tpu.memory_space<vmem>> -> memref<1024xi32, #tpu.memory_space<vmem>>
    %dma_start3A_684 = tpu.memref_slice %arg20[%mul3A_0] : memref<32768xi32, #tpu.memory_space<vmem_shared>> -> memref<1024xi32, #tpu.memory_space<vmem_shared>>
    tpu.enqueue_dma source(%dma_start3A_684 : memref<1024xi32, #tpu.memory_space<vmem_shared>>) target(%dma_start3A_683 : memref<1024xi32, #tpu.memory_space<vmem>>) target_semaphore(%arg17 : memref<!tpu.dma_semaphore, #tpu.memory_space<semaphore_mem>>)
    %add3A_685 = arith.constant 1024 : i32
    %add3A_686 = arith.addi %mul3A_0, %add3A_685 : i32
    %dma_start3A_687 = arith.constant 1024 : i32
    %dma_start3A_688 = tpu.memref_slice %arg4[%dma_start3A_687] : memref<2048xi32, #tpu.memory_space<vmem>> -> memref<1024xi32, #tpu.memory_space<vmem>>
    %dma_start3A_689 = tpu.memref_slice %arg20[%add3A_686] : memref<32768xi32, #tpu.memory_space<vmem_shared>> -> memref<1024xi32, #tpu.memory_space<vmem_shared>>
    %dma_start3A_690 = arith.constant 1024 : i32
    %dma_start3A_691 = tpu.memref_slice %arg4[%dma_start3A_690] : memref<2048xi32, #tpu.memory_space<vmem>> -> memref<1024xi32, #tpu.memory_space<vmem>>
    %dma_start3A_692 = tpu.memref_slice %arg20[%add3A_686] : memref<32768xi32, #tpu.memory_space<vmem_shared>> -> memref<1024xi32, #tpu.memory_space<vmem_shared>>
    tpu.enqueue_dma source(%dma_start3A_692 : memref<1024xi32, #tpu.memory_space<vmem_shared>>) target(%dma_start3A_691 : memref<1024xi32, #tpu.memory_space<vmem>>) target_semaphore(%arg17 : memref<!tpu.dma_semaphore, #tpu.memory_space<semaphore_mem>>)
    %swap3A_693 = arith.constant 0 : index
    %swap3A_694 = tpu.vector_load %arg8[%swap3A_693] {strides = array<i32>} : memref<256xi32, #tpu.memory_space<vmem>>, vector<16xi32>,
    tpu.vector_store %arg8[%swap3A_693], %broadcast_in_dim3A_1 {strides = array<i32>} : memref<256xi32, #tpu.memory_space<vmem>>, vector<16xi32>,
    %swap3A_695 = arith.constant 16 : index
    %swap3A_696 = tpu.vector_load %arg8[%swap3A_695] {strides = array<i32>} : memref<256xi32, #tpu.memory_space<vmem>>, vector<16xi32>,
    tpu.vector_store %arg8[%swap3A_695], %broadcast_in_dim3A_1 {strides = array<i32>} : memref<256xi32, #tpu.memory_space<vmem>>, vector<16xi32>,
    %swap3A_697 = arith.constant 32 : index
    %swap3A_698 = tpu.vector_load %arg8[%swap3A_697] {strides = array<i32>} : memref<256xi32, #tpu.memory_space<vmem>>, vector<16xi32>,
    tpu.vector_store %arg8[%swap3A_697], %broadcast_in_dim3A_1 {strides = array<i32>} : memref<256xi32, #tpu.memory_space<vmem>>, vector<16xi32>,
    %swap3A_699 = arith.constant 48 : index
    %swap3A_700 = tpu.vector_load %arg8[%swap3A_699] {strides = array<i32>} : memref<256xi32, #tpu.memory_space<vmem>>, vector<16xi32>,
    tpu.vector_store %arg8[%swap3A_699], %broadcast_in_dim3A_1 {strides = array<i32>} : memref<256xi32, #tpu.memory_space<vmem>>, vector<16xi32>,
    %swap3A_701 = arith.constant 64 : index
    %swap3A_702 = tpu.vector_load %arg8[%swap3A_701] {strides = array<i32>} : memref<256xi32, #tpu.memory_space<vmem>>, vector<16xi32>,
    tpu.vector_store %arg8[%swap3A_701], %broadcast_in_dim3A_1 {strides = array<i32>} : memref<256xi32, #tpu.memory_space<vmem>>, vector<16xi32>,
    %swap3A_703 = arith.constant 80 : index
    %swap3A_704 = tpu.vector_load %arg8[%swap3A_703] {strides = array<i32>} : memref<256xi32, #tpu.memory_space<vmem>>, vector<16xi32>,
    tpu.vector_store %arg8[%swap3A_703], %broadcast_in_dim3A_1 {strides = array<i32>} : memref<256xi32, #tpu.memory_space<vmem>>, vector<16xi32>,
    %swap3A_705 = arith.constant 96 : index
    %swap3A_706 = tpu.vector_load %arg8[%swap3A_705] {strides = array<i32>} : memref<256xi32, #tpu.memory_space<vmem>>, vector<16xi32>,
    tpu.vector_store %arg8[%swap3A_705], %broadcast_in_dim3A_1 {strides = array<i32>} : memref<256xi32, #tpu.memory_space<vmem>>, vector<16xi32>,
    %swap3A_707 = arith.constant 112 : index
    %swap3A_708 = tpu.vector_load %arg8[%swap3A_707] {strides = array<i32>} : memref<256xi32, #tpu.memory_space<vmem>>, vector<16xi32>,
    tpu.vector_store %arg8[%swap3A_707], %broadcast_in_dim3A_1 {strides = array<i32>} : memref<256xi32, #tpu.memory_space<vmem>>, vector<16xi32>,
    %swap3A_709 = arith.constant 128 : index
    %swap3A_710 = tpu.vector_load %arg8[%swap3A_709] {strides = array<i32>} : memref<256xi32, #tpu.memory_space<vmem>>, vector<16xi32>,
    tpu.vector_store %arg8[%swap3A_709], %broadcast_in_dim3A_1 {strides = array<i32>} : memref<256xi32, #tpu.memory_space<vmem>>, vector<16xi32>,
    %swap3A_711 = arith.constant 144 : index
    %swap3A_712 = tpu.vector_load %arg8[%swap3A_711] {strides = array<i32>} : memref<256xi32, #tpu.memory_space<vmem>>, vector<16xi32>,
    tpu.vector_store %arg8[%swap3A_711], %broadcast_in_dim3A_1 {strides = array<i32>} : memref<256xi32, #tpu.memory_space<vmem>>, vector<16xi32>,
    %swap3A_713 = arith.constant 160 : index
    %swap3A_714 = tpu.vector_load %arg8[%swap3A_713] {strides = array<i32>} : memref<256xi32, #tpu.memory_space<vmem>>, vector<16xi32>,
    tpu.vector_store %arg8[%swap3A_713], %broadcast_in_dim3A_1 {strides = array<i32>} : memref<256xi32, #tpu.memory_space<vmem>>, vector<16xi32>,
    %swap3A_715 = arith.constant 176 : index
    %swap3A_716 = tpu.vector_load %arg8[%swap3A_715] {strides = array<i32>} : memref<256xi32, #tpu.memory_space<vmem>>, vector<16xi32>,
    tpu.vector_store %arg8[%swap3A_715], %broadcast_in_dim3A_1 {strides = array<i32>} : memref<256xi32, #tpu.memory_space<vmem>>, vector<16xi32>,
    %swap3A_717 = arith.constant 192 : index
    %swap3A_718 = tpu.vector_load %arg8[%swap3A_717] {strides = array<i32>} : memref<256xi32, #tpu.memory_space<vmem>>, vector<16xi32>,
    tpu.vector_store %arg8[%swap3A_717], %broadcast_in_dim3A_1 {strides = array<i32>} : memref<256xi32, #tpu.memory_space<vmem>>, vector<16xi32>,
    %swap3A_719 = arith.constant 208 : index
    %swap3A_720 = tpu.vector_load %arg8[%swap3A_719] {strides = array<i32>} : memref<256xi32, #tpu.memory_space<vmem>>, vector<16xi32>,
    tpu.vector_store %arg8[%swap3A_719], %broadcast_in_dim3A_1 {strides = array<i32>} : memref<256xi32, #tpu.memory_space<vmem>>, vector<16xi32>,
    %swap3A_721 = arith.constant 224 : index
    %swap3A_722 = tpu.vector_load %arg8[%swap3A_721] {strides = array<i32>} : memref<256xi32, #tpu.memory_space<vmem>>, vector<16xi32>,
    tpu.vector_store %arg8[%swap3A_721], %broadcast_in_dim3A_1 {strides = array<i32>} : memref<256xi32, #tpu.memory_space<vmem>>, vector<16xi32>,
    %swap3A_723 = arith.constant 240 : index
    %swap3A_724 = tpu.vector_load %arg8[%swap3A_723] {strides = array<i32>} : memref<256xi32, #tpu.memory_space<vmem>>, vector<16xi32>,
    tpu.vector_store %arg8[%swap3A_723], %broadcast_in_dim3A_1 {strides = array<i32>} : memref<256xi32, #tpu.memory_space<vmem>>, vector<16xi32>,
    %dma_wait3A_725 = arith.constant 0 : i32
    %dma_wait3A_726 = tpu.memref_slice %arg4[%dma_wait3A_725] : memref<2048xi32, #tpu.memory_space<vmem>> -> memref<1024xi32, #tpu.memory_space<vmem>>
    %dma_wait3A_727 = tpu.memref_slice %arg20[%mul3A_0] : memref<32768xi32, #tpu.memory_space<vmem_shared>> -> memref<1024xi32, #tpu.memory_space<vmem_shared>>
    %dma_wait3A_728 = arith.constant 0 : i32
    %dma_wait3A_729 = tpu.memref_slice %arg4[%dma_wait3A_728] : memref<2048xi32, #tpu.memory_space<vmem>> -> memref<1024xi32, #tpu.memory_space<vmem>>
    %dma_wait3A_730 = tpu.memref_slice %arg20[%mul3A_0] : memref<32768xi32, #tpu.memory_space<vmem_shared>> -> memref<1024xi32, #tpu.memory_space<vmem_shared>>
    tpu.wait_dma2 semaphore(%arg17 : memref<!tpu.dma_semaphore, #tpu.memory_space<semaphore_mem>>) src(%dma_wait3A_730 : memref<1024xi32, #tpu.memory_space<vmem_shared>>) dst(%dma_wait3A_729 : memref<1024xi32, #tpu.memory_space<vmem>>)
    %scan3A_731 = arith.constant 0 : i32
    %scan3A_732 = arith.constant 0 : i32
    %scan3A_733 = arith.constant 64 : i32
    %scan3A_734 = arith.addi %scan3A_732, %scan3A_733 : i32
    %scan3A_735 = arith.constant 1 : i32
    %scan3A_736 = scf.for %scan3A_1629 = %scan3A_732 to %scan3A_734 step %scan3A_735 iter_args(%scan3A_1630 = %scan3A_731) -> (i32)  : i32 {
      %mul3A_1631 = arith.constant 16 : i32
      %mul3A_1632 = arith.muli %scan3A_1629, %mul3A_1631 : i32
      %get3A_1633 = arith.index_cast %mul3A_1632 : i32 to index
      %get3A_1634 = tpu.vector_load %arg4[%get3A_1633] {strides = array<i32>} : memref<2048xi32, #tpu.memory_space<vmem>>, vector<16xi32>,
      %shift_right_logical3A = arith.constant 16 : i32
      %shift_right_logical3A_1635 = vector.broadcast %shift_right_logical3A : i32 to vector<16xi32>
      %shift_right_logical3A_1636 = arith.shrui %get3A_1634, %shift_right_logical3A_1635 : vector<16xi32>
      %and3A_1637 = arith.constant 255 : i32
      %and3A_1638 = vector.broadcast %and3A_1637 : i32 to vector<16xi32>
      %and3A_1639 = arith.andi %shift_right_logical3A_1636, %and3A_1638 : vector<16xi32>
      %broadcast_in_dim3A_1640 = arith.constant true
      %broadcast_in_dim3A_1641 = vector.broadcast %broadcast_in_dim3A_1640 : i1 to vector<16xi1>
      %unique3A, %unique3A_1642 = tpu.scan_count mask(%broadcast_in_dim3A_1641 : vector<16xi1>) value(%and3A_1639 : vector<16xi32>) : vector<16xi1>, vector<16xi32>
      tpu.vector_store_idx %arg8[%and3A_1639], %unique3A_1642 masked %unique3A {add = true} : memref<256xi32, #tpu.memory_space<vmem>>[vector<16xi32>], vector<16xi32>, vector<16xi1>
      %scan3A_1643 = arith.constant 0 : i32
      scf.yield %scan3A_1643 : i32
    }
    %scan3A_737 = arith.constant 64 : i32
    %dma_wait3A_738 = arith.constant 1024 : i32
    %dma_wait3A_739 = tpu.memref_slice %arg4[%dma_wait3A_738] : memref<2048xi32, #tpu.memory_space<vmem>> -> memref<1024xi32, #tpu.memory_space<vmem>>
    %dma_wait3A_740 = tpu.memref_slice %arg20[%add3A_686] : memref<32768xi32, #tpu.memory_space<vmem_shared>> -> memref<1024xi32, #tpu.memory_space<vmem_shared>>
    %dma_wait3A_741 = arith.constant 1024 : i32
    %dma_wait3A_742 = tpu.memref_slice %arg4[%dma_wait3A_741] : memref<2048xi32, #tpu.memory_space<vmem>> -> memref<1024xi32, #tpu.memory_space<vmem>>
    %dma_wait3A_743 = tpu.memref_slice %arg20[%add3A_686] : memref<32768xi32, #tpu.memory_space<vmem_shared>> -> memref<1024xi32, #tpu.memory_space<vmem_shared>>
    tpu.wait_dma2 semaphore(%arg17 : memref<!tpu.dma_semaphore, #tpu.memory_space<semaphore_mem>>) src(%dma_wait3A_743 : memref<1024xi32, #tpu.memory_space<vmem_shared>>) dst(%dma_wait3A_742 : memref<1024xi32, #tpu.memory_space<vmem>>)
    %scan3A_744 = arith.constant 0 : i32
    %scan3A_745 = arith.constant 64 : i32
    %scan3A_746 = arith.constant 64 : i32
    %scan3A_747 = arith.addi %scan3A_745, %scan3A_746 : i32
    %scan3A_748 = arith.constant 1 : i32
    %scan3A_749 = scf.for %scan3A_1629 = %scan3A_745 to %scan3A_747 step %scan3A_748 iter_args(%scan3A_1630 = %scan3A_744) -> (i32)  : i32 {
      %mul3A_1631 = arith.constant 16 : i32
      %mul3A_1632 = arith.muli %scan3A_1629, %mul3A_1631 : i32
      %get3A_1633 = arith.index_cast %mul3A_1632 : i32 to index
      %get3A_1634 = tpu.vector_load %arg4[%get3A_1633] {strides = array<i32>} : memref<2048xi32, #tpu.memory_space<vmem>>, vector<16xi32>,
      %shift_right_logical3A = arith.constant 16 : i32
      %shift_right_logical3A_1635 = vector.broadcast %shift_right_logical3A : i32 to vector<16xi32>
      %shift_right_logical3A_1636 = arith.shrui %get3A_1634, %shift_right_logical3A_1635 : vector<16xi32>
      %and3A_1637 = arith.constant 255 : i32
      %and3A_1638 = vector.broadcast %and3A_1637 : i32 to vector<16xi32>
      %and3A_1639 = arith.andi %shift_right_logical3A_1636, %and3A_1638 : vector<16xi32>
      %broadcast_in_dim3A_1640 = arith.constant true
      %broadcast_in_dim3A_1641 = vector.broadcast %broadcast_in_dim3A_1640 : i1 to vector<16xi1>
      %unique3A, %unique3A_1642 = tpu.scan_count mask(%broadcast_in_dim3A_1641 : vector<16xi1>) value(%and3A_1639 : vector<16xi32>) : vector<16xi1>, vector<16xi32>
      tpu.vector_store_idx %arg8[%and3A_1639], %unique3A_1642 masked %unique3A {add = true} : memref<256xi32, #tpu.memory_space<vmem>>[vector<16xi32>], vector<16xi32>, vector<16xi1>
      %scan3A_1643 = arith.constant 0 : i32
      scf.yield %scan3A_1643 : i32
    }
    %scan3A_750 = arith.constant 64 : i32
    %mul3A_751 = arith.constant 256 : i32
    %mul3A_752 = arith.muli %arg1, %mul3A_751 : i32
    "tpu.region"() ({
      %run_scoped3A = tpu.sem_alloc : memref<!tpu.dma_semaphore, #tpu.memory_space<semaphore_mem>>
      %dma_start3A_1629 = tpu.memref_slice %arg23[%mul3A_752] : memref<4096xi32, #tpu.memory_space<vmem_shared>> -> memref<256xi32, #tpu.memory_space<vmem_shared>>
      %dma_start3A_1630 = tpu.memref_slice %arg23[%mul3A_752] : memref<4096xi32, #tpu.memory_space<vmem_shared>> -> memref<256xi32, #tpu.memory_space<vmem_shared>>
      tpu.enqueue_dma source(%arg8 : memref<256xi32, #tpu.memory_space<vmem>>) target(%dma_start3A_1630 : memref<256xi32, #tpu.memory_space<vmem_shared>>) target_semaphore(%run_scoped3A : memref<!tpu.dma_semaphore, #tpu.memory_space<semaphore_mem>>)
      %dma_wait3A_1631 = tpu.memref_slice %arg23[%mul3A_752] : memref<4096xi32, #tpu.memory_space<vmem_shared>> -> memref<256xi32, #tpu.memory_space<vmem_shared>>
      %dma_wait3A_1632 = tpu.memref_slice %arg23[%mul3A_752] : memref<4096xi32, #tpu.memory_space<vmem_shared>> -> memref<256xi32, #tpu.memory_space<vmem_shared>>
      tpu.wait_dma2 semaphore(%run_scoped3A : memref<!tpu.dma_semaphore, #tpu.memory_space<semaphore_mem>>) src(%arg8 : memref<256xi32, #tpu.memory_space<vmem>>) dst(%dma_wait3A_1632 : memref<256xi32, #tpu.memory_space<vmem_shared>>)
      tpu.yield
    }) : () -> ()
    %barrier3A_753 = arith.constant 0 : index
    tpu.barrier barrier_id(%barrier3A_753)
    "tpu.region"() ({
      %run_scoped3A = tpu.sem_alloc : memref<!tpu.dma_semaphore, #tpu.memory_space<semaphore_mem>>
      tpu.enqueue_dma source(%arg23 : memref<4096xi32, #tpu.memory_space<vmem_shared>>) target(%arg10 : memref<4096xi32, #tpu.memory_space<vmem>>) target_semaphore(%run_scoped3A : memref<!tpu.dma_semaphore, #tpu.memory_space<semaphore_mem>>)
      tpu.wait_dma2 semaphore(%run_scoped3A : memref<!tpu.dma_semaphore, #tpu.memory_space<semaphore_mem>>) src(%arg23 : memref<4096xi32, #tpu.memory_space<vmem_shared>>) dst(%arg10 : memref<4096xi32, #tpu.memory_space<vmem>>)
      tpu.yield
    }) : () -> ()
    %scan3A_754 = arith.constant 0 : i32
    %scan3A_755 = arith.constant 0 : i32
    %scan3A_756 = arith.constant 16 : i32
    %scan3A_757 = arith.addi %scan3A_755, %scan3A_756 : i32
    %scan3A_758 = arith.constant 1 : i32
    %scan3A_759 = scf.for %scan3A_1629 = %scan3A_755 to %scan3A_757 step %scan3A_758 iter_args(%scan3A_1630 = %scan3A_754) -> (i32)  : i32 {
      %mul3A_1631 = arith.constant 16 : i32
      %mul3A_1632 = arith.muli %scan3A_1629, %mul3A_1631 : i32
      %add3A_1633 = arith.constant 0 : i32
      %add3A_1634 = arith.addi %add3A_1633, %mul3A_1632 : i32
      %get3A_1635 = arith.index_cast %add3A_1634 : i32 to index
      %get3A_1636 = tpu.vector_load %arg10[%get3A_1635] {strides = array<i32>} : memref<4096xi32, #tpu.memory_space<vmem>>, vector<16xi32>,
      %add3A_1637 = arith.addi %broadcast_in_dim3A_1, %get3A_1636 : vector<16xi32>
      %broadcast_in_dim3A_1638 = arith.constant 0 : i32
      %broadcast_in_dim3A_1639 = vector.broadcast %broadcast_in_dim3A_1638 : i32 to vector<16xi32>
      %lt3A_1640 = vector.broadcast %arg1 : i32 to vector<16xi32>
      %lt3A_1641 = arith.cmpi slt, %broadcast_in_dim3A_1639, %lt3A_1640 : vector<16xi32>
      %jit3A_1642 = arith.constant 0 : i32
      %broadcast_in_dim3A_1643 = vector.broadcast %jit3A_1642 : i32 to vector<16xi32>
      %select_n3A_1644 = arith.select %lt3A_1641, %get3A_1636, %broadcast_in_dim3A_1643 : vector<16xi1>, vector<16xi32>
      %add3A_1645 = arith.addi %broadcast_in_dim3A_1, %select_n3A_1644 : vector<16xi32>
      %mul3A_1646 = arith.constant 16 : i32
      %mul3A_1647 = arith.muli %scan3A_1629, %mul3A_1646 : i32
      %add3A_1648 = arith.constant 256 : i32
      %add3A_1649 = arith.addi %add3A_1648, %mul3A_1647 : i32
      %get3A_1650 = arith.index_cast %add3A_1649 : i32 to index
      %get3A_1651 = tpu.vector_load %arg10[%get3A_1650] {strides = array<i32>} : memref<4096xi32, #tpu.memory_space<vmem>>, vector<16xi32>,
      %add3A_1652 = arith.addi %add3A_1637, %get3A_1651 : vector<16xi32>
      %broadcast_in_dim3A_1653 = arith.constant 1 : i32
      %broadcast_in_dim3A_1654 = vector.broadcast %broadcast_in_dim3A_1653 : i32 to vector<16xi32>
      %lt3A_1655 = vector.broadcast %arg1 : i32 to vector<16xi32>
      %lt3A_1656 = arith.cmpi slt, %broadcast_in_dim3A_1654, %lt3A_1655 : vector<16xi32>
      %jit3A_1657 = arith.constant 0 : i32
      %broadcast_in_dim3A_1658 = vector.broadcast %jit3A_1657 : i32 to vector<16xi32>
      %select_n3A_1659 = arith.select %lt3A_1656, %get3A_1651, %broadcast_in_dim3A_1658 : vector<16xi1>, vector<16xi32>
      %add3A_1660 = arith.addi %add3A_1645, %select_n3A_1659 : vector<16xi32>
      %mul3A_1661 = arith.constant 16 : i32
      %mul3A_1662 = arith.muli %scan3A_1629, %mul3A_1661 : i32
      %add3A_1663 = arith.constant 512 : i32
      %add3A_1664 = arith.addi %add3A_1663, %mul3A_1662 : i32
      %get3A_1665 = arith.index_cast %add3A_1664 : i32 to index
      %get3A_1666 = tpu.vector_load %arg10[%get3A_1665] {strides = array<i32>} : memref<4096xi32, #tpu.memory_space<vmem>>, vector<16xi32>,
      %add3A_1667 = arith.addi %add3A_1652, %get3A_1666 : vector<16xi32>
      %broadcast_in_dim3A_1668 = arith.constant 2 : i32
      %broadcast_in_dim3A_1669 = vector.broadcast %broadcast_in_dim3A_1668 : i32 to vector<16xi32>
      %lt3A_1670 = vector.broadcast %arg1 : i32 to vector<16xi32>
      %lt3A_1671 = arith.cmpi slt, %broadcast_in_dim3A_1669, %lt3A_1670 : vector<16xi32>
      %jit3A_1672 = arith.constant 0 : i32
      %broadcast_in_dim3A_1673 = vector.broadcast %jit3A_1672 : i32 to vector<16xi32>
      %select_n3A_1674 = arith.select %lt3A_1671, %get3A_1666, %broadcast_in_dim3A_1673 : vector<16xi1>, vector<16xi32>
      %add3A_1675 = arith.addi %add3A_1660, %select_n3A_1674 : vector<16xi32>
      %mul3A_1676 = arith.constant 16 : i32
      %mul3A_1677 = arith.muli %scan3A_1629, %mul3A_1676 : i32
      %add3A_1678 = arith.constant 768 : i32
      %add3A_1679 = arith.addi %add3A_1678, %mul3A_1677 : i32
      %get3A_1680 = arith.index_cast %add3A_1679 : i32 to index
      %get3A_1681 = tpu.vector_load %arg10[%get3A_1680] {strides = array<i32>} : memref<4096xi32, #tpu.memory_space<vmem>>, vector<16xi32>,
      %add3A_1682 = arith.addi %add3A_1667, %get3A_1681 : vector<16xi32>
      %broadcast_in_dim3A_1683 = arith.constant 3 : i32
      %broadcast_in_dim3A_1684 = vector.broadcast %broadcast_in_dim3A_1683 : i32 to vector<16xi32>
      %lt3A_1685 = vector.broadcast %arg1 : i32 to vector<16xi32>
      %lt3A_1686 = arith.cmpi slt, %broadcast_in_dim3A_1684, %lt3A_1685 : vector<16xi32>
      %jit3A_1687 = arith.constant 0 : i32
      %broadcast_in_dim3A_1688 = vector.broadcast %jit3A_1687 : i32 to vector<16xi32>
      %select_n3A_1689 = arith.select %lt3A_1686, %get3A_1681, %broadcast_in_dim3A_1688 : vector<16xi1>, vector<16xi32>
      %add3A_1690 = arith.addi %add3A_1675, %select_n3A_1689 : vector<16xi32>
      %mul3A_1691 = arith.constant 16 : i32
      %mul3A_1692 = arith.muli %scan3A_1629, %mul3A_1691 : i32
      %add3A_1693 = arith.constant 1024 : i32
      %add3A_1694 = arith.addi %add3A_1693, %mul3A_1692 : i32
      %get3A_1695 = arith.index_cast %add3A_1694 : i32 to index
      %get3A_1696 = tpu.vector_load %arg10[%get3A_1695] {strides = array<i32>} : memref<4096xi32, #tpu.memory_space<vmem>>, vector<16xi32>,
      %add3A_1697 = arith.addi %add3A_1682, %get3A_1696 : vector<16xi32>
      %broadcast_in_dim3A_1698 = arith.constant 4 : i32
      %broadcast_in_dim3A_1699 = vector.broadcast %broadcast_in_dim3A_1698 : i32 to vector<16xi32>
      %lt3A_1700 = vector.broadcast %arg1 : i32 to vector<16xi32>
      %lt3A_1701 = arith.cmpi slt, %broadcast_in_dim3A_1699, %lt3A_1700 : vector<16xi32>
      %jit3A_1702 = arith.constant 0 : i32
      %broadcast_in_dim3A_1703 = vector.broadcast %jit3A_1702 : i32 to vector<16xi32>
      %select_n3A_1704 = arith.select %lt3A_1701, %get3A_1696, %broadcast_in_dim3A_1703 : vector<16xi1>, vector<16xi32>
      %add3A_1705 = arith.addi %add3A_1690, %select_n3A_1704 : vector<16xi32>
      %mul3A_1706 = arith.constant 16 : i32
      %mul3A_1707 = arith.muli %scan3A_1629, %mul3A_1706 : i32
      %add3A_1708 = arith.constant 1280 : i32
      %add3A_1709 = arith.addi %add3A_1708, %mul3A_1707 : i32
      %get3A_1710 = arith.index_cast %add3A_1709 : i32 to index
      %get3A_1711 = tpu.vector_load %arg10[%get3A_1710] {strides = array<i32>} : memref<4096xi32, #tpu.memory_space<vmem>>, vector<16xi32>,
      %add3A_1712 = arith.addi %add3A_1697, %get3A_1711 : vector<16xi32>
      %broadcast_in_dim3A_1713 = arith.constant 5 : i32
      %broadcast_in_dim3A_1714 = vector.broadcast %broadcast_in_dim3A_1713 : i32 to vector<16xi32>
      %lt3A_1715 = vector.broadcast %arg1 : i32 to vector<16xi32>
      %lt3A_1716 = arith.cmpi slt, %broadcast_in_dim3A_1714, %lt3A_1715 : vector<16xi32>
      %jit3A_1717 = arith.constant 0 : i32
      %broadcast_in_dim3A_1718 = vector.broadcast %jit3A_1717 : i32 to vector<16xi32>
      %select_n3A_1719 = arith.select %lt3A_1716, %get3A_1711, %broadcast_in_dim3A_1718 : vector<16xi1>, vector<16xi32>
      %add3A_1720 = arith.addi %add3A_1705, %select_n3A_1719 : vector<16xi32>
      %mul3A_1721 = arith.constant 16 : i32
      %mul3A_1722 = arith.muli %scan3A_1629, %mul3A_1721 : i32
      %add3A_1723 = arith.constant 1536 : i32
      %add3A_1724 = arith.addi %add3A_1723, %mul3A_1722 : i32
      %get3A_1725 = arith.index_cast %add3A_1724 : i32 to index
      %get3A_1726 = tpu.vector_load %arg10[%get3A_1725] {strides = array<i32>} : memref<4096xi32, #tpu.memory_space<vmem>>, vector<16xi32>,
      %add3A_1727 = arith.addi %add3A_1712, %get3A_1726 : vector<16xi32>
      %broadcast_in_dim3A_1728 = arith.constant 6 : i32
      %broadcast_in_dim3A_1729 = vector.broadcast %broadcast_in_dim3A_1728 : i32 to vector<16xi32>
      %lt3A_1730 = vector.broadcast %arg1 : i32 to vector<16xi32>
      %lt3A_1731 = arith.cmpi slt, %broadcast_in_dim3A_1729, %lt3A_1730 : vector<16xi32>
      %jit3A_1732 = arith.constant 0 : i32
      %broadcast_in_dim3A_1733 = vector.broadcast %jit3A_1732 : i32 to vector<16xi32>
      %select_n3A_1734 = arith.select %lt3A_1731, %get3A_1726, %broadcast_in_dim3A_1733 : vector<16xi1>, vector<16xi32>
      %add3A_1735 = arith.addi %add3A_1720, %select_n3A_1734 : vector<16xi32>
      %mul3A_1736 = arith.constant 16 : i32
      %mul3A_1737 = arith.muli %scan3A_1629, %mul3A_1736 : i32
      %add3A_1738 = arith.constant 1792 : i32
      %add3A_1739 = arith.addi %add3A_1738, %mul3A_1737 : i32
      %get3A_1740 = arith.index_cast %add3A_1739 : i32 to index
      %get3A_1741 = tpu.vector_load %arg10[%get3A_1740] {strides = array<i32>} : memref<4096xi32, #tpu.memory_space<vmem>>, vector<16xi32>,
      %add3A_1742 = arith.addi %add3A_1727, %get3A_1741 : vector<16xi32>
      %broadcast_in_dim3A_1743 = arith.constant 7 : i32
      %broadcast_in_dim3A_1744 = vector.broadcast %broadcast_in_dim3A_1743 : i32 to vector<16xi32>
      %lt3A_1745 = vector.broadcast %arg1 : i32 to vector<16xi32>
      %lt3A_1746 = arith.cmpi slt, %broadcast_in_dim3A_1744, %lt3A_1745 : vector<16xi32>
      %jit3A_1747 = arith.constant 0 : i32
      %broadcast_in_dim3A_1748 = vector.broadcast %jit3A_1747 : i32 to vector<16xi32>
      %select_n3A_1749 = arith.select %lt3A_1746, %get3A_1741, %broadcast_in_dim3A_1748 : vector<16xi1>, vector<16xi32>
      %add3A_1750 = arith.addi %add3A_1735, %select_n3A_1749 : vector<16xi32>
      %mul3A_1751 = arith.constant 16 : i32
      %mul3A_1752 = arith.muli %scan3A_1629, %mul3A_1751 : i32
      %add3A_1753 = arith.constant 2048 : i32
      %add3A_1754 = arith.addi %add3A_1753, %mul3A_1752 : i32
      %get3A_1755 = arith.index_cast %add3A_1754 : i32 to index
      %get3A_1756 = tpu.vector_load %arg10[%get3A_1755] {strides = array<i32>} : memref<4096xi32, #tpu.memory_space<vmem>>, vector<16xi32>,
      %add3A_1757 = arith.addi %add3A_1742, %get3A_1756 : vector<16xi32>
      %broadcast_in_dim3A_1758 = arith.constant 8 : i32
      %broadcast_in_dim3A_1759 = vector.broadcast %broadcast_in_dim3A_1758 : i32 to vector<16xi32>
      %lt3A_1760 = vector.broadcast %arg1 : i32 to vector<16xi32>
      %lt3A_1761 = arith.cmpi slt, %broadcast_in_dim3A_1759, %lt3A_1760 : vector<16xi32>
      %jit3A_1762 = arith.constant 0 : i32
      %broadcast_in_dim3A_1763 = vector.broadcast %jit3A_1762 : i32 to vector<16xi32>
      %select_n3A_1764 = arith.select %lt3A_1761, %get3A_1756, %broadcast_in_dim3A_1763 : vector<16xi1>, vector<16xi32>
      %add3A_1765 = arith.addi %add3A_1750, %select_n3A_1764 : vector<16xi32>
      %mul3A_1766 = arith.constant 16 : i32
      %mul3A_1767 = arith.muli %scan3A_1629, %mul3A_1766 : i32
      %add3A_1768 = arith.constant 2304 : i32
      %add3A_1769 = arith.addi %add3A_1768, %mul3A_1767 : i32
      %get3A_1770 = arith.index_cast %add3A_1769 : i32 to index
      %get3A_1771 = tpu.vector_load %arg10[%get3A_1770] {strides = array<i32>} : memref<4096xi32, #tpu.memory_space<vmem>>, vector<16xi32>,
      %add3A_1772 = arith.addi %add3A_1757, %get3A_1771 : vector<16xi32>
      %broadcast_in_dim3A_1773 = arith.constant 9 : i32
      %broadcast_in_dim3A_1774 = vector.broadcast %broadcast_in_dim3A_1773 : i32 to vector<16xi32>
      %lt3A_1775 = vector.broadcast %arg1 : i32 to vector<16xi32>
      %lt3A_1776 = arith.cmpi slt, %broadcast_in_dim3A_1774, %lt3A_1775 : vector<16xi32>
      %jit3A_1777 = arith.constant 0 : i32
      %broadcast_in_dim3A_1778 = vector.broadcast %jit3A_1777 : i32 to vector<16xi32>
      %select_n3A_1779 = arith.select %lt3A_1776, %get3A_1771, %broadcast_in_dim3A_1778 : vector<16xi1>, vector<16xi32>
      %add3A_1780 = arith.addi %add3A_1765, %select_n3A_1779 : vector<16xi32>
      %mul3A_1781 = arith.constant 16 : i32
      %mul3A_1782 = arith.muli %scan3A_1629, %mul3A_1781 : i32
      %add3A_1783 = arith.constant 2560 : i32
      %add3A_1784 = arith.addi %add3A_1783, %mul3A_1782 : i32
      %get3A_1785 = arith.index_cast %add3A_1784 : i32 to index
      %get3A_1786 = tpu.vector_load %arg10[%get3A_1785] {strides = array<i32>} : memref<4096xi32, #tpu.memory_space<vmem>>, vector<16xi32>,
      %add3A_1787 = arith.addi %add3A_1772, %get3A_1786 : vector<16xi32>
      %broadcast_in_dim3A_1788 = arith.constant 10 : i32
      %broadcast_in_dim3A_1789 = vector.broadcast %broadcast_in_dim3A_1788 : i32 to vector<16xi32>
      %lt3A_1790 = vector.broadcast %arg1 : i32 to vector<16xi32>
      %lt3A_1791 = arith.cmpi slt, %broadcast_in_dim3A_1789, %lt3A_1790 : vector<16xi32>
      %jit3A_1792 = arith.constant 0 : i32
      %broadcast_in_dim3A_1793 = vector.broadcast %jit3A_1792 : i32 to vector<16xi32>
      %select_n3A_1794 = arith.select %lt3A_1791, %get3A_1786, %broadcast_in_dim3A_1793 : vector<16xi1>, vector<16xi32>
      %add3A_1795 = arith.addi %add3A_1780, %select_n3A_1794 : vector<16xi32>
      %mul3A_1796 = arith.constant 16 : i32
      %mul3A_1797 = arith.muli %scan3A_1629, %mul3A_1796 : i32
      %add3A_1798 = arith.constant 2816 : i32
      %add3A_1799 = arith.addi %add3A_1798, %mul3A_1797 : i32
      %get3A_1800 = arith.index_cast %add3A_1799 : i32 to index
      %get3A_1801 = tpu.vector_load %arg10[%get3A_1800] {strides = array<i32>} : memref<4096xi32, #tpu.memory_space<vmem>>, vector<16xi32>,
      %add3A_1802 = arith.addi %add3A_1787, %get3A_1801 : vector<16xi32>
      %broadcast_in_dim3A_1803 = arith.constant 11 : i32
      %broadcast_in_dim3A_1804 = vector.broadcast %broadcast_in_dim3A_1803 : i32 to vector<16xi32>
      %lt3A_1805 = vector.broadcast %arg1 : i32 to vector<16xi32>
      %lt3A_1806 = arith.cmpi slt, %broadcast_in_dim3A_1804, %lt3A_1805 : vector<16xi32>
      %jit3A_1807 = arith.constant 0 : i32
      %broadcast_in_dim3A_1808 = vector.broadcast %jit3A_1807 : i32 to vector<16xi32>
      %select_n3A_1809 = arith.select %lt3A_1806, %get3A_1801, %broadcast_in_dim3A_1808 : vector<16xi1>, vector<16xi32>
      %add3A_1810 = arith.addi %add3A_1795, %select_n3A_1809 : vector<16xi32>
      %mul3A_1811 = arith.constant 16 : i32
      %mul3A_1812 = arith.muli %scan3A_1629, %mul3A_1811 : i32
      %add3A_1813 = arith.constant 3072 : i32
      %add3A_1814 = arith.addi %add3A_1813, %mul3A_1812 : i32
      %get3A_1815 = arith.index_cast %add3A_1814 : i32 to index
      %get3A_1816 = tpu.vector_load %arg10[%get3A_1815] {strides = array<i32>} : memref<4096xi32, #tpu.memory_space<vmem>>, vector<16xi32>,
      %add3A_1817 = arith.addi %add3A_1802, %get3A_1816 : vector<16xi32>
      %broadcast_in_dim3A_1818 = arith.constant 12 : i32
      %broadcast_in_dim3A_1819 = vector.broadcast %broadcast_in_dim3A_1818 : i32 to vector<16xi32>
      %lt3A_1820 = vector.broadcast %arg1 : i32 to vector<16xi32>
      %lt3A_1821 = arith.cmpi slt, %broadcast_in_dim3A_1819, %lt3A_1820 : vector<16xi32>
      %jit3A_1822 = arith.constant 0 : i32
      %broadcast_in_dim3A_1823 = vector.broadcast %jit3A_1822 : i32 to vector<16xi32>
      %select_n3A_1824 = arith.select %lt3A_1821, %get3A_1816, %broadcast_in_dim3A_1823 : vector<16xi1>, vector<16xi32>
      %add3A_1825 = arith.addi %add3A_1810, %select_n3A_1824 : vector<16xi32>
      %mul3A_1826 = arith.constant 16 : i32
      %mul3A_1827 = arith.muli %scan3A_1629, %mul3A_1826 : i32
      %add3A_1828 = arith.constant 3328 : i32
      %add3A_1829 = arith.addi %add3A_1828, %mul3A_1827 : i32
      %get3A_1830 = arith.index_cast %add3A_1829 : i32 to index
      %get3A_1831 = tpu.vector_load %arg10[%get3A_1830] {strides = array<i32>} : memref<4096xi32, #tpu.memory_space<vmem>>, vector<16xi32>,
      %add3A_1832 = arith.addi %add3A_1817, %get3A_1831 : vector<16xi32>
      %broadcast_in_dim3A_1833 = arith.constant 13 : i32
      %broadcast_in_dim3A_1834 = vector.broadcast %broadcast_in_dim3A_1833 : i32 to vector<16xi32>
      %lt3A_1835 = vector.broadcast %arg1 : i32 to vector<16xi32>
      %lt3A_1836 = arith.cmpi slt, %broadcast_in_dim3A_1834, %lt3A_1835 : vector<16xi32>
      %jit3A_1837 = arith.constant 0 : i32
      %broadcast_in_dim3A_1838 = vector.broadcast %jit3A_1837 : i32 to vector<16xi32>
      %select_n3A_1839 = arith.select %lt3A_1836, %get3A_1831, %broadcast_in_dim3A_1838 : vector<16xi1>, vector<16xi32>
      %add3A_1840 = arith.addi %add3A_1825, %select_n3A_1839 : vector<16xi32>
      %mul3A_1841 = arith.constant 16 : i32
      %mul3A_1842 = arith.muli %scan3A_1629, %mul3A_1841 : i32
      %add3A_1843 = arith.constant 3584 : i32
      %add3A_1844 = arith.addi %add3A_1843, %mul3A_1842 : i32
      %get3A_1845 = arith.index_cast %add3A_1844 : i32 to index
      %get3A_1846 = tpu.vector_load %arg10[%get3A_1845] {strides = array<i32>} : memref<4096xi32, #tpu.memory_space<vmem>>, vector<16xi32>,
      %add3A_1847 = arith.addi %add3A_1832, %get3A_1846 : vector<16xi32>
      %broadcast_in_dim3A_1848 = arith.constant 14 : i32
      %broadcast_in_dim3A_1849 = vector.broadcast %broadcast_in_dim3A_1848 : i32 to vector<16xi32>
      %lt3A_1850 = vector.broadcast %arg1 : i32 to vector<16xi32>
      %lt3A_1851 = arith.cmpi slt, %broadcast_in_dim3A_1849, %lt3A_1850 : vector<16xi32>
      %jit3A_1852 = arith.constant 0 : i32
      %broadcast_in_dim3A_1853 = vector.broadcast %jit3A_1852 : i32 to vector<16xi32>
      %select_n3A_1854 = arith.select %lt3A_1851, %get3A_1846, %broadcast_in_dim3A_1853 : vector<16xi1>, vector<16xi32>
      %add3A_1855 = arith.addi %add3A_1840, %select_n3A_1854 : vector<16xi32>
      %mul3A_1856 = arith.constant 16 : i32
      %mul3A_1857 = arith.muli %scan3A_1629, %mul3A_1856 : i32
      %add3A_1858 = arith.constant 3840 : i32
      %add3A_1859 = arith.addi %add3A_1858, %mul3A_1857 : i32
      %get3A_1860 = arith.index_cast %add3A_1859 : i32 to index
      %get3A_1861 = tpu.vector_load %arg10[%get3A_1860] {strides = array<i32>} : memref<4096xi32, #tpu.memory_space<vmem>>, vector<16xi32>,
      %add3A_1862 = arith.addi %add3A_1847, %get3A_1861 : vector<16xi32>
      %broadcast_in_dim3A_1863 = arith.constant 15 : i32
      %broadcast_in_dim3A_1864 = vector.broadcast %broadcast_in_dim3A_1863 : i32 to vector<16xi32>
      %lt3A_1865 = vector.broadcast %arg1 : i32 to vector<16xi32>
      %lt3A_1866 = arith.cmpi slt, %broadcast_in_dim3A_1864, %lt3A_1865 : vector<16xi32>
      %jit3A_1867 = arith.constant 0 : i32
      %broadcast_in_dim3A_1868 = vector.broadcast %jit3A_1867 : i32 to vector<16xi32>
      %select_n3A_1869 = arith.select %lt3A_1866, %get3A_1861, %broadcast_in_dim3A_1868 : vector<16xi1>, vector<16xi32>
      %add3A_1870 = arith.addi %add3A_1855, %select_n3A_1869 : vector<16xi32>
      %broadcast_in_dim3A_1871 = arith.constant true
      %broadcast_in_dim3A_1872 = vector.broadcast %broadcast_in_dim3A_1871 : i1 to vector<16xi1>
      %masked_cumsum3A = tpu.scan <sum>, %add3A_1862 masked %broadcast_in_dim3A_1872 : vector<16xi32>, vector<16xi1> -> vector<16xi32>
      %sub3A = arith.subi %masked_cumsum3A, %add3A_1862 : vector<16xi32>
      %add3A_1873 = vector.broadcast %scan3A_1630 : i32 to vector<16xi32>
      %add3A_1874 = arith.addi %sub3A, %add3A_1873 : vector<16xi32>
      %add3A_1875 = arith.addi %add3A_1874, %add3A_1870 : vector<16xi32>
      %mul3A_1876 = arith.constant 16 : i32
      %mul3A_1877 = arith.muli %scan3A_1629, %mul3A_1876 : i32
      %swap3A_1878 = arith.index_cast %mul3A_1877 : i32 to index
      %swap3A_1879 = tpu.vector_load %arg9[%swap3A_1878] {strides = array<i32>} : memref<256xi32, #tpu.memory_space<vmem>>, vector<16xi32>,
      tpu.vector_store %arg9[%swap3A_1878], %add3A_1875 {strides = array<i32>} : memref<256xi32, #tpu.memory_space<vmem>>, vector<16xi32>,
      %reduce_sum3A_1880 = arith.constant true
      %reduce_sum3A_1881 = vector.broadcast %reduce_sum3A_1880 : i1 to vector<16xi1>
      %reduce_sum3A_1882 = tpu.scan <sum>, %add3A_1862 masked %reduce_sum3A_1881 : vector<16xi32>, vector<16xi1> -> vector<16xi32>
      %reduce_sum3A_1883 = vector.extract %reduce_sum3A_1882[15] : i32 from vector<16xi32>
      %add3A_1884 = arith.addi %scan3A_1630, %reduce_sum3A_1883 : i32
      scf.yield %add3A_1884 : i32
    }
    %scan3A_760 = arith.constant 16 : i32
    %dma_wait3A_761 = tpu.memref_slice %arg21[%mul3A_0] : memref<32768xi32, #tpu.memory_space<vmem_shared>> -> memref<2048xi32, #tpu.memory_space<vmem_shared>>
    %dma_wait3A_762 = tpu.memref_slice %arg21[%mul3A_0] : memref<32768xi32, #tpu.memory_space<vmem_shared>> -> memref<2048xi32, #tpu.memory_space<vmem_shared>>
    tpu.wait_dma2 semaphore(%arg16 : memref<!tpu.dma_semaphore, #tpu.memory_space<semaphore_mem>>) src(%dma_wait3A_762 : memref<2048xi32, #tpu.memory_space<vmem_shared>>) dst(%arg5 : memref<2048xi32, #tpu.memory_space<vmem>>)
    %scan3A_763 = arith.constant 0 : i32
    %scan3A_764 = arith.constant 0 : i32
    %scan3A_765 = arith.constant 128 : i32
    %scan3A_766 = arith.addi %scan3A_764, %scan3A_765 : i32
    %scan3A_767 = arith.constant 1 : i32
    %scan3A_768 = scf.for %scan3A_1629 = %scan3A_764 to %scan3A_766 step %scan3A_767 iter_args(%scan3A_1630 = %scan3A_763) -> (i32)  : i32 {
      %mul3A_1631 = arith.constant 16 : i32
      %mul3A_1632 = arith.muli %scan3A_1629, %mul3A_1631 : i32
      %get3A_1633 = arith.index_cast %mul3A_1632 : i32 to index
      %get3A_1634 = tpu.vector_load %arg4[%get3A_1633] {strides = array<i32>} : memref<2048xi32, #tpu.memory_space<vmem>>, vector<16xi32>,
      %shift_right_logical3A = arith.constant 16 : i32
      %shift_right_logical3A_1635 = vector.broadcast %shift_right_logical3A : i32 to vector<16xi32>
      %shift_right_logical3A_1636 = arith.shrui %get3A_1634, %shift_right_logical3A_1635 : vector<16xi32>
      %and3A_1637 = arith.constant 255 : i32
      %and3A_1638 = vector.broadcast %and3A_1637 : i32 to vector<16xi32>
      %and3A_1639 = arith.andi %shift_right_logical3A_1636, %and3A_1638 : vector<16xi32>
      %broadcast_in_dim3A_1640 = arith.constant true
      %broadcast_in_dim3A_1641 = vector.broadcast %broadcast_in_dim3A_1640 : i1 to vector<16xi1>
      %unique3A, %unique3A_1642 = tpu.scan_count mask(%broadcast_in_dim3A_1641 : vector<16xi1>) value(%and3A_1639 : vector<16xi32>) : vector<16xi1>, vector<16xi32>
      %gather3A_1643 = tpu.vector_load_idx %arg9[%and3A_1639] : memref<256xi32, #tpu.memory_space<vmem>>[vector<16xi32>], vector<16xi32>,
      %add3A_1644 = arith.addi %gather3A_1643, %unique3A_1642 : vector<16xi32>
      %sub3A = arith.constant 1 : i32
      %sub3A_1645 = vector.broadcast %sub3A : i32 to vector<16xi32>
      %sub3A_1646 = arith.subi %add3A_1644, %sub3A_1645 : vector<16xi32>
      %div3A = arith.constant 8 : i32
      %div3A_1647 = arith.divsi %scan3A_1629, %div3A : i32
      %mul3A_1648 = arith.constant 8 : i32
      %mul3A_1649 = arith.muli %div3A_1647, %mul3A_1648 : i32
      %sub3A_1650 = arith.subi %scan3A_1629, %mul3A_1649 : i32
      %add3A_1651 = vector.broadcast %div3A_1647 : i32 to vector<16xi32>
      %add3A_1652 = arith.addi %broadcast_in_dim3A_1, %add3A_1651 : vector<16xi32>
      %mul3A_1653 = arith.constant 16 : i32
      %mul3A_1654 = arith.muli %sub3A_1650, %mul3A_1653 : i32
      %add3A_1655 = vector.broadcast %mul3A_1654 : i32 to vector<16xi32>
      %add3A_1656 = arith.addi %add3A_1655, %iota3A : vector<16xi32>
      tpu.vector_store_idx %arg7[%add3A_1652, %add3A_1656], %sub3A_1646 : memref<16x128xi32, #tpu.memory_space<vmem>>[vector<16xi32>, vector<16xi32>], vector<16xi32>,
      tpu.vector_store_idx %arg9[%and3A_1639], %unique3A_1642 masked %unique3A {add = true} : memref<256xi32, #tpu.memory_space<vmem>>[vector<16xi32>], vector<16xi32>, vector<16xi1>
      %eq3A_1657 = arith.constant 7 : i32
      %eq3A_1658 = arith.cmpi eq, %sub3A_1650, %eq3A_1657 : i32
      %convert_element_type3A_1659 = arith.extui %eq3A_1658 : i1 to i32
      %cond3A_1660 = arith.constant 0 : i32
      %cond3A_1661 = arith.cmpi ne, %convert_element_type3A_1659, %cond3A_1660 : i32
      scf.if %cond3A_1661 {
        %mul3A_1663 = arith.constant 128 : i32
        %mul3A_1664 = arith.muli %div3A_1647, %mul3A_1663 : i32
        %dma_start3A_1665 = tpu.memref_slice %arg4[%mul3A_1664] : memref<2048xi32, #tpu.memory_space<vmem>> -> memref<128xi32, #tpu.memory_space<vmem>>
        %dma_start3A_1666 = arith.constant 0 : i32
        %dma_start3A_1667 = tpu.memref_slice %arg7[%div3A_1647, %dma_start3A_1666] : memref<16x128xi32, #tpu.memory_space<vmem>> -> memref<1x128xi32, #tpu.memory_space<vmem>>
        %dma_start3A_1668 = tpu.memref_squeeze %dma_start3A_1667 : memref<1x128xi32, #tpu.memory_space<vmem>> -> memref<128xi32, #tpu.memory_space<vmem>>
        %dma_start3A_1669 = arith.constant 0 : i32
        %dma_start3A_1670 = tpu.memref_slice %arg18[%dma_start3A_1669] : memref<32768xi32, #tpu.memory_space<vmem_shared>> -> memref<32768xi32, #tpu.memory_space<vmem_shared>>
        tpu.enqueue_indirect_dma source(%dma_start3A_1665 : memref<128xi32, #tpu.memory_space<vmem>>) target(%dma_start3A_1670 : memref<32768xi32, #tpu.memory_space<vmem_shared>>) offsets(%dma_start3A_1668 : memref<128xi32, #tpu.memory_space<vmem>>) semaphore(%arg15 : memref<!tpu.dma_semaphore, #tpu.memory_space<semaphore_mem>>)
        %mul3A_1671 = arith.constant 128 : i32
        %mul3A_1672 = arith.muli %div3A_1647, %mul3A_1671 : i32
        %dma_start3A_1673 = tpu.memref_slice %arg5[%mul3A_1672] : memref<2048xi32, #tpu.memory_space<vmem>> -> memref<128xi32, #tpu.memory_space<vmem>>
        %dma_start3A_1674 = arith.constant 0 : i32
        %dma_start3A_1675 = tpu.memref_slice %arg7[%div3A_1647, %dma_start3A_1674] : memref<16x128xi32, #tpu.memory_space<vmem>> -> memref<1x128xi32, #tpu.memory_space<vmem>>
        %dma_start3A_1676 = tpu.memref_squeeze %dma_start3A_1675 : memref<1x128xi32, #tpu.memory_space<vmem>> -> memref<128xi32, #tpu.memory_space<vmem>>
        %dma_start3A_1677 = arith.constant 0 : i32
        %dma_start3A_1678 = tpu.memref_slice %arg19[%dma_start3A_1677] : memref<32768xi32, #tpu.memory_space<vmem_shared>> -> memref<32768xi32, #tpu.memory_space<vmem_shared>>
        tpu.enqueue_indirect_dma source(%dma_start3A_1673 : memref<128xi32, #tpu.memory_space<vmem>>) target(%dma_start3A_1678 : memref<32768xi32, #tpu.memory_space<vmem_shared>>) offsets(%dma_start3A_1676 : memref<128xi32, #tpu.memory_space<vmem>>) semaphore(%arg15 : memref<!tpu.dma_semaphore, #tpu.memory_space<semaphore_mem>>)
      } else {
      }
      %scan3A_1662 = arith.constant 0 : i32
      scf.yield %scan3A_1662 : i32
    }
    %scan3A_769 = arith.constant 128 : i32
    %dma_wait3A_770 = arith.constant 0 : i32
    %dma_wait3A_771 = tpu.memref_slice %arg6[%dma_wait3A_770] : memref<2048xi32, #tpu.memory_space<vmem>> -> memref<128xi32, #tpu.memory_space<vmem>>
    %dma_wait3A_772 = arith.constant 0 : i32
    %dma_wait3A_773 = tpu.memref_slice %arg2[%dma_wait3A_772] : memref<32768xi32, #tpu.memory_space<hbm>> -> memref<128xi32, #tpu.memory_space<hbm>>
    %dma_wait3A_774 = arith.constant 0 : i32
    %dma_wait3A_775 = tpu.memref_slice %arg6[%dma_wait3A_774] : memref<2048xi32, #tpu.memory_space<vmem>> -> memref<128xi32, #tpu.memory_space<vmem>>
    %dma_wait3A_776 = arith.constant 0 : i32
    %dma_wait3A_777 = tpu.memref_slice %arg2[%dma_wait3A_776] : memref<32768xi32, #tpu.memory_space<hbm>> -> memref<128xi32, #tpu.memory_space<hbm>>
    tpu.wait_dma2 semaphore(%arg15 : memref<!tpu.dma_semaphore, #tpu.memory_space<semaphore_mem>>) src(%dma_wait3A_777 : memref<128xi32, #tpu.memory_space<hbm>>) dst(%dma_wait3A_775 : memref<128xi32, #tpu.memory_space<vmem>>)
    %dma_wait3A_778 = arith.constant 0 : i32
    %dma_wait3A_779 = tpu.memref_slice %arg6[%dma_wait3A_778] : memref<2048xi32, #tpu.memory_space<vmem>> -> memref<128xi32, #tpu.memory_space<vmem>>
    %dma_wait3A_780 = arith.constant 0 : i32
    %dma_wait3A_781 = tpu.memref_slice %arg2[%dma_wait3A_780] : memref<32768xi32, #tpu.memory_space<hbm>> -> memref<128xi32, #tpu.memory_space<hbm>>
    %dma_wait3A_782 = arith.constant 0 : i32
    %dma_wait3A_783 = tpu.memref_slice %arg6[%dma_wait3A_782] : memref<2048xi32, #tpu.memory_space<vmem>> -> memref<128xi32, #tpu.memory_space<vmem>>
    %dma_wait3A_784 = arith.constant 0 : i32
    %dma_wait3A_785 = tpu.memref_slice %arg2[%dma_wait3A_784] : memref<32768xi32, #tpu.memory_space<hbm>> -> memref<128xi32, #tpu.memory_space<hbm>>
    tpu.wait_dma2 semaphore(%arg15 : memref<!tpu.dma_semaphore, #tpu.memory_space<semaphore_mem>>) src(%dma_wait3A_785 : memref<128xi32, #tpu.memory_space<hbm>>) dst(%dma_wait3A_783 : memref<128xi32, #tpu.memory_space<vmem>>)
    %dma_wait3A_786 = arith.constant 0 : i32
    %dma_wait3A_787 = tpu.memref_slice %arg6[%dma_wait3A_786] : memref<2048xi32, #tpu.memory_space<vmem>> -> memref<128xi32, #tpu.memory_space<vmem>>
    %dma_wait3A_788 = arith.constant 0 : i32
    %dma_wait3A_789 = tpu.memref_slice %arg2[%dma_wait3A_788] : memref<32768xi32, #tpu.memory_space<hbm>> -> memref<128xi32, #tpu.memory_space<hbm>>
    %dma_wait3A_790 = arith.constant 0 : i32
    %dma_wait3A_791 = tpu.memref_slice %arg6[%dma_wait3A_790] : memref<2048xi32, #tpu.memory_space<vmem>> -> memref<128xi32, #tpu.memory_space<vmem>>
    %dma_wait3A_792 = arith.constant 0 : i32
    %dma_wait3A_793 = tpu.memref_slice %arg2[%dma_wait3A_792] : memref<32768xi32, #tpu.memory_space<hbm>> -> memref<128xi32, #tpu.memory_space<hbm>>
    tpu.wait_dma2 semaphore(%arg15 : memref<!tpu.dma_semaphore, #tpu.memory_space<semaphore_mem>>) src(%dma_wait3A_793 : memref<128xi32, #tpu.memory_space<hbm>>) dst(%dma_wait3A_791 : memref<128xi32, #tpu.memory_space<vmem>>)
    %dma_wait3A_794 = arith.constant 0 : i32
    %dma_wait3A_795 = tpu.memref_slice %arg6[%dma_wait3A_794] : memref<2048xi32, #tpu.memory_space<vmem>> -> memref<128xi32, #tpu.memory_space<vmem>>
    %dma_wait3A_796 = arith.constant 0 : i32
    %dma_wait3A_797 = tpu.memref_slice %arg2[%dma_wait3A_796] : memref<32768xi32, #tpu.memory_space<hbm>> -> memref<128xi32, #tpu.memory_space<hbm>>
    %dma_wait3A_798 = arith.constant 0 : i32
    %dma_wait3A_799 = tpu.memref_slice %arg6[%dma_wait3A_798] : memref<2048xi32, #tpu.memory_space<vmem>> -> memref<128xi32, #tpu.memory_space<vmem>>
    %dma_wait3A_800 = arith.constant 0 : i32
    %dma_wait3A_801 = tpu.memref_slice %arg2[%dma_wait3A_800] : memref<32768xi32, #tpu.memory_space<hbm>> -> memref<128xi32, #tpu.memory_space<hbm>>
    tpu.wait_dma2 semaphore(%arg15 : memref<!tpu.dma_semaphore, #tpu.memory_space<semaphore_mem>>) src(%dma_wait3A_801 : memref<128xi32, #tpu.memory_space<hbm>>) dst(%dma_wait3A_799 : memref<128xi32, #tpu.memory_space<vmem>>)
    %dma_wait3A_802 = arith.constant 0 : i32
    %dma_wait3A_803 = tpu.memref_slice %arg6[%dma_wait3A_802] : memref<2048xi32, #tpu.memory_space<vmem>> -> memref<128xi32, #tpu.memory_space<vmem>>
    %dma_wait3A_804 = arith.constant 0 : i32
    %dma_wait3A_805 = tpu.memref_slice %arg2[%dma_wait3A_804] : memref<32768xi32, #tpu.memory_space<hbm>> -> memref<128xi32, #tpu.memory_space<hbm>>
    %dma_wait3A_806 = arith.constant 0 : i32
    %dma_wait3A_807 = tpu.memref_slice %arg6[%dma_wait3A_806] : memref<2048xi32, #tpu.memory_space<vmem>> -> memref<128xi32, #tpu.memory_space<vmem>>
    %dma_wait3A_808 = arith.constant 0 : i32
    %dma_wait3A_809 = tpu.memref_slice %arg2[%dma_wait3A_808] : memref<32768xi32, #tpu.memory_space<hbm>> -> memref<128xi32, #tpu.memory_space<hbm>>
    tpu.wait_dma2 semaphore(%arg15 : memref<!tpu.dma_semaphore, #tpu.memory_space<semaphore_mem>>) src(%dma_wait3A_809 : memref<128xi32, #tpu.memory_space<hbm>>) dst(%dma_wait3A_807 : memref<128xi32, #tpu.memory_space<vmem>>)
    %dma_wait3A_810 = arith.constant 0 : i32
    %dma_wait3A_811 = tpu.memref_slice %arg6[%dma_wait3A_810] : memref<2048xi32, #tpu.memory_space<vmem>> -> memref<128xi32, #tpu.memory_space<vmem>>
    %dma_wait3A_812 = arith.constant 0 : i32
    %dma_wait3A_813 = tpu.memref_slice %arg2[%dma_wait3A_812] : memref<32768xi32, #tpu.memory_space<hbm>> -> memref<128xi32, #tpu.memory_space<hbm>>
    %dma_wait3A_814 = arith.constant 0 : i32
    %dma_wait3A_815 = tpu.memref_slice %arg6[%dma_wait3A_814] : memref<2048xi32, #tpu.memory_space<vmem>> -> memref<128xi32, #tpu.memory_space<vmem>>
    %dma_wait3A_816 = arith.constant 0 : i32
    %dma_wait3A_817 = tpu.memref_slice %arg2[%dma_wait3A_816] : memref<32768xi32, #tpu.memory_space<hbm>> -> memref<128xi32, #tpu.memory_space<hbm>>
    tpu.wait_dma2 semaphore(%arg15 : memref<!tpu.dma_semaphore, #tpu.memory_space<semaphore_mem>>) src(%dma_wait3A_817 : memref<128xi32, #tpu.memory_space<hbm>>) dst(%dma_wait3A_815 : memref<128xi32, #tpu.memory_space<vmem>>)
    %dma_wait3A_818 = arith.constant 0 : i32
    %dma_wait3A_819 = tpu.memref_slice %arg6[%dma_wait3A_818] : memref<2048xi32, #tpu.memory_space<vmem>> -> memref<128xi32, #tpu.memory_space<vmem>>
    %dma_wait3A_820 = arith.constant 0 : i32
    %dma_wait3A_821 = tpu.memref_slice %arg2[%dma_wait3A_820] : memref<32768xi32, #tpu.memory_space<hbm>> -> memref<128xi32, #tpu.memory_space<hbm>>
    %dma_wait3A_822 = arith.constant 0 : i32
    %dma_wait3A_823 = tpu.memref_slice %arg6[%dma_wait3A_822] : memref<2048xi32, #tpu.memory_space<vmem>> -> memref<128xi32, #tpu.memory_space<vmem>>
    %dma_wait3A_824 = arith.constant 0 : i32
    %dma_wait3A_825 = tpu.memref_slice %arg2[%dma_wait3A_824] : memref<32768xi32, #tpu.memory_space<hbm>> -> memref<128xi32, #tpu.memory_space<hbm>>
    tpu.wait_dma2 semaphore(%arg15 : memref<!tpu.dma_semaphore, #tpu.memory_space<semaphore_mem>>) src(%dma_wait3A_825 : memref<128xi32, #tpu.memory_space<hbm>>) dst(%dma_wait3A_823 : memref<128xi32, #tpu.memory_space<vmem>>)
    %dma_wait3A_826 = arith.constant 0 : i32
    %dma_wait3A_827 = tpu.memref_slice %arg6[%dma_wait3A_826] : memref<2048xi32, #tpu.memory_space<vmem>> -> memref<128xi32, #tpu.memory_space<vmem>>
    %dma_wait3A_828 = arith.constant 0 : i32
    %dma_wait3A_829 = tpu.memref_slice %arg2[%dma_wait3A_828] : memref<32768xi32, #tpu.memory_space<hbm>> -> memref<128xi32, #tpu.memory_space<hbm>>
    %dma_wait3A_830 = arith.constant 0 : i32
    %dma_wait3A_831 = tpu.memref_slice %arg6[%dma_wait3A_830] : memref<2048xi32, #tpu.memory_space<vmem>> -> memref<128xi32, #tpu.memory_space<vmem>>
    %dma_wait3A_832 = arith.constant 0 : i32
    %dma_wait3A_833 = tpu.memref_slice %arg2[%dma_wait3A_832] : memref<32768xi32, #tpu.memory_space<hbm>> -> memref<128xi32, #tpu.memory_space<hbm>>
    tpu.wait_dma2 semaphore(%arg15 : memref<!tpu.dma_semaphore, #tpu.memory_space<semaphore_mem>>) src(%dma_wait3A_833 : memref<128xi32, #tpu.memory_space<hbm>>) dst(%dma_wait3A_831 : memref<128xi32, #tpu.memory_space<vmem>>)
    %dma_wait3A_834 = arith.constant 0 : i32
    %dma_wait3A_835 = tpu.memref_slice %arg6[%dma_wait3A_834] : memref<2048xi32, #tpu.memory_space<vmem>> -> memref<128xi32, #tpu.memory_space<vmem>>
    %dma_wait3A_836 = arith.constant 0 : i32
    %dma_wait3A_837 = tpu.memref_slice %arg2[%dma_wait3A_836] : memref<32768xi32, #tpu.memory_space<hbm>> -> memref<128xi32, #tpu.memory_space<hbm>>
    %dma_wait3A_838 = arith.constant 0 : i32
    %dma_wait3A_839 = tpu.memref_slice %arg6[%dma_wait3A_838] : memref<2048xi32, #tpu.memory_space<vmem>> -> memref<128xi32, #tpu.memory_space<vmem>>
    %dma_wait3A_840 = arith.constant 0 : i32
    %dma_wait3A_841 = tpu.memref_slice %arg2[%dma_wait3A_840] : memref<32768xi32, #tpu.memory_space<hbm>> -> memref<128xi32, #tpu.memory_space<hbm>>
    tpu.wait_dma2 semaphore(%arg15 : memref<!tpu.dma_semaphore, #tpu.memory_space<semaphore_mem>>) src(%dma_wait3A_841 : memref<128xi32, #tpu.memory_space<hbm>>) dst(%dma_wait3A_839 : memref<128xi32, #tpu.memory_space<vmem>>)
    %dma_wait3A_842 = arith.constant 0 : i32
    %dma_wait3A_843 = tpu.memref_slice %arg6[%dma_wait3A_842] : memref<2048xi32, #tpu.memory_space<vmem>> -> memref<128xi32, #tpu.memory_space<vmem>>
    %dma_wait3A_844 = arith.constant 0 : i32
    %dma_wait3A_845 = tpu.memref_slice %arg2[%dma_wait3A_844] : memref<32768xi32, #tpu.memory_space<hbm>> -> memref<128xi32, #tpu.memory_space<hbm>>
    %dma_wait3A_846 = arith.constant 0 : i32
    %dma_wait3A_847 = tpu.memref_slice %arg6[%dma_wait3A_846] : memref<2048xi32, #tpu.memory_space<vmem>> -> memref<128xi32, #tpu.memory_space<vmem>>
    %dma_wait3A_848 = arith.constant 0 : i32
    %dma_wait3A_849 = tpu.memref_slice %arg2[%dma_wait3A_848] : memref<32768xi32, #tpu.memory_space<hbm>> -> memref<128xi32, #tpu.memory_space<hbm>>
    tpu.wait_dma2 semaphore(%arg15 : memref<!tpu.dma_semaphore, #tpu.memory_space<semaphore_mem>>) src(%dma_wait3A_849 : memref<128xi32, #tpu.memory_space<hbm>>) dst(%dma_wait3A_847 : memref<128xi32, #tpu.memory_space<vmem>>)
    %dma_wait3A_850 = arith.constant 0 : i32
    %dma_wait3A_851 = tpu.memref_slice %arg6[%dma_wait3A_850] : memref<2048xi32, #tpu.memory_space<vmem>> -> memref<128xi32, #tpu.memory_space<vmem>>
    %dma_wait3A_852 = arith.constant 0 : i32
    %dma_wait3A_853 = tpu.memref_slice %arg2[%dma_wait3A_852] : memref<32768xi32, #tpu.memory_space<hbm>> -> memref<128xi32, #tpu.memory_space<hbm>>
    %dma_wait3A_854 = arith.constant 0 : i32
    %dma_wait3A_855 = tpu.memref_slice %arg6[%dma_wait3A_854] : memref<2048xi32, #tpu.memory_space<vmem>> -> memref<128xi32, #tpu.memory_space<vmem>>
    %dma_wait3A_856 = arith.constant 0 : i32
    %dma_wait3A_857 = tpu.memref_slice %arg2[%dma_wait3A_856] : memref<32768xi32, #tpu.memory_space<hbm>> -> memref<128xi32, #tpu.memory_space<hbm>>
    tpu.wait_dma2 semaphore(%arg15 : memref<!tpu.dma_semaphore, #tpu.memory_space<semaphore_mem>>) src(%dma_wait3A_857 : memref<128xi32, #tpu.memory_space<hbm>>) dst(%dma_wait3A_855 : memref<128xi32, #tpu.memory_space<vmem>>)
    %dma_wait3A_858 = arith.constant 0 : i32
    %dma_wait3A_859 = tpu.memref_slice %arg6[%dma_wait3A_858] : memref<2048xi32, #tpu.memory_space<vmem>> -> memref<128xi32, #tpu.memory_space<vmem>>
    %dma_wait3A_860 = arith.constant 0 : i32
    %dma_wait3A_861 = tpu.memref_slice %arg2[%dma_wait3A_860] : memref<32768xi32, #tpu.memory_space<hbm>> -> memref<128xi32, #tpu.memory_space<hbm>>
    %dma_wait3A_862 = arith.constant 0 : i32
    %dma_wait3A_863 = tpu.memref_slice %arg6[%dma_wait3A_862] : memref<2048xi32, #tpu.memory_space<vmem>> -> memref<128xi32, #tpu.memory_space<vmem>>
    %dma_wait3A_864 = arith.constant 0 : i32
    %dma_wait3A_865 = tpu.memref_slice %arg2[%dma_wait3A_864] : memref<32768xi32, #tpu.memory_space<hbm>> -> memref<128xi32, #tpu.memory_space<hbm>>
    tpu.wait_dma2 semaphore(%arg15 : memref<!tpu.dma_semaphore, #tpu.memory_space<semaphore_mem>>) src(%dma_wait3A_865 : memref<128xi32, #tpu.memory_space<hbm>>) dst(%dma_wait3A_863 : memref<128xi32, #tpu.memory_space<vmem>>)
    %dma_wait3A_866 = arith.constant 0 : i32
    %dma_wait3A_867 = tpu.memref_slice %arg6[%dma_wait3A_866] : memref<2048xi32, #tpu.memory_space<vmem>> -> memref<128xi32, #tpu.memory_space<vmem>>
    %dma_wait3A_868 = arith.constant 0 : i32
    %dma_wait3A_869 = tpu.memref_slice %arg2[%dma_wait3A_868] : memref<32768xi32, #tpu.memory_space<hbm>> -> memref<128xi32, #tpu.memory_space<hbm>>
    %dma_wait3A_870 = arith.constant 0 : i32
    %dma_wait3A_871 = tpu.memref_slice %arg6[%dma_wait3A_870] : memref<2048xi32, #tpu.memory_space<vmem>> -> memref<128xi32, #tpu.memory_space<vmem>>
    %dma_wait3A_872 = arith.constant 0 : i32
    %dma_wait3A_873 = tpu.memref_slice %arg2[%dma_wait3A_872] : memref<32768xi32, #tpu.memory_space<hbm>> -> memref<128xi32, #tpu.memory_space<hbm>>
    tpu.wait_dma2 semaphore(%arg15 : memref<!tpu.dma_semaphore, #tpu.memory_space<semaphore_mem>>) src(%dma_wait3A_873 : memref<128xi32, #tpu.memory_space<hbm>>) dst(%dma_wait3A_871 : memref<128xi32, #tpu.memory_space<vmem>>)
    %dma_wait3A_874 = arith.constant 0 : i32
    %dma_wait3A_875 = tpu.memref_slice %arg6[%dma_wait3A_874] : memref<2048xi32, #tpu.memory_space<vmem>> -> memref<128xi32, #tpu.memory_space<vmem>>
    %dma_wait3A_876 = arith.constant 0 : i32
    %dma_wait3A_877 = tpu.memref_slice %arg2[%dma_wait3A_876] : memref<32768xi32, #tpu.memory_space<hbm>> -> memref<128xi32, #tpu.memory_space<hbm>>
    %dma_wait3A_878 = arith.constant 0 : i32
    %dma_wait3A_879 = tpu.memref_slice %arg6[%dma_wait3A_878] : memref<2048xi32, #tpu.memory_space<vmem>> -> memref<128xi32, #tpu.memory_space<vmem>>
    %dma_wait3A_880 = arith.constant 0 : i32
    %dma_wait3A_881 = tpu.memref_slice %arg2[%dma_wait3A_880] : memref<32768xi32, #tpu.memory_space<hbm>> -> memref<128xi32, #tpu.memory_space<hbm>>
    tpu.wait_dma2 semaphore(%arg15 : memref<!tpu.dma_semaphore, #tpu.memory_space<semaphore_mem>>) src(%dma_wait3A_881 : memref<128xi32, #tpu.memory_space<hbm>>) dst(%dma_wait3A_879 : memref<128xi32, #tpu.memory_space<vmem>>)
    %dma_wait3A_882 = arith.constant 0 : i32
    %dma_wait3A_883 = tpu.memref_slice %arg6[%dma_wait3A_882] : memref<2048xi32, #tpu.memory_space<vmem>> -> memref<128xi32, #tpu.memory_space<vmem>>
    %dma_wait3A_884 = arith.constant 0 : i32
    %dma_wait3A_885 = tpu.memref_slice %arg2[%dma_wait3A_884] : memref<32768xi32, #tpu.memory_space<hbm>> -> memref<128xi32, #tpu.memory_space<hbm>>
    %dma_wait3A_886 = arith.constant 0 : i32
    %dma_wait3A_887 = tpu.memref_slice %arg6[%dma_wait3A_886] : memref<2048xi32, #tpu.memory_space<vmem>> -> memref<128xi32, #tpu.memory_space<vmem>>
    %dma_wait3A_888 = arith.constant 0 : i32
    %dma_wait3A_889 = tpu.memref_slice %arg2[%dma_wait3A_888] : memref<32768xi32, #tpu.memory_space<hbm>> -> memref<128xi32, #tpu.memory_space<hbm>>
    tpu.wait_dma2 semaphore(%arg15 : memref<!tpu.dma_semaphore, #tpu.memory_space<semaphore_mem>>) src(%dma_wait3A_889 : memref<128xi32, #tpu.memory_space<hbm>>) dst(%dma_wait3A_887 : memref<128xi32, #tpu.memory_space<vmem>>)
    %dma_wait3A_890 = arith.constant 0 : i32
    %dma_wait3A_891 = tpu.memref_slice %arg6[%dma_wait3A_890] : memref<2048xi32, #tpu.memory_space<vmem>> -> memref<128xi32, #tpu.memory_space<vmem>>
    %dma_wait3A_892 = arith.constant 0 : i32
    %dma_wait3A_893 = tpu.memref_slice %arg2[%dma_wait3A_892] : memref<32768xi32, #tpu.memory_space<hbm>> -> memref<128xi32, #tpu.memory_space<hbm>>
    %dma_wait3A_894 = arith.constant 0 : i32
    %dma_wait3A_895 = tpu.memref_slice %arg6[%dma_wait3A_894] : memref<2048xi32, #tpu.memory_space<vmem>> -> memref<128xi32, #tpu.memory_space<vmem>>
    %dma_wait3A_896 = arith.constant 0 : i32
    %dma_wait3A_897 = tpu.memref_slice %arg2[%dma_wait3A_896] : memref<32768xi32, #tpu.memory_space<hbm>> -> memref<128xi32, #tpu.memory_space<hbm>>
    tpu.wait_dma2 semaphore(%arg15 : memref<!tpu.dma_semaphore, #tpu.memory_space<semaphore_mem>>) src(%dma_wait3A_897 : memref<128xi32, #tpu.memory_space<hbm>>) dst(%dma_wait3A_895 : memref<128xi32, #tpu.memory_space<vmem>>)
    %dma_wait3A_898 = arith.constant 0 : i32
    %dma_wait3A_899 = tpu.memref_slice %arg6[%dma_wait3A_898] : memref<2048xi32, #tpu.memory_space<vmem>> -> memref<128xi32, #tpu.memory_space<vmem>>
    %dma_wait3A_900 = arith.constant 0 : i32
    %dma_wait3A_901 = tpu.memref_slice %arg2[%dma_wait3A_900] : memref<32768xi32, #tpu.memory_space<hbm>> -> memref<128xi32, #tpu.memory_space<hbm>>
    %dma_wait3A_902 = arith.constant 0 : i32
    %dma_wait3A_903 = tpu.memref_slice %arg6[%dma_wait3A_902] : memref<2048xi32, #tpu.memory_space<vmem>> -> memref<128xi32, #tpu.memory_space<vmem>>
    %dma_wait3A_904 = arith.constant 0 : i32
    %dma_wait3A_905 = tpu.memref_slice %arg2[%dma_wait3A_904] : memref<32768xi32, #tpu.memory_space<hbm>> -> memref<128xi32, #tpu.memory_space<hbm>>
    tpu.wait_dma2 semaphore(%arg15 : memref<!tpu.dma_semaphore, #tpu.memory_space<semaphore_mem>>) src(%dma_wait3A_905 : memref<128xi32, #tpu.memory_space<hbm>>) dst(%dma_wait3A_903 : memref<128xi32, #tpu.memory_space<vmem>>)
    %dma_wait3A_906 = arith.constant 0 : i32
    %dma_wait3A_907 = tpu.memref_slice %arg6[%dma_wait3A_906] : memref<2048xi32, #tpu.memory_space<vmem>> -> memref<128xi32, #tpu.memory_space<vmem>>
    %dma_wait3A_908 = arith.constant 0 : i32
    %dma_wait3A_909 = tpu.memref_slice %arg2[%dma_wait3A_908] : memref<32768xi32, #tpu.memory_space<hbm>> -> memref<128xi32, #tpu.memory_space<hbm>>
    %dma_wait3A_910 = arith.constant 0 : i32
    %dma_wait3A_911 = tpu.memref_slice %arg6[%dma_wait3A_910] : memref<2048xi32, #tpu.memory_space<vmem>> -> memref<128xi32, #tpu.memory_space<vmem>>
    %dma_wait3A_912 = arith.constant 0 : i32
    %dma_wait3A_913 = tpu.memref_slice %arg2[%dma_wait3A_912] : memref<32768xi32, #tpu.memory_space<hbm>> -> memref<128xi32, #tpu.memory_space<hbm>>
    tpu.wait_dma2 semaphore(%arg15 : memref<!tpu.dma_semaphore, #tpu.memory_space<semaphore_mem>>) src(%dma_wait3A_913 : memref<128xi32, #tpu.memory_space<hbm>>) dst(%dma_wait3A_911 : memref<128xi32, #tpu.memory_space<vmem>>)
    %dma_wait3A_914 = arith.constant 0 : i32
    %dma_wait3A_915 = tpu.memref_slice %arg6[%dma_wait3A_914] : memref<2048xi32, #tpu.memory_space<vmem>> -> memref<128xi32, #tpu.memory_space<vmem>>
    %dma_wait3A_916 = arith.constant 0 : i32
    %dma_wait3A_917 = tpu.memref_slice %arg2[%dma_wait3A_916] : memref<32768xi32, #tpu.memory_space<hbm>> -> memref<128xi32, #tpu.memory_space<hbm>>
    %dma_wait3A_918 = arith.constant 0 : i32
    %dma_wait3A_919 = tpu.memref_slice %arg6[%dma_wait3A_918] : memref<2048xi32, #tpu.memory_space<vmem>> -> memref<128xi32, #tpu.memory_space<vmem>>
    %dma_wait3A_920 = arith.constant 0 : i32
    %dma_wait3A_921 = tpu.memref_slice %arg2[%dma_wait3A_920] : memref<32768xi32, #tpu.memory_space<hbm>> -> memref<128xi32, #tpu.memory_space<hbm>>
    tpu.wait_dma2 semaphore(%arg15 : memref<!tpu.dma_semaphore, #tpu.memory_space<semaphore_mem>>) src(%dma_wait3A_921 : memref<128xi32, #tpu.memory_space<hbm>>) dst(%dma_wait3A_919 : memref<128xi32, #tpu.memory_space<vmem>>)
    %dma_wait3A_922 = arith.constant 0 : i32
    %dma_wait3A_923 = tpu.memref_slice %arg6[%dma_wait3A_922] : memref<2048xi32, #tpu.memory_space<vmem>> -> memref<128xi32, #tpu.memory_space<vmem>>
    %dma_wait3A_924 = arith.constant 0 : i32
    %dma_wait3A_925 = tpu.memref_slice %arg2[%dma_wait3A_924] : memref<32768xi32, #tpu.memory_space<hbm>> -> memref<128xi32, #tpu.memory_space<hbm>>
    %dma_wait3A_926 = arith.constant 0 : i32
    %dma_wait3A_927 = tpu.memref_slice %arg6[%dma_wait3A_926] : memref<2048xi32, #tpu.memory_space<vmem>> -> memref<128xi32, #tpu.memory_space<vmem>>
    %dma_wait3A_928 = arith.constant 0 : i32
    %dma_wait3A_929 = tpu.memref_slice %arg2[%dma_wait3A_928] : memref<32768xi32, #tpu.memory_space<hbm>> -> memref<128xi32, #tpu.memory_space<hbm>>
    tpu.wait_dma2 semaphore(%arg15 : memref<!tpu.dma_semaphore, #tpu.memory_space<semaphore_mem>>) src(%dma_wait3A_929 : memref<128xi32, #tpu.memory_space<hbm>>) dst(%dma_wait3A_927 : memref<128xi32, #tpu.memory_space<vmem>>)
    %dma_wait3A_930 = arith.constant 0 : i32
    %dma_wait3A_931 = tpu.memref_slice %arg6[%dma_wait3A_930] : memref<2048xi32, #tpu.memory_space<vmem>> -> memref<128xi32, #tpu.memory_space<vmem>>
    %dma_wait3A_932 = arith.constant 0 : i32
    %dma_wait3A_933 = tpu.memref_slice %arg2[%dma_wait3A_932] : memref<32768xi32, #tpu.memory_space<hbm>> -> memref<128xi32, #tpu.memory_space<hbm>>
    %dma_wait3A_934 = arith.constant 0 : i32
    %dma_wait3A_935 = tpu.memref_slice %arg6[%dma_wait3A_934] : memref<2048xi32, #tpu.memory_space<vmem>> -> memref<128xi32, #tpu.memory_space<vmem>>
    %dma_wait3A_936 = arith.constant 0 : i32
    %dma_wait3A_937 = tpu.memref_slice %arg2[%dma_wait3A_936] : memref<32768xi32, #tpu.memory_space<hbm>> -> memref<128xi32, #tpu.memory_space<hbm>>
    tpu.wait_dma2 semaphore(%arg15 : memref<!tpu.dma_semaphore, #tpu.memory_space<semaphore_mem>>) src(%dma_wait3A_937 : memref<128xi32, #tpu.memory_space<hbm>>) dst(%dma_wait3A_935 : memref<128xi32, #tpu.memory_space<vmem>>)
    %dma_wait3A_938 = arith.constant 0 : i32
    %dma_wait3A_939 = tpu.memref_slice %arg6[%dma_wait3A_938] : memref<2048xi32, #tpu.memory_space<vmem>> -> memref<128xi32, #tpu.memory_space<vmem>>
    %dma_wait3A_940 = arith.constant 0 : i32
    %dma_wait3A_941 = tpu.memref_slice %arg2[%dma_wait3A_940] : memref<32768xi32, #tpu.memory_space<hbm>> -> memref<128xi32, #tpu.memory_space<hbm>>
    %dma_wait3A_942 = arith.constant 0 : i32
    %dma_wait3A_943 = tpu.memref_slice %arg6[%dma_wait3A_942] : memref<2048xi32, #tpu.memory_space<vmem>> -> memref<128xi32, #tpu.memory_space<vmem>>
    %dma_wait3A_944 = arith.constant 0 : i32
    %dma_wait3A_945 = tpu.memref_slice %arg2[%dma_wait3A_944] : memref<32768xi32, #tpu.memory_space<hbm>> -> memref<128xi32, #tpu.memory_space<hbm>>
    tpu.wait_dma2 semaphore(%arg15 : memref<!tpu.dma_semaphore, #tpu.memory_space<semaphore_mem>>) src(%dma_wait3A_945 : memref<128xi32, #tpu.memory_space<hbm>>) dst(%dma_wait3A_943 : memref<128xi32, #tpu.memory_space<vmem>>)
    %dma_wait3A_946 = arith.constant 0 : i32
    %dma_wait3A_947 = tpu.memref_slice %arg6[%dma_wait3A_946] : memref<2048xi32, #tpu.memory_space<vmem>> -> memref<128xi32, #tpu.memory_space<vmem>>
    %dma_wait3A_948 = arith.constant 0 : i32
    %dma_wait3A_949 = tpu.memref_slice %arg2[%dma_wait3A_948] : memref<32768xi32, #tpu.memory_space<hbm>> -> memref<128xi32, #tpu.memory_space<hbm>>
    %dma_wait3A_950 = arith.constant 0 : i32
    %dma_wait3A_951 = tpu.memref_slice %arg6[%dma_wait3A_950] : memref<2048xi32, #tpu.memory_space<vmem>> -> memref<128xi32, #tpu.memory_space<vmem>>
    %dma_wait3A_952 = arith.constant 0 : i32
    %dma_wait3A_953 = tpu.memref_slice %arg2[%dma_wait3A_952] : memref<32768xi32, #tpu.memory_space<hbm>> -> memref<128xi32, #tpu.memory_space<hbm>>
    tpu.wait_dma2 semaphore(%arg15 : memref<!tpu.dma_semaphore, #tpu.memory_space<semaphore_mem>>) src(%dma_wait3A_953 : memref<128xi32, #tpu.memory_space<hbm>>) dst(%dma_wait3A_951 : memref<128xi32, #tpu.memory_space<vmem>>)
    %dma_wait3A_954 = arith.constant 0 : i32
    %dma_wait3A_955 = tpu.memref_slice %arg6[%dma_wait3A_954] : memref<2048xi32, #tpu.memory_space<vmem>> -> memref<128xi32, #tpu.memory_space<vmem>>
    %dma_wait3A_956 = arith.constant 0 : i32
    %dma_wait3A_957 = tpu.memref_slice %arg2[%dma_wait3A_956] : memref<32768xi32, #tpu.memory_space<hbm>> -> memref<128xi32, #tpu.memory_space<hbm>>
    %dma_wait3A_958 = arith.constant 0 : i32
    %dma_wait3A_959 = tpu.memref_slice %arg6[%dma_wait3A_958] : memref<2048xi32, #tpu.memory_space<vmem>> -> memref<128xi32, #tpu.memory_space<vmem>>
    %dma_wait3A_960 = arith.constant 0 : i32
    %dma_wait3A_961 = tpu.memref_slice %arg2[%dma_wait3A_960] : memref<32768xi32, #tpu.memory_space<hbm>> -> memref<128xi32, #tpu.memory_space<hbm>>
    tpu.wait_dma2 semaphore(%arg15 : memref<!tpu.dma_semaphore, #tpu.memory_space<semaphore_mem>>) src(%dma_wait3A_961 : memref<128xi32, #tpu.memory_space<hbm>>) dst(%dma_wait3A_959 : memref<128xi32, #tpu.memory_space<vmem>>)
    %dma_wait3A_962 = arith.constant 0 : i32
    %dma_wait3A_963 = tpu.memref_slice %arg6[%dma_wait3A_962] : memref<2048xi32, #tpu.memory_space<vmem>> -> memref<128xi32, #tpu.memory_space<vmem>>
    %dma_wait3A_964 = arith.constant 0 : i32
    %dma_wait3A_965 = tpu.memref_slice %arg2[%dma_wait3A_964] : memref<32768xi32, #tpu.memory_space<hbm>> -> memref<128xi32, #tpu.memory_space<hbm>>
    %dma_wait3A_966 = arith.constant 0 : i32
    %dma_wait3A_967 = tpu.memref_slice %arg6[%dma_wait3A_966] : memref<2048xi32, #tpu.memory_space<vmem>> -> memref<128xi32, #tpu.memory_space<vmem>>
    %dma_wait3A_968 = arith.constant 0 : i32
    %dma_wait3A_969 = tpu.memref_slice %arg2[%dma_wait3A_968] : memref<32768xi32, #tpu.memory_space<hbm>> -> memref<128xi32, #tpu.memory_space<hbm>>
    tpu.wait_dma2 semaphore(%arg15 : memref<!tpu.dma_semaphore, #tpu.memory_space<semaphore_mem>>) src(%dma_wait3A_969 : memref<128xi32, #tpu.memory_space<hbm>>) dst(%dma_wait3A_967 : memref<128xi32, #tpu.memory_space<vmem>>)
    %dma_wait3A_970 = arith.constant 0 : i32
    %dma_wait3A_971 = tpu.memref_slice %arg6[%dma_wait3A_970] : memref<2048xi32, #tpu.memory_space<vmem>> -> memref<128xi32, #tpu.memory_space<vmem>>
    %dma_wait3A_972 = arith.constant 0 : i32
    %dma_wait3A_973 = tpu.memref_slice %arg2[%dma_wait3A_972] : memref<32768xi32, #tpu.memory_space<hbm>> -> memref<128xi32, #tpu.memory_space<hbm>>
    %dma_wait3A_974 = arith.constant 0 : i32
    %dma_wait3A_975 = tpu.memref_slice %arg6[%dma_wait3A_974] : memref<2048xi32, #tpu.memory_space<vmem>> -> memref<128xi32, #tpu.memory_space<vmem>>
    %dma_wait3A_976 = arith.constant 0 : i32
    %dma_wait3A_977 = tpu.memref_slice %arg2[%dma_wait3A_976] : memref<32768xi32, #tpu.memory_space<hbm>> -> memref<128xi32, #tpu.memory_space<hbm>>
    tpu.wait_dma2 semaphore(%arg15 : memref<!tpu.dma_semaphore, #tpu.memory_space<semaphore_mem>>) src(%dma_wait3A_977 : memref<128xi32, #tpu.memory_space<hbm>>) dst(%dma_wait3A_975 : memref<128xi32, #tpu.memory_space<vmem>>)
    %dma_wait3A_978 = arith.constant 0 : i32
    %dma_wait3A_979 = tpu.memref_slice %arg6[%dma_wait3A_978] : memref<2048xi32, #tpu.memory_space<vmem>> -> memref<128xi32, #tpu.memory_space<vmem>>
    %dma_wait3A_980 = arith.constant 0 : i32
    %dma_wait3A_981 = tpu.memref_slice %arg2[%dma_wait3A_980] : memref<32768xi32, #tpu.memory_space<hbm>> -> memref<128xi32, #tpu.memory_space<hbm>>
    %dma_wait3A_982 = arith.constant 0 : i32
    %dma_wait3A_983 = tpu.memref_slice %arg6[%dma_wait3A_982] : memref<2048xi32, #tpu.memory_space<vmem>> -> memref<128xi32, #tpu.memory_space<vmem>>
    %dma_wait3A_984 = arith.constant 0 : i32
    %dma_wait3A_985 = tpu.memref_slice %arg2[%dma_wait3A_984] : memref<32768xi32, #tpu.memory_space<hbm>> -> memref<128xi32, #tpu.memory_space<hbm>>
    tpu.wait_dma2 semaphore(%arg15 : memref<!tpu.dma_semaphore, #tpu.memory_space<semaphore_mem>>) src(%dma_wait3A_985 : memref<128xi32, #tpu.memory_space<hbm>>) dst(%dma_wait3A_983 : memref<128xi32, #tpu.memory_space<vmem>>)
    %dma_wait3A_986 = arith.constant 0 : i32
    %dma_wait3A_987 = tpu.memref_slice %arg6[%dma_wait3A_986] : memref<2048xi32, #tpu.memory_space<vmem>> -> memref<128xi32, #tpu.memory_space<vmem>>
    %dma_wait3A_988 = arith.constant 0 : i32
    %dma_wait3A_989 = tpu.memref_slice %arg2[%dma_wait3A_988] : memref<32768xi32, #tpu.memory_space<hbm>> -> memref<128xi32, #tpu.memory_space<hbm>>
    %dma_wait3A_990 = arith.constant 0 : i32
    %dma_wait3A_991 = tpu.memref_slice %arg6[%dma_wait3A_990] : memref<2048xi32, #tpu.memory_space<vmem>> -> memref<128xi32, #tpu.memory_space<vmem>>
    %dma_wait3A_992 = arith.constant 0 : i32
    %dma_wait3A_993 = tpu.memref_slice %arg2[%dma_wait3A_992] : memref<32768xi32, #tpu.memory_space<hbm>> -> memref<128xi32, #tpu.memory_space<hbm>>
    tpu.wait_dma2 semaphore(%arg15 : memref<!tpu.dma_semaphore, #tpu.memory_space<semaphore_mem>>) src(%dma_wait3A_993 : memref<128xi32, #tpu.memory_space<hbm>>) dst(%dma_wait3A_991 : memref<128xi32, #tpu.memory_space<vmem>>)
    %dma_wait3A_994 = arith.constant 0 : i32
    %dma_wait3A_995 = tpu.memref_slice %arg6[%dma_wait3A_994] : memref<2048xi32, #tpu.memory_space<vmem>> -> memref<128xi32, #tpu.memory_space<vmem>>
    %dma_wait3A_996 = arith.constant 0 : i32
    %dma_wait3A_997 = tpu.memref_slice %arg2[%dma_wait3A_996] : memref<32768xi32, #tpu.memory_space<hbm>> -> memref<128xi32, #tpu.memory_space<hbm>>
    %dma_wait3A_998 = arith.constant 0 : i32
    %dma_wait3A_999 = tpu.memref_slice %arg6[%dma_wait3A_998] : memref<2048xi32, #tpu.memory_space<vmem>> -> memref<128xi32, #tpu.memory_space<vmem>>
    %dma_wait3A_1000 = arith.constant 0 : i32
    %dma_wait3A_1001 = tpu.memref_slice %arg2[%dma_wait3A_1000] : memref<32768xi32, #tpu.memory_space<hbm>> -> memref<128xi32, #tpu.memory_space<hbm>>
    tpu.wait_dma2 semaphore(%arg15 : memref<!tpu.dma_semaphore, #tpu.memory_space<semaphore_mem>>) src(%dma_wait3A_1001 : memref<128xi32, #tpu.memory_space<hbm>>) dst(%dma_wait3A_999 : memref<128xi32, #tpu.memory_space<vmem>>)
    %dma_wait3A_1002 = arith.constant 0 : i32
    %dma_wait3A_1003 = tpu.memref_slice %arg6[%dma_wait3A_1002] : memref<2048xi32, #tpu.memory_space<vmem>> -> memref<128xi32, #tpu.memory_space<vmem>>
    %dma_wait3A_1004 = arith.constant 0 : i32
    %dma_wait3A_1005 = tpu.memref_slice %arg2[%dma_wait3A_1004] : memref<32768xi32, #tpu.memory_space<hbm>> -> memref<128xi32, #tpu.memory_space<hbm>>
    %dma_wait3A_1006 = arith.constant 0 : i32
    %dma_wait3A_1007 = tpu.memref_slice %arg6[%dma_wait3A_1006] : memref<2048xi32, #tpu.memory_space<vmem>> -> memref<128xi32, #tpu.memory_space<vmem>>
    %dma_wait3A_1008 = arith.constant 0 : i32
    %dma_wait3A_1009 = tpu.memref_slice %arg2[%dma_wait3A_1008] : memref<32768xi32, #tpu.memory_space<hbm>> -> memref<128xi32, #tpu.memory_space<hbm>>
    tpu.wait_dma2 semaphore(%arg15 : memref<!tpu.dma_semaphore, #tpu.memory_space<semaphore_mem>>) src(%dma_wait3A_1009 : memref<128xi32, #tpu.memory_space<hbm>>) dst(%dma_wait3A_1007 : memref<128xi32, #tpu.memory_space<vmem>>)
    %dma_wait3A_1010 = arith.constant 0 : i32
    %dma_wait3A_1011 = tpu.memref_slice %arg6[%dma_wait3A_1010] : memref<2048xi32, #tpu.memory_space<vmem>> -> memref<128xi32, #tpu.memory_space<vmem>>
    %dma_wait3A_1012 = arith.constant 0 : i32
    %dma_wait3A_1013 = tpu.memref_slice %arg2[%dma_wait3A_1012] : memref<32768xi32, #tpu.memory_space<hbm>> -> memref<128xi32, #tpu.memory_space<hbm>>
    %dma_wait3A_1014 = arith.constant 0 : i32
    %dma_wait3A_1015 = tpu.memref_slice %arg6[%dma_wait3A_1014] : memref<2048xi32, #tpu.memory_space<vmem>> -> memref<128xi32, #tpu.memory_space<vmem>>
    %dma_wait3A_1016 = arith.constant 0 : i32
    %dma_wait3A_1017 = tpu.memref_slice %arg2[%dma_wait3A_1016] : memref<32768xi32, #tpu.memory_space<hbm>> -> memref<128xi32, #tpu.memory_space<hbm>>
    tpu.wait_dma2 semaphore(%arg15 : memref<!tpu.dma_semaphore, #tpu.memory_space<semaphore_mem>>) src(%dma_wait3A_1017 : memref<128xi32, #tpu.memory_space<hbm>>) dst(%dma_wait3A_1015 : memref<128xi32, #tpu.memory_space<vmem>>)
    %dma_wait3A_1018 = arith.constant 0 : i32
    %dma_wait3A_1019 = tpu.memref_slice %arg6[%dma_wait3A_1018] : memref<2048xi32, #tpu.memory_space<vmem>> -> memref<128xi32, #tpu.memory_space<vmem>>
    %dma_wait3A_1020 = arith.constant 0 : i32
    %dma_wait3A_1021 = tpu.memref_slice %arg2[%dma_wait3A_1020] : memref<32768xi32, #tpu.memory_space<hbm>> -> memref<128xi32, #tpu.memory_space<hbm>>
    %dma_wait3A_1022 = arith.constant 0 : i32
    %dma_wait3A_1023 = tpu.memref_slice %arg6[%dma_wait3A_1022] : memref<2048xi32, #tpu.memory_space<vmem>> -> memref<128xi32, #tpu.memory_space<vmem>>
    %dma_wait3A_1024 = arith.constant 0 : i32
    %dma_wait3A_1025 = tpu.memref_slice %arg2[%dma_wait3A_1024] : memref<32768xi32, #tpu.memory_space<hbm>> -> memref<128xi32, #tpu.memory_space<hbm>>
    tpu.wait_dma2 semaphore(%arg15 : memref<!tpu.dma_semaphore, #tpu.memory_space<semaphore_mem>>) src(%dma_wait3A_1025 : memref<128xi32, #tpu.memory_space<hbm>>) dst(%dma_wait3A_1023 : memref<128xi32, #tpu.memory_space<vmem>>)
    %barrier3A_1026 = arith.constant 0 : index
    tpu.barrier barrier_id(%barrier3A_1026)
    %dma_start3A_1027 = tpu.memref_slice %arg19[%mul3A_0] : memref<32768xi32, #tpu.memory_space<vmem_shared>> -> memref<2048xi32, #tpu.memory_space<vmem_shared>>
    %dma_start3A_1028 = tpu.memref_slice %arg19[%mul3A_0] : memref<32768xi32, #tpu.memory_space<vmem_shared>> -> memref<2048xi32, #tpu.memory_space<vmem_shared>>
    tpu.enqueue_dma source(%dma_start3A_1028 : memref<2048xi32, #tpu.memory_space<vmem_shared>>) target(%arg5 : memref<2048xi32, #tpu.memory_space<vmem>>) target_semaphore(%arg16 : memref<!tpu.dma_semaphore, #tpu.memory_space<semaphore_mem>>)
    %dma_start3A_1029 = arith.constant 0 : i32
    %dma_start3A_1030 = tpu.memref_slice %arg4[%dma_start3A_1029] : memref<2048xi32, #tpu.memory_space<vmem>> -> memref<1024xi32, #tpu.memory_space<vmem>>
    %dma_start3A_1031 = tpu.memref_slice %arg18[%mul3A_0] : memref<32768xi32, #tpu.memory_space<vmem_shared>> -> memref<1024xi32, #tpu.memory_space<vmem_shared>>
    %dma_start3A_1032 = arith.constant 0 : i32
    %dma_start3A_1033 = tpu.memref_slice %arg4[%dma_start3A_1032] : memref<2048xi32, #tpu.memory_space<vmem>> -> memref<1024xi32, #tpu.memory_space<vmem>>
    %dma_start3A_1034 = tpu.memref_slice %arg18[%mul3A_0] : memref<32768xi32, #tpu.memory_space<vmem_shared>> -> memref<1024xi32, #tpu.memory_space<vmem_shared>>
    tpu.enqueue_dma source(%dma_start3A_1034 : memref<1024xi32, #tpu.memory_space<vmem_shared>>) target(%dma_start3A_1033 : memref<1024xi32, #tpu.memory_space<vmem>>) target_semaphore(%arg17 : memref<!tpu.dma_semaphore, #tpu.memory_space<semaphore_mem>>)
    %add3A_1035 = arith.constant 1024 : i32
    %add3A_1036 = arith.addi %mul3A_0, %add3A_1035 : i32
    %dma_start3A_1037 = arith.constant 1024 : i32
    %dma_start3A_1038 = tpu.memref_slice %arg4[%dma_start3A_1037] : memref<2048xi32, #tpu.memory_space<vmem>> -> memref<1024xi32, #tpu.memory_space<vmem>>
    %dma_start3A_1039 = tpu.memref_slice %arg18[%add3A_1036] : memref<32768xi32, #tpu.memory_space<vmem_shared>> -> memref<1024xi32, #tpu.memory_space<vmem_shared>>
    %dma_start3A_1040 = arith.constant 1024 : i32
    %dma_start3A_1041 = tpu.memref_slice %arg4[%dma_start3A_1040] : memref<2048xi32, #tpu.memory_space<vmem>> -> memref<1024xi32, #tpu.memory_space<vmem>>
    %dma_start3A_1042 = tpu.memref_slice %arg18[%add3A_1036] : memref<32768xi32, #tpu.memory_space<vmem_shared>> -> memref<1024xi32, #tpu.memory_space<vmem_shared>>
    tpu.enqueue_dma source(%dma_start3A_1042 : memref<1024xi32, #tpu.memory_space<vmem_shared>>) target(%dma_start3A_1041 : memref<1024xi32, #tpu.memory_space<vmem>>) target_semaphore(%arg17 : memref<!tpu.dma_semaphore, #tpu.memory_space<semaphore_mem>>)
    %swap3A_1043 = arith.constant 0 : index
    %swap3A_1044 = tpu.vector_load %arg8[%swap3A_1043] {strides = array<i32>} : memref<256xi32, #tpu.memory_space<vmem>>, vector<16xi32>,
    tpu.vector_store %arg8[%swap3A_1043], %broadcast_in_dim3A_1 {strides = array<i32>} : memref<256xi32, #tpu.memory_space<vmem>>, vector<16xi32>,
    %swap3A_1045 = arith.constant 16 : index
    %swap3A_1046 = tpu.vector_load %arg8[%swap3A_1045] {strides = array<i32>} : memref<256xi32, #tpu.memory_space<vmem>>, vector<16xi32>,
    tpu.vector_store %arg8[%swap3A_1045], %broadcast_in_dim3A_1 {strides = array<i32>} : memref<256xi32, #tpu.memory_space<vmem>>, vector<16xi32>,
    %swap3A_1047 = arith.constant 32 : index
    %swap3A_1048 = tpu.vector_load %arg8[%swap3A_1047] {strides = array<i32>} : memref<256xi32, #tpu.memory_space<vmem>>, vector<16xi32>,
    tpu.vector_store %arg8[%swap3A_1047], %broadcast_in_dim3A_1 {strides = array<i32>} : memref<256xi32, #tpu.memory_space<vmem>>, vector<16xi32>,
    %swap3A_1049 = arith.constant 48 : index
    %swap3A_1050 = tpu.vector_load %arg8[%swap3A_1049] {strides = array<i32>} : memref<256xi32, #tpu.memory_space<vmem>>, vector<16xi32>,
    tpu.vector_store %arg8[%swap3A_1049], %broadcast_in_dim3A_1 {strides = array<i32>} : memref<256xi32, #tpu.memory_space<vmem>>, vector<16xi32>,
    %swap3A_1051 = arith.constant 64 : index
    %swap3A_1052 = tpu.vector_load %arg8[%swap3A_1051] {strides = array<i32>} : memref<256xi32, #tpu.memory_space<vmem>>, vector<16xi32>,
    tpu.vector_store %arg8[%swap3A_1051], %broadcast_in_dim3A_1 {strides = array<i32>} : memref<256xi32, #tpu.memory_space<vmem>>, vector<16xi32>,
    %swap3A_1053 = arith.constant 80 : index
    %swap3A_1054 = tpu.vector_load %arg8[%swap3A_1053] {strides = array<i32>} : memref<256xi32, #tpu.memory_space<vmem>>, vector<16xi32>,
    tpu.vector_store %arg8[%swap3A_1053], %broadcast_in_dim3A_1 {strides = array<i32>} : memref<256xi32, #tpu.memory_space<vmem>>, vector<16xi32>,
    %swap3A_1055 = arith.constant 96 : index
    %swap3A_1056 = tpu.vector_load %arg8[%swap3A_1055] {strides = array<i32>} : memref<256xi32, #tpu.memory_space<vmem>>, vector<16xi32>,
    tpu.vector_store %arg8[%swap3A_1055], %broadcast_in_dim3A_1 {strides = array<i32>} : memref<256xi32, #tpu.memory_space<vmem>>, vector<16xi32>,
    %swap3A_1057 = arith.constant 112 : index
    %swap3A_1058 = tpu.vector_load %arg8[%swap3A_1057] {strides = array<i32>} : memref<256xi32, #tpu.memory_space<vmem>>, vector<16xi32>,
    tpu.vector_store %arg8[%swap3A_1057], %broadcast_in_dim3A_1 {strides = array<i32>} : memref<256xi32, #tpu.memory_space<vmem>>, vector<16xi32>,
    %swap3A_1059 = arith.constant 128 : index
    %swap3A_1060 = tpu.vector_load %arg8[%swap3A_1059] {strides = array<i32>} : memref<256xi32, #tpu.memory_space<vmem>>, vector<16xi32>,
    tpu.vector_store %arg8[%swap3A_1059], %broadcast_in_dim3A_1 {strides = array<i32>} : memref<256xi32, #tpu.memory_space<vmem>>, vector<16xi32>,
    %swap3A_1061 = arith.constant 144 : index
    %swap3A_1062 = tpu.vector_load %arg8[%swap3A_1061] {strides = array<i32>} : memref<256xi32, #tpu.memory_space<vmem>>, vector<16xi32>,
    tpu.vector_store %arg8[%swap3A_1061], %broadcast_in_dim3A_1 {strides = array<i32>} : memref<256xi32, #tpu.memory_space<vmem>>, vector<16xi32>,
    %swap3A_1063 = arith.constant 160 : index
    %swap3A_1064 = tpu.vector_load %arg8[%swap3A_1063] {strides = array<i32>} : memref<256xi32, #tpu.memory_space<vmem>>, vector<16xi32>,
    tpu.vector_store %arg8[%swap3A_1063], %broadcast_in_dim3A_1 {strides = array<i32>} : memref<256xi32, #tpu.memory_space<vmem>>, vector<16xi32>,
    %swap3A_1065 = arith.constant 176 : index
    %swap3A_1066 = tpu.vector_load %arg8[%swap3A_1065] {strides = array<i32>} : memref<256xi32, #tpu.memory_space<vmem>>, vector<16xi32>,
    tpu.vector_store %arg8[%swap3A_1065], %broadcast_in_dim3A_1 {strides = array<i32>} : memref<256xi32, #tpu.memory_space<vmem>>, vector<16xi32>,
    %swap3A_1067 = arith.constant 192 : index
    %swap3A_1068 = tpu.vector_load %arg8[%swap3A_1067] {strides = array<i32>} : memref<256xi32, #tpu.memory_space<vmem>>, vector<16xi32>,
    tpu.vector_store %arg8[%swap3A_1067], %broadcast_in_dim3A_1 {strides = array<i32>} : memref<256xi32, #tpu.memory_space<vmem>>, vector<16xi32>,
    %swap3A_1069 = arith.constant 208 : index
    %swap3A_1070 = tpu.vector_load %arg8[%swap3A_1069] {strides = array<i32>} : memref<256xi32, #tpu.memory_space<vmem>>, vector<16xi32>,
    tpu.vector_store %arg8[%swap3A_1069], %broadcast_in_dim3A_1 {strides = array<i32>} : memref<256xi32, #tpu.memory_space<vmem>>, vector<16xi32>,
    %swap3A_1071 = arith.constant 224 : index
    %swap3A_1072 = tpu.vector_load %arg8[%swap3A_1071] {strides = array<i32>} : memref<256xi32, #tpu.memory_space<vmem>>, vector<16xi32>,
    tpu.vector_store %arg8[%swap3A_1071], %broadcast_in_dim3A_1 {strides = array<i32>} : memref<256xi32, #tpu.memory_space<vmem>>, vector<16xi32>,
    %swap3A_1073 = arith.constant 240 : index
    %swap3A_1074 = tpu.vector_load %arg8[%swap3A_1073] {strides = array<i32>} : memref<256xi32, #tpu.memory_space<vmem>>, vector<16xi32>,
    tpu.vector_store %arg8[%swap3A_1073], %broadcast_in_dim3A_1 {strides = array<i32>} : memref<256xi32, #tpu.memory_space<vmem>>, vector<16xi32>,
    %dma_wait3A_1075 = arith.constant 0 : i32
    %dma_wait3A_1076 = tpu.memref_slice %arg4[%dma_wait3A_1075] : memref<2048xi32, #tpu.memory_space<vmem>> -> memref<1024xi32, #tpu.memory_space<vmem>>
    %dma_wait3A_1077 = tpu.memref_slice %arg18[%mul3A_0] : memref<32768xi32, #tpu.memory_space<vmem_shared>> -> memref<1024xi32, #tpu.memory_space<vmem_shared>>
    %dma_wait3A_1078 = arith.constant 0 : i32
    %dma_wait3A_1079 = tpu.memref_slice %arg4[%dma_wait3A_1078] : memref<2048xi32, #tpu.memory_space<vmem>> -> memref<1024xi32, #tpu.memory_space<vmem>>
    %dma_wait3A_1080 = tpu.memref_slice %arg18[%mul3A_0] : memref<32768xi32, #tpu.memory_space<vmem_shared>> -> memref<1024xi32, #tpu.memory_space<vmem_shared>>
    tpu.wait_dma2 semaphore(%arg17 : memref<!tpu.dma_semaphore, #tpu.memory_space<semaphore_mem>>) src(%dma_wait3A_1080 : memref<1024xi32, #tpu.memory_space<vmem_shared>>) dst(%dma_wait3A_1079 : memref<1024xi32, #tpu.memory_space<vmem>>)
    %scan3A_1081 = arith.constant 0 : i32
    %scan3A_1082 = arith.constant 0 : i32
    %scan3A_1083 = arith.constant 64 : i32
    %scan3A_1084 = arith.addi %scan3A_1082, %scan3A_1083 : i32
    %scan3A_1085 = arith.constant 1 : i32
    %scan3A_1086 = scf.for %scan3A_1629 = %scan3A_1082 to %scan3A_1084 step %scan3A_1085 iter_args(%scan3A_1630 = %scan3A_1081) -> (i32)  : i32 {
      %mul3A_1631 = arith.constant 16 : i32
      %mul3A_1632 = arith.muli %scan3A_1629, %mul3A_1631 : i32
      %get3A_1633 = arith.index_cast %mul3A_1632 : i32 to index
      %get3A_1634 = tpu.vector_load %arg4[%get3A_1633] {strides = array<i32>} : memref<2048xi32, #tpu.memory_space<vmem>>, vector<16xi32>,
      %shift_right_logical3A = arith.constant 24 : i32
      %shift_right_logical3A_1635 = vector.broadcast %shift_right_logical3A : i32 to vector<16xi32>
      %shift_right_logical3A_1636 = arith.shrui %get3A_1634, %shift_right_logical3A_1635 : vector<16xi32>
      %and3A_1637 = arith.constant 255 : i32
      %and3A_1638 = vector.broadcast %and3A_1637 : i32 to vector<16xi32>
      %and3A_1639 = arith.andi %shift_right_logical3A_1636, %and3A_1638 : vector<16xi32>
      %broadcast_in_dim3A_1640 = arith.constant true
      %broadcast_in_dim3A_1641 = vector.broadcast %broadcast_in_dim3A_1640 : i1 to vector<16xi1>
      %unique3A, %unique3A_1642 = tpu.scan_count mask(%broadcast_in_dim3A_1641 : vector<16xi1>) value(%and3A_1639 : vector<16xi32>) : vector<16xi1>, vector<16xi32>
      tpu.vector_store_idx %arg8[%and3A_1639], %unique3A_1642 masked %unique3A {add = true} : memref<256xi32, #tpu.memory_space<vmem>>[vector<16xi32>], vector<16xi32>, vector<16xi1>
      %scan3A_1643 = arith.constant 0 : i32
      scf.yield %scan3A_1643 : i32
    }
    %scan3A_1087 = arith.constant 64 : i32
    %dma_wait3A_1088 = arith.constant 1024 : i32
    %dma_wait3A_1089 = tpu.memref_slice %arg4[%dma_wait3A_1088] : memref<2048xi32, #tpu.memory_space<vmem>> -> memref<1024xi32, #tpu.memory_space<vmem>>
    %dma_wait3A_1090 = tpu.memref_slice %arg18[%add3A_1036] : memref<32768xi32, #tpu.memory_space<vmem_shared>> -> memref<1024xi32, #tpu.memory_space<vmem_shared>>
    %dma_wait3A_1091 = arith.constant 1024 : i32
    %dma_wait3A_1092 = tpu.memref_slice %arg4[%dma_wait3A_1091] : memref<2048xi32, #tpu.memory_space<vmem>> -> memref<1024xi32, #tpu.memory_space<vmem>>
    %dma_wait3A_1093 = tpu.memref_slice %arg18[%add3A_1036] : memref<32768xi32, #tpu.memory_space<vmem_shared>> -> memref<1024xi32, #tpu.memory_space<vmem_shared>>
    tpu.wait_dma2 semaphore(%arg17 : memref<!tpu.dma_semaphore, #tpu.memory_space<semaphore_mem>>) src(%dma_wait3A_1093 : memref<1024xi32, #tpu.memory_space<vmem_shared>>) dst(%dma_wait3A_1092 : memref<1024xi32, #tpu.memory_space<vmem>>)
    %scan3A_1094 = arith.constant 0 : i32
    %scan3A_1095 = arith.constant 64 : i32
    %scan3A_1096 = arith.constant 64 : i32
    %scan3A_1097 = arith.addi %scan3A_1095, %scan3A_1096 : i32
    %scan3A_1098 = arith.constant 1 : i32
    %scan3A_1099 = scf.for %scan3A_1629 = %scan3A_1095 to %scan3A_1097 step %scan3A_1098 iter_args(%scan3A_1630 = %scan3A_1094) -> (i32)  : i32 {
      %mul3A_1631 = arith.constant 16 : i32
      %mul3A_1632 = arith.muli %scan3A_1629, %mul3A_1631 : i32
      %get3A_1633 = arith.index_cast %mul3A_1632 : i32 to index
      %get3A_1634 = tpu.vector_load %arg4[%get3A_1633] {strides = array<i32>} : memref<2048xi32, #tpu.memory_space<vmem>>, vector<16xi32>,
      %shift_right_logical3A = arith.constant 24 : i32
      %shift_right_logical3A_1635 = vector.broadcast %shift_right_logical3A : i32 to vector<16xi32>
      %shift_right_logical3A_1636 = arith.shrui %get3A_1634, %shift_right_logical3A_1635 : vector<16xi32>
      %and3A_1637 = arith.constant 255 : i32
      %and3A_1638 = vector.broadcast %and3A_1637 : i32 to vector<16xi32>
      %and3A_1639 = arith.andi %shift_right_logical3A_1636, %and3A_1638 : vector<16xi32>
      %broadcast_in_dim3A_1640 = arith.constant true
      %broadcast_in_dim3A_1641 = vector.broadcast %broadcast_in_dim3A_1640 : i1 to vector<16xi1>
      %unique3A, %unique3A_1642 = tpu.scan_count mask(%broadcast_in_dim3A_1641 : vector<16xi1>) value(%and3A_1639 : vector<16xi32>) : vector<16xi1>, vector<16xi32>
      tpu.vector_store_idx %arg8[%and3A_1639], %unique3A_1642 masked %unique3A {add = true} : memref<256xi32, #tpu.memory_space<vmem>>[vector<16xi32>], vector<16xi32>, vector<16xi1>
      %scan3A_1643 = arith.constant 0 : i32
      scf.yield %scan3A_1643 : i32
    }
    %scan3A_1100 = arith.constant 64 : i32
    %mul3A_1101 = arith.constant 256 : i32
    %mul3A_1102 = arith.muli %arg1, %mul3A_1101 : i32
    "tpu.region"() ({
      %run_scoped3A = tpu.sem_alloc : memref<!tpu.dma_semaphore, #tpu.memory_space<semaphore_mem>>
      %dma_start3A_1629 = tpu.memref_slice %arg23[%mul3A_1102] : memref<4096xi32, #tpu.memory_space<vmem_shared>> -> memref<256xi32, #tpu.memory_space<vmem_shared>>
      %dma_start3A_1630 = tpu.memref_slice %arg23[%mul3A_1102] : memref<4096xi32, #tpu.memory_space<vmem_shared>> -> memref<256xi32, #tpu.memory_space<vmem_shared>>
      tpu.enqueue_dma source(%arg8 : memref<256xi32, #tpu.memory_space<vmem>>) target(%dma_start3A_1630 : memref<256xi32, #tpu.memory_space<vmem_shared>>) target_semaphore(%run_scoped3A : memref<!tpu.dma_semaphore, #tpu.memory_space<semaphore_mem>>)
      %dma_wait3A_1631 = tpu.memref_slice %arg23[%mul3A_1102] : memref<4096xi32, #tpu.memory_space<vmem_shared>> -> memref<256xi32, #tpu.memory_space<vmem_shared>>
      %dma_wait3A_1632 = tpu.memref_slice %arg23[%mul3A_1102] : memref<4096xi32, #tpu.memory_space<vmem_shared>> -> memref<256xi32, #tpu.memory_space<vmem_shared>>
      tpu.wait_dma2 semaphore(%run_scoped3A : memref<!tpu.dma_semaphore, #tpu.memory_space<semaphore_mem>>) src(%arg8 : memref<256xi32, #tpu.memory_space<vmem>>) dst(%dma_wait3A_1632 : memref<256xi32, #tpu.memory_space<vmem_shared>>)
      tpu.yield
    }) : () -> ()
    %barrier3A_1103 = arith.constant 0 : index
    tpu.barrier barrier_id(%barrier3A_1103)
    "tpu.region"() ({
      %run_scoped3A = tpu.sem_alloc : memref<!tpu.dma_semaphore, #tpu.memory_space<semaphore_mem>>
      tpu.enqueue_dma source(%arg23 : memref<4096xi32, #tpu.memory_space<vmem_shared>>) target(%arg10 : memref<4096xi32, #tpu.memory_space<vmem>>) target_semaphore(%run_scoped3A : memref<!tpu.dma_semaphore, #tpu.memory_space<semaphore_mem>>)
      tpu.wait_dma2 semaphore(%run_scoped3A : memref<!tpu.dma_semaphore, #tpu.memory_space<semaphore_mem>>) src(%arg23 : memref<4096xi32, #tpu.memory_space<vmem_shared>>) dst(%arg10 : memref<4096xi32, #tpu.memory_space<vmem>>)
      tpu.yield
    }) : () -> ()
    %scan3A_1104 = arith.constant 0 : i32
    %scan3A_1105 = arith.constant 0 : i32
    %scan3A_1106 = arith.constant 16 : i32
    %scan3A_1107 = arith.addi %scan3A_1105, %scan3A_1106 : i32
    %scan3A_1108 = arith.constant 1 : i32
    %scan3A_1109 = scf.for %scan3A_1629 = %scan3A_1105 to %scan3A_1107 step %scan3A_1108 iter_args(%scan3A_1630 = %scan3A_1104) -> (i32)  : i32 {
      %mul3A_1631 = arith.constant 16 : i32
      %mul3A_1632 = arith.muli %scan3A_1629, %mul3A_1631 : i32
      %add3A_1633 = arith.constant 0 : i32
      %add3A_1634 = arith.addi %add3A_1633, %mul3A_1632 : i32
      %get3A_1635 = arith.index_cast %add3A_1634 : i32 to index
      %get3A_1636 = tpu.vector_load %arg10[%get3A_1635] {strides = array<i32>} : memref<4096xi32, #tpu.memory_space<vmem>>, vector<16xi32>,
      %add3A_1637 = arith.addi %broadcast_in_dim3A_1, %get3A_1636 : vector<16xi32>
      %broadcast_in_dim3A_1638 = arith.constant 0 : i32
      %broadcast_in_dim3A_1639 = vector.broadcast %broadcast_in_dim3A_1638 : i32 to vector<16xi32>
      %lt3A_1640 = vector.broadcast %arg1 : i32 to vector<16xi32>
      %lt3A_1641 = arith.cmpi slt, %broadcast_in_dim3A_1639, %lt3A_1640 : vector<16xi32>
      %jit3A_1642 = arith.constant 0 : i32
      %broadcast_in_dim3A_1643 = vector.broadcast %jit3A_1642 : i32 to vector<16xi32>
      %select_n3A_1644 = arith.select %lt3A_1641, %get3A_1636, %broadcast_in_dim3A_1643 : vector<16xi1>, vector<16xi32>
      %add3A_1645 = arith.addi %broadcast_in_dim3A_1, %select_n3A_1644 : vector<16xi32>
      %mul3A_1646 = arith.constant 16 : i32
      %mul3A_1647 = arith.muli %scan3A_1629, %mul3A_1646 : i32
      %add3A_1648 = arith.constant 256 : i32
      %add3A_1649 = arith.addi %add3A_1648, %mul3A_1647 : i32
      %get3A_1650 = arith.index_cast %add3A_1649 : i32 to index
      %get3A_1651 = tpu.vector_load %arg10[%get3A_1650] {strides = array<i32>} : memref<4096xi32, #tpu.memory_space<vmem>>, vector<16xi32>,
      %add3A_1652 = arith.addi %add3A_1637, %get3A_1651 : vector<16xi32>
      %broadcast_in_dim3A_1653 = arith.constant 1 : i32
      %broadcast_in_dim3A_1654 = vector.broadcast %broadcast_in_dim3A_1653 : i32 to vector<16xi32>
      %lt3A_1655 = vector.broadcast %arg1 : i32 to vector<16xi32>
      %lt3A_1656 = arith.cmpi slt, %broadcast_in_dim3A_1654, %lt3A_1655 : vector<16xi32>
      %jit3A_1657 = arith.constant 0 : i32
      %broadcast_in_dim3A_1658 = vector.broadcast %jit3A_1657 : i32 to vector<16xi32>
      %select_n3A_1659 = arith.select %lt3A_1656, %get3A_1651, %broadcast_in_dim3A_1658 : vector<16xi1>, vector<16xi32>
      %add3A_1660 = arith.addi %add3A_1645, %select_n3A_1659 : vector<16xi32>
      %mul3A_1661 = arith.constant 16 : i32
      %mul3A_1662 = arith.muli %scan3A_1629, %mul3A_1661 : i32
      %add3A_1663 = arith.constant 512 : i32
      %add3A_1664 = arith.addi %add3A_1663, %mul3A_1662 : i32
      %get3A_1665 = arith.index_cast %add3A_1664 : i32 to index
      %get3A_1666 = tpu.vector_load %arg10[%get3A_1665] {strides = array<i32>} : memref<4096xi32, #tpu.memory_space<vmem>>, vector<16xi32>,
      %add3A_1667 = arith.addi %add3A_1652, %get3A_1666 : vector<16xi32>
      %broadcast_in_dim3A_1668 = arith.constant 2 : i32
      %broadcast_in_dim3A_1669 = vector.broadcast %broadcast_in_dim3A_1668 : i32 to vector<16xi32>
      %lt3A_1670 = vector.broadcast %arg1 : i32 to vector<16xi32>
      %lt3A_1671 = arith.cmpi slt, %broadcast_in_dim3A_1669, %lt3A_1670 : vector<16xi32>
      %jit3A_1672 = arith.constant 0 : i32
      %broadcast_in_dim3A_1673 = vector.broadcast %jit3A_1672 : i32 to vector<16xi32>
      %select_n3A_1674 = arith.select %lt3A_1671, %get3A_1666, %broadcast_in_dim3A_1673 : vector<16xi1>, vector<16xi32>
      %add3A_1675 = arith.addi %add3A_1660, %select_n3A_1674 : vector<16xi32>
      %mul3A_1676 = arith.constant 16 : i32
      %mul3A_1677 = arith.muli %scan3A_1629, %mul3A_1676 : i32
      %add3A_1678 = arith.constant 768 : i32
      %add3A_1679 = arith.addi %add3A_1678, %mul3A_1677 : i32
      %get3A_1680 = arith.index_cast %add3A_1679 : i32 to index
      %get3A_1681 = tpu.vector_load %arg10[%get3A_1680] {strides = array<i32>} : memref<4096xi32, #tpu.memory_space<vmem>>, vector<16xi32>,
      %add3A_1682 = arith.addi %add3A_1667, %get3A_1681 : vector<16xi32>
      %broadcast_in_dim3A_1683 = arith.constant 3 : i32
      %broadcast_in_dim3A_1684 = vector.broadcast %broadcast_in_dim3A_1683 : i32 to vector<16xi32>
      %lt3A_1685 = vector.broadcast %arg1 : i32 to vector<16xi32>
      %lt3A_1686 = arith.cmpi slt, %broadcast_in_dim3A_1684, %lt3A_1685 : vector<16xi32>
      %jit3A_1687 = arith.constant 0 : i32
      %broadcast_in_dim3A_1688 = vector.broadcast %jit3A_1687 : i32 to vector<16xi32>
      %select_n3A_1689 = arith.select %lt3A_1686, %get3A_1681, %broadcast_in_dim3A_1688 : vector<16xi1>, vector<16xi32>
      %add3A_1690 = arith.addi %add3A_1675, %select_n3A_1689 : vector<16xi32>
      %mul3A_1691 = arith.constant 16 : i32
      %mul3A_1692 = arith.muli %scan3A_1629, %mul3A_1691 : i32
      %add3A_1693 = arith.constant 1024 : i32
      %add3A_1694 = arith.addi %add3A_1693, %mul3A_1692 : i32
      %get3A_1695 = arith.index_cast %add3A_1694 : i32 to index
      %get3A_1696 = tpu.vector_load %arg10[%get3A_1695] {strides = array<i32>} : memref<4096xi32, #tpu.memory_space<vmem>>, vector<16xi32>,
      %add3A_1697 = arith.addi %add3A_1682, %get3A_1696 : vector<16xi32>
      %broadcast_in_dim3A_1698 = arith.constant 4 : i32
      %broadcast_in_dim3A_1699 = vector.broadcast %broadcast_in_dim3A_1698 : i32 to vector<16xi32>
      %lt3A_1700 = vector.broadcast %arg1 : i32 to vector<16xi32>
      %lt3A_1701 = arith.cmpi slt, %broadcast_in_dim3A_1699, %lt3A_1700 : vector<16xi32>
      %jit3A_1702 = arith.constant 0 : i32
      %broadcast_in_dim3A_1703 = vector.broadcast %jit3A_1702 : i32 to vector<16xi32>
      %select_n3A_1704 = arith.select %lt3A_1701, %get3A_1696, %broadcast_in_dim3A_1703 : vector<16xi1>, vector<16xi32>
      %add3A_1705 = arith.addi %add3A_1690, %select_n3A_1704 : vector<16xi32>
      %mul3A_1706 = arith.constant 16 : i32
      %mul3A_1707 = arith.muli %scan3A_1629, %mul3A_1706 : i32
      %add3A_1708 = arith.constant 1280 : i32
      %add3A_1709 = arith.addi %add3A_1708, %mul3A_1707 : i32
      %get3A_1710 = arith.index_cast %add3A_1709 : i32 to index
      %get3A_1711 = tpu.vector_load %arg10[%get3A_1710] {strides = array<i32>} : memref<4096xi32, #tpu.memory_space<vmem>>, vector<16xi32>,
      %add3A_1712 = arith.addi %add3A_1697, %get3A_1711 : vector<16xi32>
      %broadcast_in_dim3A_1713 = arith.constant 5 : i32
      %broadcast_in_dim3A_1714 = vector.broadcast %broadcast_in_dim3A_1713 : i32 to vector<16xi32>
      %lt3A_1715 = vector.broadcast %arg1 : i32 to vector<16xi32>
      %lt3A_1716 = arith.cmpi slt, %broadcast_in_dim3A_1714, %lt3A_1715 : vector<16xi32>
      %jit3A_1717 = arith.constant 0 : i32
      %broadcast_in_dim3A_1718 = vector.broadcast %jit3A_1717 : i32 to vector<16xi32>
      %select_n3A_1719 = arith.select %lt3A_1716, %get3A_1711, %broadcast_in_dim3A_1718 : vector<16xi1>, vector<16xi32>
      %add3A_1720 = arith.addi %add3A_1705, %select_n3A_1719 : vector<16xi32>
      %mul3A_1721 = arith.constant 16 : i32
      %mul3A_1722 = arith.muli %scan3A_1629, %mul3A_1721 : i32
      %add3A_1723 = arith.constant 1536 : i32
      %add3A_1724 = arith.addi %add3A_1723, %mul3A_1722 : i32
      %get3A_1725 = arith.index_cast %add3A_1724 : i32 to index
      %get3A_1726 = tpu.vector_load %arg10[%get3A_1725] {strides = array<i32>} : memref<4096xi32, #tpu.memory_space<vmem>>, vector<16xi32>,
      %add3A_1727 = arith.addi %add3A_1712, %get3A_1726 : vector<16xi32>
      %broadcast_in_dim3A_1728 = arith.constant 6 : i32
      %broadcast_in_dim3A_1729 = vector.broadcast %broadcast_in_dim3A_1728 : i32 to vector<16xi32>
      %lt3A_1730 = vector.broadcast %arg1 : i32 to vector<16xi32>
      %lt3A_1731 = arith.cmpi slt, %broadcast_in_dim3A_1729, %lt3A_1730 : vector<16xi32>
      %jit3A_1732 = arith.constant 0 : i32
      %broadcast_in_dim3A_1733 = vector.broadcast %jit3A_1732 : i32 to vector<16xi32>
      %select_n3A_1734 = arith.select %lt3A_1731, %get3A_1726, %broadcast_in_dim3A_1733 : vector<16xi1>, vector<16xi32>
      %add3A_1735 = arith.addi %add3A_1720, %select_n3A_1734 : vector<16xi32>
      %mul3A_1736 = arith.constant 16 : i32
      %mul3A_1737 = arith.muli %scan3A_1629, %mul3A_1736 : i32
      %add3A_1738 = arith.constant 1792 : i32
      %add3A_1739 = arith.addi %add3A_1738, %mul3A_1737 : i32
      %get3A_1740 = arith.index_cast %add3A_1739 : i32 to index
      %get3A_1741 = tpu.vector_load %arg10[%get3A_1740] {strides = array<i32>} : memref<4096xi32, #tpu.memory_space<vmem>>, vector<16xi32>,
      %add3A_1742 = arith.addi %add3A_1727, %get3A_1741 : vector<16xi32>
      %broadcast_in_dim3A_1743 = arith.constant 7 : i32
      %broadcast_in_dim3A_1744 = vector.broadcast %broadcast_in_dim3A_1743 : i32 to vector<16xi32>
      %lt3A_1745 = vector.broadcast %arg1 : i32 to vector<16xi32>
      %lt3A_1746 = arith.cmpi slt, %broadcast_in_dim3A_1744, %lt3A_1745 : vector<16xi32>
      %jit3A_1747 = arith.constant 0 : i32
      %broadcast_in_dim3A_1748 = vector.broadcast %jit3A_1747 : i32 to vector<16xi32>
      %select_n3A_1749 = arith.select %lt3A_1746, %get3A_1741, %broadcast_in_dim3A_1748 : vector<16xi1>, vector<16xi32>
      %add3A_1750 = arith.addi %add3A_1735, %select_n3A_1749 : vector<16xi32>
      %mul3A_1751 = arith.constant 16 : i32
      %mul3A_1752 = arith.muli %scan3A_1629, %mul3A_1751 : i32
      %add3A_1753 = arith.constant 2048 : i32
      %add3A_1754 = arith.addi %add3A_1753, %mul3A_1752 : i32
      %get3A_1755 = arith.index_cast %add3A_1754 : i32 to index
      %get3A_1756 = tpu.vector_load %arg10[%get3A_1755] {strides = array<i32>} : memref<4096xi32, #tpu.memory_space<vmem>>, vector<16xi32>,
      %add3A_1757 = arith.addi %add3A_1742, %get3A_1756 : vector<16xi32>
      %broadcast_in_dim3A_1758 = arith.constant 8 : i32
      %broadcast_in_dim3A_1759 = vector.broadcast %broadcast_in_dim3A_1758 : i32 to vector<16xi32>
      %lt3A_1760 = vector.broadcast %arg1 : i32 to vector<16xi32>
      %lt3A_1761 = arith.cmpi slt, %broadcast_in_dim3A_1759, %lt3A_1760 : vector<16xi32>
      %jit3A_1762 = arith.constant 0 : i32
      %broadcast_in_dim3A_1763 = vector.broadcast %jit3A_1762 : i32 to vector<16xi32>
      %select_n3A_1764 = arith.select %lt3A_1761, %get3A_1756, %broadcast_in_dim3A_1763 : vector<16xi1>, vector<16xi32>
      %add3A_1765 = arith.addi %add3A_1750, %select_n3A_1764 : vector<16xi32>
      %mul3A_1766 = arith.constant 16 : i32
      %mul3A_1767 = arith.muli %scan3A_1629, %mul3A_1766 : i32
      %add3A_1768 = arith.constant 2304 : i32
      %add3A_1769 = arith.addi %add3A_1768, %mul3A_1767 : i32
      %get3A_1770 = arith.index_cast %add3A_1769 : i32 to index
      %get3A_1771 = tpu.vector_load %arg10[%get3A_1770] {strides = array<i32>} : memref<4096xi32, #tpu.memory_space<vmem>>, vector<16xi32>,
      %add3A_1772 = arith.addi %add3A_1757, %get3A_1771 : vector<16xi32>
      %broadcast_in_dim3A_1773 = arith.constant 9 : i32
      %broadcast_in_dim3A_1774 = vector.broadcast %broadcast_in_dim3A_1773 : i32 to vector<16xi32>
      %lt3A_1775 = vector.broadcast %arg1 : i32 to vector<16xi32>
      %lt3A_1776 = arith.cmpi slt, %broadcast_in_dim3A_1774, %lt3A_1775 : vector<16xi32>
      %jit3A_1777 = arith.constant 0 : i32
      %broadcast_in_dim3A_1778 = vector.broadcast %jit3A_1777 : i32 to vector<16xi32>
      %select_n3A_1779 = arith.select %lt3A_1776, %get3A_1771, %broadcast_in_dim3A_1778 : vector<16xi1>, vector<16xi32>
      %add3A_1780 = arith.addi %add3A_1765, %select_n3A_1779 : vector<16xi32>
      %mul3A_1781 = arith.constant 16 : i32
      %mul3A_1782 = arith.muli %scan3A_1629, %mul3A_1781 : i32
      %add3A_1783 = arith.constant 2560 : i32
      %add3A_1784 = arith.addi %add3A_1783, %mul3A_1782 : i32
      %get3A_1785 = arith.index_cast %add3A_1784 : i32 to index
      %get3A_1786 = tpu.vector_load %arg10[%get3A_1785] {strides = array<i32>} : memref<4096xi32, #tpu.memory_space<vmem>>, vector<16xi32>,
      %add3A_1787 = arith.addi %add3A_1772, %get3A_1786 : vector<16xi32>
      %broadcast_in_dim3A_1788 = arith.constant 10 : i32
      %broadcast_in_dim3A_1789 = vector.broadcast %broadcast_in_dim3A_1788 : i32 to vector<16xi32>
      %lt3A_1790 = vector.broadcast %arg1 : i32 to vector<16xi32>
      %lt3A_1791 = arith.cmpi slt, %broadcast_in_dim3A_1789, %lt3A_1790 : vector<16xi32>
      %jit3A_1792 = arith.constant 0 : i32
      %broadcast_in_dim3A_1793 = vector.broadcast %jit3A_1792 : i32 to vector<16xi32>
      %select_n3A_1794 = arith.select %lt3A_1791, %get3A_1786, %broadcast_in_dim3A_1793 : vector<16xi1>, vector<16xi32>
      %add3A_1795 = arith.addi %add3A_1780, %select_n3A_1794 : vector<16xi32>
      %mul3A_1796 = arith.constant 16 : i32
      %mul3A_1797 = arith.muli %scan3A_1629, %mul3A_1796 : i32
      %add3A_1798 = arith.constant 2816 : i32
      %add3A_1799 = arith.addi %add3A_1798, %mul3A_1797 : i32
      %get3A_1800 = arith.index_cast %add3A_1799 : i32 to index
      %get3A_1801 = tpu.vector_load %arg10[%get3A_1800] {strides = array<i32>} : memref<4096xi32, #tpu.memory_space<vmem>>, vector<16xi32>,
      %add3A_1802 = arith.addi %add3A_1787, %get3A_1801 : vector<16xi32>
      %broadcast_in_dim3A_1803 = arith.constant 11 : i32
      %broadcast_in_dim3A_1804 = vector.broadcast %broadcast_in_dim3A_1803 : i32 to vector<16xi32>
      %lt3A_1805 = vector.broadcast %arg1 : i32 to vector<16xi32>
      %lt3A_1806 = arith.cmpi slt, %broadcast_in_dim3A_1804, %lt3A_1805 : vector<16xi32>
      %jit3A_1807 = arith.constant 0 : i32
      %broadcast_in_dim3A_1808 = vector.broadcast %jit3A_1807 : i32 to vector<16xi32>
      %select_n3A_1809 = arith.select %lt3A_1806, %get3A_1801, %broadcast_in_dim3A_1808 : vector<16xi1>, vector<16xi32>
      %add3A_1810 = arith.addi %add3A_1795, %select_n3A_1809 : vector<16xi32>
      %mul3A_1811 = arith.constant 16 : i32
      %mul3A_1812 = arith.muli %scan3A_1629, %mul3A_1811 : i32
      %add3A_1813 = arith.constant 3072 : i32
      %add3A_1814 = arith.addi %add3A_1813, %mul3A_1812 : i32
      %get3A_1815 = arith.index_cast %add3A_1814 : i32 to index
      %get3A_1816 = tpu.vector_load %arg10[%get3A_1815] {strides = array<i32>} : memref<4096xi32, #tpu.memory_space<vmem>>, vector<16xi32>,
      %add3A_1817 = arith.addi %add3A_1802, %get3A_1816 : vector<16xi32>
      %broadcast_in_dim3A_1818 = arith.constant 12 : i32
      %broadcast_in_dim3A_1819 = vector.broadcast %broadcast_in_dim3A_1818 : i32 to vector<16xi32>
      %lt3A_1820 = vector.broadcast %arg1 : i32 to vector<16xi32>
      %lt3A_1821 = arith.cmpi slt, %broadcast_in_dim3A_1819, %lt3A_1820 : vector<16xi32>
      %jit3A_1822 = arith.constant 0 : i32
      %broadcast_in_dim3A_1823 = vector.broadcast %jit3A_1822 : i32 to vector<16xi32>
      %select_n3A_1824 = arith.select %lt3A_1821, %get3A_1816, %broadcast_in_dim3A_1823 : vector<16xi1>, vector<16xi32>
      %add3A_1825 = arith.addi %add3A_1810, %select_n3A_1824 : vector<16xi32>
      %mul3A_1826 = arith.constant 16 : i32
      %mul3A_1827 = arith.muli %scan3A_1629, %mul3A_1826 : i32
      %add3A_1828 = arith.constant 3328 : i32
      %add3A_1829 = arith.addi %add3A_1828, %mul3A_1827 : i32
      %get3A_1830 = arith.index_cast %add3A_1829 : i32 to index
      %get3A_1831 = tpu.vector_load %arg10[%get3A_1830] {strides = array<i32>} : memref<4096xi32, #tpu.memory_space<vmem>>, vector<16xi32>,
      %add3A_1832 = arith.addi %add3A_1817, %get3A_1831 : vector<16xi32>
      %broadcast_in_dim3A_1833 = arith.constant 13 : i32
      %broadcast_in_dim3A_1834 = vector.broadcast %broadcast_in_dim3A_1833 : i32 to vector<16xi32>
      %lt3A_1835 = vector.broadcast %arg1 : i32 to vector<16xi32>
      %lt3A_1836 = arith.cmpi slt, %broadcast_in_dim3A_1834, %lt3A_1835 : vector<16xi32>
      %jit3A_1837 = arith.constant 0 : i32
      %broadcast_in_dim3A_1838 = vector.broadcast %jit3A_1837 : i32 to vector<16xi32>
      %select_n3A_1839 = arith.select %lt3A_1836, %get3A_1831, %broadcast_in_dim3A_1838 : vector<16xi1>, vector<16xi32>
      %add3A_1840 = arith.addi %add3A_1825, %select_n3A_1839 : vector<16xi32>
      %mul3A_1841 = arith.constant 16 : i32
      %mul3A_1842 = arith.muli %scan3A_1629, %mul3A_1841 : i32
      %add3A_1843 = arith.constant 3584 : i32
      %add3A_1844 = arith.addi %add3A_1843, %mul3A_1842 : i32
      %get3A_1845 = arith.index_cast %add3A_1844 : i32 to index
      %get3A_1846 = tpu.vector_load %arg10[%get3A_1845] {strides = array<i32>} : memref<4096xi32, #tpu.memory_space<vmem>>, vector<16xi32>,
      %add3A_1847 = arith.addi %add3A_1832, %get3A_1846 : vector<16xi32>
      %broadcast_in_dim3A_1848 = arith.constant 14 : i32
      %broadcast_in_dim3A_1849 = vector.broadcast %broadcast_in_dim3A_1848 : i32 to vector<16xi32>
      %lt3A_1850 = vector.broadcast %arg1 : i32 to vector<16xi32>
      %lt3A_1851 = arith.cmpi slt, %broadcast_in_dim3A_1849, %lt3A_1850 : vector<16xi32>
      %jit3A_1852 = arith.constant 0 : i32
      %broadcast_in_dim3A_1853 = vector.broadcast %jit3A_1852 : i32 to vector<16xi32>
      %select_n3A_1854 = arith.select %lt3A_1851, %get3A_1846, %broadcast_in_dim3A_1853 : vector<16xi1>, vector<16xi32>
      %add3A_1855 = arith.addi %add3A_1840, %select_n3A_1854 : vector<16xi32>
      %mul3A_1856 = arith.constant 16 : i32
      %mul3A_1857 = arith.muli %scan3A_1629, %mul3A_1856 : i32
      %add3A_1858 = arith.constant 3840 : i32
      %add3A_1859 = arith.addi %add3A_1858, %mul3A_1857 : i32
      %get3A_1860 = arith.index_cast %add3A_1859 : i32 to index
      %get3A_1861 = tpu.vector_load %arg10[%get3A_1860] {strides = array<i32>} : memref<4096xi32, #tpu.memory_space<vmem>>, vector<16xi32>,
      %add3A_1862 = arith.addi %add3A_1847, %get3A_1861 : vector<16xi32>
      %broadcast_in_dim3A_1863 = arith.constant 15 : i32
      %broadcast_in_dim3A_1864 = vector.broadcast %broadcast_in_dim3A_1863 : i32 to vector<16xi32>
      %lt3A_1865 = vector.broadcast %arg1 : i32 to vector<16xi32>
      %lt3A_1866 = arith.cmpi slt, %broadcast_in_dim3A_1864, %lt3A_1865 : vector<16xi32>
      %jit3A_1867 = arith.constant 0 : i32
      %broadcast_in_dim3A_1868 = vector.broadcast %jit3A_1867 : i32 to vector<16xi32>
      %select_n3A_1869 = arith.select %lt3A_1866, %get3A_1861, %broadcast_in_dim3A_1868 : vector<16xi1>, vector<16xi32>
      %add3A_1870 = arith.addi %add3A_1855, %select_n3A_1869 : vector<16xi32>
      %broadcast_in_dim3A_1871 = arith.constant true
      %broadcast_in_dim3A_1872 = vector.broadcast %broadcast_in_dim3A_1871 : i1 to vector<16xi1>
      %masked_cumsum3A = tpu.scan <sum>, %add3A_1862 masked %broadcast_in_dim3A_1872 : vector<16xi32>, vector<16xi1> -> vector<16xi32>
      %sub3A = arith.subi %masked_cumsum3A, %add3A_1862 : vector<16xi32>
      %add3A_1873 = vector.broadcast %scan3A_1630 : i32 to vector<16xi32>
      %add3A_1874 = arith.addi %sub3A, %add3A_1873 : vector<16xi32>
      %add3A_1875 = arith.addi %add3A_1874, %add3A_1870 : vector<16xi32>
      %mul3A_1876 = arith.constant 16 : i32
      %mul3A_1877 = arith.muli %scan3A_1629, %mul3A_1876 : i32
      %swap3A_1878 = arith.index_cast %mul3A_1877 : i32 to index
      %swap3A_1879 = tpu.vector_load %arg9[%swap3A_1878] {strides = array<i32>} : memref<256xi32, #tpu.memory_space<vmem>>, vector<16xi32>,
      tpu.vector_store %arg9[%swap3A_1878], %add3A_1875 {strides = array<i32>} : memref<256xi32, #tpu.memory_space<vmem>>, vector<16xi32>,
      %reduce_sum3A_1880 = arith.constant true
      %reduce_sum3A_1881 = vector.broadcast %reduce_sum3A_1880 : i1 to vector<16xi1>
      %reduce_sum3A_1882 = tpu.scan <sum>, %add3A_1862 masked %reduce_sum3A_1881 : vector<16xi32>, vector<16xi1> -> vector<16xi32>
      %reduce_sum3A_1883 = vector.extract %reduce_sum3A_1882[15] : i32 from vector<16xi32>
      %add3A_1884 = arith.addi %scan3A_1630, %reduce_sum3A_1883 : i32
      scf.yield %add3A_1884 : i32
    }
    %scan3A_1110 = arith.constant 16 : i32
    %dma_wait3A_1111 = tpu.memref_slice %arg19[%mul3A_0] : memref<32768xi32, #tpu.memory_space<vmem_shared>> -> memref<2048xi32, #tpu.memory_space<vmem_shared>>
    %dma_wait3A_1112 = tpu.memref_slice %arg19[%mul3A_0] : memref<32768xi32, #tpu.memory_space<vmem_shared>> -> memref<2048xi32, #tpu.memory_space<vmem_shared>>
    tpu.wait_dma2 semaphore(%arg16 : memref<!tpu.dma_semaphore, #tpu.memory_space<semaphore_mem>>) src(%dma_wait3A_1112 : memref<2048xi32, #tpu.memory_space<vmem_shared>>) dst(%arg5 : memref<2048xi32, #tpu.memory_space<vmem>>)
    %scan3A_1113 = arith.constant 0 : i32
    %scan3A_1114 = arith.constant 0 : i32
    %scan3A_1115 = arith.constant 128 : i32
    %scan3A_1116 = arith.addi %scan3A_1114, %scan3A_1115 : i32
    %scan3A_1117 = arith.constant 1 : i32
    %scan3A_1118 = scf.for %scan3A_1629 = %scan3A_1114 to %scan3A_1116 step %scan3A_1117 iter_args(%scan3A_1630 = %scan3A_1113) -> (i32)  : i32 {
      %mul3A_1631 = arith.constant 16 : i32
      %mul3A_1632 = arith.muli %scan3A_1629, %mul3A_1631 : i32
      %get3A_1633 = arith.index_cast %mul3A_1632 : i32 to index
      %get3A_1634 = tpu.vector_load %arg4[%get3A_1633] {strides = array<i32>} : memref<2048xi32, #tpu.memory_space<vmem>>, vector<16xi32>,
      %shift_right_logical3A = arith.constant 24 : i32
      %shift_right_logical3A_1635 = vector.broadcast %shift_right_logical3A : i32 to vector<16xi32>
      %shift_right_logical3A_1636 = arith.shrui %get3A_1634, %shift_right_logical3A_1635 : vector<16xi32>
      %and3A_1637 = arith.constant 255 : i32
      %and3A_1638 = vector.broadcast %and3A_1637 : i32 to vector<16xi32>
      %and3A_1639 = arith.andi %shift_right_logical3A_1636, %and3A_1638 : vector<16xi32>
      %broadcast_in_dim3A_1640 = arith.constant true
      %broadcast_in_dim3A_1641 = vector.broadcast %broadcast_in_dim3A_1640 : i1 to vector<16xi1>
      %unique3A, %unique3A_1642 = tpu.scan_count mask(%broadcast_in_dim3A_1641 : vector<16xi1>) value(%and3A_1639 : vector<16xi32>) : vector<16xi1>, vector<16xi32>
      %gather3A_1643 = tpu.vector_load_idx %arg9[%and3A_1639] : memref<256xi32, #tpu.memory_space<vmem>>[vector<16xi32>], vector<16xi32>,
      %add3A_1644 = arith.addi %gather3A_1643, %unique3A_1642 : vector<16xi32>
      %sub3A = arith.constant 1 : i32
      %sub3A_1645 = vector.broadcast %sub3A : i32 to vector<16xi32>
      %sub3A_1646 = arith.subi %add3A_1644, %sub3A_1645 : vector<16xi32>
      %div3A = arith.constant 8 : i32
      %div3A_1647 = arith.divsi %scan3A_1629, %div3A : i32
      %mul3A_1648 = arith.constant 8 : i32
      %mul3A_1649 = arith.muli %div3A_1647, %mul3A_1648 : i32
      %sub3A_1650 = arith.subi %scan3A_1629, %mul3A_1649 : i32
      %add3A_1651 = vector.broadcast %div3A_1647 : i32 to vector<16xi32>
      %add3A_1652 = arith.addi %broadcast_in_dim3A_1, %add3A_1651 : vector<16xi32>
      %mul3A_1653 = arith.constant 16 : i32
      %mul3A_1654 = arith.muli %sub3A_1650, %mul3A_1653 : i32
      %add3A_1655 = vector.broadcast %mul3A_1654 : i32 to vector<16xi32>
      %add3A_1656 = arith.addi %add3A_1655, %iota3A : vector<16xi32>
      tpu.vector_store_idx %arg7[%add3A_1652, %add3A_1656], %sub3A_1646 : memref<16x128xi32, #tpu.memory_space<vmem>>[vector<16xi32>, vector<16xi32>], vector<16xi32>,
      tpu.vector_store_idx %arg9[%and3A_1639], %unique3A_1642 masked %unique3A {add = true} : memref<256xi32, #tpu.memory_space<vmem>>[vector<16xi32>], vector<16xi32>, vector<16xi1>
      %eq3A_1657 = arith.constant 7 : i32
      %eq3A_1658 = arith.cmpi eq, %sub3A_1650, %eq3A_1657 : i32
      %convert_element_type3A_1659 = arith.extui %eq3A_1658 : i1 to i32
      %cond3A_1660 = arith.constant 0 : i32
      %cond3A_1661 = arith.cmpi ne, %convert_element_type3A_1659, %cond3A_1660 : i32
      scf.if %cond3A_1661 {
        %mul3A_1663 = arith.constant 128 : i32
        %mul3A_1664 = arith.muli %div3A_1647, %mul3A_1663 : i32
        %dma_start3A_1665 = tpu.memref_slice %arg4[%mul3A_1664] : memref<2048xi32, #tpu.memory_space<vmem>> -> memref<128xi32, #tpu.memory_space<vmem>>
        %dma_start3A_1666 = arith.constant 0 : i32
        %dma_start3A_1667 = tpu.memref_slice %arg7[%div3A_1647, %dma_start3A_1666] : memref<16x128xi32, #tpu.memory_space<vmem>> -> memref<1x128xi32, #tpu.memory_space<vmem>>
        %dma_start3A_1668 = tpu.memref_squeeze %dma_start3A_1667 : memref<1x128xi32, #tpu.memory_space<vmem>> -> memref<128xi32, #tpu.memory_space<vmem>>
        %dma_start3A_1669 = arith.constant 0 : i32
        %dma_start3A_1670 = tpu.memref_slice %arg20[%dma_start3A_1669] : memref<32768xi32, #tpu.memory_space<vmem_shared>> -> memref<32768xi32, #tpu.memory_space<vmem_shared>>
        tpu.enqueue_indirect_dma source(%dma_start3A_1665 : memref<128xi32, #tpu.memory_space<vmem>>) target(%dma_start3A_1670 : memref<32768xi32, #tpu.memory_space<vmem_shared>>) offsets(%dma_start3A_1668 : memref<128xi32, #tpu.memory_space<vmem>>) semaphore(%arg15 : memref<!tpu.dma_semaphore, #tpu.memory_space<semaphore_mem>>)
        %mul3A_1671 = arith.constant 128 : i32
        %mul3A_1672 = arith.muli %div3A_1647, %mul3A_1671 : i32
        %dma_start3A_1673 = tpu.memref_slice %arg5[%mul3A_1672] : memref<2048xi32, #tpu.memory_space<vmem>> -> memref<128xi32, #tpu.memory_space<vmem>>
        %dma_start3A_1674 = arith.constant 0 : i32
        %dma_start3A_1675 = tpu.memref_slice %arg7[%div3A_1647, %dma_start3A_1674] : memref<16x128xi32, #tpu.memory_space<vmem>> -> memref<1x128xi32, #tpu.memory_space<vmem>>
        %dma_start3A_1676 = tpu.memref_squeeze %dma_start3A_1675 : memref<1x128xi32, #tpu.memory_space<vmem>> -> memref<128xi32, #tpu.memory_space<vmem>>
        %dma_start3A_1677 = arith.constant 0 : i32
        %dma_start3A_1678 = tpu.memref_slice %arg21[%dma_start3A_1677] : memref<32768xi32, #tpu.memory_space<vmem_shared>> -> memref<32768xi32, #tpu.memory_space<vmem_shared>>
        tpu.enqueue_indirect_dma source(%dma_start3A_1673 : memref<128xi32, #tpu.memory_space<vmem>>) target(%dma_start3A_1678 : memref<32768xi32, #tpu.memory_space<vmem_shared>>) offsets(%dma_start3A_1676 : memref<128xi32, #tpu.memory_space<vmem>>) semaphore(%arg15 : memref<!tpu.dma_semaphore, #tpu.memory_space<semaphore_mem>>)
      } else {
      }
      %scan3A_1662 = arith.constant 0 : i32
      scf.yield %scan3A_1662 : i32
    }
    %scan3A_1119 = arith.constant 128 : i32
    %dma_wait3A_1120 = arith.constant 0 : i32
    %dma_wait3A_1121 = tpu.memref_slice %arg6[%dma_wait3A_1120] : memref<2048xi32, #tpu.memory_space<vmem>> -> memref<128xi32, #tpu.memory_space<vmem>>
    %dma_wait3A_1122 = arith.constant 0 : i32
    %dma_wait3A_1123 = tpu.memref_slice %arg2[%dma_wait3A_1122] : memref<32768xi32, #tpu.memory_space<hbm>> -> memref<128xi32, #tpu.memory_space<hbm>>
    %dma_wait3A_1124 = arith.constant 0 : i32
    %dma_wait3A_1125 = tpu.memref_slice %arg6[%dma_wait3A_1124] : memref<2048xi32, #tpu.memory_space<vmem>> -> memref<128xi32, #tpu.memory_space<vmem>>
    %dma_wait3A_1126 = arith.constant 0 : i32
    %dma_wait3A_1127 = tpu.memref_slice %arg2[%dma_wait3A_1126] : memref<32768xi32, #tpu.memory_space<hbm>> -> memref<128xi32, #tpu.memory_space<hbm>>
    tpu.wait_dma2 semaphore(%arg15 : memref<!tpu.dma_semaphore, #tpu.memory_space<semaphore_mem>>) src(%dma_wait3A_1127 : memref<128xi32, #tpu.memory_space<hbm>>) dst(%dma_wait3A_1125 : memref<128xi32, #tpu.memory_space<vmem>>)
    %dma_wait3A_1128 = arith.constant 0 : i32
    %dma_wait3A_1129 = tpu.memref_slice %arg6[%dma_wait3A_1128] : memref<2048xi32, #tpu.memory_space<vmem>> -> memref<128xi32, #tpu.memory_space<vmem>>
    %dma_wait3A_1130 = arith.constant 0 : i32
    %dma_wait3A_1131 = tpu.memref_slice %arg2[%dma_wait3A_1130] : memref<32768xi32, #tpu.memory_space<hbm>> -> memref<128xi32, #tpu.memory_space<hbm>>
    %dma_wait3A_1132 = arith.constant 0 : i32
    %dma_wait3A_1133 = tpu.memref_slice %arg6[%dma_wait3A_1132] : memref<2048xi32, #tpu.memory_space<vmem>> -> memref<128xi32, #tpu.memory_space<vmem>>
    %dma_wait3A_1134 = arith.constant 0 : i32
    %dma_wait3A_1135 = tpu.memref_slice %arg2[%dma_wait3A_1134] : memref<32768xi32, #tpu.memory_space<hbm>> -> memref<128xi32, #tpu.memory_space<hbm>>
    tpu.wait_dma2 semaphore(%arg15 : memref<!tpu.dma_semaphore, #tpu.memory_space<semaphore_mem>>) src(%dma_wait3A_1135 : memref<128xi32, #tpu.memory_space<hbm>>) dst(%dma_wait3A_1133 : memref<128xi32, #tpu.memory_space<vmem>>)
    %dma_wait3A_1136 = arith.constant 0 : i32
    %dma_wait3A_1137 = tpu.memref_slice %arg6[%dma_wait3A_1136] : memref<2048xi32, #tpu.memory_space<vmem>> -> memref<128xi32, #tpu.memory_space<vmem>>
    %dma_wait3A_1138 = arith.constant 0 : i32
    %dma_wait3A_1139 = tpu.memref_slice %arg2[%dma_wait3A_1138] : memref<32768xi32, #tpu.memory_space<hbm>> -> memref<128xi32, #tpu.memory_space<hbm>>
    %dma_wait3A_1140 = arith.constant 0 : i32
    %dma_wait3A_1141 = tpu.memref_slice %arg6[%dma_wait3A_1140] : memref<2048xi32, #tpu.memory_space<vmem>> -> memref<128xi32, #tpu.memory_space<vmem>>
    %dma_wait3A_1142 = arith.constant 0 : i32
    %dma_wait3A_1143 = tpu.memref_slice %arg2[%dma_wait3A_1142] : memref<32768xi32, #tpu.memory_space<hbm>> -> memref<128xi32, #tpu.memory_space<hbm>>
    tpu.wait_dma2 semaphore(%arg15 : memref<!tpu.dma_semaphore, #tpu.memory_space<semaphore_mem>>) src(%dma_wait3A_1143 : memref<128xi32, #tpu.memory_space<hbm>>) dst(%dma_wait3A_1141 : memref<128xi32, #tpu.memory_space<vmem>>)
    %dma_wait3A_1144 = arith.constant 0 : i32
    %dma_wait3A_1145 = tpu.memref_slice %arg6[%dma_wait3A_1144] : memref<2048xi32, #tpu.memory_space<vmem>> -> memref<128xi32, #tpu.memory_space<vmem>>
    %dma_wait3A_1146 = arith.constant 0 : i32
    %dma_wait3A_1147 = tpu.memref_slice %arg2[%dma_wait3A_1146] : memref<32768xi32, #tpu.memory_space<hbm>> -> memref<128xi32, #tpu.memory_space<hbm>>
    %dma_wait3A_1148 = arith.constant 0 : i32
    %dma_wait3A_1149 = tpu.memref_slice %arg6[%dma_wait3A_1148] : memref<2048xi32, #tpu.memory_space<vmem>> -> memref<128xi32, #tpu.memory_space<vmem>>
    %dma_wait3A_1150 = arith.constant 0 : i32
    %dma_wait3A_1151 = tpu.memref_slice %arg2[%dma_wait3A_1150] : memref<32768xi32, #tpu.memory_space<hbm>> -> memref<128xi32, #tpu.memory_space<hbm>>
    tpu.wait_dma2 semaphore(%arg15 : memref<!tpu.dma_semaphore, #tpu.memory_space<semaphore_mem>>) src(%dma_wait3A_1151 : memref<128xi32, #tpu.memory_space<hbm>>) dst(%dma_wait3A_1149 : memref<128xi32, #tpu.memory_space<vmem>>)
    %dma_wait3A_1152 = arith.constant 0 : i32
    %dma_wait3A_1153 = tpu.memref_slice %arg6[%dma_wait3A_1152] : memref<2048xi32, #tpu.memory_space<vmem>> -> memref<128xi32, #tpu.memory_space<vmem>>
    %dma_wait3A_1154 = arith.constant 0 : i32
    %dma_wait3A_1155 = tpu.memref_slice %arg2[%dma_wait3A_1154] : memref<32768xi32, #tpu.memory_space<hbm>> -> memref<128xi32, #tpu.memory_space<hbm>>
    %dma_wait3A_1156 = arith.constant 0 : i32
    %dma_wait3A_1157 = tpu.memref_slice %arg6[%dma_wait3A_1156] : memref<2048xi32, #tpu.memory_space<vmem>> -> memref<128xi32, #tpu.memory_space<vmem>>
    %dma_wait3A_1158 = arith.constant 0 : i32
    %dma_wait3A_1159 = tpu.memref_slice %arg2[%dma_wait3A_1158] : memref<32768xi32, #tpu.memory_space<hbm>> -> memref<128xi32, #tpu.memory_space<hbm>>
    tpu.wait_dma2 semaphore(%arg15 : memref<!tpu.dma_semaphore, #tpu.memory_space<semaphore_mem>>) src(%dma_wait3A_1159 : memref<128xi32, #tpu.memory_space<hbm>>) dst(%dma_wait3A_1157 : memref<128xi32, #tpu.memory_space<vmem>>)
    %dma_wait3A_1160 = arith.constant 0 : i32
    %dma_wait3A_1161 = tpu.memref_slice %arg6[%dma_wait3A_1160] : memref<2048xi32, #tpu.memory_space<vmem>> -> memref<128xi32, #tpu.memory_space<vmem>>
    %dma_wait3A_1162 = arith.constant 0 : i32
    %dma_wait3A_1163 = tpu.memref_slice %arg2[%dma_wait3A_1162] : memref<32768xi32, #tpu.memory_space<hbm>> -> memref<128xi32, #tpu.memory_space<hbm>>
    %dma_wait3A_1164 = arith.constant 0 : i32
    %dma_wait3A_1165 = tpu.memref_slice %arg6[%dma_wait3A_1164] : memref<2048xi32, #tpu.memory_space<vmem>> -> memref<128xi32, #tpu.memory_space<vmem>>
    %dma_wait3A_1166 = arith.constant 0 : i32
    %dma_wait3A_1167 = tpu.memref_slice %arg2[%dma_wait3A_1166] : memref<32768xi32, #tpu.memory_space<hbm>> -> memref<128xi32, #tpu.memory_space<hbm>>
    tpu.wait_dma2 semaphore(%arg15 : memref<!tpu.dma_semaphore, #tpu.memory_space<semaphore_mem>>) src(%dma_wait3A_1167 : memref<128xi32, #tpu.memory_space<hbm>>) dst(%dma_wait3A_1165 : memref<128xi32, #tpu.memory_space<vmem>>)
    %dma_wait3A_1168 = arith.constant 0 : i32
    %dma_wait3A_1169 = tpu.memref_slice %arg6[%dma_wait3A_1168] : memref<2048xi32, #tpu.memory_space<vmem>> -> memref<128xi32, #tpu.memory_space<vmem>>
    %dma_wait3A_1170 = arith.constant 0 : i32
    %dma_wait3A_1171 = tpu.memref_slice %arg2[%dma_wait3A_1170] : memref<32768xi32, #tpu.memory_space<hbm>> -> memref<128xi32, #tpu.memory_space<hbm>>
    %dma_wait3A_1172 = arith.constant 0 : i32
    %dma_wait3A_1173 = tpu.memref_slice %arg6[%dma_wait3A_1172] : memref<2048xi32, #tpu.memory_space<vmem>> -> memref<128xi32, #tpu.memory_space<vmem>>
    %dma_wait3A_1174 = arith.constant 0 : i32
    %dma_wait3A_1175 = tpu.memref_slice %arg2[%dma_wait3A_1174] : memref<32768xi32, #tpu.memory_space<hbm>> -> memref<128xi32, #tpu.memory_space<hbm>>
    tpu.wait_dma2 semaphore(%arg15 : memref<!tpu.dma_semaphore, #tpu.memory_space<semaphore_mem>>) src(%dma_wait3A_1175 : memref<128xi32, #tpu.memory_space<hbm>>) dst(%dma_wait3A_1173 : memref<128xi32, #tpu.memory_space<vmem>>)
    %dma_wait3A_1176 = arith.constant 0 : i32
    %dma_wait3A_1177 = tpu.memref_slice %arg6[%dma_wait3A_1176] : memref<2048xi32, #tpu.memory_space<vmem>> -> memref<128xi32, #tpu.memory_space<vmem>>
    %dma_wait3A_1178 = arith.constant 0 : i32
    %dma_wait3A_1179 = tpu.memref_slice %arg2[%dma_wait3A_1178] : memref<32768xi32, #tpu.memory_space<hbm>> -> memref<128xi32, #tpu.memory_space<hbm>>
    %dma_wait3A_1180 = arith.constant 0 : i32
    %dma_wait3A_1181 = tpu.memref_slice %arg6[%dma_wait3A_1180] : memref<2048xi32, #tpu.memory_space<vmem>> -> memref<128xi32, #tpu.memory_space<vmem>>
    %dma_wait3A_1182 = arith.constant 0 : i32
    %dma_wait3A_1183 = tpu.memref_slice %arg2[%dma_wait3A_1182] : memref<32768xi32, #tpu.memory_space<hbm>> -> memref<128xi32, #tpu.memory_space<hbm>>
    tpu.wait_dma2 semaphore(%arg15 : memref<!tpu.dma_semaphore, #tpu.memory_space<semaphore_mem>>) src(%dma_wait3A_1183 : memref<128xi32, #tpu.memory_space<hbm>>) dst(%dma_wait3A_1181 : memref<128xi32, #tpu.memory_space<vmem>>)
    %dma_wait3A_1184 = arith.constant 0 : i32
    %dma_wait3A_1185 = tpu.memref_slice %arg6[%dma_wait3A_1184] : memref<2048xi32, #tpu.memory_space<vmem>> -> memref<128xi32, #tpu.memory_space<vmem>>
    %dma_wait3A_1186 = arith.constant 0 : i32
    %dma_wait3A_1187 = tpu.memref_slice %arg2[%dma_wait3A_1186] : memref<32768xi32, #tpu.memory_space<hbm>> -> memref<128xi32, #tpu.memory_space<hbm>>
    %dma_wait3A_1188 = arith.constant 0 : i32
    %dma_wait3A_1189 = tpu.memref_slice %arg6[%dma_wait3A_1188] : memref<2048xi32, #tpu.memory_space<vmem>> -> memref<128xi32, #tpu.memory_space<vmem>>
    %dma_wait3A_1190 = arith.constant 0 : i32
    %dma_wait3A_1191 = tpu.memref_slice %arg2[%dma_wait3A_1190] : memref<32768xi32, #tpu.memory_space<hbm>> -> memref<128xi32, #tpu.memory_space<hbm>>
    tpu.wait_dma2 semaphore(%arg15 : memref<!tpu.dma_semaphore, #tpu.memory_space<semaphore_mem>>) src(%dma_wait3A_1191 : memref<128xi32, #tpu.memory_space<hbm>>) dst(%dma_wait3A_1189 : memref<128xi32, #tpu.memory_space<vmem>>)
    %dma_wait3A_1192 = arith.constant 0 : i32
    %dma_wait3A_1193 = tpu.memref_slice %arg6[%dma_wait3A_1192] : memref<2048xi32, #tpu.memory_space<vmem>> -> memref<128xi32, #tpu.memory_space<vmem>>
    %dma_wait3A_1194 = arith.constant 0 : i32
    %dma_wait3A_1195 = tpu.memref_slice %arg2[%dma_wait3A_1194] : memref<32768xi32, #tpu.memory_space<hbm>> -> memref<128xi32, #tpu.memory_space<hbm>>
    %dma_wait3A_1196 = arith.constant 0 : i32
    %dma_wait3A_1197 = tpu.memref_slice %arg6[%dma_wait3A_1196] : memref<2048xi32, #tpu.memory_space<vmem>> -> memref<128xi32, #tpu.memory_space<vmem>>
    %dma_wait3A_1198 = arith.constant 0 : i32
    %dma_wait3A_1199 = tpu.memref_slice %arg2[%dma_wait3A_1198] : memref<32768xi32, #tpu.memory_space<hbm>> -> memref<128xi32, #tpu.memory_space<hbm>>
    tpu.wait_dma2 semaphore(%arg15 : memref<!tpu.dma_semaphore, #tpu.memory_space<semaphore_mem>>) src(%dma_wait3A_1199 : memref<128xi32, #tpu.memory_space<hbm>>) dst(%dma_wait3A_1197 : memref<128xi32, #tpu.memory_space<vmem>>)
    %dma_wait3A_1200 = arith.constant 0 : i32
    %dma_wait3A_1201 = tpu.memref_slice %arg6[%dma_wait3A_1200] : memref<2048xi32, #tpu.memory_space<vmem>> -> memref<128xi32, #tpu.memory_space<vmem>>
    %dma_wait3A_1202 = arith.constant 0 : i32
    %dma_wait3A_1203 = tpu.memref_slice %arg2[%dma_wait3A_1202] : memref<32768xi32, #tpu.memory_space<hbm>> -> memref<128xi32, #tpu.memory_space<hbm>>
    %dma_wait3A_1204 = arith.constant 0 : i32
    %dma_wait3A_1205 = tpu.memref_slice %arg6[%dma_wait3A_1204] : memref<2048xi32, #tpu.memory_space<vmem>> -> memref<128xi32, #tpu.memory_space<vmem>>
    %dma_wait3A_1206 = arith.constant 0 : i32
    %dma_wait3A_1207 = tpu.memref_slice %arg2[%dma_wait3A_1206] : memref<32768xi32, #tpu.memory_space<hbm>> -> memref<128xi32, #tpu.memory_space<hbm>>
    tpu.wait_dma2 semaphore(%arg15 : memref<!tpu.dma_semaphore, #tpu.memory_space<semaphore_mem>>) src(%dma_wait3A_1207 : memref<128xi32, #tpu.memory_space<hbm>>) dst(%dma_wait3A_1205 : memref<128xi32, #tpu.memory_space<vmem>>)
    %dma_wait3A_1208 = arith.constant 0 : i32
    %dma_wait3A_1209 = tpu.memref_slice %arg6[%dma_wait3A_1208] : memref<2048xi32, #tpu.memory_space<vmem>> -> memref<128xi32, #tpu.memory_space<vmem>>
    %dma_wait3A_1210 = arith.constant 0 : i32
    %dma_wait3A_1211 = tpu.memref_slice %arg2[%dma_wait3A_1210] : memref<32768xi32, #tpu.memory_space<hbm>> -> memref<128xi32, #tpu.memory_space<hbm>>
    %dma_wait3A_1212 = arith.constant 0 : i32
    %dma_wait3A_1213 = tpu.memref_slice %arg6[%dma_wait3A_1212] : memref<2048xi32, #tpu.memory_space<vmem>> -> memref<128xi32, #tpu.memory_space<vmem>>
    %dma_wait3A_1214 = arith.constant 0 : i32
    %dma_wait3A_1215 = tpu.memref_slice %arg2[%dma_wait3A_1214] : memref<32768xi32, #tpu.memory_space<hbm>> -> memref<128xi32, #tpu.memory_space<hbm>>
    tpu.wait_dma2 semaphore(%arg15 : memref<!tpu.dma_semaphore, #tpu.memory_space<semaphore_mem>>) src(%dma_wait3A_1215 : memref<128xi32, #tpu.memory_space<hbm>>) dst(%dma_wait3A_1213 : memref<128xi32, #tpu.memory_space<vmem>>)
    %dma_wait3A_1216 = arith.constant 0 : i32
    %dma_wait3A_1217 = tpu.memref_slice %arg6[%dma_wait3A_1216] : memref<2048xi32, #tpu.memory_space<vmem>> -> memref<128xi32, #tpu.memory_space<vmem>>
    %dma_wait3A_1218 = arith.constant 0 : i32
    %dma_wait3A_1219 = tpu.memref_slice %arg2[%dma_wait3A_1218] : memref<32768xi32, #tpu.memory_space<hbm>> -> memref<128xi32, #tpu.memory_space<hbm>>
    %dma_wait3A_1220 = arith.constant 0 : i32
    %dma_wait3A_1221 = tpu.memref_slice %arg6[%dma_wait3A_1220] : memref<2048xi32, #tpu.memory_space<vmem>> -> memref<128xi32, #tpu.memory_space<vmem>>
    %dma_wait3A_1222 = arith.constant 0 : i32
    %dma_wait3A_1223 = tpu.memref_slice %arg2[%dma_wait3A_1222] : memref<32768xi32, #tpu.memory_space<hbm>> -> memref<128xi32, #tpu.memory_space<hbm>>
    tpu.wait_dma2 semaphore(%arg15 : memref<!tpu.dma_semaphore, #tpu.memory_space<semaphore_mem>>) src(%dma_wait3A_1223 : memref<128xi32, #tpu.memory_space<hbm>>) dst(%dma_wait3A_1221 : memref<128xi32, #tpu.memory_space<vmem>>)
    %dma_wait3A_1224 = arith.constant 0 : i32
    %dma_wait3A_1225 = tpu.memref_slice %arg6[%dma_wait3A_1224] : memref<2048xi32, #tpu.memory_space<vmem>> -> memref<128xi32, #tpu.memory_space<vmem>>
    %dma_wait3A_1226 = arith.constant 0 : i32
    %dma_wait3A_1227 = tpu.memref_slice %arg2[%dma_wait3A_1226] : memref<32768xi32, #tpu.memory_space<hbm>> -> memref<128xi32, #tpu.memory_space<hbm>>
    %dma_wait3A_1228 = arith.constant 0 : i32
    %dma_wait3A_1229 = tpu.memref_slice %arg6[%dma_wait3A_1228] : memref<2048xi32, #tpu.memory_space<vmem>> -> memref<128xi32, #tpu.memory_space<vmem>>
    %dma_wait3A_1230 = arith.constant 0 : i32
    %dma_wait3A_1231 = tpu.memref_slice %arg2[%dma_wait3A_1230] : memref<32768xi32, #tpu.memory_space<hbm>> -> memref<128xi32, #tpu.memory_space<hbm>>
    tpu.wait_dma2 semaphore(%arg15 : memref<!tpu.dma_semaphore, #tpu.memory_space<semaphore_mem>>) src(%dma_wait3A_1231 : memref<128xi32, #tpu.memory_space<hbm>>) dst(%dma_wait3A_1229 : memref<128xi32, #tpu.memory_space<vmem>>)
    %dma_wait3A_1232 = arith.constant 0 : i32
    %dma_wait3A_1233 = tpu.memref_slice %arg6[%dma_wait3A_1232] : memref<2048xi32, #tpu.memory_space<vmem>> -> memref<128xi32, #tpu.memory_space<vmem>>
    %dma_wait3A_1234 = arith.constant 0 : i32
    %dma_wait3A_1235 = tpu.memref_slice %arg2[%dma_wait3A_1234] : memref<32768xi32, #tpu.memory_space<hbm>> -> memref<128xi32, #tpu.memory_space<hbm>>
    %dma_wait3A_1236 = arith.constant 0 : i32
    %dma_wait3A_1237 = tpu.memref_slice %arg6[%dma_wait3A_1236] : memref<2048xi32, #tpu.memory_space<vmem>> -> memref<128xi32, #tpu.memory_space<vmem>>
    %dma_wait3A_1238 = arith.constant 0 : i32
    %dma_wait3A_1239 = tpu.memref_slice %arg2[%dma_wait3A_1238] : memref<32768xi32, #tpu.memory_space<hbm>> -> memref<128xi32, #tpu.memory_space<hbm>>
    tpu.wait_dma2 semaphore(%arg15 : memref<!tpu.dma_semaphore, #tpu.memory_space<semaphore_mem>>) src(%dma_wait3A_1239 : memref<128xi32, #tpu.memory_space<hbm>>) dst(%dma_wait3A_1237 : memref<128xi32, #tpu.memory_space<vmem>>)
    %dma_wait3A_1240 = arith.constant 0 : i32
    %dma_wait3A_1241 = tpu.memref_slice %arg6[%dma_wait3A_1240] : memref<2048xi32, #tpu.memory_space<vmem>> -> memref<128xi32, #tpu.memory_space<vmem>>
    %dma_wait3A_1242 = arith.constant 0 : i32
    %dma_wait3A_1243 = tpu.memref_slice %arg2[%dma_wait3A_1242] : memref<32768xi32, #tpu.memory_space<hbm>> -> memref<128xi32, #tpu.memory_space<hbm>>
    %dma_wait3A_1244 = arith.constant 0 : i32
    %dma_wait3A_1245 = tpu.memref_slice %arg6[%dma_wait3A_1244] : memref<2048xi32, #tpu.memory_space<vmem>> -> memref<128xi32, #tpu.memory_space<vmem>>
    %dma_wait3A_1246 = arith.constant 0 : i32
    %dma_wait3A_1247 = tpu.memref_slice %arg2[%dma_wait3A_1246] : memref<32768xi32, #tpu.memory_space<hbm>> -> memref<128xi32, #tpu.memory_space<hbm>>
    tpu.wait_dma2 semaphore(%arg15 : memref<!tpu.dma_semaphore, #tpu.memory_space<semaphore_mem>>) src(%dma_wait3A_1247 : memref<128xi32, #tpu.memory_space<hbm>>) dst(%dma_wait3A_1245 : memref<128xi32, #tpu.memory_space<vmem>>)
    %dma_wait3A_1248 = arith.constant 0 : i32
    %dma_wait3A_1249 = tpu.memref_slice %arg6[%dma_wait3A_1248] : memref<2048xi32, #tpu.memory_space<vmem>> -> memref<128xi32, #tpu.memory_space<vmem>>
    %dma_wait3A_1250 = arith.constant 0 : i32
    %dma_wait3A_1251 = tpu.memref_slice %arg2[%dma_wait3A_1250] : memref<32768xi32, #tpu.memory_space<hbm>> -> memref<128xi32, #tpu.memory_space<hbm>>
    %dma_wait3A_1252 = arith.constant 0 : i32
    %dma_wait3A_1253 = tpu.memref_slice %arg6[%dma_wait3A_1252] : memref<2048xi32, #tpu.memory_space<vmem>> -> memref<128xi32, #tpu.memory_space<vmem>>
    %dma_wait3A_1254 = arith.constant 0 : i32
    %dma_wait3A_1255 = tpu.memref_slice %arg2[%dma_wait3A_1254] : memref<32768xi32, #tpu.memory_space<hbm>> -> memref<128xi32, #tpu.memory_space<hbm>>
    tpu.wait_dma2 semaphore(%arg15 : memref<!tpu.dma_semaphore, #tpu.memory_space<semaphore_mem>>) src(%dma_wait3A_1255 : memref<128xi32, #tpu.memory_space<hbm>>) dst(%dma_wait3A_1253 : memref<128xi32, #tpu.memory_space<vmem>>)
    %dma_wait3A_1256 = arith.constant 0 : i32
    %dma_wait3A_1257 = tpu.memref_slice %arg6[%dma_wait3A_1256] : memref<2048xi32, #tpu.memory_space<vmem>> -> memref<128xi32, #tpu.memory_space<vmem>>
    %dma_wait3A_1258 = arith.constant 0 : i32
    %dma_wait3A_1259 = tpu.memref_slice %arg2[%dma_wait3A_1258] : memref<32768xi32, #tpu.memory_space<hbm>> -> memref<128xi32, #tpu.memory_space<hbm>>
    %dma_wait3A_1260 = arith.constant 0 : i32
    %dma_wait3A_1261 = tpu.memref_slice %arg6[%dma_wait3A_1260] : memref<2048xi32, #tpu.memory_space<vmem>> -> memref<128xi32, #tpu.memory_space<vmem>>
    %dma_wait3A_1262 = arith.constant 0 : i32
    %dma_wait3A_1263 = tpu.memref_slice %arg2[%dma_wait3A_1262] : memref<32768xi32, #tpu.memory_space<hbm>> -> memref<128xi32, #tpu.memory_space<hbm>>
    tpu.wait_dma2 semaphore(%arg15 : memref<!tpu.dma_semaphore, #tpu.memory_space<semaphore_mem>>) src(%dma_wait3A_1263 : memref<128xi32, #tpu.memory_space<hbm>>) dst(%dma_wait3A_1261 : memref<128xi32, #tpu.memory_space<vmem>>)
    %dma_wait3A_1264 = arith.constant 0 : i32
    %dma_wait3A_1265 = tpu.memref_slice %arg6[%dma_wait3A_1264] : memref<2048xi32, #tpu.memory_space<vmem>> -> memref<128xi32, #tpu.memory_space<vmem>>
    %dma_wait3A_1266 = arith.constant 0 : i32
    %dma_wait3A_1267 = tpu.memref_slice %arg2[%dma_wait3A_1266] : memref<32768xi32, #tpu.memory_space<hbm>> -> memref<128xi32, #tpu.memory_space<hbm>>
    %dma_wait3A_1268 = arith.constant 0 : i32
    %dma_wait3A_1269 = tpu.memref_slice %arg6[%dma_wait3A_1268] : memref<2048xi32, #tpu.memory_space<vmem>> -> memref<128xi32, #tpu.memory_space<vmem>>
    %dma_wait3A_1270 = arith.constant 0 : i32
    %dma_wait3A_1271 = tpu.memref_slice %arg2[%dma_wait3A_1270] : memref<32768xi32, #tpu.memory_space<hbm>> -> memref<128xi32, #tpu.memory_space<hbm>>
    tpu.wait_dma2 semaphore(%arg15 : memref<!tpu.dma_semaphore, #tpu.memory_space<semaphore_mem>>) src(%dma_wait3A_1271 : memref<128xi32, #tpu.memory_space<hbm>>) dst(%dma_wait3A_1269 : memref<128xi32, #tpu.memory_space<vmem>>)
    %dma_wait3A_1272 = arith.constant 0 : i32
    %dma_wait3A_1273 = tpu.memref_slice %arg6[%dma_wait3A_1272] : memref<2048xi32, #tpu.memory_space<vmem>> -> memref<128xi32, #tpu.memory_space<vmem>>
    %dma_wait3A_1274 = arith.constant 0 : i32
    %dma_wait3A_1275 = tpu.memref_slice %arg2[%dma_wait3A_1274] : memref<32768xi32, #tpu.memory_space<hbm>> -> memref<128xi32, #tpu.memory_space<hbm>>
    %dma_wait3A_1276 = arith.constant 0 : i32
    %dma_wait3A_1277 = tpu.memref_slice %arg6[%dma_wait3A_1276] : memref<2048xi32, #tpu.memory_space<vmem>> -> memref<128xi32, #tpu.memory_space<vmem>>
    %dma_wait3A_1278 = arith.constant 0 : i32
    %dma_wait3A_1279 = tpu.memref_slice %arg2[%dma_wait3A_1278] : memref<32768xi32, #tpu.memory_space<hbm>> -> memref<128xi32, #tpu.memory_space<hbm>>
    tpu.wait_dma2 semaphore(%arg15 : memref<!tpu.dma_semaphore, #tpu.memory_space<semaphore_mem>>) src(%dma_wait3A_1279 : memref<128xi32, #tpu.memory_space<hbm>>) dst(%dma_wait3A_1277 : memref<128xi32, #tpu.memory_space<vmem>>)
    %dma_wait3A_1280 = arith.constant 0 : i32
    %dma_wait3A_1281 = tpu.memref_slice %arg6[%dma_wait3A_1280] : memref<2048xi32, #tpu.memory_space<vmem>> -> memref<128xi32, #tpu.memory_space<vmem>>
    %dma_wait3A_1282 = arith.constant 0 : i32
    %dma_wait3A_1283 = tpu.memref_slice %arg2[%dma_wait3A_1282] : memref<32768xi32, #tpu.memory_space<hbm>> -> memref<128xi32, #tpu.memory_space<hbm>>
    %dma_wait3A_1284 = arith.constant 0 : i32
    %dma_wait3A_1285 = tpu.memref_slice %arg6[%dma_wait3A_1284] : memref<2048xi32, #tpu.memory_space<vmem>> -> memref<128xi32, #tpu.memory_space<vmem>>
    %dma_wait3A_1286 = arith.constant 0 : i32
    %dma_wait3A_1287 = tpu.memref_slice %arg2[%dma_wait3A_1286] : memref<32768xi32, #tpu.memory_space<hbm>> -> memref<128xi32, #tpu.memory_space<hbm>>
    tpu.wait_dma2 semaphore(%arg15 : memref<!tpu.dma_semaphore, #tpu.memory_space<semaphore_mem>>) src(%dma_wait3A_1287 : memref<128xi32, #tpu.memory_space<hbm>>) dst(%dma_wait3A_1285 : memref<128xi32, #tpu.memory_space<vmem>>)
    %dma_wait3A_1288 = arith.constant 0 : i32
    %dma_wait3A_1289 = tpu.memref_slice %arg6[%dma_wait3A_1288] : memref<2048xi32, #tpu.memory_space<vmem>> -> memref<128xi32, #tpu.memory_space<vmem>>
    %dma_wait3A_1290 = arith.constant 0 : i32
    %dma_wait3A_1291 = tpu.memref_slice %arg2[%dma_wait3A_1290] : memref<32768xi32, #tpu.memory_space<hbm>> -> memref<128xi32, #tpu.memory_space<hbm>>
    %dma_wait3A_1292 = arith.constant 0 : i32
    %dma_wait3A_1293 = tpu.memref_slice %arg6[%dma_wait3A_1292] : memref<2048xi32, #tpu.memory_space<vmem>> -> memref<128xi32, #tpu.memory_space<vmem>>
    %dma_wait3A_1294 = arith.constant 0 : i32
    %dma_wait3A_1295 = tpu.memref_slice %arg2[%dma_wait3A_1294] : memref<32768xi32, #tpu.memory_space<hbm>> -> memref<128xi32, #tpu.memory_space<hbm>>
    tpu.wait_dma2 semaphore(%arg15 : memref<!tpu.dma_semaphore, #tpu.memory_space<semaphore_mem>>) src(%dma_wait3A_1295 : memref<128xi32, #tpu.memory_space<hbm>>) dst(%dma_wait3A_1293 : memref<128xi32, #tpu.memory_space<vmem>>)
    %dma_wait3A_1296 = arith.constant 0 : i32
    %dma_wait3A_1297 = tpu.memref_slice %arg6[%dma_wait3A_1296] : memref<2048xi32, #tpu.memory_space<vmem>> -> memref<128xi32, #tpu.memory_space<vmem>>
    %dma_wait3A_1298 = arith.constant 0 : i32
    %dma_wait3A_1299 = tpu.memref_slice %arg2[%dma_wait3A_1298] : memref<32768xi32, #tpu.memory_space<hbm>> -> memref<128xi32, #tpu.memory_space<hbm>>
    %dma_wait3A_1300 = arith.constant 0 : i32
    %dma_wait3A_1301 = tpu.memref_slice %arg6[%dma_wait3A_1300] : memref<2048xi32, #tpu.memory_space<vmem>> -> memref<128xi32, #tpu.memory_space<vmem>>
    %dma_wait3A_1302 = arith.constant 0 : i32
    %dma_wait3A_1303 = tpu.memref_slice %arg2[%dma_wait3A_1302] : memref<32768xi32, #tpu.memory_space<hbm>> -> memref<128xi32, #tpu.memory_space<hbm>>
    tpu.wait_dma2 semaphore(%arg15 : memref<!tpu.dma_semaphore, #tpu.memory_space<semaphore_mem>>) src(%dma_wait3A_1303 : memref<128xi32, #tpu.memory_space<hbm>>) dst(%dma_wait3A_1301 : memref<128xi32, #tpu.memory_space<vmem>>)
    %dma_wait3A_1304 = arith.constant 0 : i32
    %dma_wait3A_1305 = tpu.memref_slice %arg6[%dma_wait3A_1304] : memref<2048xi32, #tpu.memory_space<vmem>> -> memref<128xi32, #tpu.memory_space<vmem>>
    %dma_wait3A_1306 = arith.constant 0 : i32
    %dma_wait3A_1307 = tpu.memref_slice %arg2[%dma_wait3A_1306] : memref<32768xi32, #tpu.memory_space<hbm>> -> memref<128xi32, #tpu.memory_space<hbm>>
    %dma_wait3A_1308 = arith.constant 0 : i32
    %dma_wait3A_1309 = tpu.memref_slice %arg6[%dma_wait3A_1308] : memref<2048xi32, #tpu.memory_space<vmem>> -> memref<128xi32, #tpu.memory_space<vmem>>
    %dma_wait3A_1310 = arith.constant 0 : i32
    %dma_wait3A_1311 = tpu.memref_slice %arg2[%dma_wait3A_1310] : memref<32768xi32, #tpu.memory_space<hbm>> -> memref<128xi32, #tpu.memory_space<hbm>>
    tpu.wait_dma2 semaphore(%arg15 : memref<!tpu.dma_semaphore, #tpu.memory_space<semaphore_mem>>) src(%dma_wait3A_1311 : memref<128xi32, #tpu.memory_space<hbm>>) dst(%dma_wait3A_1309 : memref<128xi32, #tpu.memory_space<vmem>>)
    %dma_wait3A_1312 = arith.constant 0 : i32
    %dma_wait3A_1313 = tpu.memref_slice %arg6[%dma_wait3A_1312] : memref<2048xi32, #tpu.memory_space<vmem>> -> memref<128xi32, #tpu.memory_space<vmem>>
    %dma_wait3A_1314 = arith.constant 0 : i32
    %dma_wait3A_1315 = tpu.memref_slice %arg2[%dma_wait3A_1314] : memref<32768xi32, #tpu.memory_space<hbm>> -> memref<128xi32, #tpu.memory_space<hbm>>
    %dma_wait3A_1316 = arith.constant 0 : i32
    %dma_wait3A_1317 = tpu.memref_slice %arg6[%dma_wait3A_1316] : memref<2048xi32, #tpu.memory_space<vmem>> -> memref<128xi32, #tpu.memory_space<vmem>>
    %dma_wait3A_1318 = arith.constant 0 : i32
    %dma_wait3A_1319 = tpu.memref_slice %arg2[%dma_wait3A_1318] : memref<32768xi32, #tpu.memory_space<hbm>> -> memref<128xi32, #tpu.memory_space<hbm>>
    tpu.wait_dma2 semaphore(%arg15 : memref<!tpu.dma_semaphore, #tpu.memory_space<semaphore_mem>>) src(%dma_wait3A_1319 : memref<128xi32, #tpu.memory_space<hbm>>) dst(%dma_wait3A_1317 : memref<128xi32, #tpu.memory_space<vmem>>)
    %dma_wait3A_1320 = arith.constant 0 : i32
    %dma_wait3A_1321 = tpu.memref_slice %arg6[%dma_wait3A_1320] : memref<2048xi32, #tpu.memory_space<vmem>> -> memref<128xi32, #tpu.memory_space<vmem>>
    %dma_wait3A_1322 = arith.constant 0 : i32
    %dma_wait3A_1323 = tpu.memref_slice %arg2[%dma_wait3A_1322] : memref<32768xi32, #tpu.memory_space<hbm>> -> memref<128xi32, #tpu.memory_space<hbm>>
    %dma_wait3A_1324 = arith.constant 0 : i32
    %dma_wait3A_1325 = tpu.memref_slice %arg6[%dma_wait3A_1324] : memref<2048xi32, #tpu.memory_space<vmem>> -> memref<128xi32, #tpu.memory_space<vmem>>
    %dma_wait3A_1326 = arith.constant 0 : i32
    %dma_wait3A_1327 = tpu.memref_slice %arg2[%dma_wait3A_1326] : memref<32768xi32, #tpu.memory_space<hbm>> -> memref<128xi32, #tpu.memory_space<hbm>>
    tpu.wait_dma2 semaphore(%arg15 : memref<!tpu.dma_semaphore, #tpu.memory_space<semaphore_mem>>) src(%dma_wait3A_1327 : memref<128xi32, #tpu.memory_space<hbm>>) dst(%dma_wait3A_1325 : memref<128xi32, #tpu.memory_space<vmem>>)
    %dma_wait3A_1328 = arith.constant 0 : i32
    %dma_wait3A_1329 = tpu.memref_slice %arg6[%dma_wait3A_1328] : memref<2048xi32, #tpu.memory_space<vmem>> -> memref<128xi32, #tpu.memory_space<vmem>>
    %dma_wait3A_1330 = arith.constant 0 : i32
    %dma_wait3A_1331 = tpu.memref_slice %arg2[%dma_wait3A_1330] : memref<32768xi32, #tpu.memory_space<hbm>> -> memref<128xi32, #tpu.memory_space<hbm>>
    %dma_wait3A_1332 = arith.constant 0 : i32
    %dma_wait3A_1333 = tpu.memref_slice %arg6[%dma_wait3A_1332] : memref<2048xi32, #tpu.memory_space<vmem>> -> memref<128xi32, #tpu.memory_space<vmem>>
    %dma_wait3A_1334 = arith.constant 0 : i32
    %dma_wait3A_1335 = tpu.memref_slice %arg2[%dma_wait3A_1334] : memref<32768xi32, #tpu.memory_space<hbm>> -> memref<128xi32, #tpu.memory_space<hbm>>
    tpu.wait_dma2 semaphore(%arg15 : memref<!tpu.dma_semaphore, #tpu.memory_space<semaphore_mem>>) src(%dma_wait3A_1335 : memref<128xi32, #tpu.memory_space<hbm>>) dst(%dma_wait3A_1333 : memref<128xi32, #tpu.memory_space<vmem>>)
    %dma_wait3A_1336 = arith.constant 0 : i32
    %dma_wait3A_1337 = tpu.memref_slice %arg6[%dma_wait3A_1336] : memref<2048xi32, #tpu.memory_space<vmem>> -> memref<128xi32, #tpu.memory_space<vmem>>
    %dma_wait3A_1338 = arith.constant 0 : i32
    %dma_wait3A_1339 = tpu.memref_slice %arg2[%dma_wait3A_1338] : memref<32768xi32, #tpu.memory_space<hbm>> -> memref<128xi32, #tpu.memory_space<hbm>>
    %dma_wait3A_1340 = arith.constant 0 : i32
    %dma_wait3A_1341 = tpu.memref_slice %arg6[%dma_wait3A_1340] : memref<2048xi32, #tpu.memory_space<vmem>> -> memref<128xi32, #tpu.memory_space<vmem>>
    %dma_wait3A_1342 = arith.constant 0 : i32
    %dma_wait3A_1343 = tpu.memref_slice %arg2[%dma_wait3A_1342] : memref<32768xi32, #tpu.memory_space<hbm>> -> memref<128xi32, #tpu.memory_space<hbm>>
    tpu.wait_dma2 semaphore(%arg15 : memref<!tpu.dma_semaphore, #tpu.memory_space<semaphore_mem>>) src(%dma_wait3A_1343 : memref<128xi32, #tpu.memory_space<hbm>>) dst(%dma_wait3A_1341 : memref<128xi32, #tpu.memory_space<vmem>>)
    %dma_wait3A_1344 = arith.constant 0 : i32
    %dma_wait3A_1345 = tpu.memref_slice %arg6[%dma_wait3A_1344] : memref<2048xi32, #tpu.memory_space<vmem>> -> memref<128xi32, #tpu.memory_space<vmem>>
    %dma_wait3A_1346 = arith.constant 0 : i32
    %dma_wait3A_1347 = tpu.memref_slice %arg2[%dma_wait3A_1346] : memref<32768xi32, #tpu.memory_space<hbm>> -> memref<128xi32, #tpu.memory_space<hbm>>
    %dma_wait3A_1348 = arith.constant 0 : i32
    %dma_wait3A_1349 = tpu.memref_slice %arg6[%dma_wait3A_1348] : memref<2048xi32, #tpu.memory_space<vmem>> -> memref<128xi32, #tpu.memory_space<vmem>>
    %dma_wait3A_1350 = arith.constant 0 : i32
    %dma_wait3A_1351 = tpu.memref_slice %arg2[%dma_wait3A_1350] : memref<32768xi32, #tpu.memory_space<hbm>> -> memref<128xi32, #tpu.memory_space<hbm>>
    tpu.wait_dma2 semaphore(%arg15 : memref<!tpu.dma_semaphore, #tpu.memory_space<semaphore_mem>>) src(%dma_wait3A_1351 : memref<128xi32, #tpu.memory_space<hbm>>) dst(%dma_wait3A_1349 : memref<128xi32, #tpu.memory_space<vmem>>)
    %dma_wait3A_1352 = arith.constant 0 : i32
    %dma_wait3A_1353 = tpu.memref_slice %arg6[%dma_wait3A_1352] : memref<2048xi32, #tpu.memory_space<vmem>> -> memref<128xi32, #tpu.memory_space<vmem>>
    %dma_wait3A_1354 = arith.constant 0 : i32
    %dma_wait3A_1355 = tpu.memref_slice %arg2[%dma_wait3A_1354] : memref<32768xi32, #tpu.memory_space<hbm>> -> memref<128xi32, #tpu.memory_space<hbm>>
    %dma_wait3A_1356 = arith.constant 0 : i32
    %dma_wait3A_1357 = tpu.memref_slice %arg6[%dma_wait3A_1356] : memref<2048xi32, #tpu.memory_space<vmem>> -> memref<128xi32, #tpu.memory_space<vmem>>
    %dma_wait3A_1358 = arith.constant 0 : i32
    %dma_wait3A_1359 = tpu.memref_slice %arg2[%dma_wait3A_1358] : memref<32768xi32, #tpu.memory_space<hbm>> -> memref<128xi32, #tpu.memory_space<hbm>>
    tpu.wait_dma2 semaphore(%arg15 : memref<!tpu.dma_semaphore, #tpu.memory_space<semaphore_mem>>) src(%dma_wait3A_1359 : memref<128xi32, #tpu.memory_space<hbm>>) dst(%dma_wait3A_1357 : memref<128xi32, #tpu.memory_space<vmem>>)
    %dma_wait3A_1360 = arith.constant 0 : i32
    %dma_wait3A_1361 = tpu.memref_slice %arg6[%dma_wait3A_1360] : memref<2048xi32, #tpu.memory_space<vmem>> -> memref<128xi32, #tpu.memory_space<vmem>>
    %dma_wait3A_1362 = arith.constant 0 : i32
    %dma_wait3A_1363 = tpu.memref_slice %arg2[%dma_wait3A_1362] : memref<32768xi32, #tpu.memory_space<hbm>> -> memref<128xi32, #tpu.memory_space<hbm>>
    %dma_wait3A_1364 = arith.constant 0 : i32
    %dma_wait3A_1365 = tpu.memref_slice %arg6[%dma_wait3A_1364] : memref<2048xi32, #tpu.memory_space<vmem>> -> memref<128xi32, #tpu.memory_space<vmem>>
    %dma_wait3A_1366 = arith.constant 0 : i32
    %dma_wait3A_1367 = tpu.memref_slice %arg2[%dma_wait3A_1366] : memref<32768xi32, #tpu.memory_space<hbm>> -> memref<128xi32, #tpu.memory_space<hbm>>
    tpu.wait_dma2 semaphore(%arg15 : memref<!tpu.dma_semaphore, #tpu.memory_space<semaphore_mem>>) src(%dma_wait3A_1367 : memref<128xi32, #tpu.memory_space<hbm>>) dst(%dma_wait3A_1365 : memref<128xi32, #tpu.memory_space<vmem>>)
    %dma_wait3A_1368 = arith.constant 0 : i32
    %dma_wait3A_1369 = tpu.memref_slice %arg6[%dma_wait3A_1368] : memref<2048xi32, #tpu.memory_space<vmem>> -> memref<128xi32, #tpu.memory_space<vmem>>
    %dma_wait3A_1370 = arith.constant 0 : i32
    %dma_wait3A_1371 = tpu.memref_slice %arg2[%dma_wait3A_1370] : memref<32768xi32, #tpu.memory_space<hbm>> -> memref<128xi32, #tpu.memory_space<hbm>>
    %dma_wait3A_1372 = arith.constant 0 : i32
    %dma_wait3A_1373 = tpu.memref_slice %arg6[%dma_wait3A_1372] : memref<2048xi32, #tpu.memory_space<vmem>> -> memref<128xi32, #tpu.memory_space<vmem>>
    %dma_wait3A_1374 = arith.constant 0 : i32
    %dma_wait3A_1375 = tpu.memref_slice %arg2[%dma_wait3A_1374] : memref<32768xi32, #tpu.memory_space<hbm>> -> memref<128xi32, #tpu.memory_space<hbm>>
    tpu.wait_dma2 semaphore(%arg15 : memref<!tpu.dma_semaphore, #tpu.memory_space<semaphore_mem>>) src(%dma_wait3A_1375 : memref<128xi32, #tpu.memory_space<hbm>>) dst(%dma_wait3A_1373 : memref<128xi32, #tpu.memory_space<vmem>>)
    %barrier3A_1376 = arith.constant 0 : index
    tpu.barrier barrier_id(%barrier3A_1376)
    %dma_start3A_1377 = tpu.memref_slice %arg20[%mul3A_0] : memref<32768xi32, #tpu.memory_space<vmem_shared>> -> memref<2048xi32, #tpu.memory_space<vmem_shared>>
    %dma_start3A_1378 = tpu.memref_slice %arg20[%mul3A_0] : memref<32768xi32, #tpu.memory_space<vmem_shared>> -> memref<2048xi32, #tpu.memory_space<vmem_shared>>
    tpu.enqueue_dma source(%dma_start3A_1378 : memref<2048xi32, #tpu.memory_space<vmem_shared>>) target(%arg4 : memref<2048xi32, #tpu.memory_space<vmem>>) target_semaphore(%arg17 : memref<!tpu.dma_semaphore, #tpu.memory_space<semaphore_mem>>)
    "tpu.region"() ({
      %run_scoped3A = tpu.sem_alloc : memref<!tpu.dma_semaphore, #tpu.memory_space<semaphore_mem>>
      %dma_start3A_1629 = tpu.memref_slice %arg21[%mul3A_0] : memref<32768xi32, #tpu.memory_space<vmem_shared>> -> memref<2048xi32, #tpu.memory_space<vmem_shared>>
      %dma_start3A_1630 = tpu.memref_slice %arg21[%mul3A_0] : memref<32768xi32, #tpu.memory_space<vmem_shared>> -> memref<2048xi32, #tpu.memory_space<vmem_shared>>
      tpu.enqueue_dma source(%dma_start3A_1630 : memref<2048xi32, #tpu.memory_space<vmem_shared>>) target(%arg5 : memref<2048xi32, #tpu.memory_space<vmem>>) target_semaphore(%run_scoped3A : memref<!tpu.dma_semaphore, #tpu.memory_space<semaphore_mem>>)
      %dma_wait3A_1631 = tpu.memref_slice %arg21[%mul3A_0] : memref<32768xi32, #tpu.memory_space<vmem_shared>> -> memref<2048xi32, #tpu.memory_space<vmem_shared>>
      %dma_wait3A_1632 = tpu.memref_slice %arg21[%mul3A_0] : memref<32768xi32, #tpu.memory_space<vmem_shared>> -> memref<2048xi32, #tpu.memory_space<vmem_shared>>
      tpu.wait_dma2 semaphore(%run_scoped3A : memref<!tpu.dma_semaphore, #tpu.memory_space<semaphore_mem>>) src(%dma_wait3A_1632 : memref<2048xi32, #tpu.memory_space<vmem_shared>>) dst(%arg5 : memref<2048xi32, #tpu.memory_space<vmem>>)
      tpu.yield
    }) : () -> ()
    %dma_start3A_1379 = arith.constant 0 : i32
    %dma_start3A_1380 = tpu.memref_slice %arg6[%dma_start3A_1379] : memref<2048xi32, #tpu.memory_space<vmem>> -> memref<128xi32, #tpu.memory_space<vmem>>
    %dma_start3A_1381 = arith.constant 0 : i32
    %dma_start3A_1382 = tpu.memref_slice %arg5[%dma_start3A_1381] : memref<2048xi32, #tpu.memory_space<vmem>> -> memref<128xi32, #tpu.memory_space<vmem>>
    %dma_start3A_1383 = arith.constant 0 : i32
    %dma_start3A_1384 = tpu.memref_slice %arg22[%dma_start3A_1383] : memref<32768xi32, #tpu.memory_space<vmem_shared>> -> memref<32768xi32, #tpu.memory_space<vmem_shared>>
    tpu.enqueue_indirect_dma source(%dma_start3A_1384 : memref<32768xi32, #tpu.memory_space<vmem_shared>>) target(%dma_start3A_1380 : memref<128xi32, #tpu.memory_space<vmem>>) offsets(%dma_start3A_1382 : memref<128xi32, #tpu.memory_space<vmem>>) semaphore(%arg15 : memref<!tpu.dma_semaphore, #tpu.memory_space<semaphore_mem>>)
    %dma_start3A_1385 = arith.constant 128 : i32
    %dma_start3A_1386 = tpu.memref_slice %arg6[%dma_start3A_1385] : memref<2048xi32, #tpu.memory_space<vmem>> -> memref<128xi32, #tpu.memory_space<vmem>>
    %dma_start3A_1387 = arith.constant 128 : i32
    %dma_start3A_1388 = tpu.memref_slice %arg5[%dma_start3A_1387] : memref<2048xi32, #tpu.memory_space<vmem>> -> memref<128xi32, #tpu.memory_space<vmem>>
    %dma_start3A_1389 = arith.constant 0 : i32
    %dma_start3A_1390 = tpu.memref_slice %arg22[%dma_start3A_1389] : memref<32768xi32, #tpu.memory_space<vmem_shared>> -> memref<32768xi32, #tpu.memory_space<vmem_shared>>
    tpu.enqueue_indirect_dma source(%dma_start3A_1390 : memref<32768xi32, #tpu.memory_space<vmem_shared>>) target(%dma_start3A_1386 : memref<128xi32, #tpu.memory_space<vmem>>) offsets(%dma_start3A_1388 : memref<128xi32, #tpu.memory_space<vmem>>) semaphore(%arg15 : memref<!tpu.dma_semaphore, #tpu.memory_space<semaphore_mem>>)
    %dma_start3A_1391 = arith.constant 256 : i32
    %dma_start3A_1392 = tpu.memref_slice %arg6[%dma_start3A_1391] : memref<2048xi32, #tpu.memory_space<vmem>> -> memref<128xi32, #tpu.memory_space<vmem>>
    %dma_start3A_1393 = arith.constant 256 : i32
    %dma_start3A_1394 = tpu.memref_slice %arg5[%dma_start3A_1393] : memref<2048xi32, #tpu.memory_space<vmem>> -> memref<128xi32, #tpu.memory_space<vmem>>
    %dma_start3A_1395 = arith.constant 0 : i32
    %dma_start3A_1396 = tpu.memref_slice %arg22[%dma_start3A_1395] : memref<32768xi32, #tpu.memory_space<vmem_shared>> -> memref<32768xi32, #tpu.memory_space<vmem_shared>>
    tpu.enqueue_indirect_dma source(%dma_start3A_1396 : memref<32768xi32, #tpu.memory_space<vmem_shared>>) target(%dma_start3A_1392 : memref<128xi32, #tpu.memory_space<vmem>>) offsets(%dma_start3A_1394 : memref<128xi32, #tpu.memory_space<vmem>>) semaphore(%arg15 : memref<!tpu.dma_semaphore, #tpu.memory_space<semaphore_mem>>)
    %dma_start3A_1397 = arith.constant 384 : i32
    %dma_start3A_1398 = tpu.memref_slice %arg6[%dma_start3A_1397] : memref<2048xi32, #tpu.memory_space<vmem>> -> memref<128xi32, #tpu.memory_space<vmem>>
    %dma_start3A_1399 = arith.constant 384 : i32
    %dma_start3A_1400 = tpu.memref_slice %arg5[%dma_start3A_1399] : memref<2048xi32, #tpu.memory_space<vmem>> -> memref<128xi32, #tpu.memory_space<vmem>>
    %dma_start3A_1401 = arith.constant 0 : i32
    %dma_start3A_1402 = tpu.memref_slice %arg22[%dma_start3A_1401] : memref<32768xi32, #tpu.memory_space<vmem_shared>> -> memref<32768xi32, #tpu.memory_space<vmem_shared>>
    tpu.enqueue_indirect_dma source(%dma_start3A_1402 : memref<32768xi32, #tpu.memory_space<vmem_shared>>) target(%dma_start3A_1398 : memref<128xi32, #tpu.memory_space<vmem>>) offsets(%dma_start3A_1400 : memref<128xi32, #tpu.memory_space<vmem>>) semaphore(%arg15 : memref<!tpu.dma_semaphore, #tpu.memory_space<semaphore_mem>>)
    %dma_start3A_1403 = arith.constant 512 : i32
    %dma_start3A_1404 = tpu.memref_slice %arg6[%dma_start3A_1403] : memref<2048xi32, #tpu.memory_space<vmem>> -> memref<128xi32, #tpu.memory_space<vmem>>
    %dma_start3A_1405 = arith.constant 512 : i32
    %dma_start3A_1406 = tpu.memref_slice %arg5[%dma_start3A_1405] : memref<2048xi32, #tpu.memory_space<vmem>> -> memref<128xi32, #tpu.memory_space<vmem>>
    %dma_start3A_1407 = arith.constant 0 : i32
    %dma_start3A_1408 = tpu.memref_slice %arg22[%dma_start3A_1407] : memref<32768xi32, #tpu.memory_space<vmem_shared>> -> memref<32768xi32, #tpu.memory_space<vmem_shared>>
    tpu.enqueue_indirect_dma source(%dma_start3A_1408 : memref<32768xi32, #tpu.memory_space<vmem_shared>>) target(%dma_start3A_1404 : memref<128xi32, #tpu.memory_space<vmem>>) offsets(%dma_start3A_1406 : memref<128xi32, #tpu.memory_space<vmem>>) semaphore(%arg15 : memref<!tpu.dma_semaphore, #tpu.memory_space<semaphore_mem>>)
    %dma_start3A_1409 = arith.constant 640 : i32
    %dma_start3A_1410 = tpu.memref_slice %arg6[%dma_start3A_1409] : memref<2048xi32, #tpu.memory_space<vmem>> -> memref<128xi32, #tpu.memory_space<vmem>>
    %dma_start3A_1411 = arith.constant 640 : i32
    %dma_start3A_1412 = tpu.memref_slice %arg5[%dma_start3A_1411] : memref<2048xi32, #tpu.memory_space<vmem>> -> memref<128xi32, #tpu.memory_space<vmem>>
    %dma_start3A_1413 = arith.constant 0 : i32
    %dma_start3A_1414 = tpu.memref_slice %arg22[%dma_start3A_1413] : memref<32768xi32, #tpu.memory_space<vmem_shared>> -> memref<32768xi32, #tpu.memory_space<vmem_shared>>
    tpu.enqueue_indirect_dma source(%dma_start3A_1414 : memref<32768xi32, #tpu.memory_space<vmem_shared>>) target(%dma_start3A_1410 : memref<128xi32, #tpu.memory_space<vmem>>) offsets(%dma_start3A_1412 : memref<128xi32, #tpu.memory_space<vmem>>) semaphore(%arg15 : memref<!tpu.dma_semaphore, #tpu.memory_space<semaphore_mem>>)
    %dma_start3A_1415 = arith.constant 768 : i32
    %dma_start3A_1416 = tpu.memref_slice %arg6[%dma_start3A_1415] : memref<2048xi32, #tpu.memory_space<vmem>> -> memref<128xi32, #tpu.memory_space<vmem>>
    %dma_start3A_1417 = arith.constant 768 : i32
    %dma_start3A_1418 = tpu.memref_slice %arg5[%dma_start3A_1417] : memref<2048xi32, #tpu.memory_space<vmem>> -> memref<128xi32, #tpu.memory_space<vmem>>
    %dma_start3A_1419 = arith.constant 0 : i32
    %dma_start3A_1420 = tpu.memref_slice %arg22[%dma_start3A_1419] : memref<32768xi32, #tpu.memory_space<vmem_shared>> -> memref<32768xi32, #tpu.memory_space<vmem_shared>>
    tpu.enqueue_indirect_dma source(%dma_start3A_1420 : memref<32768xi32, #tpu.memory_space<vmem_shared>>) target(%dma_start3A_1416 : memref<128xi32, #tpu.memory_space<vmem>>) offsets(%dma_start3A_1418 : memref<128xi32, #tpu.memory_space<vmem>>) semaphore(%arg15 : memref<!tpu.dma_semaphore, #tpu.memory_space<semaphore_mem>>)
    %dma_start3A_1421 = arith.constant 896 : i32
    %dma_start3A_1422 = tpu.memref_slice %arg6[%dma_start3A_1421] : memref<2048xi32, #tpu.memory_space<vmem>> -> memref<128xi32, #tpu.memory_space<vmem>>
    %dma_start3A_1423 = arith.constant 896 : i32
    %dma_start3A_1424 = tpu.memref_slice %arg5[%dma_start3A_1423] : memref<2048xi32, #tpu.memory_space<vmem>> -> memref<128xi32, #tpu.memory_space<vmem>>
    %dma_start3A_1425 = arith.constant 0 : i32
    %dma_start3A_1426 = tpu.memref_slice %arg22[%dma_start3A_1425] : memref<32768xi32, #tpu.memory_space<vmem_shared>> -> memref<32768xi32, #tpu.memory_space<vmem_shared>>
    tpu.enqueue_indirect_dma source(%dma_start3A_1426 : memref<32768xi32, #tpu.memory_space<vmem_shared>>) target(%dma_start3A_1422 : memref<128xi32, #tpu.memory_space<vmem>>) offsets(%dma_start3A_1424 : memref<128xi32, #tpu.memory_space<vmem>>) semaphore(%arg15 : memref<!tpu.dma_semaphore, #tpu.memory_space<semaphore_mem>>)
    %dma_start3A_1427 = arith.constant 1024 : i32
    %dma_start3A_1428 = tpu.memref_slice %arg6[%dma_start3A_1427] : memref<2048xi32, #tpu.memory_space<vmem>> -> memref<128xi32, #tpu.memory_space<vmem>>
    %dma_start3A_1429 = arith.constant 1024 : i32
    %dma_start3A_1430 = tpu.memref_slice %arg5[%dma_start3A_1429] : memref<2048xi32, #tpu.memory_space<vmem>> -> memref<128xi32, #tpu.memory_space<vmem>>
    %dma_start3A_1431 = arith.constant 0 : i32
    %dma_start3A_1432 = tpu.memref_slice %arg22[%dma_start3A_1431] : memref<32768xi32, #tpu.memory_space<vmem_shared>> -> memref<32768xi32, #tpu.memory_space<vmem_shared>>
    tpu.enqueue_indirect_dma source(%dma_start3A_1432 : memref<32768xi32, #tpu.memory_space<vmem_shared>>) target(%dma_start3A_1428 : memref<128xi32, #tpu.memory_space<vmem>>) offsets(%dma_start3A_1430 : memref<128xi32, #tpu.memory_space<vmem>>) semaphore(%arg15 : memref<!tpu.dma_semaphore, #tpu.memory_space<semaphore_mem>>)
    %dma_start3A_1433 = arith.constant 1152 : i32
    %dma_start3A_1434 = tpu.memref_slice %arg6[%dma_start3A_1433] : memref<2048xi32, #tpu.memory_space<vmem>> -> memref<128xi32, #tpu.memory_space<vmem>>
    %dma_start3A_1435 = arith.constant 1152 : i32
    %dma_start3A_1436 = tpu.memref_slice %arg5[%dma_start3A_1435] : memref<2048xi32, #tpu.memory_space<vmem>> -> memref<128xi32, #tpu.memory_space<vmem>>
    %dma_start3A_1437 = arith.constant 0 : i32
    %dma_start3A_1438 = tpu.memref_slice %arg22[%dma_start3A_1437] : memref<32768xi32, #tpu.memory_space<vmem_shared>> -> memref<32768xi32, #tpu.memory_space<vmem_shared>>
    tpu.enqueue_indirect_dma source(%dma_start3A_1438 : memref<32768xi32, #tpu.memory_space<vmem_shared>>) target(%dma_start3A_1434 : memref<128xi32, #tpu.memory_space<vmem>>) offsets(%dma_start3A_1436 : memref<128xi32, #tpu.memory_space<vmem>>) semaphore(%arg15 : memref<!tpu.dma_semaphore, #tpu.memory_space<semaphore_mem>>)
    %dma_start3A_1439 = arith.constant 1280 : i32
    %dma_start3A_1440 = tpu.memref_slice %arg6[%dma_start3A_1439] : memref<2048xi32, #tpu.memory_space<vmem>> -> memref<128xi32, #tpu.memory_space<vmem>>
    %dma_start3A_1441 = arith.constant 1280 : i32
    %dma_start3A_1442 = tpu.memref_slice %arg5[%dma_start3A_1441] : memref<2048xi32, #tpu.memory_space<vmem>> -> memref<128xi32, #tpu.memory_space<vmem>>
    %dma_start3A_1443 = arith.constant 0 : i32
    %dma_start3A_1444 = tpu.memref_slice %arg22[%dma_start3A_1443] : memref<32768xi32, #tpu.memory_space<vmem_shared>> -> memref<32768xi32, #tpu.memory_space<vmem_shared>>
    tpu.enqueue_indirect_dma source(%dma_start3A_1444 : memref<32768xi32, #tpu.memory_space<vmem_shared>>) target(%dma_start3A_1440 : memref<128xi32, #tpu.memory_space<vmem>>) offsets(%dma_start3A_1442 : memref<128xi32, #tpu.memory_space<vmem>>) semaphore(%arg15 : memref<!tpu.dma_semaphore, #tpu.memory_space<semaphore_mem>>)
    %dma_start3A_1445 = arith.constant 1408 : i32
    %dma_start3A_1446 = tpu.memref_slice %arg6[%dma_start3A_1445] : memref<2048xi32, #tpu.memory_space<vmem>> -> memref<128xi32, #tpu.memory_space<vmem>>
    %dma_start3A_1447 = arith.constant 1408 : i32
    %dma_start3A_1448 = tpu.memref_slice %arg5[%dma_start3A_1447] : memref<2048xi32, #tpu.memory_space<vmem>> -> memref<128xi32, #tpu.memory_space<vmem>>
    %dma_start3A_1449 = arith.constant 0 : i32
    %dma_start3A_1450 = tpu.memref_slice %arg22[%dma_start3A_1449] : memref<32768xi32, #tpu.memory_space<vmem_shared>> -> memref<32768xi32, #tpu.memory_space<vmem_shared>>
    tpu.enqueue_indirect_dma source(%dma_start3A_1450 : memref<32768xi32, #tpu.memory_space<vmem_shared>>) target(%dma_start3A_1446 : memref<128xi32, #tpu.memory_space<vmem>>) offsets(%dma_start3A_1448 : memref<128xi32, #tpu.memory_space<vmem>>) semaphore(%arg15 : memref<!tpu.dma_semaphore, #tpu.memory_space<semaphore_mem>>)
    %dma_start3A_1451 = arith.constant 1536 : i32
    %dma_start3A_1452 = tpu.memref_slice %arg6[%dma_start3A_1451] : memref<2048xi32, #tpu.memory_space<vmem>> -> memref<128xi32, #tpu.memory_space<vmem>>
    %dma_start3A_1453 = arith.constant 1536 : i32
    %dma_start3A_1454 = tpu.memref_slice %arg5[%dma_start3A_1453] : memref<2048xi32, #tpu.memory_space<vmem>> -> memref<128xi32, #tpu.memory_space<vmem>>
    %dma_start3A_1455 = arith.constant 0 : i32
    %dma_start3A_1456 = tpu.memref_slice %arg22[%dma_start3A_1455] : memref<32768xi32, #tpu.memory_space<vmem_shared>> -> memref<32768xi32, #tpu.memory_space<vmem_shared>>
    tpu.enqueue_indirect_dma source(%dma_start3A_1456 : memref<32768xi32, #tpu.memory_space<vmem_shared>>) target(%dma_start3A_1452 : memref<128xi32, #tpu.memory_space<vmem>>) offsets(%dma_start3A_1454 : memref<128xi32, #tpu.memory_space<vmem>>) semaphore(%arg15 : memref<!tpu.dma_semaphore, #tpu.memory_space<semaphore_mem>>)
    %dma_start3A_1457 = arith.constant 1664 : i32
    %dma_start3A_1458 = tpu.memref_slice %arg6[%dma_start3A_1457] : memref<2048xi32, #tpu.memory_space<vmem>> -> memref<128xi32, #tpu.memory_space<vmem>>
    %dma_start3A_1459 = arith.constant 1664 : i32
    %dma_start3A_1460 = tpu.memref_slice %arg5[%dma_start3A_1459] : memref<2048xi32, #tpu.memory_space<vmem>> -> memref<128xi32, #tpu.memory_space<vmem>>
    %dma_start3A_1461 = arith.constant 0 : i32
    %dma_start3A_1462 = tpu.memref_slice %arg22[%dma_start3A_1461] : memref<32768xi32, #tpu.memory_space<vmem_shared>> -> memref<32768xi32, #tpu.memory_space<vmem_shared>>
    tpu.enqueue_indirect_dma source(%dma_start3A_1462 : memref<32768xi32, #tpu.memory_space<vmem_shared>>) target(%dma_start3A_1458 : memref<128xi32, #tpu.memory_space<vmem>>) offsets(%dma_start3A_1460 : memref<128xi32, #tpu.memory_space<vmem>>) semaphore(%arg15 : memref<!tpu.dma_semaphore, #tpu.memory_space<semaphore_mem>>)
    %dma_start3A_1463 = arith.constant 1792 : i32
    %dma_start3A_1464 = tpu.memref_slice %arg6[%dma_start3A_1463] : memref<2048xi32, #tpu.memory_space<vmem>> -> memref<128xi32, #tpu.memory_space<vmem>>
    %dma_start3A_1465 = arith.constant 1792 : i32
    %dma_start3A_1466 = tpu.memref_slice %arg5[%dma_start3A_1465] : memref<2048xi32, #tpu.memory_space<vmem>> -> memref<128xi32, #tpu.memory_space<vmem>>
    %dma_start3A_1467 = arith.constant 0 : i32
    %dma_start3A_1468 = tpu.memref_slice %arg22[%dma_start3A_1467] : memref<32768xi32, #tpu.memory_space<vmem_shared>> -> memref<32768xi32, #tpu.memory_space<vmem_shared>>
    tpu.enqueue_indirect_dma source(%dma_start3A_1468 : memref<32768xi32, #tpu.memory_space<vmem_shared>>) target(%dma_start3A_1464 : memref<128xi32, #tpu.memory_space<vmem>>) offsets(%dma_start3A_1466 : memref<128xi32, #tpu.memory_space<vmem>>) semaphore(%arg15 : memref<!tpu.dma_semaphore, #tpu.memory_space<semaphore_mem>>)
    %dma_start3A_1469 = arith.constant 1920 : i32
    %dma_start3A_1470 = tpu.memref_slice %arg6[%dma_start3A_1469] : memref<2048xi32, #tpu.memory_space<vmem>> -> memref<128xi32, #tpu.memory_space<vmem>>
    %dma_start3A_1471 = arith.constant 1920 : i32
    %dma_start3A_1472 = tpu.memref_slice %arg5[%dma_start3A_1471] : memref<2048xi32, #tpu.memory_space<vmem>> -> memref<128xi32, #tpu.memory_space<vmem>>
    %dma_start3A_1473 = arith.constant 0 : i32
    %dma_start3A_1474 = tpu.memref_slice %arg22[%dma_start3A_1473] : memref<32768xi32, #tpu.memory_space<vmem_shared>> -> memref<32768xi32, #tpu.memory_space<vmem_shared>>
    tpu.enqueue_indirect_dma source(%dma_start3A_1474 : memref<32768xi32, #tpu.memory_space<vmem_shared>>) target(%dma_start3A_1470 : memref<128xi32, #tpu.memory_space<vmem>>) offsets(%dma_start3A_1472 : memref<128xi32, #tpu.memory_space<vmem>>) semaphore(%arg15 : memref<!tpu.dma_semaphore, #tpu.memory_space<semaphore_mem>>)
    %dma_wait3A_1475 = tpu.memref_slice %arg20[%mul3A_0] : memref<32768xi32, #tpu.memory_space<vmem_shared>> -> memref<2048xi32, #tpu.memory_space<vmem_shared>>
    %dma_wait3A_1476 = tpu.memref_slice %arg20[%mul3A_0] : memref<32768xi32, #tpu.memory_space<vmem_shared>> -> memref<2048xi32, #tpu.memory_space<vmem_shared>>
    tpu.wait_dma2 semaphore(%arg17 : memref<!tpu.dma_semaphore, #tpu.memory_space<semaphore_mem>>) src(%dma_wait3A_1476 : memref<2048xi32, #tpu.memory_space<vmem_shared>>) dst(%arg4 : memref<2048xi32, #tpu.memory_space<vmem>>)
    %scan3A_1477 = arith.constant 0 : i32
    %scan3A_1478 = arith.constant 0 : i32
    %scan3A_1479 = arith.constant 128 : i32
    %scan3A_1480 = arith.addi %scan3A_1478, %scan3A_1479 : i32
    %scan3A_1481 = arith.constant 1 : i32
    %scan3A_1482 = scf.for %scan3A_1629 = %scan3A_1478 to %scan3A_1480 step %scan3A_1481 iter_args(%scan3A_1630 = %scan3A_1477) -> (i32)  : i32 {
      %mul3A_1631 = arith.constant 16 : i32
      %mul3A_1632 = arith.muli %scan3A_1629, %mul3A_1631 : i32
      %min3A = arith.constant 2031 : i32
      %min3A_1633 = arith.minsi %mul3A_1632, %min3A : i32
      %get3A_1634 = arith.index_cast %min3A_1633 : i32 to index
      %get3A_1635 = tpu.vector_load %arg4[%get3A_1634] {strides = array<i32>} : memref<2048xi32, #tpu.memory_space<vmem>>, vector<16xi32>,
      %add3A_1636 = arith.constant 1 : i32
      %add3A_1637 = arith.addi %min3A_1633, %add3A_1636 : i32
      %get3A_1638 = arith.index_cast %add3A_1637 : i32 to index
      %get3A_1639 = tpu.vector_load %arg4[%get3A_1638] {strides = array<i32>} : memref<2048xi32, #tpu.memory_space<vmem>>, vector<16xi32>,
      %xor3A_1640 = arith.constant -2147483648 : i32
      %xor3A_1641 = vector.broadcast %xor3A_1640 : i32 to vector<16xi32>
      %xor3A_1642 = arith.xori %get3A_1635, %xor3A_1641 : vector<16xi32>
      %xor3A_1643 = arith.constant -2147483648 : i32
      %xor3A_1644 = vector.broadcast %xor3A_1643 : i32 to vector<16xi32>
      %xor3A_1645 = arith.xori %get3A_1639, %xor3A_1644 : vector<16xi32>
      %le3A = arith.cmpi sle, %xor3A_1642, %xor3A_1645 : vector<16xi32>
      %jit3A_1646 = arith.constant 0 : i32
      %jit3A_1647 = arith.constant 1 : i32
      %broadcast_in_dim3A_1648 = vector.broadcast %jit3A_1646 : i32 to vector<16xi32>
      %broadcast_in_dim3A_1649 = vector.broadcast %jit3A_1647 : i32 to vector<16xi32>
      %select_n3A_1650 = arith.select %le3A, %broadcast_in_dim3A_1648, %broadcast_in_dim3A_1649 : vector<16xi1>, vector<16xi32>
      %reduce_sum3A_1651 = arith.constant true
      %reduce_sum3A_1652 = vector.broadcast %reduce_sum3A_1651 : i1 to vector<16xi1>
      %reduce_sum3A_1653 = tpu.scan <sum>, %select_n3A_1650 masked %reduce_sum3A_1652 : vector<16xi32>, vector<16xi1> -> vector<16xi32>
      %reduce_sum3A_1654 = vector.extract %reduce_sum3A_1653[15] : i32 from vector<16xi32>
      %add3A_1655 = arith.addi %scan3A_1630, %reduce_sum3A_1654 : i32
      scf.yield %add3A_1655 : i32
    }
    %scan3A_1483 = arith.constant 128 : i32
    %dma_wait3A_1484 = arith.constant 0 : i32
    %dma_wait3A_1485 = tpu.memref_slice %arg6[%dma_wait3A_1484] : memref<2048xi32, #tpu.memory_space<vmem>> -> memref<128xi32, #tpu.memory_space<vmem>>
    %dma_wait3A_1486 = arith.constant 0 : i32
    %dma_wait3A_1487 = tpu.memref_slice %arg5[%dma_wait3A_1486] : memref<2048xi32, #tpu.memory_space<vmem>> -> memref<128xi32, #tpu.memory_space<vmem>>
    %dma_wait3A_1488 = arith.constant 0 : i32
    %dma_wait3A_1489 = tpu.memref_slice %arg22[%dma_wait3A_1488] : memref<32768xi32, #tpu.memory_space<vmem_shared>> -> memref<32768xi32, #tpu.memory_space<vmem_shared>>
    tpu.wait_indirect_dma semaphore(%arg15 : memref<!tpu.dma_semaphore, #tpu.memory_space<semaphore_mem>>) src(%dma_wait3A_1489 : memref<32768xi32, #tpu.memory_space<vmem_shared>>) dst(%dma_wait3A_1485 : memref<128xi32, #tpu.memory_space<vmem>>)
    %dma_wait3A_1490 = arith.constant 128 : i32
    %dma_wait3A_1491 = tpu.memref_slice %arg6[%dma_wait3A_1490] : memref<2048xi32, #tpu.memory_space<vmem>> -> memref<128xi32, #tpu.memory_space<vmem>>
    %dma_wait3A_1492 = arith.constant 128 : i32
    %dma_wait3A_1493 = tpu.memref_slice %arg5[%dma_wait3A_1492] : memref<2048xi32, #tpu.memory_space<vmem>> -> memref<128xi32, #tpu.memory_space<vmem>>
    %dma_wait3A_1494 = arith.constant 0 : i32
    %dma_wait3A_1495 = tpu.memref_slice %arg22[%dma_wait3A_1494] : memref<32768xi32, #tpu.memory_space<vmem_shared>> -> memref<32768xi32, #tpu.memory_space<vmem_shared>>
    tpu.wait_indirect_dma semaphore(%arg15 : memref<!tpu.dma_semaphore, #tpu.memory_space<semaphore_mem>>) src(%dma_wait3A_1495 : memref<32768xi32, #tpu.memory_space<vmem_shared>>) dst(%dma_wait3A_1491 : memref<128xi32, #tpu.memory_space<vmem>>)
    %dma_wait3A_1496 = arith.constant 256 : i32
    %dma_wait3A_1497 = tpu.memref_slice %arg6[%dma_wait3A_1496] : memref<2048xi32, #tpu.memory_space<vmem>> -> memref<128xi32, #tpu.memory_space<vmem>>
    %dma_wait3A_1498 = arith.constant 256 : i32
    %dma_wait3A_1499 = tpu.memref_slice %arg5[%dma_wait3A_1498] : memref<2048xi32, #tpu.memory_space<vmem>> -> memref<128xi32, #tpu.memory_space<vmem>>
    %dma_wait3A_1500 = arith.constant 0 : i32
    %dma_wait3A_1501 = tpu.memref_slice %arg22[%dma_wait3A_1500] : memref<32768xi32, #tpu.memory_space<vmem_shared>> -> memref<32768xi32, #tpu.memory_space<vmem_shared>>
    tpu.wait_indirect_dma semaphore(%arg15 : memref<!tpu.dma_semaphore, #tpu.memory_space<semaphore_mem>>) src(%dma_wait3A_1501 : memref<32768xi32, #tpu.memory_space<vmem_shared>>) dst(%dma_wait3A_1497 : memref<128xi32, #tpu.memory_space<vmem>>)
    %dma_wait3A_1502 = arith.constant 384 : i32
    %dma_wait3A_1503 = tpu.memref_slice %arg6[%dma_wait3A_1502] : memref<2048xi32, #tpu.memory_space<vmem>> -> memref<128xi32, #tpu.memory_space<vmem>>
    %dma_wait3A_1504 = arith.constant 384 : i32
    %dma_wait3A_1505 = tpu.memref_slice %arg5[%dma_wait3A_1504] : memref<2048xi32, #tpu.memory_space<vmem>> -> memref<128xi32, #tpu.memory_space<vmem>>
    %dma_wait3A_1506 = arith.constant 0 : i32
    %dma_wait3A_1507 = tpu.memref_slice %arg22[%dma_wait3A_1506] : memref<32768xi32, #tpu.memory_space<vmem_shared>> -> memref<32768xi32, #tpu.memory_space<vmem_shared>>
    tpu.wait_indirect_dma semaphore(%arg15 : memref<!tpu.dma_semaphore, #tpu.memory_space<semaphore_mem>>) src(%dma_wait3A_1507 : memref<32768xi32, #tpu.memory_space<vmem_shared>>) dst(%dma_wait3A_1503 : memref<128xi32, #tpu.memory_space<vmem>>)
    %dma_wait3A_1508 = arith.constant 512 : i32
    %dma_wait3A_1509 = tpu.memref_slice %arg6[%dma_wait3A_1508] : memref<2048xi32, #tpu.memory_space<vmem>> -> memref<128xi32, #tpu.memory_space<vmem>>
    %dma_wait3A_1510 = arith.constant 512 : i32
    %dma_wait3A_1511 = tpu.memref_slice %arg5[%dma_wait3A_1510] : memref<2048xi32, #tpu.memory_space<vmem>> -> memref<128xi32, #tpu.memory_space<vmem>>
    %dma_wait3A_1512 = arith.constant 0 : i32
    %dma_wait3A_1513 = tpu.memref_slice %arg22[%dma_wait3A_1512] : memref<32768xi32, #tpu.memory_space<vmem_shared>> -> memref<32768xi32, #tpu.memory_space<vmem_shared>>
    tpu.wait_indirect_dma semaphore(%arg15 : memref<!tpu.dma_semaphore, #tpu.memory_space<semaphore_mem>>) src(%dma_wait3A_1513 : memref<32768xi32, #tpu.memory_space<vmem_shared>>) dst(%dma_wait3A_1509 : memref<128xi32, #tpu.memory_space<vmem>>)
    %dma_wait3A_1514 = arith.constant 640 : i32
    %dma_wait3A_1515 = tpu.memref_slice %arg6[%dma_wait3A_1514] : memref<2048xi32, #tpu.memory_space<vmem>> -> memref<128xi32, #tpu.memory_space<vmem>>
    %dma_wait3A_1516 = arith.constant 640 : i32
    %dma_wait3A_1517 = tpu.memref_slice %arg5[%dma_wait3A_1516] : memref<2048xi32, #tpu.memory_space<vmem>> -> memref<128xi32, #tpu.memory_space<vmem>>
    %dma_wait3A_1518 = arith.constant 0 : i32
    %dma_wait3A_1519 = tpu.memref_slice %arg22[%dma_wait3A_1518] : memref<32768xi32, #tpu.memory_space<vmem_shared>> -> memref<32768xi32, #tpu.memory_space<vmem_shared>>
    tpu.wait_indirect_dma semaphore(%arg15 : memref<!tpu.dma_semaphore, #tpu.memory_space<semaphore_mem>>) src(%dma_wait3A_1519 : memref<32768xi32, #tpu.memory_space<vmem_shared>>) dst(%dma_wait3A_1515 : memref<128xi32, #tpu.memory_space<vmem>>)
    %dma_wait3A_1520 = arith.constant 768 : i32
    %dma_wait3A_1521 = tpu.memref_slice %arg6[%dma_wait3A_1520] : memref<2048xi32, #tpu.memory_space<vmem>> -> memref<128xi32, #tpu.memory_space<vmem>>
    %dma_wait3A_1522 = arith.constant 768 : i32
    %dma_wait3A_1523 = tpu.memref_slice %arg5[%dma_wait3A_1522] : memref<2048xi32, #tpu.memory_space<vmem>> -> memref<128xi32, #tpu.memory_space<vmem>>
    %dma_wait3A_1524 = arith.constant 0 : i32
    %dma_wait3A_1525 = tpu.memref_slice %arg22[%dma_wait3A_1524] : memref<32768xi32, #tpu.memory_space<vmem_shared>> -> memref<32768xi32, #tpu.memory_space<vmem_shared>>
    tpu.wait_indirect_dma semaphore(%arg15 : memref<!tpu.dma_semaphore, #tpu.memory_space<semaphore_mem>>) src(%dma_wait3A_1525 : memref<32768xi32, #tpu.memory_space<vmem_shared>>) dst(%dma_wait3A_1521 : memref<128xi32, #tpu.memory_space<vmem>>)
    %dma_wait3A_1526 = arith.constant 896 : i32
    %dma_wait3A_1527 = tpu.memref_slice %arg6[%dma_wait3A_1526] : memref<2048xi32, #tpu.memory_space<vmem>> -> memref<128xi32, #tpu.memory_space<vmem>>
    %dma_wait3A_1528 = arith.constant 896 : i32
    %dma_wait3A_1529 = tpu.memref_slice %arg5[%dma_wait3A_1528] : memref<2048xi32, #tpu.memory_space<vmem>> -> memref<128xi32, #tpu.memory_space<vmem>>
    %dma_wait3A_1530 = arith.constant 0 : i32
    %dma_wait3A_1531 = tpu.memref_slice %arg22[%dma_wait3A_1530] : memref<32768xi32, #tpu.memory_space<vmem_shared>> -> memref<32768xi32, #tpu.memory_space<vmem_shared>>
    tpu.wait_indirect_dma semaphore(%arg15 : memref<!tpu.dma_semaphore, #tpu.memory_space<semaphore_mem>>) src(%dma_wait3A_1531 : memref<32768xi32, #tpu.memory_space<vmem_shared>>) dst(%dma_wait3A_1527 : memref<128xi32, #tpu.memory_space<vmem>>)
    %dma_wait3A_1532 = arith.constant 1024 : i32
    %dma_wait3A_1533 = tpu.memref_slice %arg6[%dma_wait3A_1532] : memref<2048xi32, #tpu.memory_space<vmem>> -> memref<128xi32, #tpu.memory_space<vmem>>
    %dma_wait3A_1534 = arith.constant 1024 : i32
    %dma_wait3A_1535 = tpu.memref_slice %arg5[%dma_wait3A_1534] : memref<2048xi32, #tpu.memory_space<vmem>> -> memref<128xi32, #tpu.memory_space<vmem>>
    %dma_wait3A_1536 = arith.constant 0 : i32
    %dma_wait3A_1537 = tpu.memref_slice %arg22[%dma_wait3A_1536] : memref<32768xi32, #tpu.memory_space<vmem_shared>> -> memref<32768xi32, #tpu.memory_space<vmem_shared>>
    tpu.wait_indirect_dma semaphore(%arg15 : memref<!tpu.dma_semaphore, #tpu.memory_space<semaphore_mem>>) src(%dma_wait3A_1537 : memref<32768xi32, #tpu.memory_space<vmem_shared>>) dst(%dma_wait3A_1533 : memref<128xi32, #tpu.memory_space<vmem>>)
    %dma_wait3A_1538 = arith.constant 1152 : i32
    %dma_wait3A_1539 = tpu.memref_slice %arg6[%dma_wait3A_1538] : memref<2048xi32, #tpu.memory_space<vmem>> -> memref<128xi32, #tpu.memory_space<vmem>>
    %dma_wait3A_1540 = arith.constant 1152 : i32
    %dma_wait3A_1541 = tpu.memref_slice %arg5[%dma_wait3A_1540] : memref<2048xi32, #tpu.memory_space<vmem>> -> memref<128xi32, #tpu.memory_space<vmem>>
    %dma_wait3A_1542 = arith.constant 0 : i32
    %dma_wait3A_1543 = tpu.memref_slice %arg22[%dma_wait3A_1542] : memref<32768xi32, #tpu.memory_space<vmem_shared>> -> memref<32768xi32, #tpu.memory_space<vmem_shared>>
    tpu.wait_indirect_dma semaphore(%arg15 : memref<!tpu.dma_semaphore, #tpu.memory_space<semaphore_mem>>) src(%dma_wait3A_1543 : memref<32768xi32, #tpu.memory_space<vmem_shared>>) dst(%dma_wait3A_1539 : memref<128xi32, #tpu.memory_space<vmem>>)
    %dma_wait3A_1544 = arith.constant 1280 : i32
    %dma_wait3A_1545 = tpu.memref_slice %arg6[%dma_wait3A_1544] : memref<2048xi32, #tpu.memory_space<vmem>> -> memref<128xi32, #tpu.memory_space<vmem>>
    %dma_wait3A_1546 = arith.constant 1280 : i32
    %dma_wait3A_1547 = tpu.memref_slice %arg5[%dma_wait3A_1546] : memref<2048xi32, #tpu.memory_space<vmem>> -> memref<128xi32, #tpu.memory_space<vmem>>
    %dma_wait3A_1548 = arith.constant 0 : i32
    %dma_wait3A_1549 = tpu.memref_slice %arg22[%dma_wait3A_1548] : memref<32768xi32, #tpu.memory_space<vmem_shared>> -> memref<32768xi32, #tpu.memory_space<vmem_shared>>
    tpu.wait_indirect_dma semaphore(%arg15 : memref<!tpu.dma_semaphore, #tpu.memory_space<semaphore_mem>>) src(%dma_wait3A_1549 : memref<32768xi32, #tpu.memory_space<vmem_shared>>) dst(%dma_wait3A_1545 : memref<128xi32, #tpu.memory_space<vmem>>)
    %dma_wait3A_1550 = arith.constant 1408 : i32
    %dma_wait3A_1551 = tpu.memref_slice %arg6[%dma_wait3A_1550] : memref<2048xi32, #tpu.memory_space<vmem>> -> memref<128xi32, #tpu.memory_space<vmem>>
    %dma_wait3A_1552 = arith.constant 1408 : i32
    %dma_wait3A_1553 = tpu.memref_slice %arg5[%dma_wait3A_1552] : memref<2048xi32, #tpu.memory_space<vmem>> -> memref<128xi32, #tpu.memory_space<vmem>>
    %dma_wait3A_1554 = arith.constant 0 : i32
    %dma_wait3A_1555 = tpu.memref_slice %arg22[%dma_wait3A_1554] : memref<32768xi32, #tpu.memory_space<vmem_shared>> -> memref<32768xi32, #tpu.memory_space<vmem_shared>>
    tpu.wait_indirect_dma semaphore(%arg15 : memref<!tpu.dma_semaphore, #tpu.memory_space<semaphore_mem>>) src(%dma_wait3A_1555 : memref<32768xi32, #tpu.memory_space<vmem_shared>>) dst(%dma_wait3A_1551 : memref<128xi32, #tpu.memory_space<vmem>>)
    %dma_wait3A_1556 = arith.constant 1536 : i32
    %dma_wait3A_1557 = tpu.memref_slice %arg6[%dma_wait3A_1556] : memref<2048xi32, #tpu.memory_space<vmem>> -> memref<128xi32, #tpu.memory_space<vmem>>
    %dma_wait3A_1558 = arith.constant 1536 : i32
    %dma_wait3A_1559 = tpu.memref_slice %arg5[%dma_wait3A_1558] : memref<2048xi32, #tpu.memory_space<vmem>> -> memref<128xi32, #tpu.memory_space<vmem>>
    %dma_wait3A_1560 = arith.constant 0 : i32
    %dma_wait3A_1561 = tpu.memref_slice %arg22[%dma_wait3A_1560] : memref<32768xi32, #tpu.memory_space<vmem_shared>> -> memref<32768xi32, #tpu.memory_space<vmem_shared>>
    tpu.wait_indirect_dma semaphore(%arg15 : memref<!tpu.dma_semaphore, #tpu.memory_space<semaphore_mem>>) src(%dma_wait3A_1561 : memref<32768xi32, #tpu.memory_space<vmem_shared>>) dst(%dma_wait3A_1557 : memref<128xi32, #tpu.memory_space<vmem>>)
    %dma_wait3A_1562 = arith.constant 1664 : i32
    %dma_wait3A_1563 = tpu.memref_slice %arg6[%dma_wait3A_1562] : memref<2048xi32, #tpu.memory_space<vmem>> -> memref<128xi32, #tpu.memory_space<vmem>>
    %dma_wait3A_1564 = arith.constant 1664 : i32
    %dma_wait3A_1565 = tpu.memref_slice %arg5[%dma_wait3A_1564] : memref<2048xi32, #tpu.memory_space<vmem>> -> memref<128xi32, #tpu.memory_space<vmem>>
    %dma_wait3A_1566 = arith.constant 0 : i32
    %dma_wait3A_1567 = tpu.memref_slice %arg22[%dma_wait3A_1566] : memref<32768xi32, #tpu.memory_space<vmem_shared>> -> memref<32768xi32, #tpu.memory_space<vmem_shared>>
    tpu.wait_indirect_dma semaphore(%arg15 : memref<!tpu.dma_semaphore, #tpu.memory_space<semaphore_mem>>) src(%dma_wait3A_1567 : memref<32768xi32, #tpu.memory_space<vmem_shared>>) dst(%dma_wait3A_1563 : memref<128xi32, #tpu.memory_space<vmem>>)
    %dma_wait3A_1568 = arith.constant 1792 : i32
    %dma_wait3A_1569 = tpu.memref_slice %arg6[%dma_wait3A_1568] : memref<2048xi32, #tpu.memory_space<vmem>> -> memref<128xi32, #tpu.memory_space<vmem>>
    %dma_wait3A_1570 = arith.constant 1792 : i32
    %dma_wait3A_1571 = tpu.memref_slice %arg5[%dma_wait3A_1570] : memref<2048xi32, #tpu.memory_space<vmem>> -> memref<128xi32, #tpu.memory_space<vmem>>
    %dma_wait3A_1572 = arith.constant 0 : i32
    %dma_wait3A_1573 = tpu.memref_slice %arg22[%dma_wait3A_1572] : memref<32768xi32, #tpu.memory_space<vmem_shared>> -> memref<32768xi32, #tpu.memory_space<vmem_shared>>
    tpu.wait_indirect_dma semaphore(%arg15 : memref<!tpu.dma_semaphore, #tpu.memory_space<semaphore_mem>>) src(%dma_wait3A_1573 : memref<32768xi32, #tpu.memory_space<vmem_shared>>) dst(%dma_wait3A_1569 : memref<128xi32, #tpu.memory_space<vmem>>)
    %dma_wait3A_1574 = arith.constant 1920 : i32
    %dma_wait3A_1575 = tpu.memref_slice %arg6[%dma_wait3A_1574] : memref<2048xi32, #tpu.memory_space<vmem>> -> memref<128xi32, #tpu.memory_space<vmem>>
    %dma_wait3A_1576 = arith.constant 1920 : i32
    %dma_wait3A_1577 = tpu.memref_slice %arg5[%dma_wait3A_1576] : memref<2048xi32, #tpu.memory_space<vmem>> -> memref<128xi32, #tpu.memory_space<vmem>>
    %dma_wait3A_1578 = arith.constant 0 : i32
    %dma_wait3A_1579 = tpu.memref_slice %arg22[%dma_wait3A_1578] : memref<32768xi32, #tpu.memory_space<vmem_shared>> -> memref<32768xi32, #tpu.memory_space<vmem_shared>>
    tpu.wait_indirect_dma semaphore(%arg15 : memref<!tpu.dma_semaphore, #tpu.memory_space<semaphore_mem>>) src(%dma_wait3A_1579 : memref<32768xi32, #tpu.memory_space<vmem_shared>>) dst(%dma_wait3A_1575 : memref<128xi32, #tpu.memory_space<vmem>>)
    %scan3A_1580 = arith.constant 0 : i32
    %scan3A_1581 = arith.constant 128 : i32
    %scan3A_1582 = arith.addi %scan3A_1580, %scan3A_1581 : i32
    %scan3A_1583 = arith.constant 1 : i32
    %scan3A_1584 = scf.for %scan3A_1629 = %scan3A_1580 to %scan3A_1582 step %scan3A_1583 iter_args(%scan3A_1630 = %scan3A_1482) -> (i32)  : i32 {
      %mul3A_1631 = arith.constant 16 : i32
      %mul3A_1632 = arith.muli %scan3A_1629, %mul3A_1631 : i32
      %get3A_1633 = arith.index_cast %mul3A_1632 : i32 to index
      %get3A_1634 = tpu.vector_load %arg6[%get3A_1633] {strides = array<i32>} : memref<2048xi32, #tpu.memory_space<vmem>>, vector<16xi32>,
      %mul3A_1635 = arith.constant 16 : i32
      %mul3A_1636 = arith.muli %scan3A_1629, %mul3A_1635 : i32
      %get3A_1637 = arith.index_cast %mul3A_1636 : i32 to index
      %get3A_1638 = tpu.vector_load %arg4[%get3A_1637] {strides = array<i32>} : memref<2048xi32, #tpu.memory_space<vmem>>, vector<16xi32>,
      %eq3A_1639 = arith.cmpi eq, %get3A_1634, %get3A_1638 : vector<16xi32>
      %jit3A_1640 = arith.constant 0 : i32
      %jit3A_1641 = arith.constant 1 : i32
      %broadcast_in_dim3A_1642 = vector.broadcast %jit3A_1640 : i32 to vector<16xi32>
      %broadcast_in_dim3A_1643 = vector.broadcast %jit3A_1641 : i32 to vector<16xi32>
      %select_n3A_1644 = arith.select %eq3A_1639, %broadcast_in_dim3A_1642, %broadcast_in_dim3A_1643 : vector<16xi1>, vector<16xi32>
      %reduce_sum3A_1645 = arith.constant true
      %reduce_sum3A_1646 = vector.broadcast %reduce_sum3A_1645 : i1 to vector<16xi1>
      %reduce_sum3A_1647 = tpu.scan <sum>, %select_n3A_1644 masked %reduce_sum3A_1646 : vector<16xi32>, vector<16xi1> -> vector<16xi32>
      %reduce_sum3A_1648 = vector.extract %reduce_sum3A_1647[15] : i32 from vector<16xi32>
      %add3A_1649 = arith.addi %scan3A_1630, %reduce_sum3A_1648 : i32
      scf.yield %add3A_1649 : i32
    }
    %scan3A_1585 = arith.constant 128 : i32
    %lt3A = arith.constant 15 : i32
    %lt3A_1586 = arith.cmpi slt, %arg1, %lt3A : i32
    %convert_element_type3A = arith.extui %lt3A_1586 : i1 to i32
    %cond3A = arith.constant 0 : i32
    %cond3A_1587 = arith.cmpi ne, %convert_element_type3A, %cond3A : i32
    scf.if %cond3A_1587 {
      %add3A_1629 = arith.constant 1 : i32
      %add3A_1630 = arith.addi %arg1, %add3A_1629 : i32
      %mul3A_1631 = arith.constant 2048 : i32
      %mul3A_1632 = arith.muli %add3A_1630, %mul3A_1631 : i32
      "tpu.region"() ({
        %run_scoped3A = tpu.sem_alloc : memref<!tpu.dma_semaphore, #tpu.memory_space<semaphore_mem>>
        %dma_start3A_1633 = tpu.memref_slice %arg20[%mul3A_1632] : memref<32768xi32, #tpu.memory_space<vmem_shared>> -> memref<16xi32, #tpu.memory_space<vmem_shared>>
        %dma_start3A_1634 = tpu.memref_slice %arg20[%mul3A_1632] : memref<32768xi32, #tpu.memory_space<vmem_shared>> -> memref<16xi32, #tpu.memory_space<vmem_shared>>
        tpu.enqueue_dma source(%dma_start3A_1634 : memref<16xi32, #tpu.memory_space<vmem_shared>>) target(%arg11 : memref<16xi32, #tpu.memory_space<vmem>>) target_semaphore(%run_scoped3A : memref<!tpu.dma_semaphore, #tpu.memory_space<semaphore_mem>>)
        %dma_wait3A_1635 = tpu.memref_slice %arg20[%mul3A_1632] : memref<32768xi32, #tpu.memory_space<vmem_shared>> -> memref<16xi32, #tpu.memory_space<vmem_shared>>
        %dma_wait3A_1636 = tpu.memref_slice %arg20[%mul3A_1632] : memref<32768xi32, #tpu.memory_space<vmem_shared>> -> memref<16xi32, #tpu.memory_space<vmem_shared>>
        tpu.wait_dma2 semaphore(%run_scoped3A : memref<!tpu.dma_semaphore, #tpu.memory_space<semaphore_mem>>) src(%dma_wait3A_1636 : memref<16xi32, #tpu.memory_space<vmem_shared>>) dst(%arg11 : memref<16xi32, #tpu.memory_space<vmem>>)
        tpu.yield
      }) : () -> ()
    } else {
    }
    %add3A_1588 = arith.constant 2047 : i32
    %add3A_1589 = vector.broadcast %add3A_1588 : i32 to vector<16xi32>
    %add3A_1590 = arith.addi %broadcast_in_dim3A_1, %add3A_1589 : vector<16xi32>
    %gather3A = tpu.vector_load_idx %arg4[%add3A_1590] : memref<2048xi32, #tpu.memory_space<vmem>>[vector<16xi32>], vector<16xi32>,
    %get3A = arith.constant 0 : index
    %get3A_1591 = tpu.vector_load %arg11[%get3A] {strides = array<i32>} : memref<16xi32, #tpu.memory_space<vmem>>, vector<16xi32>,
    %eq3A = arith.constant 0 : i32
    %eq3A_1592 = vector.broadcast %eq3A : i32 to vector<16xi32>
    %eq3A_1593 = arith.cmpi eq, %iota3A, %eq3A_1592 : vector<16xi32>
    %xor3A = arith.constant -2147483648 : i32
    %xor3A_1594 = vector.broadcast %xor3A : i32 to vector<16xi32>
    %xor3A_1595 = arith.xori %gather3A, %xor3A_1594 : vector<16xi32>
    %xor3A_1596 = arith.constant -2147483648 : i32
    %xor3A_1597 = vector.broadcast %xor3A_1596 : i32 to vector<16xi32>
    %xor3A_1598 = arith.xori %get3A_1591, %xor3A_1597 : vector<16xi32>
    %gt3A = arith.cmpi sgt, %xor3A_1595, %xor3A_1598 : vector<16xi32>
    %and3A = arith.andi %eq3A_1593, %gt3A : vector<16xi1>
    %jit3A = arith.constant 1 : i32
    %jit3A_1599 = arith.constant 0 : i32
    %broadcast_in_dim3A_1600 = vector.broadcast %jit3A : i32 to vector<16xi32>
    %broadcast_in_dim3A_1601 = vector.broadcast %jit3A_1599 : i32 to vector<16xi32>
    %select_n3A = arith.select %and3A, %broadcast_in_dim3A_1600, %broadcast_in_dim3A_1601 : vector<16xi1>, vector<16xi32>
    %reduce_sum3A = arith.constant true
    %reduce_sum3A_1602 = vector.broadcast %reduce_sum3A : i1 to vector<16xi1>
    %reduce_sum3A_1603 = tpu.scan <sum>, %select_n3A masked %reduce_sum3A_1602 : vector<16xi32>, vector<16xi1> -> vector<16xi32>
    %reduce_sum3A_1604 = vector.extract %reduce_sum3A_1603[15] : i32 from vector<16xi32>
    %lt3A_1605 = arith.constant 15 : i32
    %lt3A_1606 = arith.cmpi slt, %arg1, %lt3A_1605 : i32
    %jit3A_1607 = arith.constant 1 : i32
    %jit3A_1608 = arith.constant 0 : i32
    %select_n3A_1609 = arith.select %lt3A_1606, %jit3A_1607, %jit3A_1608 : i32
    %mul3A_1610 = arith.muli %reduce_sum3A_1604, %select_n3A_1609 : i32
    %add3A_1611 = arith.addi %scan3A_1584, %mul3A_1610 : i32
    %eq3A_1612 = arith.constant 0 : i32
    %eq3A_1613 = vector.broadcast %eq3A_1612 : i32 to vector<16xi32>
    %eq3A_1614 = arith.cmpi eq, %iota3A, %eq3A_1613 : vector<16xi32>
    %jit3A_1615 = arith.constant 0 : i32
    %broadcast_in_dim3A_1616 = vector.broadcast %add3A_1611 : i32 to vector<16xi32>
    %broadcast_in_dim3A_1617 = vector.broadcast %jit3A_1615 : i32 to vector<16xi32>
    %select_n3A_1618 = arith.select %eq3A_1614, %broadcast_in_dim3A_1616, %broadcast_in_dim3A_1617 : vector<16xi1>, vector<16xi32>
    %swap3A_1619 = arith.constant 0 : index
    %swap3A_1620 = tpu.vector_load %arg12[%swap3A_1619] {strides = array<i32>} : memref<16xi32, #tpu.memory_space<vmem>>, vector<16xi32>,
    tpu.vector_store %arg12[%swap3A_1619], %select_n3A_1618 {strides = array<i32>} : memref<16xi32, #tpu.memory_space<vmem>>, vector<16xi32>,
    %mul3A_1621 = arith.constant 16 : i32
    %mul3A_1622 = arith.muli %arg1, %mul3A_1621 : i32
    "tpu.region"() ({
      %run_scoped3A = tpu.sem_alloc : memref<!tpu.dma_semaphore, #tpu.memory_space<semaphore_mem>>
      %dma_start3A_1629 = tpu.memref_slice %arg24[%mul3A_1622] : memref<256xi32, #tpu.memory_space<vmem_shared>> -> memref<16xi32, #tpu.memory_space<vmem_shared>>
      %dma_start3A_1630 = tpu.memref_slice %arg24[%mul3A_1622] : memref<256xi32, #tpu.memory_space<vmem_shared>> -> memref<16xi32, #tpu.memory_space<vmem_shared>>
      tpu.enqueue_dma source(%arg12 : memref<16xi32, #tpu.memory_space<vmem>>) target(%dma_start3A_1630 : memref<16xi32, #tpu.memory_space<vmem_shared>>) target_semaphore(%run_scoped3A : memref<!tpu.dma_semaphore, #tpu.memory_space<semaphore_mem>>)
      %dma_wait3A_1631 = tpu.memref_slice %arg24[%mul3A_1622] : memref<256xi32, #tpu.memory_space<vmem_shared>> -> memref<16xi32, #tpu.memory_space<vmem_shared>>
      %dma_wait3A_1632 = tpu.memref_slice %arg24[%mul3A_1622] : memref<256xi32, #tpu.memory_space<vmem_shared>> -> memref<16xi32, #tpu.memory_space<vmem_shared>>
      tpu.wait_dma2 semaphore(%run_scoped3A : memref<!tpu.dma_semaphore, #tpu.memory_space<semaphore_mem>>) src(%arg12 : memref<16xi32, #tpu.memory_space<vmem>>) dst(%dma_wait3A_1632 : memref<16xi32, #tpu.memory_space<vmem_shared>>)
      tpu.yield
    }) : () -> ()
    %barrier3A_1623 = arith.constant 0 : index
    tpu.barrier barrier_id(%barrier3A_1623)
    %eq3A_1624 = arith.constant 0 : i32
    %eq3A_1625 = arith.cmpi eq, %arg1, %eq3A_1624 : i32
    %convert_element_type3A_1626 = arith.extui %eq3A_1625 : i1 to i32
    %cond3A_1627 = arith.constant 0 : i32
    %cond3A_1628 = arith.cmpi ne, %convert_element_type3A_1626, %cond3A_1627 : i32
    scf.if %cond3A_1628 {
      "tpu.region"() ({
        %run_scoped3A = tpu.sem_alloc : memref<!tpu.dma_semaphore, #tpu.memory_space<semaphore_mem>>
        tpu.enqueue_dma source(%arg24 : memref<256xi32, #tpu.memory_space<vmem_shared>>) target(%arg13 : memref<256xi32, #tpu.memory_space<vmem>>) target_semaphore(%run_scoped3A : memref<!tpu.dma_semaphore, #tpu.memory_space<semaphore_mem>>)
        tpu.wait_dma2 semaphore(%run_scoped3A : memref<!tpu.dma_semaphore, #tpu.memory_space<semaphore_mem>>) src(%arg24 : memref<256xi32, #tpu.memory_space<vmem_shared>>) dst(%arg13 : memref<256xi32, #tpu.memory_space<vmem>>)
        tpu.yield
      }) : () -> ()
      %scan3A_1629 = arith.constant 0 : i32
      %scan3A_1630 = arith.constant 0 : i32
      %scan3A_1631 = arith.constant 16 : i32
      %scan3A_1632 = arith.addi %scan3A_1630, %scan3A_1631 : i32
      %scan3A_1633 = arith.constant 1 : i32
      %scan3A_1634 = scf.for %scan3A_1648 = %scan3A_1630 to %scan3A_1632 step %scan3A_1633 iter_args(%scan3A_1649 = %scan3A_1629) -> (i32)  : i32 {
        %mul3A_1650 = arith.constant 16 : i32
        %mul3A_1651 = arith.muli %scan3A_1648, %mul3A_1650 : i32
        %get3A_1652 = arith.index_cast %mul3A_1651 : i32 to index
        %get3A_1653 = tpu.vector_load %arg13[%get3A_1652] {strides = array<i32>} : memref<256xi32, #tpu.memory_space<vmem>>, vector<16xi32>,
        %reduce_sum3A_1654 = arith.constant true
        %reduce_sum3A_1655 = vector.broadcast %reduce_sum3A_1654 : i1 to vector<16xi1>
        %reduce_sum3A_1656 = tpu.scan <sum>, %get3A_1653 masked %reduce_sum3A_1655 : vector<16xi32>, vector<16xi1> -> vector<16xi32>
        %reduce_sum3A_1657 = vector.extract %reduce_sum3A_1656[15] : i32 from vector<16xi32>
        %add3A_1658 = arith.addi %scan3A_1649, %reduce_sum3A_1657 : i32
        scf.yield %add3A_1658 : i32
      }
      %scan3A_1635 = arith.constant 16 : i32
      %add3A_1636 = vector.broadcast %scan3A_1634 : i32 to vector<16xi32>
      %add3A_1637 = arith.addi %broadcast_in_dim3A_1, %add3A_1636 : vector<16xi32>
      %eq3A_1638 = arith.constant 0 : i32
      %eq3A_1639 = vector.broadcast %eq3A_1638 : i32 to vector<16xi32>
      %eq3A_1640 = arith.cmpi eq, %add3A_1637, %eq3A_1639 : vector<16xi32>
      %jit3A_1641 = arith.constant 1 : i32
      %jit3A_1642 = arith.constant 0 : i32
      %broadcast_in_dim3A_1643 = vector.broadcast %jit3A_1641 : i32 to vector<16xi32>
      %broadcast_in_dim3A_1644 = vector.broadcast %jit3A_1642 : i32 to vector<16xi32>
      %select_n3A_1645 = arith.select %eq3A_1640, %broadcast_in_dim3A_1643, %broadcast_in_dim3A_1644 : vector<16xi1>, vector<16xi32>
      %swap3A_1646 = arith.constant 0 : index
      %swap3A_1647 = tpu.vector_load %arg14[%swap3A_1646] {strides = array<i32>} : memref<16xi32, #tpu.memory_space<vmem>>, vector<16xi32>,
      tpu.vector_store %arg14[%swap3A_1646], %select_n3A_1645 {strides = array<i32>} : memref<16xi32, #tpu.memory_space<vmem>>, vector<16xi32>,
      "tpu.region"() ({
        %run_scoped3A = tpu.sem_alloc : memref<!tpu.dma_semaphore, #tpu.memory_space<semaphore_mem>>
        tpu.enqueue_dma source(%arg14 : memref<16xi32, #tpu.memory_space<vmem>>) target(%arg3 : memref<16xi32, #tpu.memory_space<hbm>>) target_semaphore(%run_scoped3A : memref<!tpu.dma_semaphore, #tpu.memory_space<semaphore_mem>>)
        tpu.wait_dma2 semaphore(%run_scoped3A : memref<!tpu.dma_semaphore, #tpu.memory_space<semaphore_mem>>) src(%arg14 : memref<16xi32, #tpu.memory_space<vmem>>) dst(%arg3 : memref<16xi32, #tpu.memory_space<hbm>>)
        tpu.yield
      }) : () -> ()
    } else {
    }
    return
  }
}

</mosaic_0001>

<sc_bundles>
// kernel: kernel.3.cloned.1.call-start
scs
__scs_entry_jumppad:
0x0: {  	(pc) =	sbr.rel $0x88, $3  }
0x1: {  	(tag) =	ssettag $0x0;
	lr =	simm.s32 $0x1  }
0x2: {  	[smem:$0x3FA0] =	sst lr;
	_ =	strace $0xD0000000  }
0x3: {  	_ = 	snop  }
0x4: {  	_ = 	snop  }
0x5: {  	_ = 	snop  }
0x6: {  	_ = 	snop  }
0x7: {  	_ = 	snop  }
__scs_overlays_trampoline_lowered:
0x8: {  	[smem:$0x3FAF] =	sst s0  }
0x9: {  	[smem:$0x3FB0] =	sst s1  }
0xa: {  	[smem:$0x3FB1] =	sst s2  }
0xb: {  	[smem:$0x3FB2] =	sst s3  }
0xc: {  	[smem:$0x3FB3] =	sst s4  }
0xd: {  	[smem:$0x3FB4] =	sst s5  }
0xe: {  	[smem:$0x3FB5] =	sst s6  }
0xf: {  	[smem:$0x3FB6] =	sst s7  }
0x10: {  	[smem:$0x3FB7] =	sst s8  }
0x11: {  	[smem:$0x3FB8] =	sst s9;
	s0 =	simm.s32 @!p0 $0x0  }
0x12: {  	s1 =	sld [smem:$0x3F9E];
	s0 =	simm.s32 @p0 $0x1  }
0x13: {  	[smem:$0x3FB9] =	sst s0;
	s0 =	simm.s32 @!p1 $0x0  }
0x14: {  	s2 =	sld [smem:$0x3F9D];
	s0 =	simm.s32 @p1 $0x1  }
0x15: {  	[smem:$0x3FBA] =	sst s0;
	s0 =	simm.s32 @!p2 $0x0  }
0x16: {  	s3 =	sld [smem:$0x3FDB];
	s0 =	simm.s32 @p2 $0x1  }
0x17: {  	s4 =	simm.s32 $0x1BF5;
	[smem:$0x3FBC] =	sst s0  }
0x18: {  	s0 =	sld [smem:$0x3F9F];
	_ =	swait.ge [sflag:s4], $0x0  }
0x19: {  	s7 =	sld [smem:$0x3FA0]  }
0x1a: {  	s8 =	sadd.s32 $0xFFFFE003, lr  }
0x1b: {  	s9 =	sadd.s32 $0xFFFFFEF7, lr;
	s5 =	simm.s32 $0xFFFFFFFF;
	p2 =	slt.u32 s8, $0xFFFFF086  }
0x1c: {  	p1 =	slt.u32 s9, $0xF7A;
	s5 =	simm.s32 @!p2 $0x0  }
0x1d: {  	s5 =	simm.s32 @p1 $0x1;
	p0 =	seq.s32 s7, s2  }
0x1e: {  	s7 =	smul.u32 @!p0 $0xF7A, s2;
	p2 =	seq.s32 @!p0 s5, $0x0  }
0x1f: {  	s9 =	smul.u32 $0xF7A, s1;
	s8 =	simm.s32 @!p0 $0x1BF5;
	p2 =	por !p2, p0  }
0x20: {  	[sflag:s8] =	ssyncset.s32 @!p0 $0xFFFFF086;
	s6 =	sadd.s32 @!p0 s3, s7;
	s7 =	simm.s32 @!p0 $0x108  }
0x21: {  	s3 =	sadd.s32 s3, s9;
	s6 =	sadd.s32 @!p0 $0x88, s6;
	s7 =	simm.s32 @p2 $0x1082  }
0x22: {  	[simem:s7], [sflag:s8] =	dma.local @!p0 [hbm:s6], $0xF7A  }
0x23: {  	s9 =	sor.u32 $0xD0000000, s2;
	s6 =	simm.s32 $0x108;
	_ =	swait.ge @!p0 [sflag:s8], $0x0  }
0x24: {  	s3 =	sadd.s32 $0x88, s3;
	s6 =	simm.s32 @!p1 $0x1082;
	[sflag:s4] =	ssyncset.s32 $0xFFFFF086  }
0x25: {  	[simem:s6], [sflag:s4] =	dma.local [hbm:s3], $0xF7A  }
0x26: {  	[smem:$0x3FA0] =	sst s1;
	(tag) =	ssettag s2;
	_ =	strace s9  }
0x27: {  	s1 =	sld [smem:$0x3FB0]  }
0x28: {  	s2 =	sld [smem:$0x3FB1]  }
0x29: {  	s4 =	sld [smem:$0x3FB3]  }
0x2a: {  	p0 =	seq.s32 s5, $0x0;
	s5 =	sld [smem:$0x3FB4]  }
0x2b: {  	s6 =	sld [smem:$0x3FB5]  }
0x2c: {  	s7 =	sld [smem:$0x3FB6]  }
0x2d: {  	s3 =	simm.s32 $0x108;
	s8 =	sld [smem:$0x3FB7]  }
0x2e: {  	s3 =	simm.s32 @!p0 $0x1082;
	s9 =	sld [smem:$0x3FB8]  }
0x2f: {  	lr =	sadd.s32 s0, s3;
	s0 =	sld [smem:$0x3FAF]  }
0x30: {  	s3 =	sld [smem:$0x3FB2]  }
0x31: {  	[smem:$0x3FBB] =	sst s10  }
0x32: {  	s10 =	sld [smem:$0x3FB9];
	_ =	sdelay $0x3  }
0x33: {  	p0 =	seq.s32 s10, $0x1;
	s10 =	sld [smem:$0x3FBB];
	_ =	sdelay $0x3  }
0x34: {  	[smem:$0x3FBB] =	sst s10  }
0x35: {  	s10 =	sld [smem:$0x3FBA];
	_ =	sdelay $0x3  }
0x36: {  	p1 =	seq.s32 s10, $0x1;
	s10 =	sld [smem:$0x3FBB];
	_ =	sdelay $0x3  }
0x37: {  	[smem:$0x3FBB] =	sst s10  }
0x38: {  	s10 =	sld [smem:$0x3FBC]  }
0x39: {  	_ = 	snop;
	(pc) =	sbr.ind lr, $3  }
0x3a: {  	_ = 	snop  }
0x3b: {  	_ = 	snop  }
0x3c: {  	p2 =	seq.s32 s10, $0x1;
	s10 =	sld [smem:$0x3FBB]  }
0x3d: {  	_ =	shalt  }
0x3e: {  	_ =	shalt  }
0x3f: {  	_ =	shalt  }
0x40: {  	_ =	shalt  }
0x41: {  	_ =	shalt  }
0x42: {  	_ =	shalt  }
0x43: {  	_ =	shalt  }
0x44: {  	_ =	shalt  }
0x45: {  	_ =	shalt  }
0x46: {  	_ =	shalt  }
0x47: {  	_ =	shalt  }
0x48: {  	_ =	shalt  }
0x49: {  	_ =	shalt  }
0x4a: {  	_ =	shalt  }
0x4b: {  	_ =	shalt  }
0x4c: {  	_ =	shalt  }
0x4d: {  	_ =	shalt  }
0x4e: {  	_ =	shalt  }
0x4f: {  	_ =	shalt  }
0x50: {  	_ =	shalt  }
0x51: {  	_ =	shalt  }
0x52: {  	_ =	shalt  }
0x53: {  	_ =	shalt  }
0x54: {  	_ =	shalt  }
0x55: {  	_ =	shalt  }
0x56: {  	_ =	shalt  }
0x57: {  	_ =	shalt  }
0x58: {  	_ =	shalt  }
0x59: {  	_ =	shalt  }
0x5a: {  	_ =	shalt  }
0x5b: {  	_ =	shalt  }
0x5c: {  	_ =	shalt  }
0x5d: {  	_ =	shalt  }
0x5e: {  	_ =	shalt  }
0x5f: {  	_ =	shalt  }
0x60: {  	_ =	shalt  }
0x61: {  	_ =	shalt  }
0x62: {  	_ =	shalt  }
0x63: {  	_ =	shalt  }
0x64: {  	_ =	shalt  }
0x65: {  	_ =	shalt  }
0x66: {  	_ =	shalt  }
0x67: {  	_ =	shalt  }
0x68: {  	_ =	shalt  }
0x69: {  	_ =	shalt  }
0x6a: {  	_ =	shalt  }
0x6b: {  	_ =	shalt  }
0x6c: {  	_ =	shalt  }
0x6d: {  	_ =	shalt  }
0x6e: {  	_ =	shalt  }
0x6f: {  	_ =	shalt  }
0x70: {  	_ =	shalt  }
0x71: {  	_ =	shalt  }
0x72: {  	_ =	shalt  }
0x73: {  	_ =	shalt  }
0x74: {  	_ =	shalt  }
0x75: {  	_ =	shalt  }
0x76: {  	_ =	shalt  }
0x77: {  	_ =	shalt  }
0x78: {  	_ =	shalt  }
0x79: {  	_ =	shalt  }
0x7a: {  	_ =	shalt  }
0x7b: {  	_ =	shalt  }
0x7c: {  	_ =	shalt  }
0x7d: {  	_ =	shalt  }
0x7e: {  	_ =	shalt  }
0x7f: {  	_ =	shalt  }
0x80: {  	_ =	shalt  }
0x81: {  	_ =	shalt  }
0x82: {  	_ =	shalt  }
0x83: {  	_ =	shalt  }
0x84: {  	_ =	shalt  }
0x85: {  	_ =	shalt  }
0x86: {  	_ =	shalt  }
0x87: {  	_ =	shalt  }
.Lfunc_end0:
.L_simem_size_0:
called_computation_lowered:
.L_overlay_start_0:
0x88: {  	s0 =	sld [smem:$0x3FD9]  }
0x89: {  	s1 =	sld [smem:$0x3FFE];
	_ =	sdelay $0x3  }
0x8a: {  	s0 =	sadd.s32 s1, s0  }
0x8b: {  	[smem:$0x3FC7] =	sst s0  }
0x8c: {  	_ = 	snop  }
0x8d: {  	s0 =	sld [smem:$0x3FD0];
	(tm) =	ssettm $0x1  }
0x8e: {  	s16 =	sld [smem:$0x3FFB];
	_ =	sdelay $0x3  }
0x8f: {  	_ =	strace s16  }
0x90: {  	s1 =	sld [smem:$0x3FFC];
	_ =	sdelay $0x3  }
0x91: {  	_ =	strace s1  }
0x92: {  	s1 =	sld [smem:$0x3FFD];
	_ =	sdelay $0x3  }
0x93: {  	_ =	strace s1  }
0x94: {  	_ =	strace $0x8FFFFFFF  }
0x95: {  	s17 =	sld [smem:$0x3FDB];
	_ =	sdelay $0x1  }
0x96: {  	s2 =	simm.s32 $_scs_section_size  }
0x97: {  	s3 =	simm.s32 $_size__tile_overlayer_lowered;
	s4 =	simm.s32 $_tile_overlayer_lowered  }
0x98: {  	s20 =	simm.s32 $0x1BFF;
	s19 =	sshll.u32 s4, $0x1;
	s1 =	sadd.s32 s2, s17  }
0x99: {  	s5 =	simm.s32 $0x0;
	s18 =	sshll.u32 s3, $0x1;
	s3 =	sadd.s32 s19, s1  }
0x9a: {  	[timem:s5], [sflag:s20] =	dma.local [hbm:s3], s18  }
0x9b: {  	_ =	swait.ge [sflag:s20], s18  }
0x9c: {  	s2 =	ssub.s32 $0x0, s18;
	[sflag:s20] =	ssyncset.done $0x0  }
0x9d: {  	[sflag:s20] =	ssyncadd.s32 s2;
	_ =	sdelay $0x1  }
0x9e: {  	s21 =	simm.s32 $0x1B8B  }
0x9f: {  	_ =	swait.ge [sflag:s21], $0x1  }
0xa0: {  	[sflag:s21] =	ssyncset.done $0x0  }
0xa1: {  	s23 =	simm.s32 $0x1B8E;
	s22 =	sld [smem:$0x3FFE];
	[sflag:s21] =	ssyncadd.s32 $0xFFFFFFFF  }
0xa2: {  	s24 =	simm.s32 $execute0_lowered;
	[smem:$0x3FD2] =	sst s23  }
0xa3: {  	s3 =	sshll.u32 s24, $0x1;
	_ =	strace $0x80000046;
	[dreg:$0x1] =	wrdreg $0xFFFFFFFF  }
0xa4: {  	s25 =	simm.s32 $_size_execute0_lowered;
	s1 =	sadd.s32 s1, s3;
	[dreg:$0x0] =	wrdreg $0x0  }
0xa5: {  	s3 =	sshll.u32 s25, $0x1;
	[dreg:$0x2] =	wrdreg s1  }
0xa6: {  	[dreg:$0x3] =	wrdreg s3  }
0xa7: {  	[dreg:$0x4] =	wrdreg $0xC0  }
0xa8: {  	_ =	task [dreg:s5], $0x5FFFF  }
0xa9: {  	[dreg:$0x1] =	wrdreg $0xFFFFFFFF  }
0xaa: {  	[dreg:$0x0] =	wrdreg $0x60  }
0xab: {  	[dreg:$0x2] =	wrdreg s22  }
0xac: {  	[dreg:$0x3] =	wrdreg s0  }
0xad: {  	[dreg:$0x4] =	wrdreg $0x54800  }
0xae: {  	[dreg:$0x5] =	wrdreg $0x5C800  }
0xaf: {  	[dreg:$0x6] =	wrdreg $0x34800  }
0xb0: {  	[dreg:$0x7] =	wrdreg $0x3C800  }
0xb1: {  	[dreg:$0x8] =	wrdreg $0x44800  }
0xb2: {  	[dreg:$0x9] =	wrdreg $0x4C800  }
0xb3: {  	[dreg:$0xa] =	wrdreg $0x5D800  }
0xb4: {  	[dreg:$0xb] =	wrdreg $0x9  }
0xb5: {  	_ =	task.clear_ibuf [dreg:s5], $0xCFFFF;
	_ =	strace $0x90000046  }
0xb6: {  	s26 =	simm.s32 $0x9;
	_ =	strace $0x80000048  }
0xb7: {  	_ =	swait.ge [sflag:s26], $0x1  }
0xb8: {  	[sflag:s26] =	ssyncadd.s32 $0xFFFFFFFF  }
0xb9: {  	_ =	strace $0x90000048  }
0xba: {  	_ =	sfence  }
0xbb: {  	s28 =	sld [smem:$0x0];
	_ =	sdelay $0x1  }
0xbc: {  	s29 =	srdreg.scid  }
0xbd: {  	s30 =	sshll.u32 s29, $0xD;
	s31 =	sshrl.u32 s29, $0x2  }
0xbe: {  	s2 =	sand.u32 $0x4000, s30;
	s1 =	sand.u32 $0x1, s29;
	s0 =	sadd.s32 s31, s28  }
0xbf: {  	s1 =	sor.u32 s2, s1;
	s0 =	sshll.u32 s0, $0x11  }
0xc0: {  	s0 =	sor.u32 s0, s1  }
0xc1: {  	s0 =	sadd.s32 $0x8F2B, s0  }
0xc2: {  	[sflag:s0] =	ssyncadd.remote.s32 $0x1  }
0xc3: {  	_ =	sfence.sel $0xFFFF  }
0xc4: {  	[dreg:$0x0] =	wrdreg $0xFFFFFFFF;
	(pc) =	sbr.abs _section_cstart, $3  }
0xc5: {  	[dreg:$0x1] =	wrdreg $0xFFFFFFFF  }
0xc6: {  	_ =	task.clear_ibuf [dreg:s5], $0x2FFFF;
	_ =	strace $0x9FFFFFFF  }
0xc7: {  	(tm) =	ssettm $0x7FFFFFFF  }
tec
execute0_lowered:
.L_overlay_start_1:
0x0: {  	(tag) =	ssettag $0x1  }
0x1: {  	s11 =	rddreg [dreg:$0x0]  }
0x2: {  	s0 =	rddreg [dreg:$0x1]  }
0x3: {  	s5 =	rddreg [dreg:$0x2]  }
0x4: {  	s7 =	rddreg [dreg:$0x3]  }
0x5: {  	s10 =	rddreg [dreg:$0x4]  }
0x6: {  	s9 =	rddreg [dreg:$0x5]  }
0x7: {  	s4 =	rddreg [dreg:$0x6]  }
0x8: {  	s6 =	rddreg [dreg:$0x7]  }
0x9: {  	s2 =	rddreg [dreg:$0x8];
	s3 =	stileid.u32  }
0xa: {  	s1 =	rddreg [dreg:$0x9];
	s12 =	simm.s32 $0x0;
	s8 =	sshll.u32 s3, $0x8  }
0xb: {  	[smem:$0x7FF] =	sst s12;
	s11 =	sadd.s32 s8, s11  }
0xc: {  	s31 =	simm.s32 $0x4;
	_ =	strace $0x80000047;
	s11 =	sadd.s32 $0x600, s11  }
0xd: {  	[tilespmem:s12], [sflag:$0x4] =	stream.linear.gather [hbm4b:s11+s12], $0x800, $0x38;
	[tilespmem:$0x5D90] =	vst v63  }
0xe: {  	_ =	swait.ge [sflag:s31], $0x800  }
0xf: {  	v0 =	vlaneseq.u32;
	s13 =	simm.s32 $0x40;
	s11 =	sshll.u32 s3, $0xB;
	[sflag:s31] =	ssyncset.done $0x0  }
0x10: {  	s12 =	simm.s32 $0x0;
	v1 =	vor.u32 s11, v0;
	s14 =	smov.u32 s11;
	[sflag:s31] =	ssyncadd.s32 $0xFFFFF800  }
.LBB2_1:
0x11: {  	p0 =	sne.s32 s13, $0x1FC0;
	v2 =	vld [tilespmem:s12+$0x0];
	[tilespmem:s12+$0x800] =	vst v1;
	_ =	sdelay $0x3  }
.Ltmp0:
0x12: {  	(pc) =	sbr.rel @p0 .LBB2_1-.Ltmp0, $4  }
0x13: {  	v1 =	vshra.s32 v2, $0x1F  }
0x14: {  	v2 =	vxor.u32 v1, v2;
	v1 =	vor.u32 $0x7FFFFFFF, v1  }
0x15: {  	s14 =	sadd.s32 $0x10, s14;
	v2 =	vandn.u32 v1, v2  }
0x16: {  	v1 =	vor.u32 s14, v0;
	[tilespmem:s12+$0x0] =	vst v2;
	s12 =	sshra.s32 s13, $0x2;
	s13 =	sadd.s32 $0x40, s13  }
0x17: {  	v0 =	vld [tilespmem:s12+$0x0];
	_ =	sdelay $0x4  }
0x18: {  	v2 =	vshra.s32 v0, $0x1F  }
0x19: {  	v0 =	vxor.u32 v2, v0;
	v2 =	vor.u32 $0x7FFFFFFF, v2  }
0x1a: {  	[tilespmem:s12+$0x800] =	vst v1;
	v0 =	vandn.u32 v2, v0  }
0x1b: {  	s31 =	sadd.s32 s11, s5;
	s13 =	simm.s32 $0x0;
	[tilespmem:s12+$0x0] =	vst v0  }
0x1c: {  	v63 =	vimm.s32 $0x0;
	[spmem:s31] =	stream.linear.scatter [tilespmem:s13], [sflag:$0x3], $0x800, $0x38;
	[tilespmem:$0x5D90] =	vst v63  }
0x1d: {  	[tilespmem:$0x2000] =	vst v63  }
0x1e: {  	[tilespmem:$0x2010] =	vst v63  }
0x1f: {  	[tilespmem:$0x2020] =	vst v63  }
0x20: {  	[tilespmem:$0x2030] =	vst v63  }
0x21: {  	[tilespmem:$0x2040] =	vst v63  }
0x22: {  	[tilespmem:$0x2050] =	vst v63  }
0x23: {  	[tilespmem:$0x2060] =	vst v63  }
0x24: {  	[tilespmem:$0x2070] =	vst v63  }
0x25: {  	[tilespmem:$0x2080] =	vst v63  }
0x26: {  	[tilespmem:$0x2090] =	vst v63  }
0x27: {  	[tilespmem:$0x20A0] =	vst v63  }
0x28: {  	[tilespmem:$0x20B0] =	vst v63  }
0x29: {  	[tilespmem:$0x20C0] =	vst v63  }
0x2a: {  	[tilespmem:$0x20D0] =	vst v63  }
0x2b: {  	[tilespmem:$0x20E0] =	vst v63  }
0x2c: {  	s14 =	simm.s32 $0x0;
	s12 =	simm.s32 $0x2000;
	s13 =	simm.s32 $0x40;
	[tilespmem:$0x20F0] =	vst v63  }
.LBB2_3:
0x2d: {  	p0 =	sne.s32 s13, $0xFC0;
	v0 =	vld [tilespmem:s14+$0x0];
	_ =	sdelay $0x4  }
0x2e: {  	v0 =	vand.u32 $0xFF, v0  }
0x2f: {  	(xrf1) =	vunique.msk.u32 $0xffff, v0;
	_ =	sdelay $0xd  }
0x30: {  	_, v1, vm0 =	vpop (xrf1);
	_ =	sdelay $0x1  }
.Ltmp1:
0x31: {  	(pc) =	sbr.rel @p0 .LBB2_3-.Ltmp1, $2  }
0x32: {  	_ =	sdelay $0x2  }
0x33: {  	s14 =	sshra.s32 s13, $0x2;
	s13 =	sadd.s32 $0x40, s13;
	[tilespmem:v0+s12+$0x0] =	vst.idx.add.s32.msk vm0, v1  }
0x34: {  	v0 =	vld [tilespmem:s14+$0x0];
	_ =	sdelay $0x4  }
0x35: {  	v0 =	vand.u32 $0xFF, v0  }
0x36: {  	(xrf1) =	vunique.msk.u32 $0xffff, v0;
	_ =	sdelay $0xd  }
0x37: {  	_, v1, vm0 =	vpop (xrf1);
	_ =	sdelay $0x5  }
0x38: {  	s14 =	simm.s32 $0x0;
	s13 =	simm.s32 $0x40;
	[tilespmem:v0+s12+$0x0] =	vst.idx.add.s32.msk vm0, v1;
	s12 =	simm.s32 $0x2000  }
.LBB2_5:
0x39: {  	p0 =	sne.s32 s13, $0xFC0;
	v0 =	vld [tilespmem:s14+$0x400];
	_ =	sdelay $0x4  }
0x3a: {  	v0 =	vand.u32 $0xFF, v0  }
0x3b: {  	(xrf1) =	vunique.msk.u32 $0xffff, v0;
	_ =	sdelay $0xd  }
0x3c: {  	_, v1, vm0 =	vpop (xrf1);
	_ =	sdelay $0x1  }
.Ltmp2:
0x3d: {  	(pc) =	sbr.rel @p0 .LBB2_5-.Ltmp2, $2  }
0x3e: {  	_ =	sdelay $0x2  }
0x3f: {  	s14 =	sshra.s32 s13, $0x2;
	s13 =	sadd.s32 $0x40, s13;
	[tilespmem:v0+s12+$0x0] =	vst.idx.add.s32.msk vm0, v1  }
0x40: {  	v0 =	vld [tilespmem:s14+$0x400];
	_ =	sdelay $0x4  }
0x41: {  	v0 =	vand.u32 $0xFF, v0  }
0x42: {  	(xrf1) =	vunique.msk.u32 $0xffff, v0;
	_ =	sdelay $0xd  }
0x43: {  	_, v1, vm0 =	vpop (xrf1);
	_ =	sdelay $0x5  }
0x44: {  	s8 =	sadd.s32 s8, s7;
	s29 =	simm.s32 $0x2000;
	s13 =	simm.s32 $0x4;
	[tilespmem:v0+s12+$0x0] =	vst.idx.add.s32.msk vm0, v1  }
0x45: {  	[spmem:s8] =	stream.linear.scatter [tilespmem:s29], [sflag:$0x4], $0x100, $0x38;
	[tilespmem:$0x5D90] =	vst v63  }
0x46: {  	_ =	swait.ge [sflag:s13], $0x100  }
0x47: {  	[sflag:s13] =	ssyncset.done $0x0  }
0x48: {  	[sflag:s13] =	ssyncadd.s32 $0xFFFFFF00  }
0x49: {  	s30 =	simm.s32 $0x2200;
	[bflag:$0x0] =	sbarrier.arrive $0xFFFF  }
0x4a: {  	[tilespmem:s30], [sflag:$0x4] =	stream.linear.gather [spmem:s7], $0x1000, $0x38;
	[tilespmem:$0x5D90] =	vst v63  }
0x4b: {  	_ =	swait.ge [sflag:s13], $0x1000  }
0x4c: {  	s12 =	simm.s32 $0x0;
	[sflag:s13] =	ssyncset.done $0x0  }
0x4d: {  	s31 =	sand.u32 $0xF0, s12;
	[sflag:s13] =	ssyncadd.s32 $0xFFFFF000  }
0x4e: {  	v0 =	vld [tilespmem:s31+$0x2300]  }
0x4f: {  	v1 =	vld [tilespmem:s30+$0x0]  }
0x50: {  	v2 =	vld [tilespmem:s31+$0x2400]  }
0x51: {  	v3 =	vld [tilespmem:s31+$0x2500]  }
0x52: {  	v4 =	vld [tilespmem:s31+$0x2600]  }
0x53: {  	v6 =	vld [tilespmem:s31+$0x2700]  }
0x54: {  	v5 =	vmov s3;
	v8 =	vld [tilespmem:s31+$0x2800];
	v7 =	vadd.s32 v1, v0  }
0x55: {  	vm1 =	vgt.u32 v5, $0x9;
	v9 =	vld [tilespmem:s31+$0x2900];
	v7 =	vadd.s32 v2, v7  }
0x56: {  	vm2 =	vgt.u32 v5, $0x8;
	vm3 =	vgt.u32 v5, $0x7;
	v10 =	vld [tilespmem:s31+$0x2A00];
	v7 =	vadd.s32 v3, v7  }
0x57: {  	vm4 =	vgt.u32 v5, $0x6;
	vm5 =	vgt.u32 v5, $0x5;
	v11 =	vld [tilespmem:s31+$0x2B00];
	v7 =	vadd.s32 v4, v7  }
0x58: {  	vm7 =	vgt.u32 v5, $0x3;
	vm8 =	vgt.u32 v5, $0x2;
	v12 =	vld [tilespmem:s31+$0x2C00];
	v7 =	vadd.s32 v6, v7  }
0x59: {  	vm9 =	veq.s32 v5, $0x0;
	vm10 =	vgt.u32 v5, $0x1;
	v13 =	vld [tilespmem:s31+$0x2D00];
	v7 =	vadd.s32 v8, v7  }
0x5a: {  	v14 =	vld [tilespmem:s31+$0x2E00];
	v1 =	vsel vm9, $0x0, v1;
	v0 =	vnsel vm10, $0x0, v0;
	v7 =	vadd.s32 v9, v7  }
0x5b: {  	v15 =	vld [tilespmem:s31+$0x2F00];
	v1 =	vadd.s32 s12, v1;
	v2 =	vnsel vm8, $0x0, v2;
	v7 =	vadd.s32 v10, v7  }
0x5c: {  	v62 =	vld [tilespmem:s31+$0x3000];
	v0 =	vadd.s32 v0, v1;
	v1 =	vnsel vm7, $0x0, v3;
	v3 =	vadd.s32 v11, v7  }
0x5d: {  	vm6 =	vgt.u32 v5, $0x4;
	v63 =	vld [tilespmem:s31+$0x3100];
	v0 =	vadd.s32 v2, v0;
	v3 =	vadd.s32 v12, v3  }
0x5e: {  	v2 =	vnsel vm6, $0x0, v4;
	v0 =	vadd.s32 v1, v0;
	v3 =	vadd.s32 v13, v3  }
0x5f: {  	v1 =	vnsel vm5, $0x0, v6;
	v0 =	vadd.s32 v2, v0;
	v3 =	vadd.s32 v14, v3  }
0x60: {  	v2 =	vnsel vm4, $0x0, v8;
	v0 =	vadd.s32 v1, v0;
	v3 =	vadd.s32 v15, v3  }
0x61: {  	v1 =	vnsel vm3, $0x0, v9;
	v0 =	vadd.s32 v2, v0;
	v3 =	vadd.s32 v62, v3  }
0x62: {  	v2 =	vnsel vm2, $0x0, v10;
	v0 =	vadd.s32 v1, v0;
	v3 =	vadd.s32 v63, v3  }
0x63: {  	vm0 =	vgt.u32 v5, $0xA;
	v1 =	vnsel vm1, $0x0, v11;
	v0 =	vadd.s32 v2, v0;
	(xrf0) =	vadd.scan.msk.s32 $0xffff, v3  }
0x64: {  	vm11 =	vgt.u32 v5, $0xB;
	v2 =	vnsel vm0, $0x0, v12;
	v0 =	vadd.s32 v1, v0  }
0x65: {  	vm13 =	vgt.u32 v5, $0xD;
	v1 =	vnsel vm11, $0x0, v13;
	v0 =	vadd.s32 v2, v0  }
0x66: {  	vm12 =	vgt.u32 v5, $0xC;
	v0 =	vadd.s32 v1, v0;
	v1 =	vnsel vm13, $0x0, v15  }
0x67: {  	v2 =	vnsel vm12, $0x0, v14  }
0x68: {  	vm14 =	veq.s32 v5, $0xF;
	v0 =	vadd.s32 v2, v0  }
0x69: {  	v2 =	vnsel vm14, $0x0, v62;
	v0 =	vadd.s32 v1, v0;
	v1, _, _ =	vpop (xrf0)  }
0x6a: {  	v0 =	vadd.s32 v2, v0;
	(v2sf) =	vpush v1, $0xF  }
0x6b: {  	v0 =	vsub.s32 v0, v3  }
0x6c: {  	s14 =	simm.s32 $0x2100;
	s13 =	simm.s32 $0x10;
	v0 =	vadd.s32 v1, v0  }
0x6d: {  	s18 =	sand.u32 $0xF0, s13;
	[tilespmem:s14+$0x0] =	vst v0  }
0x6e: {  	s17 =	simm.s32 $0x20;
	s16 =	simm.s32 $0x2210;
	s15 =	simm.s32 $0x0;
	v0 =	vld [tilespmem:s18+$0x2300]  }
.LBB2_7:
0x6f: {  	p0 =	sne.s32 s17, $0xF0;
	v1 =	vld [tilespmem:s16+$0x0]  }
0x70: {  	v2 =	vld [tilespmem:s18+$0x2400]  }
0x71: {  	v3 =	vld [tilespmem:s18+$0x2500]  }
0x72: {  	v4 =	vld [tilespmem:s18+$0x2600]  }
0x73: {  	v5 =	vnsel vm10, $0x0, v0;
	v6 =	vld [tilespmem:s18+$0x2700]  }
0x74: {  	v7 =	vsel vm9, $0x0, v1;
	v0 =	vadd.s32 v1, v0;
	v1 =	vld [tilespmem:s18+$0x2800]  }
0x75: {  	v0 =	vadd.s32 v2, v0;
	v2 =	vnsel vm8, $0x0, v2;
	v8 =	vld [tilespmem:s18+$0x2900]  }
0x76: {  	v0 =	vadd.s32 v3, v0;
	v3 =	vnsel vm7, $0x0, v3;
	v9 =	vld [tilespmem:s18+$0x2A00]  }
0x77: {  	v0 =	vadd.s32 v4, v0;
	v4 =	vnsel vm6, $0x0, v4;
	v10 =	vld [tilespmem:s18+$0x2B00]  }
0x78: {  	v0 =	vadd.s32 v6, v0;
	v6 =	vnsel vm5, $0x0, v6;
	v11 =	vld [tilespmem:s18+$0x2C00]  }
0x79: {  	v0 =	vadd.s32 v1, v0;
	v1 =	vnsel vm4, $0x0, v1;
	v12 =	vld [tilespmem:s18+$0x2D00];
	s19 =	spop (v2sf)  }
0x7a: {  	v0 =	vadd.s32 v8, v0;
	v8 =	vnsel vm3, $0x0, v8;
	v13 =	vld [tilespmem:s18+$0x2E00];
	s15 =	sadd.s32 s15, s19  }
0x7b: {  	v0 =	vadd.s32 v9, v0;
	v9 =	vnsel vm2, $0x0, v9;
	v14 =	vld [tilespmem:s18+$0x2F00];
	v7 =	vadd.s32 s15, v7  }
0x7c: {  	v0 =	vadd.s32 v10, v0;
	v10 =	vnsel vm1, $0x0, v10;
	v15 =	vld [tilespmem:s18+$0x3000];
	v5 =	vadd.s32 v5, v7  }
0x7d: {  	v0 =	vadd.s32 v11, v0;
	v7 =	vnsel vm0, $0x0, v11;
	v11 =	vld [tilespmem:s18+$0x3100];
	v2 =	vadd.s32 v2, v5  }
0x7e: {  	v0 =	vadd.s32 v12, v0;
	v5 =	vnsel vm11, $0x0, v12;
	v2 =	vadd.s32 v3, v2  }
0x7f: {  	v0 =	vadd.s32 v13, v0;
	v3 =	vnsel vm12, $0x0, v13;
	v2 =	vadd.s32 v4, v2  }
0x80: {  	v0 =	vadd.s32 v14, v0;
	v4 =	vnsel vm13, $0x0, v14;
	v2 =	vadd.s32 v6, v2  }
0x81: {  	v0 =	vadd.s32 v15, v0;
	v6 =	vnsel vm14, $0x0, v15;
	v1 =	vadd.s32 v1, v2  }
0x82: {  	v0 =	vadd.s32 v11, v0;
	v1 =	vadd.s32 v8, v1  }
0x83: {  	v1 =	vadd.s32 v9, v1;
	(xrf0) =	vadd.scan.msk.s32 $0xffff, v0  }
0x84: {  	v1 =	vadd.s32 v10, v1  }
0x85: {  	v1 =	vadd.s32 v7, v1  }
0x86: {  	v1 =	vadd.s32 v5, v1  }
0x87: {  	v1 =	vadd.s32 v3, v1  }
0x88: {  	v1 =	vadd.s32 v4, v1  }
0x89: {  	v1 =	vadd.s32 v6, v1;
	v2, _, _ =	vpop (xrf0)  }
.Ltmp3:
0x8a: {  	v0 =	vsub.s32 v1, v0;
	(v2sf) =	vpush v2, $0xF;
	(pc) =	sbr.rel @p0 .LBB2_7-.Ltmp3, $4  }
0x8b: {  	s14 =	sadd.s32 $0x10, s14;
	v0 =	vadd.s32 v2, v0  }
0x8c: {  	[tilespmem:s14+$0x0] =	vst v0  }
0x8d: {  	s18 =	sand.u32 $0xF0, s17  }
0x8e: {  	s16 =	sadd.s32 $0x10, s16;
	s17 =	sadd.s32 $0x10, s17;
	v0 =	vld [tilespmem:s18+$0x2300]  }
0x8f: {  	_ = 	snop  }
0x90: {  	v1 =	vld [tilespmem:s16+$0x0]  }
0x91: {  	v2 =	vld [tilespmem:s18+$0x2400]  }
0x92: {  	v3 =	vld [tilespmem:s18+$0x2500]  }
0x93: {  	v4 =	vld [tilespmem:s18+$0x2600]  }
0x94: {  	v5 =	vld [tilespmem:s18+$0x2700]  }
0x95: {  	v7 =	vld [tilespmem:s18+$0x2800];
	v6 =	vadd.s32 v1, v0  }
0x96: {  	v8 =	vld [tilespmem:s18+$0x2900];
	v6 =	vadd.s32 v2, v6  }
0x97: {  	v9 =	vld [tilespmem:s18+$0x2A00];
	v6 =	vadd.s32 v3, v6  }
0x98: {  	v10 =	vld [tilespmem:s18+$0x2B00];
	v6 =	vadd.s32 v4, v6  }
0x99: {  	v11 =	vld [tilespmem:s18+$0x2C00];
	v6 =	vadd.s32 v5, v6;
	s26 =	spop (v2sf)  }
0x9a: {  	v12 =	vld [tilespmem:s18+$0x2D00];
	v1 =	vsel vm9, $0x0, v1;
	v6 =	vadd.s32 v7, v6;
	s15 =	sadd.s32 s15, s26  }
0x9b: {  	v13 =	vld [tilespmem:s18+$0x2E00];
	v0 =	vnsel vm10, $0x0, v0;
	v6 =	vadd.s32 v8, v6;
	v1 =	vadd.s32 s15, v1  }
0x9c: {  	v14 =	vld [tilespmem:s18+$0x2F00];
	v2 =	vnsel vm8, $0x0, v2;
	v6 =	vadd.s32 v9, v6;
	v0 =	vadd.s32 v0, v1  }
0x9d: {  	v61 =	vld [tilespmem:s18+$0x3000];
	v1 =	vnsel vm7, $0x0, v3;
	v3 =	vadd.s32 v10, v6;
	v0 =	vadd.s32 v2, v0  }
0x9e: {  	v62 =	vld [tilespmem:s18+$0x3100];
	v2 =	vnsel vm6, $0x0, v4;
	v3 =	vadd.s32 v11, v3;
	v0 =	vadd.s32 v1, v0  }
0x9f: {  	v1 =	vnsel vm5, $0x0, v5;
	v3 =	vadd.s32 v12, v3;
	v0 =	vadd.s32 v2, v0  }
0xa0: {  	v2 =	vnsel vm4, $0x0, v7;
	v3 =	vadd.s32 v13, v3;
	v0 =	vadd.s32 v1, v0  }
0xa1: {  	v1 =	vnsel vm3, $0x0, v8;
	v3 =	vadd.s32 v14, v3;
	v0 =	vadd.s32 v2, v0  }
0xa2: {  	v2 =	vnsel vm2, $0x0, v9;
	v3 =	vadd.s32 v61, v3;
	v0 =	vadd.s32 v1, v0  }
0xa3: {  	v1 =	vnsel vm1, $0x0, v10;
	v3 =	vadd.s32 v62, v3;
	v0 =	vadd.s32 v2, v0  }
0xa4: {  	v2 =	vnsel vm0, $0x0, v11;
	(xrf0) =	vadd.scan.msk.s32 $0xffff, v3;
	v0 =	vadd.s32 v1, v0  }
0xa5: {  	v1 =	vnsel vm11, $0x0, v12;
	v0 =	vadd.s32 v2, v0  }
0xa6: {  	v2 =	vnsel vm12, $0x0, v13;
	v0 =	vadd.s32 v1, v0  }
0xa7: {  	v1 =	vnsel vm13, $0x0, v14;
	v0 =	vadd.s32 v2, v0  }
0xa8: {  	v2 =	vnsel vm14, $0x0, v61;
	v0 =	vadd.s32 v1, v0  }
0xa9: {  	v0 =	vadd.s32 v2, v0  }
0xaa: {  	v1, _, _ =	vpop (xrf0);
	v0 =	vsub.s32 v0, v3  }
0xab: {  	s14 =	sadd.s32 $0x10, s14;
	v0 =	vadd.s32 v1, v0  }
0xac: {  	[tilespmem:s14+$0x0] =	vst v0  }
0xad: {  	v0 =	vld [tilespmem:s12+$0x0];
	_ =	sdelay $0x4  }
0xae: {  	v2 =	vand.u32 $0xFF, v0  }
0xaf: {  	(xrf1) =	vunique.msk.u32 $0xffff, v2;
	_ =	sdelay $0x6  }
0xb0: {  	(v2sf) =	vpush v1, $0xF;
	_ =	sdelay $0x3  }
0xb1: {  	s28 =	sand.u32 $0x7, s12;
	s14 =	simm.s32 $0x2100  }
0xb2: {  	s30 =	simm.s32 $0x0;
	s29 =	sshll.u32 s28, $0x4;
	v1 =	vld.idx.msk [tilespmem:v2+s14+$0x0], $0xffff  }
0xb3: {  	s15 =	sor.u32 s29, s30;
	v0 =	vlaneseq.u32  }
0xb4: {  	v3 =	vor.u32 s15, v0;
	_, v63, vm15 =	vpop (xrf1);
	_ =	sdelay $0x2  }
0xb5: {  	p1 =	sne.s32 s28, $0x7;
	v1 =	vadd.s32 v63, v1  }
0xb6: {  	s12 =	simm.s32 $0x1800;
	s15 =	simm.s32 @!p1 $0x0;
	v1 =	vadd.s32 $0xFFFFFFFF, v1  }
0xb7: {  	s16 =	sand.u32 @!p1 $0x3FFFFF80, s15;
	[tilespmem:v3+s12+$0x0] =	vst.idx.msk $0xffff, v1  }
0xb8: {  	s18 =	simm.s32 @!p1 $0x80;
	s16 =	sadd.s32 @!p1 $0x1800, s16;
	[tilespmem:v2+s14+$0x0] =	vst.idx.add.s32.msk vm15, v63  }
0xb9: {  	[spmem:s10] =	stream.indirect.scatter @!p1 [tilespmem:s15], [sflag:$0x1], $0x1, s16, s18, $0xb8;
	[tilespmem:$0x5D90] =	vst v63  }
0xba: {  	s17 =	simm.s32 @!p1 $0x800;
	s31 =	spop (v2sf);
	s15 =	simm.s32 $0x1  }
.LBB2_9:
0xbb: {  	[spmem:s9] =	stream.indirect.scatter @!p1 [tilespmem:s17], [sflag:$0x1], $0x1, s16, s18, $0xb8;
	[tilespmem:$0x5D90] =	vst v63  }
0xbc: {  	s16 =	smov.u32 s15;
	s15 =	sadd.s32 $0x1, s15;
	v1 =	vld [tilespmem:s13+$0x0]  }
0xbd: {  	p0 =	sne.s32 s15, $0x80;
	_ =	sdelay $0x3  }
0xbe: {  	v1 =	vand.u32 $0xFF, v1  }
0xbf: {  	(xrf1) =	vunique.msk.u32 $0xffff, v1;
	_ =	sdelay $0x8  }
0xc0: {  	v2 =	vld.idx.msk [tilespmem:v1+s14+$0x0], $0xffff;
	_ =	sdelay $0x1  }
0xc1: {  	s17 =	sshrl.u32 s16, $0x3;
	s16 =	sand.u32 $0x7, s16  }
0xc2: {  	s18 =	sshll.u32 s16, $0x4;
	s19 =	sshll.u32 s17, $0x7  }
0xc3: {  	s18 =	sor.u32 s18, s19  }
0xc4: {  	v3 =	vor.u32 s18, v0;
	_, v4, vm15 =	vpop (xrf1)  }
0xc5: {  	v2 =	vadd.s32 v4, v2  }
0xc6: {  	v2 =	vadd.s32 $0xFFFFFFFF, v2  }
0xc7: {  	p1 =	sne.s32 s16, $0x7  }
.Ltmp4:
0xc8: {  	s19 =	sshll.u32 @!p1 s17, $0x7;
	(pc) =	sbr.rel @p0 .LBB2_9-.Ltmp4, $4  }
0xc9: {  	s16 =	sand.u32 @!p1 $0x3FFFFF80, s19;
	s17 =	sadd.s32 @!p1 $0x800, s19;
	[tilespmem:v3+s12+$0x0] =	vst.idx.msk $0xffff, v2  }
0xca: {  	s18 =	simm.s32 @!p1 $0x80;
	s16 =	sadd.s32 @!p1 $0x1800, s16;
	[tilespmem:v1+s14+$0x0] =	vst.idx.add.s32.msk vm15, v4  }
0xcb: {  	[spmem:s10] =	stream.indirect.scatter @!p1 [tilespmem:s19], [sflag:$0x1], $0x1, s16, s18, $0xb8;
	[tilespmem:$0x5D90] =	vst v63  }
0xcc: {  	s13 =	sadd.s32 $0x10, s13  }
0xcd: {  	[spmem:s9] =	stream.indirect.scatter @!p1 [tilespmem:s17], [sflag:$0x1], $0x1, s16, s18, $0xb8;
	[tilespmem:$0x5D90] =	vst v63  }
0xce: {  	s12 =	simm.s32 $0x1  }
0xcf: {  	_ =	swait.ge [sflag:s12], $0x80  }
0xd0: {  	[sflag:s12] =	ssyncset.done $0x0  }
0xd1: {  	[sflag:s12] =	ssyncadd.s32 $0xFFFFFF80  }
0xd2: {  	_ =	swait.ge [sflag:s12], $0x80  }
0xd3: {  	[sflag:s12] =	ssyncset.done $0x0  }
0xd4: {  	[sflag:s12] =	ssyncadd.s32 $0xFFFFFF80  }
0xd5: {  	_ =	swait.ge [sflag:s12], $0x80  }
0xd6: {  	[sflag:s12] =	ssyncset.done $0x0  }
0xd7: {  	[sflag:s12] =	ssyncadd.s32 $0xFFFFFF80  }
0xd8: {  	_ =	swait.ge [sflag:s12], $0x80  }
0xd9: {  	[sflag:s12] =	ssyncset.done $0x0  }
0xda: {  	[sflag:s12] =	ssyncadd.s32 $0xFFFFFF80  }
0xdb: {  	_ =	swait.ge [sflag:s12], $0x80  }
0xdc: {  	[sflag:s12] =	ssyncset.done $0x0  }
0xdd: {  	[sflag:s12] =	ssyncadd.s32 $0xFFFFFF80  }
0xde: {  	_ =	swait.ge [sflag:s12], $0x80  }
0xdf: {  	[sflag:s12] =	ssyncset.done $0x0  }
0xe0: {  	[sflag:s12] =	ssyncadd.s32 $0xFFFFFF80  }
0xe1: {  	_ =	swait.ge [sflag:s12], $0x80  }
0xe2: {  	[sflag:s12] =	ssyncset.done $0x0  }
0xe3: {  	[sflag:s12] =	ssyncadd.s32 $0xFFFFFF80  }
0xe4: {  	_ =	swait.ge [sflag:s12], $0x80  }
0xe5: {  	[sflag:s12] =	ssyncset.done $0x0  }
0xe6: {  	[sflag:s12] =	ssyncadd.s32 $0xFFFFFF80  }
0xe7: {  	_ =	swait.ge [sflag:s12], $0x80  }
0xe8: {  	[sflag:s12] =	ssyncset.done $0x0  }
0xe9: {  	[sflag:s12] =	ssyncadd.s32 $0xFFFFFF80  }
0xea: {  	_ =	swait.ge [sflag:s12], $0x80  }
0xeb: {  	[sflag:s12] =	ssyncset.done $0x0  }
0xec: {  	[sflag:s12] =	ssyncadd.s32 $0xFFFFFF80  }
0xed: {  	_ =	swait.ge [sflag:s12], $0x80  }
0xee: {  	[sflag:s12] =	ssyncset.done $0x0  }
0xef: {  	[sflag:s12] =	ssyncadd.s32 $0xFFFFFF80  }
0xf0: {  	_ =	swait.ge [sflag:s12], $0x80  }
0xf1: {  	[sflag:s12] =	ssyncset.done $0x0  }
0xf2: {  	[sflag:s12] =	ssyncadd.s32 $0xFFFFFF80  }
0xf3: {  	_ =	swait.ge [sflag:s12], $0x80  }
0xf4: {  	[sflag:s12] =	ssyncset.done $0x0  }
0xf5: {  	[sflag:s12] =	ssyncadd.s32 $0xFFFFFF80  }
0xf6: {  	_ =	swait.ge [sflag:s12], $0x80  }
0xf7: {  	[sflag:s12] =	ssyncset.done $0x0  }
0xf8: {  	[sflag:s12] =	ssyncadd.s32 $0xFFFFFF80  }
0xf9: {  	_ =	swait.ge [sflag:s12], $0x80  }
0xfa: {  	[sflag:s12] =	ssyncset.done $0x0  }
0xfb: {  	[sflag:s12] =	ssyncadd.s32 $0xFFFFFF80  }
0xfc: {  	_ =	swait.ge [sflag:s12], $0x80  }
0xfd: {  	[sflag:s12] =	ssyncset.done $0x0  }
0xfe: {  	[sflag:s12] =	ssyncadd.s32 $0xFFFFFF80  }
0xff: {  	_ =	swait.ge [sflag:s12], $0x80  }
0x100: {  	[sflag:s12] =	ssyncset.done $0x0  }
0x101: {  	[sflag:s12] =	ssyncadd.s32 $0xFFFFFF80  }
0x102: {  	_ =	swait.ge [sflag:s12], $0x80  }
0x103: {  	[sflag:s12] =	ssyncset.done $0x0  }
0x104: {  	[sflag:s12] =	ssyncadd.s32 $0xFFFFFF80  }
0x105: {  	_ =	swait.ge [sflag:s12], $0x80  }
0x106: {  	[sflag:s12] =	ssyncset.done $0x0  }
0x107: {  	[sflag:s12] =	ssyncadd.s32 $0xFFFFFF80  }
0x108: {  	_ =	swait.ge [sflag:s12], $0x80  }
0x109: {  	[sflag:s12] =	ssyncset.done $0x0  }
0x10a: {  	[sflag:s12] =	ssyncadd.s32 $0xFFFFFF80  }
0x10b: {  	_ =	swait.ge [sflag:s12], $0x80  }
0x10c: {  	[sflag:s12] =	ssyncset.done $0x0  }
0x10d: {  	[sflag:s12] =	ssyncadd.s32 $0xFFFFFF80  }
0x10e: {  	_ =	swait.ge [sflag:s12], $0x80  }
0x10f: {  	[sflag:s12] =	ssyncset.done $0x0  }
0x110: {  	[sflag:s12] =	ssyncadd.s32 $0xFFFFFF80  }
0x111: {  	_ =	swait.ge [sflag:s12], $0x80  }
0x112: {  	[sflag:s12] =	ssyncset.done $0x0  }
0x113: {  	[sflag:s12] =	ssyncadd.s32 $0xFFFFFF80  }
0x114: {  	_ =	swait.ge [sflag:s12], $0x80  }
0x115: {  	[sflag:s12] =	ssyncset.done $0x0  }
0x116: {  	[sflag:s12] =	ssyncadd.s32 $0xFFFFFF80  }
0x117: {  	_ =	swait.ge [sflag:s12], $0x80  }
0x118: {  	[sflag:s12] =	ssyncset.done $0x0  }
0x119: {  	[sflag:s12] =	ssyncadd.s32 $0xFFFFFF80  }
0x11a: {  	_ =	swait.ge [sflag:s12], $0x80  }
0x11b: {  	[sflag:s12] =	ssyncset.done $0x0  }
0x11c: {  	[sflag:s12] =	ssyncadd.s32 $0xFFFFFF80  }
0x11d: {  	_ =	swait.ge [sflag:s12], $0x80  }
0x11e: {  	[sflag:s12] =	ssyncset.done $0x0  }
0x11f: {  	[sflag:s12] =	ssyncadd.s32 $0xFFFFFF80  }
0x120: {  	_ =	swait.ge [sflag:s12], $0x80  }
0x121: {  	[sflag:s12] =	ssyncset.done $0x0  }
0x122: {  	[sflag:s12] =	ssyncadd.s32 $0xFFFFFF80  }
0x123: {  	_ =	swait.ge [sflag:s12], $0x80  }
0x124: {  	[sflag:s12] =	ssyncset.done $0x0  }
0x125: {  	[sflag:s12] =	ssyncadd.s32 $0xFFFFFF80  }
0x126: {  	_ =	swait.ge [sflag:s12], $0x80  }
0x127: {  	[sflag:s12] =	ssyncset.done $0x0  }
0x128: {  	[sflag:s12] =	ssyncadd.s32 $0xFFFFFF80  }
0x129: {  	_ =	swait.ge [sflag:s12], $0x80  }
0x12a: {  	[sflag:s12] =	ssyncset.done $0x0  }
0x12b: {  	[sflag:s12] =	ssyncadd.s32 $0xFFFFFF80  }
0x12c: {  	_ =	swait.ge [sflag:s12], $0x80  }
0x12d: {  	[sflag:s12] =	ssyncset.done $0x0  }
0x12e: {  	s15 =	simm.s32 $0x3;
	[sflag:s12] =	ssyncadd.s32 $0xFFFFFF80  }
0x12f: {  	_ =	swait.ge [sflag:s15], $0x800  }
0x130: {  	[sflag:s15] =	ssyncset.done $0x0  }
0x131: {  	[sflag:s15] =	ssyncadd.s32 $0xFFFFF800  }
0x132: {  	s13 =	simm.s32 $0x800;
	s12 =	sadd.s32 s11, s9;
	[bflag:$0x0] =	sbarrier.arrive $0xFFFF  }
0x133: {  	[tilespmem:s13], [sflag:$0x2] =	stream.linear.gather [spmem:s12], $0x800, $0x38;
	[tilespmem:$0x5D90] =	vst v63  }
0x134: {  	s16 =	sor.u32 $0x400, s11;
	s14 =	simm.s32 $0x0;
	s13 =	sadd.s32 s11, s10  }
0x135: {  	[tilespmem:s14], [sflag:$0x3] =	stream.linear.gather [spmem:s13], $0x400, $0x38;
	[tilespmem:$0x5D90] =	vst v63  }
0x136: {  	s31 =	simm.s32 $0x400;
	s14 =	sadd.s32 s16, s10  }
0x137: {  	v0 =	vimm.s32 $0x0;
	[tilespmem:s31], [sflag:$0x3] =	stream.linear.gather [spmem:s14], $0x400, $0x38;
	[tilespmem:$0x5D90] =	vst v63  }
0x138: {  	[tilespmem:$0x2000] =	vst v0  }
0x139: {  	[tilespmem:$0x2010] =	vst v0  }
0x13a: {  	[tilespmem:$0x2020] =	vst v0  }
0x13b: {  	[tilespmem:$0x2030] =	vst v0  }
0x13c: {  	[tilespmem:$0x2040] =	vst v0  }
0x13d: {  	[tilespmem:$0x2050] =	vst v0  }
0x13e: {  	[tilespmem:$0x2060] =	vst v0  }
0x13f: {  	[tilespmem:$0x2070] =	vst v0  }
0x140: {  	[tilespmem:$0x2080] =	vst v0  }
0x141: {  	[tilespmem:$0x2090] =	vst v0  }
0x142: {  	[tilespmem:$0x20A0] =	vst v0  }
0x143: {  	[tilespmem:$0x20B0] =	vst v0  }
0x144: {  	[tilespmem:$0x20C0] =	vst v0  }
0x145: {  	[tilespmem:$0x20D0] =	vst v0  }
0x146: {  	[tilespmem:$0x20E0] =	vst v0  }
0x147: {  	[tilespmem:$0x20F0] =	vst v0  }
0x148: {  	_ =	swait.ge [sflag:s15], $0x400  }
0x149: {  	s18 =	simm.s32 $0x0;
	[sflag:s15] =	ssyncset.done $0x0  }
0x14a: {  	s17 =	simm.s32 $0x40;
	[sflag:s15] =	ssyncadd.s32 $0xFFFFFC00;
	s15 =	simm.s32 $0x2000  }
.LBB2_11:
0x14b: {  	p0 =	sne.s32 s17, $0xFC0;
	v0 =	vld [tilespmem:s18+$0x0];
	_ =	sdelay $0x4  }
0x14c: {  	v0 =	vshrl.u32 v0, $0x8  }
0x14d: {  	v0 =	vand.u32 $0xFF, v0  }
0x14e: {  	(xrf1) =	vunique.msk.u32 $0xffff, v0;
	_ =	sdelay $0xd  }
0x14f: {  	_, v1, vm15 =	vpop (xrf1);
	_ =	sdelay $0x1  }
.Ltmp5:
0x150: {  	(pc) =	sbr.rel @p0 .LBB2_11-.Ltmp5, $2  }
0x151: {  	_ =	sdelay $0x2  }
0x152: {  	s18 =	sshra.s32 s17, $0x2;
	s17 =	sadd.s32 $0x40, s17;
	[tilespmem:v0+s15+$0x0] =	vst.idx.add.s32.msk vm15, v1  }
0x153: {  	v0 =	vld [tilespmem:s18+$0x0];
	_ =	sdelay $0x4  }
0x154: {  	v0 =	vshrl.u32 v0, $0x8  }
0x155: {  	v0 =	vand.u32 $0xFF, v0  }
0x156: {  	(xrf1) =	vunique.msk.u32 $0xffff, v0;
	_ =	sdelay $0xd  }
0x157: {  	_, v1, vm15 =	vpop (xrf1);
	_ =	sdelay $0x5  }
0x158: {  	s31 =	simm.s32 $0x3;
	[tilespmem:v0+s15+$0x0] =	vst.idx.add.s32.msk vm15, v1  }
0x159: {  	_ =	swait.ge [sflag:s31], $0x400  }
0x15a: {  	s18 =	simm.s32 $0x0;
	[sflag:s31] =	ssyncset.done $0x0  }
0x15b: {  	s17 =	simm.s32 $0x40;
	s15 =	simm.s32 $0x2000;
	[sflag:s31] =	ssyncadd.s32 $0xFFFFFC00  }
.LBB2_13:
0x15c: {  	p0 =	sne.s32 s17, $0xFC0;
	v0 =	vld [tilespmem:s18+$0x400];
	_ =	sdelay $0x4  }
0x15d: {  	v0 =	vshrl.u32 v0, $0x8  }
0x15e: {  	v0 =	vand.u32 $0xFF, v0  }
0x15f: {  	(xrf1) =	vunique.msk.u32 $0xffff, v0;
	_ =	sdelay $0xd  }
0x160: {  	_, v1, vm15 =	vpop (xrf1);
	_ =	sdelay $0x1  }
.Ltmp6:
0x161: {  	(pc) =	sbr.rel @p0 .LBB2_13-.Ltmp6, $2  }
0x162: {  	_ =	sdelay $0x2  }
0x163: {  	s18 =	sshra.s32 s17, $0x2;
	s17 =	sadd.s32 $0x40, s17;
	[tilespmem:v0+s15+$0x0] =	vst.idx.add.s32.msk vm15, v1  }
0x164: {  	v0 =	vld [tilespmem:s18+$0x400];
	_ =	sdelay $0x4  }
0x165: {  	v0 =	vshrl.u32 v0, $0x8  }
0x166: {  	v0 =	vand.u32 $0xFF, v0  }
0x167: {  	(xrf1) =	vunique.msk.u32 $0xffff, v0;
	_ =	sdelay $0xd  }
0x168: {  	_, v1, vm15 =	vpop (xrf1);
	_ =	sdelay $0x5  }
0x169: {  	s28 =	simm.s32 $0x2000;
	s17 =	simm.s32 $0x4;
	[tilespmem:v0+s15+$0x0] =	vst.idx.add.s32.msk vm15, v1  }
0x16a: {  	[spmem:s8] =	stream.linear.scatter [tilespmem:s28], [sflag:$0x4], $0x100, $0x38;
	[tilespmem:$0x5D90] =	vst v63  }
0x16b: {  	_ =	swait.ge [sflag:s17], $0x100  }
0x16c: {  	[sflag:s17] =	ssyncset.done $0x0  }
0x16d: {  	[sflag:s17] =	ssyncadd.s32 $0xFFFFFF00  }
0x16e: {  	s29 =	simm.s32 $0x2200;
	[bflag:$0x0] =	sbarrier.arrive $0xFFFF  }
0x16f: {  	[tilespmem:s29], [sflag:$0x4] =	stream.linear.gather [spmem:s7], $0x1000, $0x38;
	[tilespmem:$0x5D90] =	vst v63  }
0x170: {  	_ =	swait.ge [sflag:s17], $0x1000  }
0x171: {  	s15 =	simm.s32 $0x0;
	[sflag:s17] =	ssyncset.done $0x0  }
0x172: {  	s30 =	sand.u32 $0xF0, s15;
	[sflag:s17] =	ssyncadd.s32 $0xFFFFF000  }
0x173: {  	v0 =	vld [tilespmem:s30+$0x2300]  }
0x174: {  	v1 =	vld [tilespmem:s29+$0x0]  }
0x175: {  	v2 =	vld [tilespmem:s30+$0x2400]  }
0x176: {  	v3 =	vld [tilespmem:s30+$0x2500]  }
0x177: {  	v4 =	vld [tilespmem:s30+$0x2600]  }
0x178: {  	v5 =	vld [tilespmem:s30+$0x2700]  }
0x179: {  	v7 =	vld [tilespmem:s30+$0x2800];
	v6 =	vadd.s32 v1, v0  }
0x17a: {  	v8 =	vld [tilespmem:s30+$0x2900];
	v6 =	vadd.s32 v2, v6  }
0x17b: {  	v9 =	vld [tilespmem:s30+$0x2A00];
	v6 =	vadd.s32 v3, v6  }
0x17c: {  	v10 =	vld [tilespmem:s30+$0x2B00];
	v6 =	vadd.s32 v4, v6  }
0x17d: {  	v11 =	vld [tilespmem:s30+$0x2C00];
	v6 =	vadd.s32 v5, v6  }
0x17e: {  	v12 =	vld [tilespmem:s30+$0x2D00];
	v6 =	vadd.s32 v7, v6  }
0x17f: {  	v13 =	vld [tilespmem:s30+$0x2E00];
	v1 =	vsel vm9, $0x0, v1;
	v0 =	vnsel vm10, $0x0, v0;
	v6 =	vadd.s32 v8, v6  }
0x180: {  	v14 =	vld [tilespmem:s30+$0x2F00];
	v1 =	vadd.s32 s15, v1;
	v2 =	vnsel vm8, $0x0, v2;
	v6 =	vadd.s32 v9, v6  }
0x181: {  	v62 =	vld [tilespmem:s30+$0x3000];
	v0 =	vadd.s32 v0, v1;
	v1 =	vnsel vm7, $0x0, v3;
	v3 =	vadd.s32 v10, v6  }
0x182: {  	v63 =	vld [tilespmem:s30+$0x3100];
	v0 =	vadd.s32 v2, v0;
	v3 =	vadd.s32 v11, v3  }
0x183: {  	v2 =	vnsel vm6, $0x0, v4;
	v0 =	vadd.s32 v1, v0;
	v3 =	vadd.s32 v12, v3  }
0x184: {  	v1 =	vnsel vm5, $0x0, v5;
	v0 =	vadd.s32 v2, v0;
	v3 =	vadd.s32 v13, v3  }
0x185: {  	v2 =	vnsel vm4, $0x0, v7;
	v0 =	vadd.s32 v1, v0;
	v3 =	vadd.s32 v14, v3  }
0x186: {  	v1 =	vnsel vm3, $0x0, v8;
	v0 =	vadd.s32 v2, v0;
	v3 =	vadd.s32 v62, v3  }
0x187: {  	v2 =	vnsel vm2, $0x0, v9;
	v0 =	vadd.s32 v1, v0;
	v3 =	vadd.s32 v63, v3  }
0x188: {  	v1 =	vnsel vm1, $0x0, v10;
	v0 =	vadd.s32 v2, v0;
	(xrf0) =	vadd.scan.msk.s32 $0xffff, v3  }
0x189: {  	v2 =	vnsel vm0, $0x0, v11;
	v0 =	vadd.s32 v1, v0  }
0x18a: {  	v1 =	vnsel vm11, $0x0, v12;
	v0 =	vadd.s32 v2, v0  }
0x18b: {  	v0 =	vadd.s32 v1, v0;
	v1 =	vnsel vm13, $0x0, v14  }
0x18c: {  	v2 =	vnsel vm12, $0x0, v13  }
0x18d: {  	v0 =	vadd.s32 v2, v0  }
0x18e: {  	v2 =	vnsel vm14, $0x0, v62;
	v0 =	vadd.s32 v1, v0;
	v1, _, _ =	vpop (xrf0)  }
0x18f: {  	v0 =	vadd.s32 v2, v0;
	(v2sf) =	vpush v1, $0xF  }
0x190: {  	v0 =	vsub.s32 v0, v3  }
0x191: {  	s31 =	simm.s32 $0x10;
	s17 =	simm.s32 $0x2100;
	v0 =	vadd.s32 v1, v0  }
0x192: {  	s20 =	sand.u32 $0xF0, s31;
	[tilespmem:s17+$0x0] =	vst v0  }
0x193: {  	s19 =	simm.s32 $0x20;
	s18 =	simm.s32 $0x2210;
	v0 =	vld [tilespmem:s20+$0x2300]  }
.LBB2_15:
0x194: {  	p0 =	sne.s32 s19, $0xF0;
	v1 =	vld [tilespmem:s18+$0x0]  }
0x195: {  	v2 =	vld [tilespmem:s20+$0x2400]  }
0x196: {  	v3 =	vld [tilespmem:s20+$0x2500]  }
0x197: {  	v4 =	vld [tilespmem:s20+$0x2600]  }
0x198: {  	v5 =	vnsel vm10, $0x0, v0;
	v6 =	vld [tilespmem:s20+$0x2700]  }
0x199: {  	v7 =	vsel vm9, $0x0, v1;
	v0 =	vadd.s32 v1, v0;
	v1 =	vld [tilespmem:s20+$0x2800]  }
0x19a: {  	v0 =	vadd.s32 v2, v0;
	v2 =	vnsel vm8, $0x0, v2;
	v8 =	vld [tilespmem:s20+$0x2900]  }
0x19b: {  	v0 =	vadd.s32 v3, v0;
	v3 =	vnsel vm7, $0x0, v3;
	v9 =	vld [tilespmem:s20+$0x2A00]  }
0x19c: {  	v0 =	vadd.s32 v4, v0;
	v4 =	vnsel vm6, $0x0, v4;
	v10 =	vld [tilespmem:s20+$0x2B00]  }
0x19d: {  	v0 =	vadd.s32 v6, v0;
	v6 =	vnsel vm5, $0x0, v6;
	v11 =	vld [tilespmem:s20+$0x2C00]  }
0x19e: {  	v0 =	vadd.s32 v1, v0;
	v1 =	vnsel vm4, $0x0, v1;
	v12 =	vld [tilespmem:s20+$0x2D00];
	s21 =	spop (v2sf)  }
0x19f: {  	v0 =	vadd.s32 v8, v0;
	v8 =	vnsel vm3, $0x0, v8;
	v13 =	vld [tilespmem:s20+$0x2E00];
	s15 =	sadd.s32 s15, s21  }
0x1a0: {  	v0 =	vadd.s32 v9, v0;
	v9 =	vnsel vm2, $0x0, v9;
	v14 =	vld [tilespmem:s20+$0x2F00];
	v7 =	vadd.s32 s15, v7  }
0x1a1: {  	v0 =	vadd.s32 v10, v0;
	v10 =	vnsel vm1, $0x0, v10;
	v15 =	vld [tilespmem:s20+$0x3000];
	v5 =	vadd.s32 v5, v7  }
0x1a2: {  	v0 =	vadd.s32 v11, v0;
	v7 =	vnsel vm0, $0x0, v11;
	v11 =	vld [tilespmem:s20+$0x3100];
	v2 =	vadd.s32 v2, v5  }
0x1a3: {  	v0 =	vadd.s32 v12, v0;
	v5 =	vnsel vm11, $0x0, v12;
	v2 =	vadd.s32 v3, v2  }
0x1a4: {  	v0 =	vadd.s32 v13, v0;
	v3 =	vnsel vm12, $0x0, v13;
	v2 =	vadd.s32 v4, v2  }
0x1a5: {  	v0 =	vadd.s32 v14, v0;
	v4 =	vnsel vm13, $0x0, v14;
	v2 =	vadd.s32 v6, v2  }
0x1a6: {  	v0 =	vadd.s32 v15, v0;
	v6 =	vnsel vm14, $0x0, v15;
	v1 =	vadd.s32 v1, v2  }
0x1a7: {  	v0 =	vadd.s32 v11, v0;
	v1 =	vadd.s32 v8, v1  }
0x1a8: {  	v1 =	vadd.s32 v9, v1;
	(xrf0) =	vadd.scan.msk.s32 $0xffff, v0  }
0x1a9: {  	v1 =	vadd.s32 v10, v1  }
0x1aa: {  	v1 =	vadd.s32 v7, v1  }
0x1ab: {  	v1 =	vadd.s32 v5, v1  }
0x1ac: {  	v1 =	vadd.s32 v3, v1  }
0x1ad: {  	v1 =	vadd.s32 v4, v1  }
0x1ae: {  	v1 =	vadd.s32 v6, v1;
	v2, _, _ =	vpop (xrf0)  }
.Ltmp7:
0x1af: {  	v0 =	vsub.s32 v1, v0;
	(v2sf) =	vpush v2, $0xF;
	(pc) =	sbr.rel @p0 .LBB2_15-.Ltmp7, $4  }
0x1b0: {  	s17 =	sadd.s32 $0x10, s17;
	v0 =	vadd.s32 v2, v0  }
0x1b1: {  	[tilespmem:s17+$0x0] =	vst v0  }
0x1b2: {  	s20 =	sand.u32 $0xF0, s19  }
0x1b3: {  	s18 =	sadd.s32 $0x10, s18;
	s19 =	sadd.s32 $0x10, s19;
	v0 =	vld [tilespmem:s20+$0x2300]  }
0x1b4: {  	v1 =	vld [tilespmem:s18+$0x0]  }
0x1b5: {  	v2 =	vld [tilespmem:s20+$0x2400]  }
0x1b6: {  	v3 =	vld [tilespmem:s20+$0x2500]  }
0x1b7: {  	v4 =	vld [tilespmem:s20+$0x2600]  }
0x1b8: {  	v5 =	vld [tilespmem:s20+$0x2700]  }
0x1b9: {  	v7 =	vld [tilespmem:s20+$0x2800];
	v6 =	vadd.s32 v1, v0  }
0x1ba: {  	v8 =	vld [tilespmem:s20+$0x2900];
	v6 =	vadd.s32 v2, v6  }
0x1bb: {  	v9 =	vld [tilespmem:s20+$0x2A00];
	v6 =	vadd.s32 v3, v6  }
0x1bc: {  	v10 =	vld [tilespmem:s20+$0x2B00];
	v6 =	vadd.s32 v4, v6  }
0x1bd: {  	v11 =	vld [tilespmem:s20+$0x2C00];
	v6 =	vadd.s32 v5, v6  }
0x1be: {  	v12 =	vld [tilespmem:s20+$0x2D00];
	v6 =	vadd.s32 v7, v6  }
0x1bf: {  	v13 =	vld [tilespmem:s20+$0x2E00];
	v6 =	vadd.s32 v8, v6  }
0x1c0: {  	v14 =	vld [tilespmem:s20+$0x2F00];
	v6 =	vadd.s32 v9, v6  }
0x1c1: {  	v15 =	vld [tilespmem:s20+$0x3000];
	v6 =	vadd.s32 v10, v6  }
0x1c2: {  	v16 =	vld [tilespmem:s20+$0x3100];
	v6 =	vadd.s32 v11, v6  }
0x1c3: {  	v6 =	vadd.s32 v12, v6  }
0x1c4: {  	v6 =	vadd.s32 v13, v6  }
0x1c5: {  	v6 =	vadd.s32 v14, v6  }
0x1c6: {  	v6 =	vadd.s32 v15, v6  }
0x1c7: {  	v6 =	vadd.s32 v16, v6  }
0x1c8: {  	(xrf0) =	vadd.scan.msk.s32 $0xffff, v6  }
0x1c9: {  	s26 =	spop (v2sf)  }
0x1ca: {  	v1 =	vsel vm9, $0x0, v1;
	s15 =	sadd.s32 s15, s26  }
0x1cb: {  	v1 =	vadd.s32 s15, v1;
	_ =	sdelay $0x1  }
0x1cc: {  	v0 =	vnsel vm10, $0x0, v0  }
0x1cd: {  	v2 =	vnsel vm8, $0x0, v2;
	v0 =	vadd.s32 v0, v1;
	v1, _, _ =	vpop (xrf0)  }
0x1ce: {  	v3 =	vnsel vm7, $0x0, v3;
	v0 =	vadd.s32 v2, v0;
	(v2sf) =	vpush v1, $0xF  }
0x1cf: {  	v2 =	vnsel vm6, $0x0, v4;
	v0 =	vadd.s32 v3, v0  }
0x1d0: {  	v3 =	vnsel vm5, $0x0, v5;
	v0 =	vadd.s32 v2, v0  }
0x1d1: {  	v2 =	vnsel vm4, $0x0, v7;
	v0 =	vadd.s32 v3, v0  }
0x1d2: {  	v3 =	vnsel vm3, $0x0, v8;
	v0 =	vadd.s32 v2, v0  }
0x1d3: {  	v2 =	vnsel vm2, $0x0, v9;
	v0 =	vadd.s32 v3, v0  }
0x1d4: {  	v3 =	vnsel vm1, $0x0, v10;
	v0 =	vadd.s32 v2, v0  }
0x1d5: {  	v2 =	vnsel vm0, $0x0, v11;
	v0 =	vadd.s32 v3, v0  }
0x1d6: {  	v3 =	vnsel vm11, $0x0, v12;
	v0 =	vadd.s32 v2, v0  }
0x1d7: {  	v2 =	vnsel vm12, $0x0, v13;
	v0 =	vadd.s32 v3, v0  }
0x1d8: {  	v3 =	vnsel vm13, $0x0, v14;
	v0 =	vadd.s32 v2, v0  }
0x1d9: {  	v2 =	vnsel vm14, $0x0, v15;
	v0 =	vadd.s32 v3, v0  }
0x1da: {  	v0 =	vadd.s32 v2, v0  }
0x1db: {  	v0 =	vsub.s32 v0, v6  }
0x1dc: {  	s28 =	sadd.s32 $0x10, s17;
	v0 =	vadd.s32 v1, v0  }
0x1dd: {  	s15 =	simm.s32 $0x2;
	[tilespmem:s28+$0x0] =	vst v0;
	s29 =	spop (v2sf)  }
0x1de: {  	_ =	swait.ge [sflag:s15], $0x800  }
0x1df: {  	[sflag:s15] =	ssyncset.done $0x0  }
0x1e0: {  	s30 =	simm.s32 $0x0;
	[sflag:s15] =	ssyncadd.s32 $0xFFFFF800  }
0x1e1: {  	v0 =	vld [tilespmem:s30+$0x0];
	_ =	sdelay $0x4  }
0x1e2: {  	v0 =	vshrl.u32 v0, $0x8  }
0x1e3: {  	v1 =	vand.u32 $0xFF, v0  }
0x1e4: {  	(xrf1) =	vunique.msk.u32 $0xffff, v1;
	_ =	sdelay $0xa  }
0x1e5: {  	s17 =	sand.u32 $0x7, s30;
	s15 =	simm.s32 $0x2100  }
0x1e6: {  	s19 =	simm.s32 $0x0;
	s31 =	sshll.u32 s17, $0x4;
	v2 =	vld.idx.msk [tilespmem:v1+s15+$0x0], $0xffff  }
0x1e7: {  	s18 =	sor.u32 s31, s19;
	v0 =	vlaneseq.u32  }
0x1e8: {  	v3 =	vor.u32 s18, v0;
	_, v63, vm15 =	vpop (xrf1);
	_ =	sdelay $0x2  }
0x1e9: {  	p1 =	sne.s32 s17, $0x7;
	v2 =	vadd.s32 v63, v2  }
0x1ea: {  	s17 =	simm.s32 $0x1800;
	s18 =	simm.s32 @!p1 $0x0;
	v2 =	vadd.s32 $0xFFFFFFFF, v2  }
0x1eb: {  	s19 =	sand.u32 @!p1 $0x3FFFFF80, s18;
	[tilespmem:v3+s17+$0x0] =	vst.idx.msk $0xffff, v2  }
0x1ec: {  	s21 =	simm.s32 @!p1 $0x80;
	s20 =	sadd.s32 @!p1 $0x1800, s19;
	[tilespmem:v1+s15+$0x0] =	vst.idx.add.s32.msk vm15, v63  }
0x1ed: {  	[spmem:s4] =	stream.indirect.scatter @!p1 [tilespmem:s18], [sflag:$0x1], $0x1, s20, s21, $0xb8;
	[tilespmem:$0x5D90] =	vst v63  }
0x1ee: {  	s22 =	simm.s32 @!p1 $0x800;
	s19 =	simm.s32 $0x10;
	s18 =	simm.s32 $0x1  }
.LBB2_17:
0x1ef: {  	[spmem:s6] =	stream.indirect.scatter @!p1 [tilespmem:s22], [sflag:$0x1], $0x1, s20, s21, $0xb8;
	[tilespmem:$0x5D90] =	vst v63  }
0x1f0: {  	s20 =	smov.u32 s18;
	s18 =	sadd.s32 $0x1, s18;
	v1 =	vld [tilespmem:s19+$0x0]  }
0x1f1: {  	p0 =	sne.s32 s18, $0x80;
	_ =	sdelay $0x3  }
0x1f2: {  	v1 =	vshrl.u32 v1, $0x8  }
0x1f3: {  	v1 =	vand.u32 $0xFF, v1  }
0x1f4: {  	(xrf1) =	vunique.msk.u32 $0xffff, v1;
	_ =	sdelay $0x8  }
0x1f5: {  	v2 =	vld.idx.msk [tilespmem:v1+s15+$0x0], $0xffff  }
0x1f6: {  	s21 =	sand.u32 $0x7, s20  }
0x1f7: {  	s20 =	sshrl.u32 s20, $0x3;
	p1 =	sne.s32 s21, $0x7  }
0x1f8: {  	s21 =	sshll.u32 s21, $0x4;
	s22 =	sshll.u32 s20, $0x7;
	s23 =	sshll.u32 @!p1 s20, $0x7  }
0x1f9: {  	s20 =	sor.u32 s21, s22;
	s21 =	sand.u32 @!p1 $0x3FFFFF80, s23  }
0x1fa: {  	v3 =	vor.u32 s20, v0;
	_, v4, vm15 =	vpop (xrf1)  }
0x1fb: {  	v2 =	vadd.s32 v4, v2  }
0x1fc: {  	v2 =	vadd.s32 $0xFFFFFFFF, v2;
	_ =	sdelay $0x1  }
.Ltmp8:
0x1fd: {  	(pc) =	sbr.rel @p0 .LBB2_17-.Ltmp8, $4  }
0x1fe: {  	[tilespmem:v3+s17+$0x0] =	vst.idx.msk $0xffff, v2  }
0x1ff: {  	s20 =	sadd.s32 @!p1 $0x1800, s21;
	s21 =	simm.s32 @!p1 $0x80;
	[tilespmem:v1+s15+$0x0] =	vst.idx.add.s32.msk vm15, v4  }
0x200: {  	[spmem:s4] =	stream.indirect.scatter @!p1 [tilespmem:s23], [sflag:$0x1], $0x1, s20, s21, $0xb8;
	[tilespmem:$0x5D90] =	vst v63  }
0x201: {  	s19 =	sadd.s32 $0x10, s19;
	s22 =	sadd.s32 @!p1 $0x800, s23  }
0x202: {  	[spmem:s6] =	stream.indirect.scatter @!p1 [tilespmem:s22], [sflag:$0x1], $0x1, s20, s21, $0xb8;
	[tilespmem:$0x5D90] =	vst v63  }
0x203: {  	s15 =	simm.s32 $0x1  }
0x204: {  	_ =	swait.ge [sflag:s15], $0x80  }
0x205: {  	[sflag:s15] =	ssyncset.done $0x0  }
0x206: {  	[sflag:s15] =	ssyncadd.s32 $0xFFFFFF80  }
0x207: {  	_ =	swait.ge [sflag:s15], $0x80  }
0x208: {  	[sflag:s15] =	ssyncset.done $0x0  }
0x209: {  	[sflag:s15] =	ssyncadd.s32 $0xFFFFFF80  }
0x20a: {  	_ =	swait.ge [sflag:s15], $0x80  }
0x20b: {  	[sflag:s15] =	ssyncset.done $0x0  }
0x20c: {  	[sflag:s15] =	ssyncadd.s32 $0xFFFFFF80  }
0x20d: {  	_ =	swait.ge [sflag:s15], $0x80  }
0x20e: {  	[sflag:s15] =	ssyncset.done $0x0  }
0x20f: {  	[sflag:s15] =	ssyncadd.s32 $0xFFFFFF80  }
0x210: {  	_ =	swait.ge [sflag:s15], $0x80  }
0x211: {  	[sflag:s15] =	ssyncset.done $0x0  }
0x212: {  	[sflag:s15] =	ssyncadd.s32 $0xFFFFFF80  }
0x213: {  	_ =	swait.ge [sflag:s15], $0x80  }
0x214: {  	[sflag:s15] =	ssyncset.done $0x0  }
0x215: {  	[sflag:s15] =	ssyncadd.s32 $0xFFFFFF80  }
0x216: {  	_ =	swait.ge [sflag:s15], $0x80  }
0x217: {  	[sflag:s15] =	ssyncset.done $0x0  }
0x218: {  	[sflag:s15] =	ssyncadd.s32 $0xFFFFFF80  }
0x219: {  	_ =	swait.ge [sflag:s15], $0x80  }
0x21a: {  	[sflag:s15] =	ssyncset.done $0x0  }
0x21b: {  	[sflag:s15] =	ssyncadd.s32 $0xFFFFFF80  }
0x21c: {  	_ =	swait.ge [sflag:s15], $0x80  }
0x21d: {  	[sflag:s15] =	ssyncset.done $0x0  }
0x21e: {  	[sflag:s15] =	ssyncadd.s32 $0xFFFFFF80  }
0x21f: {  	_ =	swait.ge [sflag:s15], $0x80  }
0x220: {  	[sflag:s15] =	ssyncset.done $0x0  }
0x221: {  	[sflag:s15] =	ssyncadd.s32 $0xFFFFFF80  }
0x222: {  	_ =	swait.ge [sflag:s15], $0x80  }
0x223: {  	[sflag:s15] =	ssyncset.done $0x0  }
0x224: {  	[sflag:s15] =	ssyncadd.s32 $0xFFFFFF80  }
0x225: {  	_ =	swait.ge [sflag:s15], $0x80  }
0x226: {  	[sflag:s15] =	ssyncset.done $0x0  }
0x227: {  	[sflag:s15] =	ssyncadd.s32 $0xFFFFFF80  }
0x228: {  	_ =	swait.ge [sflag:s15], $0x80  }
0x229: {  	[sflag:s15] =	ssyncset.done $0x0  }
0x22a: {  	[sflag:s15] =	ssyncadd.s32 $0xFFFFFF80  }
0x22b: {  	_ =	swait.ge [sflag:s15], $0x80  }
0x22c: {  	[sflag:s15] =	ssyncset.done $0x0  }
0x22d: {  	[sflag:s15] =	ssyncadd.s32 $0xFFFFFF80  }
0x22e: {  	_ =	swait.ge [sflag:s15], $0x80  }
0x22f: {  	[sflag:s15] =	ssyncset.done $0x0  }
0x230: {  	[sflag:s15] =	ssyncadd.s32 $0xFFFFFF80  }
0x231: {  	_ =	swait.ge [sflag:s15], $0x80  }
0x232: {  	[sflag:s15] =	ssyncset.done $0x0  }
0x233: {  	[sflag:s15] =	ssyncadd.s32 $0xFFFFFF80  }
0x234: {  	_ =	swait.ge [sflag:s15], $0x80  }
0x235: {  	[sflag:s15] =	ssyncset.done $0x0  }
0x236: {  	[sflag:s15] =	ssyncadd.s32 $0xFFFFFF80  }
0x237: {  	_ =	swait.ge [sflag:s15], $0x80  }
0x238: {  	[sflag:s15] =	ssyncset.done $0x0  }
0x239: {  	[sflag:s15] =	ssyncadd.s32 $0xFFFFFF80  }
0x23a: {  	_ =	swait.ge [sflag:s15], $0x80  }
0x23b: {  	[sflag:s15] =	ssyncset.done $0x0  }
0x23c: {  	[sflag:s15] =	ssyncadd.s32 $0xFFFFFF80  }
0x23d: {  	_ =	swait.ge [sflag:s15], $0x80  }
0x23e: {  	[sflag:s15] =	ssyncset.done $0x0  }
0x23f: {  	[sflag:s15] =	ssyncadd.s32 $0xFFFFFF80  }
0x240: {  	_ =	swait.ge [sflag:s15], $0x80  }
0x241: {  	[sflag:s15] =	ssyncset.done $0x0  }
0x242: {  	[sflag:s15] =	ssyncadd.s32 $0xFFFFFF80  }
0x243: {  	_ =	swait.ge [sflag:s15], $0x80  }
0x244: {  	[sflag:s15] =	ssyncset.done $0x0  }
0x245: {  	[sflag:s15] =	ssyncadd.s32 $0xFFFFFF80  }
0x246: {  	_ =	swait.ge [sflag:s15], $0x80  }
0x247: {  	[sflag:s15] =	ssyncset.done $0x0  }
0x248: {  	[sflag:s15] =	ssyncadd.s32 $0xFFFFFF80  }
0x249: {  	_ =	swait.ge [sflag:s15], $0x80  }
0x24a: {  	[sflag:s15] =	ssyncset.done $0x0  }
0x24b: {  	[sflag:s15] =	ssyncadd.s32 $0xFFFFFF80  }
0x24c: {  	_ =	swait.ge [sflag:s15], $0x80  }
0x24d: {  	[sflag:s15] =	ssyncset.done $0x0  }
0x24e: {  	[sflag:s15] =	ssyncadd.s32 $0xFFFFFF80  }
0x24f: {  	_ =	swait.ge [sflag:s15], $0x80  }
0x250: {  	[sflag:s15] =	ssyncset.done $0x0  }
0x251: {  	[sflag:s15] =	ssyncadd.s32 $0xFFFFFF80  }
0x252: {  	_ =	swait.ge [sflag:s15], $0x80  }
0x253: {  	[sflag:s15] =	ssyncset.done $0x0  }
0x254: {  	[sflag:s15] =	ssyncadd.s32 $0xFFFFFF80  }
0x255: {  	_ =	swait.ge [sflag:s15], $0x80  }
0x256: {  	[sflag:s15] =	ssyncset.done $0x0  }
0x257: {  	[sflag:s15] =	ssyncadd.s32 $0xFFFFFF80  }
0x258: {  	_ =	swait.ge [sflag:s15], $0x80  }
0x259: {  	[sflag:s15] =	ssyncset.done $0x0  }
0x25a: {  	[sflag:s15] =	ssyncadd.s32 $0xFFFFFF80  }
0x25b: {  	_ =	swait.ge [sflag:s15], $0x80  }
0x25c: {  	[sflag:s15] =	ssyncset.done $0x0  }
0x25d: {  	[sflag:s15] =	ssyncadd.s32 $0xFFFFFF80  }
0x25e: {  	_ =	swait.ge [sflag:s15], $0x80  }
0x25f: {  	[sflag:s15] =	ssyncset.done $0x0  }
0x260: {  	[sflag:s15] =	ssyncadd.s32 $0xFFFFFF80  }
0x261: {  	_ =	swait.ge [sflag:s15], $0x80  }
0x262: {  	[sflag:s15] =	ssyncset.done $0x0  }
0x263: {  	[sflag:s15] =	ssyncadd.s32 $0xFFFFFF80  }
0x264: {  	s17 =	simm.s32 $0x800;
	s15 =	sadd.s32 s11, s6;
	[bflag:$0x0] =	sbarrier.arrive $0xFFFF  }
0x265: {  	[tilespmem:s17], [sflag:$0x2] =	stream.linear.gather [spmem:s15], $0x800, $0x38;
	[tilespmem:$0x5D90] =	vst v63  }
0x266: {  	s29 =	simm.s32 $0x0;
	s11 =	sadd.s32 s11, s4  }
0x267: {  	[tilespmem:s29], [sflag:$0x3] =	stream.linear.gather [spmem:s11], $0x400, $0x38;
	[tilespmem:$0x5D90] =	vst v63  }
0x268: {  	s16 =	sadd.s32 s16, s4;
	s30 =	simm.s32 $0x400  }
0x269: {  	v0 =	vimm.s32 $0x0;
	[tilespmem:s30], [sflag:$0x3] =	stream.linear.gather [spmem:s16], $0x400, $0x38;
	[tilespmem:$0x5D90] =	vst v63  }
0x26a: {  	[tilespmem:$0x2000] =	vst v0  }
0x26b: {  	[tilespmem:$0x2010] =	vst v0  }
0x26c: {  	[tilespmem:$0x2020] =	vst v0  }
0x26d: {  	[tilespmem:$0x2030] =	vst v0  }
0x26e: {  	[tilespmem:$0x2040] =	vst v0  }
0x26f: {  	[tilespmem:$0x2050] =	vst v0  }
0x270: {  	[tilespmem:$0x2060] =	vst v0  }
0x271: {  	[tilespmem:$0x2070] =	vst v0  }
0x272: {  	[tilespmem:$0x2080] =	vst v0  }
0x273: {  	[tilespmem:$0x2090] =	vst v0  }
0x274: {  	[tilespmem:$0x20A0] =	vst v0  }
0x275: {  	[tilespmem:$0x20B0] =	vst v0  }
0x276: {  	[tilespmem:$0x20C0] =	vst v0  }
0x277: {  	[tilespmem:$0x20D0] =	vst v0  }
0x278: {  	[tilespmem:$0x20E0] =	vst v0  }
0x279: {  	s31 =	simm.s32 $0x3;
	[tilespmem:$0x20F0] =	vst v0  }
0x27a: {  	_ =	swait.ge [sflag:s31], $0x400  }
0x27b: {  	s18 =	simm.s32 $0x0;
	[sflag:s31] =	ssyncset.done $0x0  }
0x27c: {  	s17 =	simm.s32 $0x40;
	s16 =	simm.s32 $0x2000;
	[sflag:s31] =	ssyncadd.s32 $0xFFFFFC00  }
.LBB2_19:
0x27d: {  	p0 =	sne.s32 s17, $0xFC0;
	v0 =	vld [tilespmem:s18+$0x0];
	_ =	sdelay $0x4  }
0x27e: {  	v0 =	vshrl.u32 v0, $0x10  }
0x27f: {  	v0 =	vand.u32 $0xFF, v0  }
0x280: {  	(xrf1) =	vunique.msk.u32 $0xffff, v0;
	_ =	sdelay $0xd  }
0x281: {  	_, v1, vm15 =	vpop (xrf1);
	_ =	sdelay $0x1  }
.Ltmp9:
0x282: {  	(pc) =	sbr.rel @p0 .LBB2_19-.Ltmp9, $2  }
0x283: {  	_ =	sdelay $0x2  }
0x284: {  	s18 =	sshra.s32 s17, $0x2;
	s17 =	sadd.s32 $0x40, s17;
	[tilespmem:v0+s16+$0x0] =	vst.idx.add.s32.msk vm15, v1  }
0x285: {  	v0 =	vld [tilespmem:s18+$0x0];
	_ =	sdelay $0x4  }
0x286: {  	v0 =	vshrl.u32 v0, $0x10  }
0x287: {  	v0 =	vand.u32 $0xFF, v0  }
0x288: {  	(xrf1) =	vunique.msk.u32 $0xffff, v0;
	_ =	sdelay $0xd  }
0x289: {  	_, v1, vm15 =	vpop (xrf1);
	_ =	sdelay $0x5  }
0x28a: {  	s31 =	simm.s32 $0x3;
	[tilespmem:v0+s16+$0x0] =	vst.idx.add.s32.msk vm15, v1  }
0x28b: {  	_ =	swait.ge [sflag:s31], $0x400  }
0x28c: {  	s18 =	simm.s32 $0x0;
	[sflag:s31] =	ssyncset.done $0x0  }
0x28d: {  	s17 =	simm.s32 $0x40;
	s16 =	simm.s32 $0x2000;
	[sflag:s31] =	ssyncadd.s32 $0xFFFFFC00  }
.LBB2_21:
0x28e: {  	p0 =	sne.s32 s17, $0xFC0;
	v0 =	vld [tilespmem:s18+$0x400];
	_ =	sdelay $0x4  }
0x28f: {  	v0 =	vshrl.u32 v0, $0x10  }
0x290: {  	v0 =	vand.u32 $0xFF, v0  }
0x291: {  	(xrf1) =	vunique.msk.u32 $0xffff, v0;
	_ =	sdelay $0xd  }
0x292: {  	_, v1, vm15 =	vpop (xrf1);
	_ =	sdelay $0x1  }
.Ltmp10:
0x293: {  	(pc) =	sbr.rel @p0 .LBB2_21-.Ltmp10, $2  }
0x294: {  	_ =	sdelay $0x2  }
0x295: {  	s18 =	sshra.s32 s17, $0x2;
	s17 =	sadd.s32 $0x40, s17;
	[tilespmem:v0+s16+$0x0] =	vst.idx.add.s32.msk vm15, v1  }
0x296: {  	v0 =	vld [tilespmem:s18+$0x400];
	_ =	sdelay $0x4  }
0x297: {  	v0 =	vshrl.u32 v0, $0x10  }
0x298: {  	v0 =	vand.u32 $0xFF, v0  }
0x299: {  	(xrf1) =	vunique.msk.u32 $0xffff, v0;
	_ =	sdelay $0xd  }
0x29a: {  	_, v1, vm15 =	vpop (xrf1);
	_ =	sdelay $0x5  }
0x29b: {  	s28 =	simm.s32 $0x2000;
	s17 =	simm.s32 $0x4;
	[tilespmem:v0+s16+$0x0] =	vst.idx.add.s32.msk vm15, v1  }
0x29c: {  	[spmem:s8] =	stream.linear.scatter [tilespmem:s28], [sflag:$0x4], $0x100, $0x38;
	[tilespmem:$0x5D90] =	vst v63  }
0x29d: {  	_ =	swait.ge [sflag:s17], $0x100  }
0x29e: {  	[sflag:s17] =	ssyncset.done $0x0  }
0x29f: {  	[sflag:s17] =	ssyncadd.s32 $0xFFFFFF00  }
0x2a0: {  	s29 =	simm.s32 $0x2200;
	[bflag:$0x0] =	sbarrier.arrive $0xFFFF  }
0x2a1: {  	[tilespmem:s29], [sflag:$0x4] =	stream.linear.gather [spmem:s7], $0x1000, $0x38;
	[tilespmem:$0x5D90] =	vst v63  }
0x2a2: {  	_ =	swait.ge [sflag:s17], $0x1000  }
0x2a3: {  	s16 =	simm.s32 $0x0;
	[sflag:s17] =	ssyncset.done $0x0  }
0x2a4: {  	s30 =	sand.u32 $0xF0, s16;
	[sflag:s17] =	ssyncadd.s32 $0xFFFFF000  }
0x2a5: {  	v0 =	vld [tilespmem:s30+$0x2300]  }
0x2a6: {  	v1 =	vld [tilespmem:s29+$0x0]  }
0x2a7: {  	v2 =	vld [tilespmem:s30+$0x2400]  }
0x2a8: {  	v3 =	vld [tilespmem:s30+$0x2500]  }
0x2a9: {  	v4 =	vld [tilespmem:s30+$0x2600]  }
0x2aa: {  	v5 =	vld [tilespmem:s30+$0x2700]  }
0x2ab: {  	v7 =	vld [tilespmem:s30+$0x2800];
	v6 =	vadd.s32 v1, v0  }
0x2ac: {  	v8 =	vld [tilespmem:s30+$0x2900];
	v6 =	vadd.s32 v2, v6  }
0x2ad: {  	v9 =	vld [tilespmem:s30+$0x2A00];
	v6 =	vadd.s32 v3, v6  }
0x2ae: {  	v10 =	vld [tilespmem:s30+$0x2B00];
	v6 =	vadd.s32 v4, v6  }
0x2af: {  	v11 =	vld [tilespmem:s30+$0x2C00];
	v6 =	vadd.s32 v5, v6  }
0x2b0: {  	v12 =	vld [tilespmem:s30+$0x2D00];
	v6 =	vadd.s32 v7, v6  }
0x2b1: {  	v13 =	vld [tilespmem:s30+$0x2E00];
	v1 =	vsel vm9, $0x0, v1;
	v0 =	vnsel vm10, $0x0, v0;
	v6 =	vadd.s32 v8, v6  }
0x2b2: {  	v14 =	vld [tilespmem:s30+$0x2F00];
	v1 =	vadd.s32 s16, v1;
	v2 =	vnsel vm8, $0x0, v2;
	v6 =	vadd.s32 v9, v6  }
0x2b3: {  	v62 =	vld [tilespmem:s30+$0x3000];
	v0 =	vadd.s32 v0, v1;
	v1 =	vnsel vm7, $0x0, v3;
	v3 =	vadd.s32 v10, v6  }
0x2b4: {  	v63 =	vld [tilespmem:s30+$0x3100];
	v0 =	vadd.s32 v2, v0;
	v3 =	vadd.s32 v11, v3  }
0x2b5: {  	v2 =	vnsel vm6, $0x0, v4;
	v0 =	vadd.s32 v1, v0;
	v3 =	vadd.s32 v12, v3  }
0x2b6: {  	v1 =	vnsel vm5, $0x0, v5;
	v0 =	vadd.s32 v2, v0;
	v3 =	vadd.s32 v13, v3  }
0x2b7: {  	v2 =	vnsel vm4, $0x0, v7;
	v0 =	vadd.s32 v1, v0;
	v3 =	vadd.s32 v14, v3  }
0x2b8: {  	v1 =	vnsel vm3, $0x0, v8;
	v0 =	vadd.s32 v2, v0;
	v3 =	vadd.s32 v62, v3  }
0x2b9: {  	v2 =	vnsel vm2, $0x0, v9;
	v0 =	vadd.s32 v1, v0;
	v3 =	vadd.s32 v63, v3  }
0x2ba: {  	v1 =	vnsel vm1, $0x0, v10;
	v0 =	vadd.s32 v2, v0;
	(xrf0) =	vadd.scan.msk.s32 $0xffff, v3  }
0x2bb: {  	v2 =	vnsel vm0, $0x0, v11;
	v0 =	vadd.s32 v1, v0  }
0x2bc: {  	v1 =	vnsel vm11, $0x0, v12;
	v0 =	vadd.s32 v2, v0  }
0x2bd: {  	v0 =	vadd.s32 v1, v0;
	v1 =	vnsel vm13, $0x0, v14  }
0x2be: {  	v2 =	vnsel vm12, $0x0, v13  }
0x2bf: {  	v0 =	vadd.s32 v2, v0  }
0x2c0: {  	v2 =	vnsel vm14, $0x0, v62;
	v0 =	vadd.s32 v1, v0;
	v1, _, _ =	vpop (xrf0)  }
0x2c1: {  	v0 =	vadd.s32 v2, v0;
	(v2sf) =	vpush v1, $0xF  }
0x2c2: {  	v0 =	vsub.s32 v0, v3  }
0x2c3: {  	s31 =	simm.s32 $0x10;
	s17 =	simm.s32 $0x2100;
	v0 =	vadd.s32 v1, v0  }
0x2c4: {  	s20 =	sand.u32 $0xF0, s31;
	[tilespmem:s17+$0x0] =	vst v0  }
0x2c5: {  	s19 =	simm.s32 $0x20;
	s18 =	simm.s32 $0x2210;
	v0 =	vld [tilespmem:s20+$0x2300]  }
.LBB2_23:
0x2c6: {  	p0 =	sne.s32 s19, $0xF0;
	v1 =	vld [tilespmem:s18+$0x0]  }
0x2c7: {  	v2 =	vld [tilespmem:s20+$0x2400]  }
0x2c8: {  	v3 =	vld [tilespmem:s20+$0x2500]  }
0x2c9: {  	v4 =	vld [tilespmem:s20+$0x2600]  }
0x2ca: {  	v5 =	vnsel vm10, $0x0, v0;
	v6 =	vld [tilespmem:s20+$0x2700]  }
0x2cb: {  	v7 =	vsel vm9, $0x0, v1;
	v0 =	vadd.s32 v1, v0;
	v1 =	vld [tilespmem:s20+$0x2800]  }
0x2cc: {  	v0 =	vadd.s32 v2, v0;
	v2 =	vnsel vm8, $0x0, v2;
	v8 =	vld [tilespmem:s20+$0x2900]  }
0x2cd: {  	v0 =	vadd.s32 v3, v0;
	v3 =	vnsel vm7, $0x0, v3;
	v9 =	vld [tilespmem:s20+$0x2A00]  }
0x2ce: {  	v0 =	vadd.s32 v4, v0;
	v4 =	vnsel vm6, $0x0, v4;
	v10 =	vld [tilespmem:s20+$0x2B00]  }
0x2cf: {  	v0 =	vadd.s32 v6, v0;
	v6 =	vnsel vm5, $0x0, v6;
	v11 =	vld [tilespmem:s20+$0x2C00]  }
0x2d0: {  	v0 =	vadd.s32 v1, v0;
	v1 =	vnsel vm4, $0x0, v1;
	v12 =	vld [tilespmem:s20+$0x2D00];
	s21 =	spop (v2sf)  }
0x2d1: {  	v0 =	vadd.s32 v8, v0;
	v8 =	vnsel vm3, $0x0, v8;
	v13 =	vld [tilespmem:s20+$0x2E00];
	s16 =	sadd.s32 s16, s21  }
0x2d2: {  	v0 =	vadd.s32 v9, v0;
	v9 =	vnsel vm2, $0x0, v9;
	v14 =	vld [tilespmem:s20+$0x2F00];
	v7 =	vadd.s32 s16, v7  }
0x2d3: {  	v0 =	vadd.s32 v10, v0;
	v10 =	vnsel vm1, $0x0, v10;
	v15 =	vld [tilespmem:s20+$0x3000];
	v5 =	vadd.s32 v5, v7  }
0x2d4: {  	v0 =	vadd.s32 v11, v0;
	v7 =	vnsel vm0, $0x0, v11;
	v11 =	vld [tilespmem:s20+$0x3100];
	v2 =	vadd.s32 v2, v5  }
0x2d5: {  	v0 =	vadd.s32 v12, v0;
	v5 =	vnsel vm11, $0x0, v12;
	v2 =	vadd.s32 v3, v2  }
0x2d6: {  	v0 =	vadd.s32 v13, v0;
	v3 =	vnsel vm12, $0x0, v13;
	v2 =	vadd.s32 v4, v2  }
0x2d7: {  	v0 =	vadd.s32 v14, v0;
	v4 =	vnsel vm13, $0x0, v14;
	v2 =	vadd.s32 v6, v2  }
0x2d8: {  	v0 =	vadd.s32 v15, v0;
	v6 =	vnsel vm14, $0x0, v15;
	v1 =	vadd.s32 v1, v2  }
0x2d9: {  	v0 =	vadd.s32 v11, v0;
	v1 =	vadd.s32 v8, v1  }
0x2da: {  	v1 =	vadd.s32 v9, v1;
	(xrf0) =	vadd.scan.msk.s32 $0xffff, v0  }
0x2db: {  	v1 =	vadd.s32 v10, v1  }
0x2dc: {  	v1 =	vadd.s32 v7, v1  }
0x2dd: {  	v1 =	vadd.s32 v5, v1  }
0x2de: {  	v1 =	vadd.s32 v3, v1  }
0x2df: {  	v1 =	vadd.s32 v4, v1  }
0x2e0: {  	v1 =	vadd.s32 v6, v1;
	v2, _, _ =	vpop (xrf0)  }
.Ltmp11:
0x2e1: {  	v0 =	vsub.s32 v1, v0;
	(v2sf) =	vpush v2, $0xF;
	(pc) =	sbr.rel @p0 .LBB2_23-.Ltmp11, $4  }
0x2e2: {  	s17 =	sadd.s32 $0x10, s17;
	v0 =	vadd.s32 v2, v0  }
0x2e3: {  	[tilespmem:s17+$0x0] =	vst v0  }
0x2e4: {  	s20 =	sand.u32 $0xF0, s19  }
0x2e5: {  	s18 =	sadd.s32 $0x10, s18;
	s19 =	sadd.s32 $0x10, s19;
	v0 =	vld [tilespmem:s20+$0x2300]  }
0x2e6: {  	v1 =	vld [tilespmem:s18+$0x0]  }
0x2e7: {  	v2 =	vld [tilespmem:s20+$0x2400]  }
0x2e8: {  	v3 =	vld [tilespmem:s20+$0x2500]  }
0x2e9: {  	v4 =	vld [tilespmem:s20+$0x2600]  }
0x2ea: {  	v5 =	vld [tilespmem:s20+$0x2700]  }
0x2eb: {  	v7 =	vld [tilespmem:s20+$0x2800];
	v6 =	vadd.s32 v1, v0  }
0x2ec: {  	v8 =	vld [tilespmem:s20+$0x2900];
	v6 =	vadd.s32 v2, v6  }
0x2ed: {  	v9 =	vld [tilespmem:s20+$0x2A00];
	v6 =	vadd.s32 v3, v6  }
0x2ee: {  	v10 =	vld [tilespmem:s20+$0x2B00];
	v6 =	vadd.s32 v4, v6  }
0x2ef: {  	v11 =	vld [tilespmem:s20+$0x2C00];
	v6 =	vadd.s32 v5, v6  }
0x2f0: {  	v12 =	vld [tilespmem:s20+$0x2D00];
	v6 =	vadd.s32 v7, v6  }
0x2f1: {  	v13 =	vld [tilespmem:s20+$0x2E00];
	v6 =	vadd.s32 v8, v6  }
0x2f2: {  	v14 =	vld [tilespmem:s20+$0x2F00];
	v6 =	vadd.s32 v9, v6  }
0x2f3: {  	v15 =	vld [tilespmem:s20+$0x3000];
	v6 =	vadd.s32 v10, v6  }
0x2f4: {  	v16 =	vld [tilespmem:s20+$0x3100];
	v6 =	vadd.s32 v11, v6  }
0x2f5: {  	v6 =	vadd.s32 v12, v6  }
0x2f6: {  	v6 =	vadd.s32 v13, v6  }
0x2f7: {  	v6 =	vadd.s32 v14, v6  }
0x2f8: {  	v6 =	vadd.s32 v15, v6  }
0x2f9: {  	v6 =	vadd.s32 v16, v6  }
0x2fa: {  	(xrf0) =	vadd.scan.msk.s32 $0xffff, v6  }
0x2fb: {  	s26 =	spop (v2sf)  }
0x2fc: {  	v1 =	vsel vm9, $0x0, v1;
	s16 =	sadd.s32 s16, s26  }
0x2fd: {  	v1 =	vadd.s32 s16, v1;
	_ =	sdelay $0x1  }
0x2fe: {  	v0 =	vnsel vm10, $0x0, v0  }
0x2ff: {  	v2 =	vnsel vm8, $0x0, v2;
	v0 =	vadd.s32 v0, v1;
	v1, _, _ =	vpop (xrf0)  }
0x300: {  	v3 =	vnsel vm7, $0x0, v3;
	v0 =	vadd.s32 v2, v0;
	(v2sf) =	vpush v1, $0xF  }
0x301: {  	v2 =	vnsel vm6, $0x0, v4;
	v0 =	vadd.s32 v3, v0  }
0x302: {  	v3 =	vnsel vm5, $0x0, v5;
	v0 =	vadd.s32 v2, v0  }
0x303: {  	v2 =	vnsel vm4, $0x0, v7;
	v0 =	vadd.s32 v3, v0  }
0x304: {  	v3 =	vnsel vm3, $0x0, v8;
	v0 =	vadd.s32 v2, v0  }
0x305: {  	v2 =	vnsel vm2, $0x0, v9;
	v0 =	vadd.s32 v3, v0  }
0x306: {  	v3 =	vnsel vm1, $0x0, v10;
	v0 =	vadd.s32 v2, v0  }
0x307: {  	v2 =	vnsel vm0, $0x0, v11;
	v0 =	vadd.s32 v3, v0  }
0x308: {  	v3 =	vnsel vm11, $0x0, v12;
	v0 =	vadd.s32 v2, v0  }
0x309: {  	v2 =	vnsel vm12, $0x0, v13;
	v0 =	vadd.s32 v3, v0  }
0x30a: {  	v3 =	vnsel vm13, $0x0, v14;
	v0 =	vadd.s32 v2, v0  }
0x30b: {  	v2 =	vnsel vm14, $0x0, v15;
	v0 =	vadd.s32 v3, v0  }
0x30c: {  	v0 =	vadd.s32 v2, v0  }
0x30d: {  	v0 =	vsub.s32 v0, v6  }
0x30e: {  	s28 =	sadd.s32 $0x10, s17;
	v0 =	vadd.s32 v1, v0  }
0x30f: {  	s16 =	simm.s32 $0x2;
	[tilespmem:s28+$0x0] =	vst v0;
	s29 =	spop (v2sf)  }
0x310: {  	_ =	swait.ge [sflag:s16], $0x800  }
0x311: {  	[sflag:s16] =	ssyncset.done $0x0  }
0x312: {  	s30 =	simm.s32 $0x0;
	[sflag:s16] =	ssyncadd.s32 $0xFFFFF800  }
0x313: {  	v0 =	vld [tilespmem:s30+$0x0];
	_ =	sdelay $0x4  }
0x314: {  	v0 =	vshrl.u32 v0, $0x10  }
0x315: {  	v1 =	vand.u32 $0xFF, v0  }
0x316: {  	(xrf1) =	vunique.msk.u32 $0xffff, v1;
	_ =	sdelay $0xa  }
0x317: {  	s17 =	sand.u32 $0x7, s30;
	s16 =	simm.s32 $0x2100  }
0x318: {  	s19 =	simm.s32 $0x0;
	s31 =	sshll.u32 s17, $0x4;
	v2 =	vld.idx.msk [tilespmem:v1+s16+$0x0], $0xffff  }
0x319: {  	s18 =	sor.u32 s31, s19;
	v0 =	vlaneseq.u32  }
0x31a: {  	v3 =	vor.u32 s18, v0;
	_, v63, vm15 =	vpop (xrf1);
	_ =	sdelay $0x2  }
0x31b: {  	p1 =	sne.s32 s17, $0x7;
	v2 =	vadd.s32 v63, v2  }
0x31c: {  	s17 =	simm.s32 $0x1800;
	s18 =	simm.s32 @!p1 $0x0;
	v2 =	vadd.s32 $0xFFFFFFFF, v2  }
0x31d: {  	s19 =	sand.u32 @!p1 $0x3FFFFF80, s18;
	[tilespmem:v3+s17+$0x0] =	vst.idx.msk $0xffff, v2  }
0x31e: {  	s21 =	simm.s32 @!p1 $0x80;
	s20 =	sadd.s32 @!p1 $0x1800, s19;
	[tilespmem:v1+s16+$0x0] =	vst.idx.add.s32.msk vm15, v63  }
0x31f: {  	[spmem:s10] =	stream.indirect.scatter @!p1 [tilespmem:s18], [sflag:$0x1], $0x1, s20, s21, $0xb8;
	[tilespmem:$0x5D90] =	vst v63  }
0x320: {  	s22 =	simm.s32 @!p1 $0x800;
	s19 =	simm.s32 $0x10;
	s18 =	simm.s32 $0x1  }
.LBB2_25:
0x321: {  	[spmem:s9] =	stream.indirect.scatter @!p1 [tilespmem:s22], [sflag:$0x1], $0x1, s20, s21, $0xb8;
	[tilespmem:$0x5D90] =	vst v63  }
0x322: {  	s20 =	smov.u32 s18;
	s18 =	sadd.s32 $0x1, s18;
	v1 =	vld [tilespmem:s19+$0x0]  }
0x323: {  	p0 =	sne.s32 s18, $0x80;
	_ =	sdelay $0x3  }
0x324: {  	v1 =	vshrl.u32 v1, $0x10  }
0x325: {  	v1 =	vand.u32 $0xFF, v1  }
0x326: {  	(xrf1) =	vunique.msk.u32 $0xffff, v1;
	_ =	sdelay $0x8  }
0x327: {  	v2 =	vld.idx.msk [tilespmem:v1+s16+$0x0], $0xffff  }
0x328: {  	s21 =	sand.u32 $0x7, s20  }
0x329: {  	s20 =	sshrl.u32 s20, $0x3;
	p1 =	sne.s32 s21, $0x7  }
0x32a: {  	s21 =	sshll.u32 s21, $0x4;
	s22 =	sshll.u32 s20, $0x7;
	s23 =	sshll.u32 @!p1 s20, $0x7  }
0x32b: {  	s20 =	sor.u32 s21, s22;
	s21 =	sand.u32 @!p1 $0x3FFFFF80, s23  }
0x32c: {  	v3 =	vor.u32 s20, v0;
	_, v4, vm15 =	vpop (xrf1)  }
0x32d: {  	v2 =	vadd.s32 v4, v2  }
0x32e: {  	v2 =	vadd.s32 $0xFFFFFFFF, v2;
	_ =	sdelay $0x1  }
.Ltmp12:
0x32f: {  	(pc) =	sbr.rel @p0 .LBB2_25-.Ltmp12, $4  }
0x330: {  	[tilespmem:v3+s17+$0x0] =	vst.idx.msk $0xffff, v2  }
0x331: {  	s20 =	sadd.s32 @!p1 $0x1800, s21;
	s21 =	simm.s32 @!p1 $0x80;
	[tilespmem:v1+s16+$0x0] =	vst.idx.add.s32.msk vm15, v4  }
0x332: {  	[spmem:s10] =	stream.indirect.scatter @!p1 [tilespmem:s23], [sflag:$0x1], $0x1, s20, s21, $0xb8;
	[tilespmem:$0x5D90] =	vst v63  }
0x333: {  	s19 =	sadd.s32 $0x10, s19;
	s22 =	sadd.s32 @!p1 $0x800, s23  }
0x334: {  	[spmem:s9] =	stream.indirect.scatter @!p1 [tilespmem:s22], [sflag:$0x1], $0x1, s20, s21, $0xb8;
	[tilespmem:$0x5D90] =	vst v63  }
0x335: {  	s26 =	simm.s32 $0x1  }
0x336: {  	_ =	swait.ge [sflag:s26], $0x80  }
0x337: {  	[sflag:s26] =	ssyncset.done $0x0  }
0x338: {  	[sflag:s26] =	ssyncadd.s32 $0xFFFFFF80  }
0x339: {  	_ =	swait.ge [sflag:s26], $0x80  }
0x33a: {  	[sflag:s26] =	ssyncset.done $0x0  }
0x33b: {  	[sflag:s26] =	ssyncadd.s32 $0xFFFFFF80  }
0x33c: {  	_ =	swait.ge [sflag:s26], $0x80  }
0x33d: {  	[sflag:s26] =	ssyncset.done $0x0  }
0x33e: {  	[sflag:s26] =	ssyncadd.s32 $0xFFFFFF80  }
0x33f: {  	_ =	swait.ge [sflag:s26], $0x80  }
0x340: {  	[sflag:s26] =	ssyncset.done $0x0  }
0x341: {  	[sflag:s26] =	ssyncadd.s32 $0xFFFFFF80  }
0x342: {  	_ =	swait.ge [sflag:s26], $0x80  }
0x343: {  	[sflag:s26] =	ssyncset.done $0x0  }
0x344: {  	[sflag:s26] =	ssyncadd.s32 $0xFFFFFF80  }
0x345: {  	_ =	swait.ge [sflag:s26], $0x80  }
0x346: {  	[sflag:s26] =	ssyncset.done $0x0  }
0x347: {  	[sflag:s26] =	ssyncadd.s32 $0xFFFFFF80  }
0x348: {  	_ =	swait.ge [sflag:s26], $0x80  }
0x349: {  	[sflag:s26] =	ssyncset.done $0x0  }
0x34a: {  	[sflag:s26] =	ssyncadd.s32 $0xFFFFFF80  }
0x34b: {  	_ =	swait.ge [sflag:s26], $0x80  }
0x34c: {  	[sflag:s26] =	ssyncset.done $0x0  }
0x34d: {  	[sflag:s26] =	ssyncadd.s32 $0xFFFFFF80  }
0x34e: {  	_ =	swait.ge [sflag:s26], $0x80  }
0x34f: {  	[sflag:s26] =	ssyncset.done $0x0  }
0x350: {  	[sflag:s26] =	ssyncadd.s32 $0xFFFFFF80  }
0x351: {  	_ =	swait.ge [sflag:s26], $0x80  }
0x352: {  	[sflag:s26] =	ssyncset.done $0x0  }
0x353: {  	[sflag:s26] =	ssyncadd.s32 $0xFFFFFF80  }
0x354: {  	_ =	swait.ge [sflag:s26], $0x80  }
0x355: {  	[sflag:s26] =	ssyncset.done $0x0  }
0x356: {  	[sflag:s26] =	ssyncadd.s32 $0xFFFFFF80  }
0x357: {  	_ =	swait.ge [sflag:s26], $0x80  }
0x358: {  	[sflag:s26] =	ssyncset.done $0x0  }
0x359: {  	[sflag:s26] =	ssyncadd.s32 $0xFFFFFF80  }
0x35a: {  	_ =	swait.ge [sflag:s26], $0x80  }
0x35b: {  	[sflag:s26] =	ssyncset.done $0x0  }
0x35c: {  	[sflag:s26] =	ssyncadd.s32 $0xFFFFFF80  }
0x35d: {  	_ =	swait.ge [sflag:s26], $0x80  }
0x35e: {  	[sflag:s26] =	ssyncset.done $0x0  }
0x35f: {  	[sflag:s26] =	ssyncadd.s32 $0xFFFFFF80  }
0x360: {  	_ =	swait.ge [sflag:s26], $0x80  }
0x361: {  	[sflag:s26] =	ssyncset.done $0x0  }
0x362: {  	[sflag:s26] =	ssyncadd.s32 $0xFFFFFF80  }
0x363: {  	_ =	swait.ge [sflag:s26], $0x80  }
0x364: {  	[sflag:s26] =	ssyncset.done $0x0  }
0x365: {  	[sflag:s26] =	ssyncadd.s32 $0xFFFFFF80  }
0x366: {  	_ =	swait.ge [sflag:s26], $0x80  }
0x367: {  	[sflag:s26] =	ssyncset.done $0x0  }
0x368: {  	[sflag:s26] =	ssyncadd.s32 $0xFFFFFF80  }
0x369: {  	_ =	swait.ge [sflag:s26], $0x80  }
0x36a: {  	[sflag:s26] =	ssyncset.done $0x0  }
0x36b: {  	[sflag:s26] =	ssyncadd.s32 $0xFFFFFF80  }
0x36c: {  	_ =	swait.ge [sflag:s26], $0x80  }
0x36d: {  	[sflag:s26] =	ssyncset.done $0x0  }
0x36e: {  	[sflag:s26] =	ssyncadd.s32 $0xFFFFFF80  }
0x36f: {  	_ =	swait.ge [sflag:s26], $0x80  }
0x370: {  	[sflag:s26] =	ssyncset.done $0x0  }
0x371: {  	[sflag:s26] =	ssyncadd.s32 $0xFFFFFF80  }
0x372: {  	_ =	swait.ge [sflag:s26], $0x80  }
0x373: {  	[sflag:s26] =	ssyncset.done $0x0  }
0x374: {  	[sflag:s26] =	ssyncadd.s32 $0xFFFFFF80  }
0x375: {  	_ =	swait.ge [sflag:s26], $0x80  }
0x376: {  	[sflag:s26] =	ssyncset.done $0x0  }
0x377: {  	[sflag:s26] =	ssyncadd.s32 $0xFFFFFF80  }
0x378: {  	_ =	swait.ge [sflag:s26], $0x80  }
0x379: {  	[sflag:s26] =	ssyncset.done $0x0  }
0x37a: {  	[sflag:s26] =	ssyncadd.s32 $0xFFFFFF80  }
0x37b: {  	_ =	swait.ge [sflag:s26], $0x80  }
0x37c: {  	[sflag:s26] =	ssyncset.done $0x0  }
0x37d: {  	[sflag:s26] =	ssyncadd.s32 $0xFFFFFF80  }
0x37e: {  	_ =	swait.ge [sflag:s26], $0x80  }
0x37f: {  	[sflag:s26] =	ssyncset.done $0x0  }
0x380: {  	[sflag:s26] =	ssyncadd.s32 $0xFFFFFF80  }
0x381: {  	_ =	swait.ge [sflag:s26], $0x80  }
0x382: {  	[sflag:s26] =	ssyncset.done $0x0  }
0x383: {  	[sflag:s26] =	ssyncadd.s32 $0xFFFFFF80  }
0x384: {  	_ =	swait.ge [sflag:s26], $0x80  }
0x385: {  	[sflag:s26] =	ssyncset.done $0x0  }
0x386: {  	[sflag:s26] =	ssyncadd.s32 $0xFFFFFF80  }
0x387: {  	_ =	swait.ge [sflag:s26], $0x80  }
0x388: {  	[sflag:s26] =	ssyncset.done $0x0  }
0x389: {  	[sflag:s26] =	ssyncadd.s32 $0xFFFFFF80  }
0x38a: {  	_ =	swait.ge [sflag:s26], $0x80  }
0x38b: {  	[sflag:s26] =	ssyncset.done $0x0  }
0x38c: {  	[sflag:s26] =	ssyncadd.s32 $0xFFFFFF80  }
0x38d: {  	_ =	swait.ge [sflag:s26], $0x80  }
0x38e: {  	[sflag:s26] =	ssyncset.done $0x0  }
0x38f: {  	[sflag:s26] =	ssyncadd.s32 $0xFFFFFF80  }
0x390: {  	_ =	swait.ge [sflag:s26], $0x80  }
0x391: {  	[sflag:s26] =	ssyncset.done $0x0  }
0x392: {  	[sflag:s26] =	ssyncadd.s32 $0xFFFFFF80  }
0x393: {  	_ =	swait.ge [sflag:s26], $0x80  }
0x394: {  	[sflag:s26] =	ssyncset.done $0x0  }
0x395: {  	[sflag:s26] =	ssyncadd.s32 $0xFFFFFF80  }
0x396: {  	s28 =	simm.s32 $0x800;
	[bflag:$0x0] =	sbarrier.arrive $0xFFFF  }
0x397: {  	[tilespmem:s28], [sflag:$0x2] =	stream.linear.gather [spmem:s12], $0x800, $0x38;
	[tilespmem:$0x5D90] =	vst v63  }
0x398: {  	s29 =	simm.s32 $0x0  }
0x399: {  	[tilespmem:s29], [sflag:$0x3] =	stream.linear.gather [spmem:s13], $0x400, $0x38;
	[tilespmem:$0x5D90] =	vst v63  }
0x39a: {  	s30 =	simm.s32 $0x400  }
0x39b: {  	v0 =	vimm.s32 $0x0;
	[tilespmem:s30], [sflag:$0x3] =	stream.linear.gather [spmem:s14], $0x400, $0x38;
	[tilespmem:$0x5D90] =	vst v63  }
0x39c: {  	[tilespmem:$0x2000] =	vst v0  }
0x39d: {  	[tilespmem:$0x2010] =	vst v0  }
0x39e: {  	[tilespmem:$0x2020] =	vst v0  }
0x39f: {  	[tilespmem:$0x2030] =	vst v0  }
0x3a0: {  	[tilespmem:$0x2040] =	vst v0  }
0x3a1: {  	[tilespmem:$0x2050] =	vst v0  }
0x3a2: {  	[tilespmem:$0x2060] =	vst v0  }
0x3a3: {  	[tilespmem:$0x2070] =	vst v0  }
0x3a4: {  	[tilespmem:$0x2080] =	vst v0  }
0x3a5: {  	[tilespmem:$0x2090] =	vst v0  }
0x3a6: {  	[tilespmem:$0x20A0] =	vst v0  }
0x3a7: {  	[tilespmem:$0x20B0] =	vst v0  }
0x3a8: {  	[tilespmem:$0x20C0] =	vst v0  }
0x3a9: {  	[tilespmem:$0x20D0] =	vst v0  }
0x3aa: {  	[tilespmem:$0x20E0] =	vst v0  }
0x3ab: {  	s31 =	simm.s32 $0x3;
	[tilespmem:$0x20F0] =	vst v0  }
0x3ac: {  	_ =	swait.ge [sflag:s31], $0x400  }
0x3ad: {  	s9 =	simm.s32 $0x2000;
	[sflag:s31] =	ssyncset.done $0x0  }
0x3ae: {  	s10 =	simm.s32 $0x40;
	s12 =	simm.s32 $0x0;
	[sflag:s31] =	ssyncadd.s32 $0xFFFFFC00  }
.LBB2_27:
0x3af: {  	p0 =	sne.s32 s10, $0xFC0;
	v0 =	vld [tilespmem:s12+$0x0];
	_ =	sdelay $0x4  }
0x3b0: {  	v0 =	vshrl.u32 v0, $0x18  }
0x3b1: {  	(xrf1) =	vunique.msk.u32 $0xffff, v0;
	_ =	sdelay $0xd  }
0x3b2: {  	_, v1, vm15 =	vpop (xrf1);
	_ =	sdelay $0x1  }
.Ltmp13:
0x3b3: {  	(pc) =	sbr.rel @p0 .LBB2_27-.Ltmp13, $2  }
0x3b4: {  	_ =	sdelay $0x2  }
0x3b5: {  	s12 =	sshra.s32 s10, $0x2;
	s10 =	sadd.s32 $0x40, s10;
	[tilespmem:v0+s9+$0x0] =	vst.idx.add.s32.msk vm15, v1  }
0x3b6: {  	v0 =	vld [tilespmem:s12+$0x0];
	_ =	sdelay $0x4  }
0x3b7: {  	v0 =	vshrl.u32 v0, $0x18  }
0x3b8: {  	(xrf1) =	vunique.msk.u32 $0xffff, v0;
	_ =	sdelay $0xd  }
0x3b9: {  	_, v1, vm15 =	vpop (xrf1);
	_ =	sdelay $0x5  }
0x3ba: {  	s31 =	simm.s32 $0x3;
	[tilespmem:v0+s9+$0x0] =	vst.idx.add.s32.msk vm15, v1  }
0x3bb: {  	_ =	swait.ge [sflag:s31], $0x400  }
0x3bc: {  	s12 =	simm.s32 $0x0;
	[sflag:s31] =	ssyncset.done $0x0  }
0x3bd: {  	s10 =	simm.s32 $0x40;
	s9 =	simm.s32 $0x2000;
	[sflag:s31] =	ssyncadd.s32 $0xFFFFFC00  }
.LBB2_29:
0x3be: {  	p0 =	sne.s32 s10, $0xFC0;
	v0 =	vld [tilespmem:s12+$0x400];
	_ =	sdelay $0x4  }
0x3bf: {  	v0 =	vshrl.u32 v0, $0x18  }
0x3c0: {  	(xrf1) =	vunique.msk.u32 $0xffff, v0;
	_ =	sdelay $0xd  }
0x3c1: {  	_, v1, vm15 =	vpop (xrf1);
	_ =	sdelay $0x1  }
.Ltmp14:
0x3c2: {  	(pc) =	sbr.rel @p0 .LBB2_29-.Ltmp14, $2  }
0x3c3: {  	_ =	sdelay $0x2  }
0x3c4: {  	s12 =	sshra.s32 s10, $0x2;
	s10 =	sadd.s32 $0x40, s10;
	[tilespmem:v0+s9+$0x0] =	vst.idx.add.s32.msk vm15, v1  }
0x3c5: {  	v0 =	vld [tilespmem:s12+$0x400];
	_ =	sdelay $0x4  }
0x3c6: {  	v0 =	vshrl.u32 v0, $0x18  }
0x3c7: {  	(xrf1) =	vunique.msk.u32 $0xffff, v0;
	_ =	sdelay $0xd  }
0x3c8: {  	_, v1, vm15 =	vpop (xrf1);
	_ =	sdelay $0x5  }
0x3c9: {  	s26 =	simm.s32 $0x2000;
	s28 =	simm.s32 $0x4;
	[tilespmem:v0+s9+$0x0] =	vst.idx.add.s32.msk vm15, v1  }
0x3ca: {  	[spmem:s8] =	stream.linear.scatter [tilespmem:s26], [sflag:$0x4], $0x100, $0x38;
	[tilespmem:$0x5D90] =	vst v63  }
0x3cb: {  	_ =	swait.ge [sflag:s28], $0x100  }
0x3cc: {  	[sflag:s28] =	ssyncset.done $0x0  }
0x3cd: {  	[sflag:s28] =	ssyncadd.s32 $0xFFFFFF00  }
0x3ce: {  	s29 =	simm.s32 $0x2200;
	[bflag:$0x0] =	sbarrier.arrive $0xFFFF  }
0x3cf: {  	[tilespmem:s29], [sflag:$0x4] =	stream.linear.gather [spmem:s7], $0x1000, $0x38;
	[tilespmem:$0x5D90] =	vst v63  }
0x3d0: {  	_ =	swait.ge [sflag:s28], $0x1000  }
0x3d1: {  	s7 =	simm.s32 $0x0;
	[sflag:s28] =	ssyncset.done $0x0  }
0x3d2: {  	s30 =	sand.u32 $0xF0, s7;
	[sflag:s28] =	ssyncadd.s32 $0xFFFFF000  }
0x3d3: {  	v0 =	vld [tilespmem:s30+$0x2300]  }
0x3d4: {  	v1 =	vld [tilespmem:s29+$0x0]  }
0x3d5: {  	v2 =	vld [tilespmem:s30+$0x2400]  }
0x3d6: {  	v3 =	vld [tilespmem:s30+$0x2500]  }
0x3d7: {  	v4 =	vld [tilespmem:s30+$0x2600]  }
0x3d8: {  	v5 =	vld [tilespmem:s30+$0x2700]  }
0x3d9: {  	v7 =	vld [tilespmem:s30+$0x2800];
	v6 =	vadd.s32 v1, v0  }
0x3da: {  	v8 =	vld [tilespmem:s30+$0x2900];
	v6 =	vadd.s32 v2, v6  }
0x3db: {  	v9 =	vld [tilespmem:s30+$0x2A00];
	v6 =	vadd.s32 v3, v6  }
0x3dc: {  	v10 =	vld [tilespmem:s30+$0x2B00];
	v6 =	vadd.s32 v4, v6  }
0x3dd: {  	v11 =	vld [tilespmem:s30+$0x2C00];
	v6 =	vadd.s32 v5, v6  }
0x3de: {  	v12 =	vld [tilespmem:s30+$0x2D00];
	v6 =	vadd.s32 v7, v6  }
0x3df: {  	v13 =	vld [tilespmem:s30+$0x2E00];
	v1 =	vsel vm9, $0x0, v1;
	v0 =	vnsel vm10, $0x0, v0;
	v6 =	vadd.s32 v8, v6  }
0x3e0: {  	v14 =	vld [tilespmem:s30+$0x2F00];
	v1 =	vadd.s32 s7, v1;
	v2 =	vnsel vm8, $0x0, v2;
	v6 =	vadd.s32 v9, v6  }
0x3e1: {  	v62 =	vld [tilespmem:s30+$0x3000];
	v0 =	vadd.s32 v0, v1;
	v1 =	vnsel vm7, $0x0, v3;
	v3 =	vadd.s32 v10, v6  }
0x3e2: {  	v63 =	vld [tilespmem:s30+$0x3100];
	v0 =	vadd.s32 v2, v0;
	v3 =	vadd.s32 v11, v3  }
0x3e3: {  	v2 =	vnsel vm6, $0x0, v4;
	v0 =	vadd.s32 v1, v0;
	v3 =	vadd.s32 v12, v3  }
0x3e4: {  	v1 =	vnsel vm5, $0x0, v5;
	v0 =	vadd.s32 v2, v0;
	v3 =	vadd.s32 v13, v3  }
0x3e5: {  	v2 =	vnsel vm4, $0x0, v7;
	v0 =	vadd.s32 v1, v0;
	v3 =	vadd.s32 v14, v3  }
0x3e6: {  	v1 =	vnsel vm3, $0x0, v8;
	v0 =	vadd.s32 v2, v0;
	v3 =	vadd.s32 v62, v3  }
0x3e7: {  	v2 =	vnsel vm2, $0x0, v9;
	v0 =	vadd.s32 v1, v0;
	v3 =	vadd.s32 v63, v3  }
0x3e8: {  	v1 =	vnsel vm1, $0x0, v10;
	v0 =	vadd.s32 v2, v0;
	(xrf0) =	vadd.scan.msk.s32 $0xffff, v3  }
0x3e9: {  	v2 =	vnsel vm0, $0x0, v11;
	v0 =	vadd.s32 v1, v0  }
0x3ea: {  	v1 =	vnsel vm11, $0x0, v12;
	v0 =	vadd.s32 v2, v0  }
0x3eb: {  	v0 =	vadd.s32 v1, v0;
	v1 =	vnsel vm13, $0x0, v14  }
0x3ec: {  	v2 =	vnsel vm12, $0x0, v13  }
0x3ed: {  	v0 =	vadd.s32 v2, v0  }
0x3ee: {  	v2 =	vnsel vm14, $0x0, v62;
	v0 =	vadd.s32 v1, v0;
	v1, _, _ =	vpop (xrf0)  }
0x3ef: {  	v0 =	vadd.s32 v2, v0;
	(v2sf) =	vpush v1, $0xF  }
0x3f0: {  	v0 =	vsub.s32 v0, v3  }
0x3f1: {  	s31 =	simm.s32 $0x10;
	s8 =	simm.s32 $0x2100;
	v0 =	vadd.s32 v1, v0  }
0x3f2: {  	s12 =	sand.u32 $0xF0, s31;
	[tilespmem:s8+$0x0] =	vst v0  }
0x3f3: {  	s10 =	simm.s32 $0x20;
	s9 =	simm.s32 $0x2210;
	v0 =	vld [tilespmem:s12+$0x2300]  }
.LBB2_31:
0x3f4: {  	p0 =	sne.s32 s10, $0xF0;
	v1 =	vld [tilespmem:s9+$0x0]  }
0x3f5: {  	v2 =	vld [tilespmem:s12+$0x2400]  }
0x3f6: {  	v3 =	vld [tilespmem:s12+$0x2500]  }
0x3f7: {  	v4 =	vld [tilespmem:s12+$0x2600]  }
0x3f8: {  	v5 =	vnsel vm10, $0x0, v0;
	v6 =	vld [tilespmem:s12+$0x2700]  }
0x3f9: {  	v7 =	vsel vm9, $0x0, v1;
	v0 =	vadd.s32 v1, v0;
	v1 =	vld [tilespmem:s12+$0x2800]  }
0x3fa: {  	v0 =	vadd.s32 v2, v0;
	v2 =	vnsel vm8, $0x0, v2;
	v8 =	vld [tilespmem:s12+$0x2900]  }
0x3fb: {  	v0 =	vadd.s32 v3, v0;
	v3 =	vnsel vm7, $0x0, v3;
	v9 =	vld [tilespmem:s12+$0x2A00]  }
0x3fc: {  	v0 =	vadd.s32 v4, v0;
	v4 =	vnsel vm6, $0x0, v4;
	v10 =	vld [tilespmem:s12+$0x2B00]  }
0x3fd: {  	v0 =	vadd.s32 v6, v0;
	v6 =	vnsel vm5, $0x0, v6;
	v11 =	vld [tilespmem:s12+$0x2C00]  }
0x3fe: {  	v0 =	vadd.s32 v1, v0;
	v1 =	vnsel vm4, $0x0, v1;
	v12 =	vld [tilespmem:s12+$0x2D00];
	s13 =	spop (v2sf)  }
0x3ff: {  	v0 =	vadd.s32 v8, v0;
	v8 =	vnsel vm3, $0x0, v8;
	v13 =	vld [tilespmem:s12+$0x2E00];
	s7 =	sadd.s32 s7, s13  }
0x400: {  	v0 =	vadd.s32 v9, v0;
	v9 =	vnsel vm2, $0x0, v9;
	v14 =	vld [tilespmem:s12+$0x2F00];
	v7 =	vadd.s32 s7, v7  }
0x401: {  	v0 =	vadd.s32 v10, v0;
	v10 =	vnsel vm1, $0x0, v10;
	v15 =	vld [tilespmem:s12+$0x3000];
	v5 =	vadd.s32 v5, v7  }
0x402: {  	v0 =	vadd.s32 v11, v0;
	v7 =	vnsel vm0, $0x0, v11;
	v11 =	vld [tilespmem:s12+$0x3100];
	v2 =	vadd.s32 v2, v5  }
0x403: {  	v0 =	vadd.s32 v12, v0;
	v5 =	vnsel vm11, $0x0, v12;
	v2 =	vadd.s32 v3, v2  }
0x404: {  	v0 =	vadd.s32 v13, v0;
	v3 =	vnsel vm12, $0x0, v13;
	v2 =	vadd.s32 v4, v2  }
0x405: {  	v0 =	vadd.s32 v14, v0;
	v4 =	vnsel vm13, $0x0, v14;
	v2 =	vadd.s32 v6, v2  }
0x406: {  	v0 =	vadd.s32 v15, v0;
	v6 =	vnsel vm14, $0x0, v15;
	v1 =	vadd.s32 v1, v2  }
0x407: {  	v0 =	vadd.s32 v11, v0;
	v1 =	vadd.s32 v8, v1  }
0x408: {  	v1 =	vadd.s32 v9, v1;
	(xrf0) =	vadd.scan.msk.s32 $0xffff, v0  }
0x409: {  	v1 =	vadd.s32 v10, v1  }
0x40a: {  	v1 =	vadd.s32 v7, v1  }
0x40b: {  	v1 =	vadd.s32 v5, v1  }
0x40c: {  	v1 =	vadd.s32 v3, v1  }
0x40d: {  	v1 =	vadd.s32 v4, v1  }
0x40e: {  	v1 =	vadd.s32 v6, v1;
	v2, _, _ =	vpop (xrf0)  }
.Ltmp15:
0x40f: {  	v0 =	vsub.s32 v1, v0;
	(v2sf) =	vpush v2, $0xF;
	(pc) =	sbr.rel @p0 .LBB2_31-.Ltmp15, $4  }
0x410: {  	s8 =	sadd.s32 $0x10, s8;
	v0 =	vadd.s32 v2, v0  }
0x411: {  	[tilespmem:s8+$0x0] =	vst v0  }
0x412: {  	s12 =	sand.u32 $0xF0, s10  }
0x413: {  	s9 =	sadd.s32 $0x10, s9;
	s10 =	sadd.s32 $0x10, s10;
	v0 =	vld [tilespmem:s12+$0x2300]  }
0x414: {  	v1 =	vld [tilespmem:s9+$0x0]  }
0x415: {  	v2 =	vld [tilespmem:s12+$0x2400]  }
0x416: {  	v3 =	vld [tilespmem:s12+$0x2500]  }
0x417: {  	v4 =	vld [tilespmem:s12+$0x2600]  }
0x418: {  	v5 =	vld [tilespmem:s12+$0x2700]  }
0x419: {  	v7 =	vld [tilespmem:s12+$0x2800];
	v6 =	vadd.s32 v1, v0  }
0x41a: {  	v8 =	vld [tilespmem:s12+$0x2900];
	v6 =	vadd.s32 v2, v6  }
0x41b: {  	v9 =	vld [tilespmem:s12+$0x2A00];
	v6 =	vadd.s32 v3, v6  }
0x41c: {  	v10 =	vld [tilespmem:s12+$0x2B00];
	v6 =	vadd.s32 v4, v6  }
0x41d: {  	v11 =	vld [tilespmem:s12+$0x2C00];
	v6 =	vadd.s32 v5, v6  }
0x41e: {  	v12 =	vld [tilespmem:s12+$0x2D00];
	v6 =	vadd.s32 v7, v6  }
0x41f: {  	v13 =	vld [tilespmem:s12+$0x2E00];
	v6 =	vadd.s32 v8, v6  }
0x420: {  	v14 =	vld [tilespmem:s12+$0x2F00];
	v6 =	vadd.s32 v9, v6  }
0x421: {  	v15 =	vld [tilespmem:s12+$0x3000];
	v6 =	vadd.s32 v10, v6  }
0x422: {  	v16 =	vld [tilespmem:s12+$0x3100];
	v6 =	vadd.s32 v11, v6  }
0x423: {  	v6 =	vadd.s32 v12, v6  }
0x424: {  	v6 =	vadd.s32 v13, v6  }
0x425: {  	v6 =	vadd.s32 v14, v6  }
0x426: {  	v6 =	vadd.s32 v15, v6  }
0x427: {  	v6 =	vadd.s32 v16, v6  }
0x428: {  	(xrf0) =	vadd.scan.msk.s32 $0xffff, v6  }
0x429: {  	s26 =	spop (v2sf)  }
0x42a: {  	v1 =	vsel vm9, $0x0, v1;
	s7 =	sadd.s32 s7, s26  }
0x42b: {  	v1 =	vadd.s32 s7, v1;
	_ =	sdelay $0x1  }
0x42c: {  	v0 =	vnsel vm10, $0x0, v0  }
0x42d: {  	v2 =	vnsel vm8, $0x0, v2;
	v0 =	vadd.s32 v0, v1;
	v1, _, _ =	vpop (xrf0)  }
0x42e: {  	v3 =	vnsel vm7, $0x0, v3;
	v0 =	vadd.s32 v2, v0;
	(v2sf) =	vpush v1, $0xF  }
0x42f: {  	v2 =	vnsel vm6, $0x0, v4;
	v0 =	vadd.s32 v3, v0  }
0x430: {  	v3 =	vnsel vm5, $0x0, v5;
	v0 =	vadd.s32 v2, v0  }
0x431: {  	v2 =	vnsel vm4, $0x0, v7;
	v0 =	vadd.s32 v3, v0  }
0x432: {  	v3 =	vnsel vm3, $0x0, v8;
	v0 =	vadd.s32 v2, v0  }
0x433: {  	v2 =	vnsel vm2, $0x0, v9;
	v0 =	vadd.s32 v3, v0  }
0x434: {  	v3 =	vnsel vm1, $0x0, v10;
	v0 =	vadd.s32 v2, v0  }
0x435: {  	v2 =	vnsel vm0, $0x0, v11;
	v0 =	vadd.s32 v3, v0  }
0x436: {  	v3 =	vnsel vm11, $0x0, v12;
	v0 =	vadd.s32 v2, v0  }
0x437: {  	v2 =	vnsel vm12, $0x0, v13;
	v0 =	vadd.s32 v3, v0  }
0x438: {  	v3 =	vnsel vm13, $0x0, v14;
	v0 =	vadd.s32 v2, v0  }
0x439: {  	v2 =	vnsel vm14, $0x0, v15;
	v0 =	vadd.s32 v3, v0  }
0x43a: {  	v0 =	vadd.s32 v2, v0  }
0x43b: {  	v0 =	vsub.s32 v0, v6  }
0x43c: {  	s28 =	sadd.s32 $0x10, s8;
	v0 =	vadd.s32 v1, v0  }
0x43d: {  	s7 =	simm.s32 $0x2;
	[tilespmem:s28+$0x0] =	vst v0;
	s29 =	spop (v2sf)  }
0x43e: {  	_ =	swait.ge [sflag:s7], $0x800  }
0x43f: {  	[sflag:s7] =	ssyncset.done $0x0  }
0x440: {  	s30 =	simm.s32 $0x0;
	[sflag:s7] =	ssyncadd.s32 $0xFFFFF800  }
0x441: {  	v0 =	vld [tilespmem:s30+$0x0];
	_ =	sdelay $0x4  }
0x442: {  	v1 =	vshrl.u32 v0, $0x18  }
0x443: {  	(xrf1) =	vunique.msk.u32 $0xffff, v1;
	_ =	sdelay $0xa  }
0x444: {  	s8 =	sand.u32 $0x7, s30;
	s7 =	simm.s32 $0x2100  }
0x445: {  	s10 =	simm.s32 $0x0;
	s31 =	sshll.u32 s8, $0x4;
	v2 =	vld.idx.msk [tilespmem:v1+s7+$0x0], $0xffff  }
0x446: {  	s9 =	sor.u32 s31, s10;
	v0 =	vlaneseq.u32  }
0x447: {  	v3 =	vor.u32 s9, v0;
	_, v63, vm15 =	vpop (xrf1);
	_ =	sdelay $0x2  }
0x448: {  	p1 =	sne.s32 s8, $0x7;
	v2 =	vadd.s32 v63, v2  }
0x449: {  	s8 =	simm.s32 $0x1800;
	s9 =	simm.s32 @!p1 $0x0;
	v2 =	vadd.s32 $0xFFFFFFFF, v2  }
0x44a: {  	s10 =	sand.u32 @!p1 $0x3FFFFF80, s9;
	[tilespmem:v3+s8+$0x0] =	vst.idx.msk $0xffff, v2  }
0x44b: {  	s14 =	simm.s32 @!p1 $0x80;
	s12 =	sadd.s32 @!p1 $0x1800, s10;
	[tilespmem:v1+s7+$0x0] =	vst.idx.add.s32.msk vm15, v63  }
0x44c: {  	[spmem:s4] =	stream.indirect.scatter @!p1 [tilespmem:s9], [sflag:$0x1], $0x1, s12, s14, $0xb8;
	[tilespmem:$0x5D90] =	vst v63  }
0x44d: {  	s13 =	simm.s32 @!p1 $0x800;
	s10 =	simm.s32 $0x10;
	s9 =	simm.s32 $0x1  }
.LBB2_33:
0x44e: {  	[spmem:s6] =	stream.indirect.scatter @!p1 [tilespmem:s13], [sflag:$0x1], $0x1, s12, s14, $0xb8;
	[tilespmem:$0x5D90] =	vst v63  }
0x44f: {  	s12 =	smov.u32 s9;
	s9 =	sadd.s32 $0x1, s9;
	v1 =	vld [tilespmem:s10+$0x0]  }
0x450: {  	p0 =	sne.s32 s9, $0x80;
	_ =	sdelay $0x3  }
0x451: {  	v1 =	vshrl.u32 v1, $0x18  }
0x452: {  	(xrf1) =	vunique.msk.u32 $0xffff, v1;
	_ =	sdelay $0x8  }
0x453: {  	v2 =	vld.idx.msk [tilespmem:v1+s7+$0x0], $0xffff;
	_ =	sdelay $0x1  }
0x454: {  	s13 =	sshrl.u32 s12, $0x3;
	s12 =	sand.u32 $0x7, s12  }
0x455: {  	s14 =	sshll.u32 s12, $0x4;
	s16 =	sshll.u32 s13, $0x7  }
0x456: {  	s14 =	sor.u32 s14, s16  }
0x457: {  	v3 =	vor.u32 s14, v0;
	_, v4, vm0 =	vpop (xrf1)  }
0x458: {  	v2 =	vadd.s32 v4, v2  }
0x459: {  	v2 =	vadd.s32 $0xFFFFFFFF, v2  }
0x45a: {  	p1 =	sne.s32 s12, $0x7  }
.Ltmp16:
0x45b: {  	s16 =	sshll.u32 @!p1 s13, $0x7;
	(pc) =	sbr.rel @p0 .LBB2_33-.Ltmp16, $4  }
0x45c: {  	s12 =	sand.u32 @!p1 $0x3FFFFF80, s16;
	s13 =	sadd.s32 @!p1 $0x800, s16;
	[tilespmem:v3+s8+$0x0] =	vst.idx.msk $0xffff, v2  }
0x45d: {  	s14 =	simm.s32 @!p1 $0x80;
	s12 =	sadd.s32 @!p1 $0x1800, s12;
	[tilespmem:v1+s7+$0x0] =	vst.idx.add.s32.msk vm0, v4  }
0x45e: {  	[spmem:s4] =	stream.indirect.scatter @!p1 [tilespmem:s16], [sflag:$0x1], $0x1, s12, s14, $0xb8;
	[tilespmem:$0x5D90] =	vst v63  }
0x45f: {  	s10 =	sadd.s32 $0x10, s10  }
0x460: {  	[spmem:s6] =	stream.indirect.scatter @!p1 [tilespmem:s13], [sflag:$0x1], $0x1, s12, s14, $0xb8;
	[tilespmem:$0x5D90] =	vst v63  }
0x461: {  	s16 =	simm.s32 $0x1  }
0x462: {  	_ =	swait.ge [sflag:s16], $0x80  }
0x463: {  	[sflag:s16] =	ssyncset.done $0x0  }
0x464: {  	[sflag:s16] =	ssyncadd.s32 $0xFFFFFF80  }
0x465: {  	_ =	swait.ge [sflag:s16], $0x80  }
0x466: {  	[sflag:s16] =	ssyncset.done $0x0  }
0x467: {  	[sflag:s16] =	ssyncadd.s32 $0xFFFFFF80  }
0x468: {  	_ =	swait.ge [sflag:s16], $0x80  }
0x469: {  	[sflag:s16] =	ssyncset.done $0x0  }
0x46a: {  	[sflag:s16] =	ssyncadd.s32 $0xFFFFFF80  }
0x46b: {  	_ =	swait.ge [sflag:s16], $0x80  }
0x46c: {  	[sflag:s16] =	ssyncset.done $0x0  }
0x46d: {  	[sflag:s16] =	ssyncadd.s32 $0xFFFFFF80  }
0x46e: {  	_ =	swait.ge [sflag:s16], $0x80  }
0x46f: {  	[sflag:s16] =	ssyncset.done $0x0  }
0x470: {  	[sflag:s16] =	ssyncadd.s32 $0xFFFFFF80  }
0x471: {  	_ =	swait.ge [sflag:s16], $0x80  }
0x472: {  	[sflag:s16] =	ssyncset.done $0x0  }
0x473: {  	[sflag:s16] =	ssyncadd.s32 $0xFFFFFF80  }
0x474: {  	_ =	swait.ge [sflag:s16], $0x80  }
0x475: {  	[sflag:s16] =	ssyncset.done $0x0  }
0x476: {  	[sflag:s16] =	ssyncadd.s32 $0xFFFFFF80  }
0x477: {  	_ =	swait.ge [sflag:s16], $0x80  }
0x478: {  	[sflag:s16] =	ssyncset.done $0x0  }
0x479: {  	[sflag:s16] =	ssyncadd.s32 $0xFFFFFF80  }
0x47a: {  	_ =	swait.ge [sflag:s16], $0x80  }
0x47b: {  	[sflag:s16] =	ssyncset.done $0x0  }
0x47c: {  	[sflag:s16] =	ssyncadd.s32 $0xFFFFFF80  }
0x47d: {  	_ =	swait.ge [sflag:s16], $0x80  }
0x47e: {  	[sflag:s16] =	ssyncset.done $0x0  }
0x47f: {  	[sflag:s16] =	ssyncadd.s32 $0xFFFFFF80  }
0x480: {  	_ =	swait.ge [sflag:s16], $0x80  }
0x481: {  	[sflag:s16] =	ssyncset.done $0x0  }
0x482: {  	[sflag:s16] =	ssyncadd.s32 $0xFFFFFF80  }
0x483: {  	_ =	swait.ge [sflag:s16], $0x80  }
0x484: {  	[sflag:s16] =	ssyncset.done $0x0  }
0x485: {  	[sflag:s16] =	ssyncadd.s32 $0xFFFFFF80  }
0x486: {  	_ =	swait.ge [sflag:s16], $0x80  }
0x487: {  	[sflag:s16] =	ssyncset.done $0x0  }
0x488: {  	[sflag:s16] =	ssyncadd.s32 $0xFFFFFF80  }
0x489: {  	_ =	swait.ge [sflag:s16], $0x80  }
0x48a: {  	[sflag:s16] =	ssyncset.done $0x0  }
0x48b: {  	[sflag:s16] =	ssyncadd.s32 $0xFFFFFF80  }
0x48c: {  	_ =	swait.ge [sflag:s16], $0x80  }
0x48d: {  	[sflag:s16] =	ssyncset.done $0x0  }
0x48e: {  	[sflag:s16] =	ssyncadd.s32 $0xFFFFFF80  }
0x48f: {  	_ =	swait.ge [sflag:s16], $0x80  }
0x490: {  	[sflag:s16] =	ssyncset.done $0x0  }
0x491: {  	[sflag:s16] =	ssyncadd.s32 $0xFFFFFF80  }
0x492: {  	_ =	swait.ge [sflag:s16], $0x80  }
0x493: {  	[sflag:s16] =	ssyncset.done $0x0  }
0x494: {  	[sflag:s16] =	ssyncadd.s32 $0xFFFFFF80  }
0x495: {  	_ =	swait.ge [sflag:s16], $0x80  }
0x496: {  	[sflag:s16] =	ssyncset.done $0x0  }
0x497: {  	[sflag:s16] =	ssyncadd.s32 $0xFFFFFF80  }
0x498: {  	_ =	swait.ge [sflag:s16], $0x80  }
0x499: {  	[sflag:s16] =	ssyncset.done $0x0  }
0x49a: {  	[sflag:s16] =	ssyncadd.s32 $0xFFFFFF80  }
0x49b: {  	_ =	swait.ge [sflag:s16], $0x80  }
0x49c: {  	[sflag:s16] =	ssyncset.done $0x0  }
0x49d: {  	[sflag:s16] =	ssyncadd.s32 $0xFFFFFF80  }
0x49e: {  	_ =	swait.ge [sflag:s16], $0x80  }
0x49f: {  	[sflag:s16] =	ssyncset.done $0x0  }
0x4a0: {  	[sflag:s16] =	ssyncadd.s32 $0xFFFFFF80  }
0x4a1: {  	_ =	swait.ge [sflag:s16], $0x80  }
0x4a2: {  	[sflag:s16] =	ssyncset.done $0x0  }
0x4a3: {  	[sflag:s16] =	ssyncadd.s32 $0xFFFFFF80  }
0x4a4: {  	_ =	swait.ge [sflag:s16], $0x80  }
0x4a5: {  	[sflag:s16] =	ssyncset.done $0x0  }
0x4a6: {  	[sflag:s16] =	ssyncadd.s32 $0xFFFFFF80  }
0x4a7: {  	_ =	swait.ge [sflag:s16], $0x80  }
0x4a8: {  	[sflag:s16] =	ssyncset.done $0x0  }
0x4a9: {  	[sflag:s16] =	ssyncadd.s32 $0xFFFFFF80  }
0x4aa: {  	_ =	swait.ge [sflag:s16], $0x80  }
0x4ab: {  	[sflag:s16] =	ssyncset.done $0x0  }
0x4ac: {  	[sflag:s16] =	ssyncadd.s32 $0xFFFFFF80  }
0x4ad: {  	_ =	swait.ge [sflag:s16], $0x80  }
0x4ae: {  	[sflag:s16] =	ssyncset.done $0x0  }
0x4af: {  	[sflag:s16] =	ssyncadd.s32 $0xFFFFFF80  }
0x4b0: {  	_ =	swait.ge [sflag:s16], $0x80  }
0x4b1: {  	[sflag:s16] =	ssyncset.done $0x0  }
0x4b2: {  	[sflag:s16] =	ssyncadd.s32 $0xFFFFFF80  }
0x4b3: {  	_ =	swait.ge [sflag:s16], $0x80  }
0x4b4: {  	[sflag:s16] =	ssyncset.done $0x0  }
0x4b5: {  	[sflag:s16] =	ssyncadd.s32 $0xFFFFFF80  }
0x4b6: {  	_ =	swait.ge [sflag:s16], $0x80  }
0x4b7: {  	[sflag:s16] =	ssyncset.done $0x0  }
0x4b8: {  	[sflag:s16] =	ssyncadd.s32 $0xFFFFFF80  }
0x4b9: {  	_ =	swait.ge [sflag:s16], $0x80  }
0x4ba: {  	[sflag:s16] =	ssyncset.done $0x0  }
0x4bb: {  	[sflag:s16] =	ssyncadd.s32 $0xFFFFFF80  }
0x4bc: {  	_ =	swait.ge [sflag:s16], $0x80  }
0x4bd: {  	[sflag:s16] =	ssyncset.done $0x0  }
0x4be: {  	[sflag:s16] =	ssyncadd.s32 $0xFFFFFF80  }
0x4bf: {  	_ =	swait.ge [sflag:s16], $0x80  }
0x4c0: {  	[sflag:s16] =	ssyncset.done $0x0  }
0x4c1: {  	[sflag:s16] =	ssyncadd.s32 $0xFFFFFF80  }
0x4c2: {  	s6 =	simm.s32 $0x0;
	[bflag:$0x0] =	sbarrier.arrive $0xFFFF  }
0x4c3: {  	[tilespmem:s6], [sflag:$0x3] =	stream.linear.gather [spmem:s11], $0x800, $0x38;
	[tilespmem:$0x5D90] =	vst v63  }
0x4c4: {  	s7 =	simm.s32 $0x800;
	s8 =	simm.s32 $0x4  }
0x4c5: {  	[tilespmem:s7], [sflag:$0x4] =	stream.linear.gather [spmem:s15], $0x800, $0x38;
	[tilespmem:$0x5D90] =	vst v63  }
0x4c6: {  	_ =	swait.ge [sflag:s8], $0x800  }
0x4c7: {  	[sflag:s8] =	ssyncset.done $0x0  }
0x4c8: {  	s9 =	simm.s32 $0x1000;
	[sflag:s8] =	ssyncadd.s32 $0xFFFFF800;
	s8 =	simm.s32 $0x80  }
0x4c9: {  	[tilespmem:s9], [sflag:$0x1] =	stream.indirect.gather [spmem:s5], $0x1, s7, s8, $0xb8;
	[tilespmem:$0x5D90] =	vst v63  }
0x4ca: {  	s17 =	simm.s32 $0x880;
	s18 =	simm.s32 $0x1080  }
0x4cb: {  	[tilespmem:s18], [sflag:$0x1] =	stream.indirect.gather [spmem:s5], $0x1, s17, s8, $0xb8;
	[tilespmem:$0x5D90] =	vst v63  }
0x4cc: {  	s19 =	simm.s32 $0x900;
	s20 =	simm.s32 $0x1100  }
0x4cd: {  	[tilespmem:s20], [sflag:$0x1] =	stream.indirect.gather [spmem:s5], $0x1, s19, s8, $0xb8;
	[tilespmem:$0x5D90] =	vst v63  }
0x4ce: {  	s21 =	simm.s32 $0x980;
	s22 =	simm.s32 $0x1180  }
0x4cf: {  	[tilespmem:s22], [sflag:$0x1] =	stream.indirect.gather [spmem:s5], $0x1, s21, s8, $0xb8;
	[tilespmem:$0x5D90] =	vst v63  }
0x4d0: {  	s23 =	simm.s32 $0xA00;
	s24 =	simm.s32 $0x1200  }
0x4d1: {  	[tilespmem:s24], [sflag:$0x1] =	stream.indirect.gather [spmem:s5], $0x1, s23, s8, $0xb8;
	[tilespmem:$0x5D90] =	vst v63  }
0x4d2: {  	s25 =	simm.s32 $0xA80;
	s26 =	simm.s32 $0x1280  }
0x4d3: {  	[tilespmem:s26], [sflag:$0x1] =	stream.indirect.gather [spmem:s5], $0x1, s25, s8, $0xb8;
	[tilespmem:$0x5D90] =	vst v63  }
0x4d4: {  	s28 =	simm.s32 $0xB00;
	s29 =	simm.s32 $0x1300  }
0x4d5: {  	[tilespmem:s29], [sflag:$0x1] =	stream.indirect.gather [spmem:s5], $0x1, s28, s8, $0xb8;
	[tilespmem:$0x5D90] =	vst v63  }
0x4d6: {  	s30 =	simm.s32 $0xB80;
	s31 =	simm.s32 $0x1380  }
0x4d7: {  	[tilespmem:s31], [sflag:$0x1] =	stream.indirect.gather [spmem:s5], $0x1, s30, s8, $0xb8;
	[tilespmem:$0x5D90] =	vst v63  }
0x4d8: {  	s10 =	simm.s32 $0x1400;
	s9 =	simm.s32 $0xC00  }
0x4d9: {  	[tilespmem:s10], [sflag:$0x1] =	stream.indirect.gather [spmem:s5], $0x1, s9, s8, $0xb8;
	[tilespmem:$0x5D90] =	vst v63  }
0x4da: {  	s12 =	simm.s32 $0x1480;
	s11 =	simm.s32 $0xC80  }
0x4db: {  	[tilespmem:s12], [sflag:$0x1] =	stream.indirect.gather [spmem:s5], $0x1, s11, s8, $0xb8;
	[tilespmem:$0x5D90] =	vst v63  }
0x4dc: {  	s13 =	simm.s32 $0xD00;
	s14 =	simm.s32 $0x1500  }
0x4dd: {  	[tilespmem:s14], [sflag:$0x1] =	stream.indirect.gather [spmem:s5], $0x1, s13, s8, $0xb8;
	[tilespmem:$0x5D90] =	vst v63  }
0x4de: {  	s16 =	simm.s32 $0x1580;
	s15 =	simm.s32 $0xD80  }
0x4df: {  	[tilespmem:s16], [sflag:$0x1] =	stream.indirect.gather [spmem:s5], $0x1, s15, s8, $0xb8;
	[tilespmem:$0x5D90] =	vst v63  }
0x4e0: {  	s17 =	simm.s32 $0xE00;
	s18 =	simm.s32 $0x1600  }
0x4e1: {  	[tilespmem:s18], [sflag:$0x1] =	stream.indirect.gather [spmem:s5], $0x1, s17, s8, $0xb8;
	[tilespmem:$0x5D90] =	vst v63  }
0x4e2: {  	s19 =	simm.s32 $0xE80;
	s20 =	simm.s32 $0x1680  }
0x4e3: {  	[tilespmem:s20], [sflag:$0x1] =	stream.indirect.gather [spmem:s5], $0x1, s19, s8, $0xb8;
	[tilespmem:$0x5D90] =	vst v63  }
0x4e4: {  	s21 =	simm.s32 $0xF00;
	s22 =	simm.s32 $0x1700  }
0x4e5: {  	[tilespmem:s22], [sflag:$0x1] =	stream.indirect.gather [spmem:s5], $0x1, s21, s8, $0xb8;
	[tilespmem:$0x5D90] =	vst v63  }
0x4e6: {  	s23 =	simm.s32 $0xF80;
	s24 =	simm.s32 $0x1780;
	s25 =	simm.s32 $0x3  }
0x4e7: {  	[tilespmem:s24], [sflag:$0x1] =	stream.indirect.gather [spmem:s5], $0x1, s23, s8, $0xb8;
	[tilespmem:$0x5D90] =	vst v63  }
0x4e8: {  	_ =	swait.ge [sflag:s25], $0x800  }
0x4e9: {  	[sflag:s25] =	ssyncset.done $0x0  }
0x4ea: {  	s26 =	simm.s32 $0x0;
	[sflag:s25] =	ssyncadd.s32 $0xFFFFF800  }
0x4eb: {  	v0 =	vld [tilespmem:s26+$0x0]  }
0x4ec: {  	s28 =	simm.s32 $0x10;
	v1 =	vld [tilespmem:s26+$0x1]  }
0x4ed: {  	v2 =	vld [tilespmem:s28+$0x0]  }
0x4ee: {  	s29 =	simm.s32 $0x20;
	v3 =	vld [tilespmem:s28+$0x1]  }
0x4ef: {  	v4 =	vld [tilespmem:s29+$0x0]  }
0x4f0: {  	v5 =	vld [tilespmem:s29+$0x1];
	_ =	sdelay $0x1  }
0x4f1: {  	vm0 =	vgt.u32 v0, v1;
	v0 =	vimm.s32 $0x0  }
0x4f2: {  	v1 =	vsel vm0, $0x1, v0  }
0x4f3: {  	vm13 =	vgt.u32 v2, v3;
	(xrf0) =	vadd.scan.msk.s32 $0xffff, v1  }
0x4f4: {  	vm14 =	vgt.u32 v4, v5;
	v1 =	vsel vm13, $0x1, v0  }
0x4f5: {  	s30 =	simm.s32 $0x30;
	v2 =	vsel vm14, $0x1, v0;
	(xrf0) =	vadd.scan.msk.s32 $0xffff, v1  }
0x4f6: {  	v3 =	vld [tilespmem:s30+$0x1];
	(xrf0) =	vadd.scan.msk.s32 $0xffff, v2  }
0x4f7: {  	v1 =	vld [tilespmem:s30+$0x0];
	_ =	sdelay $0x1  }
0x4f8: {  	v2, _, _ =	vpop (xrf0)  }
0x4f9: {  	(v2sf) =	vpush v2, $0xF  }
0x4fa: {  	v2, _, _ =	vpop (xrf0)  }
0x4fb: {  	vm15 =	vgt.u32 v1, v3;
	(v2sf) =	vpush v2, $0xF;
	v3, _, _ =	vpop (xrf0)  }
0x4fc: {  	(v2sf) =	vpush v3, $0xF;
	_ =	sdelay $0x4  }
0x4fd: {  	s31 =	simm.s32 $0x40  }
0x4fe: {  	v1 =	vld [tilespmem:s31+$0x0];
	v2 =	vsel vm15, $0x1, v0  }
0x4ff: {  	(xrf0) =	vadd.scan.msk.s32 $0xffff, v2;
	v2 =	vld [tilespmem:s31+$0x1];
	_ =	sdelay $0x1  }
0x500: {  	s5 =	simm.s32 $0x140  }
.LBB2_35:
0x501: {  	p0 =	sne.s32 s5, $0x1F80  }
.Ltmp17:
0x502: {  	s7 =	sshra.s32 s5, $0x2;
	(pc) =	sbr.rel @p0 .LBB2_35-.Ltmp17, $4  }
0x503: {  	s5 =	sadd.s32 $0x40, s5;
	s8 =	spop (v2sf);
	vm0 =	vgt.u32 v1, v2;
	v1 =	vld [tilespmem:s7+$0x0]  }
0x504: {  	s6 =	sadd.s32 s6, s8;
	v2 =	vld [tilespmem:s7+$0x1];
	v4 =	vsel vm0, $0x1, v0  }
0x505: {  	(xrf0) =	vadd.scan.msk.s32 $0xffff, v4;
	v3, _, _ =	vpop (xrf0)  }
0x506: {  	(v2sf) =	vpush v3, $0xF  }
0x507: {  	v3 =	vld [tilespmem:$0x7EF]  }
0x508: {  	v4 =	vld [tilespmem:$0x7F0];
	_ =	sdelay $0x3  }
0x509: {  	vm0 =	vgt.u32 v1, v2  }
0x50a: {  	v1 =	vsel vm0, $0x1, v0;
	v0 =	vimm.s32 $0x0;
	vm11 =	vgt.u32 v3, v4  }
0x50b: {  	(xrf0) =	vadd.scan.msk.s32 $0xffff, v1;
	v1 =	vsel vm11, $0x1, v0  }
0x50c: {  	(xrf0) =	vadd.scan.msk.s32 $0xffff, v1;
	_ =	sdelay $0x3  }
0x50d: {  	v1, _, _ =	vpop (xrf0)  }
0x50e: {  	(v2sf) =	vpush v1, $0xF;
	v1, _, _ =	vpop (xrf0)  }
0x50f: {  	(v2sf) =	vpush v1, $0xF;
	v1, _, _ =	vpop (xrf0)  }
0x510: {  	(v2sf) =	vpush v1, $0xF;
	_ =	sdelay $0x9  }
0x511: {  	s11 =	spop (v2sf)  }
0x512: {  	s10 =	spop (v2sf)  }
0x513: {  	s9 =	spop (v2sf)  }
0x514: {  	s8 =	spop (v2sf)  }
0x515: {  	s7 =	spop (v2sf)  }
0x516: {  	s12 =	simm.s32 $0x1;
	s5 =	spop (v2sf)  }
0x517: {  	_ =	swait.ge [sflag:s12], $0x80  }
0x518: {  	[sflag:s12] =	ssyncset.done $0x0  }
0x519: {  	[sflag:s12] =	ssyncadd.s32 $0xFFFFFF80  }
0x51a: {  	_ =	swait.ge [sflag:s12], $0x80  }
0x51b: {  	[sflag:s12] =	ssyncset.done $0x0  }
0x51c: {  	[sflag:s12] =	ssyncadd.s32 $0xFFFFFF80  }
0x51d: {  	_ =	swait.ge [sflag:s12], $0x80  }
0x51e: {  	[sflag:s12] =	ssyncset.done $0x0  }
0x51f: {  	[sflag:s12] =	ssyncadd.s32 $0xFFFFFF80  }
0x520: {  	_ =	swait.ge [sflag:s12], $0x80  }
0x521: {  	[sflag:s12] =	ssyncset.done $0x0  }
0x522: {  	[sflag:s12] =	ssyncadd.s32 $0xFFFFFF80  }
0x523: {  	_ =	swait.ge [sflag:s12], $0x80  }
0x524: {  	[sflag:s12] =	ssyncset.done $0x0  }
0x525: {  	[sflag:s12] =	ssyncadd.s32 $0xFFFFFF80  }
0x526: {  	_ =	swait.ge [sflag:s12], $0x80  }
0x527: {  	[sflag:s12] =	ssyncset.done $0x0  }
0x528: {  	[sflag:s12] =	ssyncadd.s32 $0xFFFFFF80  }
0x529: {  	_ =	swait.ge [sflag:s12], $0x80  }
0x52a: {  	[sflag:s12] =	ssyncset.done $0x0  }
0x52b: {  	[sflag:s12] =	ssyncadd.s32 $0xFFFFFF80  }
0x52c: {  	_ =	swait.ge [sflag:s12], $0x80  }
0x52d: {  	[sflag:s12] =	ssyncset.done $0x0  }
0x52e: {  	[sflag:s12] =	ssyncadd.s32 $0xFFFFFF80  }
0x52f: {  	_ =	swait.ge [sflag:s12], $0x80  }
0x530: {  	[sflag:s12] =	ssyncset.done $0x0  }
0x531: {  	[sflag:s12] =	ssyncadd.s32 $0xFFFFFF80  }
0x532: {  	_ =	swait.ge [sflag:s12], $0x80  }
0x533: {  	[sflag:s12] =	ssyncset.done $0x0  }
0x534: {  	[sflag:s12] =	ssyncadd.s32 $0xFFFFFF80  }
0x535: {  	_ =	swait.ge [sflag:s12], $0x80  }
0x536: {  	[sflag:s12] =	ssyncset.done $0x0  }
0x537: {  	[sflag:s12] =	ssyncadd.s32 $0xFFFFFF80  }
0x538: {  	_ =	swait.ge [sflag:s12], $0x80  }
0x539: {  	[sflag:s12] =	ssyncset.done $0x0  }
0x53a: {  	[sflag:s12] =	ssyncadd.s32 $0xFFFFFF80  }
0x53b: {  	_ =	swait.ge [sflag:s12], $0x80  }
0x53c: {  	[sflag:s12] =	ssyncset.done $0x0  }
0x53d: {  	[sflag:s12] =	ssyncadd.s32 $0xFFFFFF80  }
0x53e: {  	_ =	swait.ge [sflag:s12], $0x80  }
0x53f: {  	[sflag:s12] =	ssyncset.done $0x0  }
0x540: {  	[sflag:s12] =	ssyncadd.s32 $0xFFFFFF80  }
0x541: {  	_ =	swait.ge [sflag:s12], $0x80  }
0x542: {  	[sflag:s12] =	ssyncset.done $0x0  }
0x543: {  	[sflag:s12] =	ssyncadd.s32 $0xFFFFFF80  }
0x544: {  	_ =	swait.ge [sflag:s12], $0x80  }
0x545: {  	[sflag:s12] =	ssyncset.done $0x0  }
0x546: {  	s26 =	simm.s32 $0x0;
	[sflag:s12] =	ssyncadd.s32 $0xFFFFFF80  }
0x547: {  	v1 =	vld [tilespmem:s26+$0x1000]  }
0x548: {  	s28 =	simm.s32 $0x10;
	v2 =	vld [tilespmem:s26+$0x0]  }
0x549: {  	v3 =	vld [tilespmem:s28+$0x1000]  }
0x54a: {  	s29 =	simm.s32 $0x20;
	v63 =	vld [tilespmem:s28+$0x0]  }
0x54b: {  	v5 =	vld [tilespmem:s29+$0x1000]  }
0x54c: {  	v6 =	vld [tilespmem:s29+$0x0];
	_ =	sdelay $0x1  }
0x54d: {  	vm12 =	vne.s32 v1, v2  }
0x54e: {  	v1 =	vsel vm12, $0x1, v0  }
0x54f: {  	vm13 =	vne.s32 v3, v63;
	(xrf0) =	vadd.scan.msk.s32 $0xffff, v1  }
0x550: {  	vm14 =	vne.s32 v5, v6;
	v1 =	vsel vm13, $0x1, v0  }
0x551: {  	s30 =	simm.s32 $0x30;
	v2 =	vsel vm14, $0x1, v0;
	(xrf0) =	vadd.scan.msk.s32 $0xffff, v1  }
0x552: {  	v3 =	vld [tilespmem:s30+$0x0];
	(xrf0) =	vadd.scan.msk.s32 $0xffff, v2  }
0x553: {  	v1 =	vld [tilespmem:s30+$0x1000];
	_ =	sdelay $0x1  }
0x554: {  	v2, _, _ =	vpop (xrf0)  }
0x555: {  	(v2sf) =	vpush v2, $0xF  }
0x556: {  	v2, _, _ =	vpop (xrf0)  }
0x557: {  	vm15 =	vne.s32 v1, v3;
	(v2sf) =	vpush v2, $0xF;
	v3, _, _ =	vpop (xrf0)  }
0x558: {  	(v2sf) =	vpush v3, $0xF;
	_ =	sdelay $0x3  }
0x559: {  	s6 =	sadd.s32 s6, s11  }
0x55a: {  	s31 =	simm.s32 $0x40;
	s6 =	sadd.s32 s6, s10  }
0x55b: {  	s6 =	sadd.s32 s6, s9;
	v1 =	vld [tilespmem:s31+$0x1000];
	v2 =	vsel vm15, $0x1, v0  }
0x55c: {  	s6 =	sadd.s32 s6, s8;
	(xrf0) =	vadd.scan.msk.s32 $0xffff, v2;
	v2 =	vld [tilespmem:s31+$0x0]  }
0x55d: {  	s6 =	sadd.s32 s6, s7  }
0x55e: {  	s5 =	sadd.s32 s6, s5;
	s6 =	simm.s32 $0x140  }
.LBB2_37:
0x55f: {  	p0 =	sne.s32 s6, $0x1FC0  }
.Ltmp18:
0x560: {  	s7 =	sshra.s32 s6, $0x2;
	(pc) =	sbr.rel @p0 .LBB2_37-.Ltmp18, $4  }
0x561: {  	s6 =	sadd.s32 $0x40, s6;
	s8 =	spop (v2sf);
	vm0 =	vne.s32 v1, v2;
	v1 =	vld [tilespmem:s7+$0x1000]  }
0x562: {  	s5 =	sadd.s32 s5, s8;
	v2 =	vld [tilespmem:s7+$0x0];
	v4 =	vsel vm0, $0x1, v0  }
0x563: {  	(xrf0) =	vadd.scan.msk.s32 $0xffff, v4;
	v3, _, _ =	vpop (xrf0)  }
0x564: {  	(v2sf) =	vpush v3, $0xF  }
0x565: {  	_ =	sdelay $0x1  }
0x566: {  	vm0 =	vne.s32 v1, v2  }
0x567: {  	v0 =	vsel vm0, $0x1, v0  }
0x568: {  	(xrf0) =	vadd.scan.msk.s32 $0xffff, v0;
	_ =	sdelay $0x4  }
0x569: {  	v0, _, _ =	vpop (xrf0)  }
0x56a: {  	(v2sf) =	vpush v0, $0xF;
	v0, _, _ =	vpop (xrf0)  }
0x56b: {  	(v2sf) =	vpush v0, $0xF;
	_ =	sdelay $0x7  }
0x56c: {  	p0 =	seq.s32 s3, $0xF  }
0x56d: {  	s8 =	sshll.u32 @!p0 s3, $0xB  }
0x56e: {  	s6 =	spop (v2sf);
	s4 =	sadd.s32 @!p0 s8, s4  }
0x56f: {  	s7 =	spop (v2sf);
	s10 =	simm.s32 @!p0 $0x3200;
	s4 =	sadd.s32 @!p0 $0x800, s4  }
0x570: {  	[tilespmem:s10], [sflag:$0x4] =	stream.linear.gather @!p0 [spmem:s4], $0x10, $0x38;
	[tilespmem:$0x5D90] =	vst v63  }
0x571: {  	s9 =	spop (v2sf)  }
0x572: {  	v0 =	vimm.s32 $0x7FF;
	s28 =	spop (v2sf)  }
0x573: {  	s4 =	simm.s32 @!p0 $0x4;
	s29 =	spop (v2sf)  }
0x574: {  	_ =	swait.ge @!p0 [sflag:s4], $0x10  }
0x575: {  	[sflag:s4] =	ssyncset.done @!p0 $0x0  }
0x576: {  	[sflag:s4] =	ssyncadd.s32 @!p0 $0xFFFFFFF0;
	s4 =	simm.s32 $0x0  }
0x577: {  	v0 =	vld.idx.msk [tilespmem:v0+s4+$0x0], $0xffff  }
0x578: {  	v1 =	vld [tilespmem:$0x3200];
	_ =	sdelay $0x4  }
0x579: {  	vm1 =	vmmov $0x1;
	vm14 =	vgt.u32 v0, v1  }
0x57a: {  	v0 =	vimm.s32 $0x0;
	vm0 =	vmand vm14, vm1  }
0x57b: {  	v1 =	vsel vm0, $0x1, v0  }
0x57c: {  	(xrf0) =	vadd.scan.msk.s32 $0xffff, v1;
	_ =	sdelay $0x5  }
0x57d: {  	v1, _, _ =	vpop (xrf0)  }
0x57e: {  	(v2sf) =	vpush v1, $0xF;
	_ =	sdelay $0xb  }
0x57f: {  	s5 =	sadd.s32 s5, s6  }
0x580: {  	s5 =	sadd.s32 s5, s7  }
0x581: {  	s5 =	sadd.s32 s5, s9  }
0x582: {  	s5 =	sadd.s32 s5, s28;
	s6 =	spop (v2sf)  }
0x583: {  	s5 =	sadd.s32 s5, s29;
	s6 =	simm.s32 @p0 $0x0  }
0x584: {  	s5 =	sadd.s32 s5, s6  }
0x585: {  	vm15 =	vcmask $0x300;
	v1 =	vmov s5  }
0x586: {  	s30 =	sshll.u32 s3, $0x4;
	v1 =	vnsel vm15, $0x0, v1  }
0x587: {  	s31 =	simm.s32 $0x3280;
	s5 =	sadd.s32 s30, s2;
	[tilespmem:$0x3280] =	vst v1  }
0x588: {  	[spmem:s5] =	stream.linear.scatter [tilespmem:s31], [sflag:$0x4], $0x10, $0x38;
	[tilespmem:$0x5D90] =	vst v63  }
0x589: {  	s5 =	simm.s32 $0x4  }
0x58a: {  	_ =	swait.ge [sflag:s5], $0x10  }
0x58b: {  	[sflag:s5] =	ssyncset.done $0x0  }
0x58c: {  	[sflag:s5] =	ssyncadd.s32 $0xFFFFFFF0  }
0x58d: {  	p0 =	sne.s32 s3, $0x0;
	[bflag:$0x0] =	sbarrier.arrive $0xFFFF  }
0x58e: {  	_ =	sfence.sel @p0 $0x180000  }
0x58f: {  	[bflag:$0x0] =	sbarrier.arrive @p0 $0xFFFF  }
0x590: {  	_ =	strace @p0 $0x90000047  }
0x591: {  	[bflag:$0x2] =	sbarrier.arrive @p0 $0xFFFF  }
0x592: {  	_ =	shalt @p0  }
.LBB2_39:
0x593: {  	s3 =	simm.s32 $0x3300  }
0x594: {  	[tilespmem:s3], [sflag:$0x4] =	stream.linear.gather [spmem:s2], $0x100, $0x38;
	[tilespmem:$0x5D90] =	vst v63  }
0x595: {  	_ =	swait.ge [sflag:s5], $0x100  }
0x596: {  	[sflag:s5] =	ssyncset.done $0x0  }
0x597: {  	[sflag:s5] =	ssyncadd.s32 $0xFFFFFF00  }
0x598: {  	v1 =	vld [tilespmem:$0x3300]  }
0x599: {  	v2 =	vld [tilespmem:$0x3310]  }
0x59a: {  	v3 =	vld [tilespmem:$0x3320]  }
0x59b: {  	v4 =	vld [tilespmem:$0x3330]  }
0x59c: {  	v5 =	vld [tilespmem:$0x3340]  }
0x59d: {  	v38 =	vld [tilespmem:$0x3350];
	(xrf0) =	vadd.scan.msk.s32 $0xffff, v1  }
0x59e: {  	v39 =	vld [tilespmem:$0x3360];
	(xrf0) =	vadd.scan.msk.s32 $0xffff, v2  }
0x59f: {  	v40 =	vld [tilespmem:$0x3370];
	(xrf0) =	vadd.scan.msk.s32 $0xffff, v3  }
0x5a0: {  	v41 =	vld [tilespmem:$0x3380];
	(xrf0) =	vadd.scan.msk.s32 $0xffff, v4  }
0x5a1: {  	v42 =	vld [tilespmem:$0x3390];
	(xrf0) =	vadd.scan.msk.s32 $0xffff, v5  }
0x5a2: {  	v43 =	vld [tilespmem:$0x33A0];
	(xrf0) =	vadd.scan.msk.s32 $0xffff, v38  }
0x5a3: {  	v44 =	vld [tilespmem:$0x33B0];
	v6, _, _ =	vpop (xrf0);
	(xrf0) =	vadd.scan.msk.s32 $0xffff, v39  }
0x5a4: {  	v46 =	vld [tilespmem:$0x33C0];
	(v2sf) =	vpush v6, $0xF;
	v45, _, _ =	vpop (xrf0);
	(xrf0) =	vadd.scan.msk.s32 $0xffff, v40  }
0x5a5: {  	v48 =	vld [tilespmem:$0x33D0];
	(v2sf) =	vpush v45, $0xF;
	v47, _, _ =	vpop (xrf0);
	(xrf0) =	vadd.scan.msk.s32 $0xffff, v41  }
0x5a6: {  	v50 =	vld [tilespmem:$0x33E0];
	(v2sf) =	vpush v47, $0xF;
	v49, _, _ =	vpop (xrf0);
	(xrf0) =	vadd.scan.msk.s32 $0xffff, v42  }
0x5a7: {  	v52 =	vld [tilespmem:$0x33F0];
	(v2sf) =	vpush v49, $0xF;
	v51, _, _ =	vpop (xrf0);
	(xrf0) =	vadd.scan.msk.s32 $0xffff, v43  }
0x5a8: {  	(v2sf) =	vpush v51, $0xF;
	v53, _, _ =	vpop (xrf0);
	(xrf0) =	vadd.scan.msk.s32 $0xffff, v44  }
0x5a9: {  	(v2sf) =	vpush v53, $0xF;
	v54, _, _ =	vpop (xrf0);
	(xrf0) =	vadd.scan.msk.s32 $0xffff, v46  }
0x5aa: {  	(v2sf) =	vpush v54, $0xF;
	v55, _, _ =	vpop (xrf0);
	(xrf0) =	vadd.scan.msk.s32 $0xffff, v48  }
0x5ab: {  	(v2sf) =	vpush v55, $0xF;
	v56, _, _ =	vpop (xrf0);
	(xrf0) =	vadd.scan.msk.s32 $0xffff, v50  }
0x5ac: {  	(v2sf) =	vpush v56, $0xF;
	v57, _, _ =	vpop (xrf0);
	(xrf0) =	vadd.scan.msk.s32 $0xffff, v52  }
0x5ad: {  	v58, _, _ =	vpop (xrf0);
	(v2sf) =	vpush v57, $0xF  }
0x5ae: {  	v59, _, _ =	vpop (xrf0);
	(v2sf) =	vpush v58, $0xF  }
0x5af: {  	v60, _, _ =	vpop (xrf0);
	(v2sf) =	vpush v59, $0xF  }
0x5b0: {  	v61, _, _ =	vpop (xrf0);
	(v2sf) =	vpush v60, $0xF  }
0x5b1: {  	v62, _, _ =	vpop (xrf0);
	(v2sf) =	vpush v61, $0xF  }
0x5b2: {  	(v2sf) =	vpush v62, $0xF;
	v63, _, _ =	vpop (xrf0)  }
0x5b3: {  	s13 =	spop (v2sf);
	(v2sf) =	vpush v63, $0xF  }
0x5b4: {  	s14 =	spop (v2sf)  }
0x5b5: {  	s2 =	sadd.s32 s13, s14;
	s15 =	spop (v2sf)  }
0x5b6: {  	s2 =	sadd.s32 s2, s15;
	s16 =	spop (v2sf)  }
0x5b7: {  	s2 =	sadd.s32 s2, s16;
	s17 =	spop (v2sf)  }
0x5b8: {  	s2 =	sadd.s32 s2, s17;
	s18 =	spop (v2sf)  }
0x5b9: {  	s2 =	sadd.s32 s2, s18;
	s19 =	spop (v2sf)  }
0x5ba: {  	s2 =	sadd.s32 s2, s19;
	s20 =	spop (v2sf)  }
0x5bb: {  	s2 =	sadd.s32 s2, s20;
	s21 =	spop (v2sf)  }
0x5bc: {  	s2 =	sadd.s32 s2, s21;
	s22 =	spop (v2sf)  }
0x5bd: {  	s2 =	sadd.s32 s2, s22;
	s23 =	spop (v2sf)  }
0x5be: {  	s2 =	sadd.s32 s2, s23;
	s24 =	spop (v2sf)  }
0x5bf: {  	s2 =	sadd.s32 s2, s24;
	s25 =	spop (v2sf)  }
0x5c0: {  	s2 =	sadd.s32 s2, s25;
	s26 =	spop (v2sf)  }
0x5c1: {  	s2 =	sadd.s32 s2, s26;
	s28 =	spop (v2sf)  }
0x5c2: {  	s2 =	sadd.s32 s2, s28;
	s29 =	spop (v2sf)  }
0x5c3: {  	s2 =	sadd.s32 s2, s29  }
0x5c4: {  	vm0 =	vmxor vm0, vm0;
	p0 =	seq.s32 s2, $0x0  }
0x5c5: {  	vm0 =	vmneg @p0 vm0  }
0x5c6: {  	v0 =	vsel vm0, $0x1, v0  }
0x5c7: {  	s30 =	simm.s32 $0x3400;
	[tilespmem:$0x3400] =	vst v0  }
0x5c8: {  	[hbm4b:s0+s4] =	stream.linear.scatter [tilespmem:s30], [sflag:$0x4], $0x80, $0x38;
	[tilespmem:$0x5D90] =	vst v63  }
0x5c9: {  	_ =	swait.ge [sflag:s5], $0x80  }
0x5ca: {  	[sflag:s5] =	ssyncset.done $0x0  }
0x5cb: {  	[sflag:s5] =	ssyncadd.s32 $0xFFFFFF80  }
0x5cc: {  	_ =	sfence.sel $0x180000  }
0x5cd: {  	[bflag:$0x0] =	sbarrier.arrive $0xFFFF  }
0x5ce: {  	_ =	strace $0x90000047  }
0x5cf: {  	s31 =	sadd.s32 $0x100000, s1;
	[bflag:$0x2] =	sbarrier.arrive $0xFFFF  }
0x5d0: {  	[sflag:s31] =	ssyncadd.tile.s32 $0x1;
	_ =	shalt  }
.Lfunc_end2:
_tile_overlayer_lowered:
.L_overlay_start_2:
0x5d1: {  	(tag) =	ssettag $0x2  }
0x5d2: {  	s0 =	rddreg [dreg:$0x0];
	s2 =	stileid.u32  }
0x5d3: {  	s1 =	rddreg [dreg:$0x1];
	p0 =	sne.s32 s2, $0x0  }
0x5d4: {  	s3 =	rddreg [dreg:$0x2];
	[bflag:$0x3] =	sbarrier.arrive $0xFFFF;
	s2 =	simm.s32 @!p0 $0x1C04  }
0x5d5: {  	[timem:s3], [sflag:s2] =	dma.local @!p0 [hbm:s0], s1  }
0x5d6: {  	s0 =	simm.s32 @!p0 $0x4  }
0x5d7: {  	_ =	swait.ge @!p0 [sflag:s0], s1  }
0x5d8: {  	s1 =	ssub.s32 @!p0 $0x0, s1;
	[sflag:s0] =	ssyncset.done @!p0 $0x0  }
0x5d9: {  	[sflag:s0] =	ssyncadd.s32 @!p0 s1  }
0x5da: {  	[bflag:$0x3] =	sbarrier.arrive $0xFFFF  }
0x5db: {  	_ =	shalt  }

</sc_bundles>
